<compile_context>
chip_gen: v7x
topology: tpu7x:2x2x1
jax: 0.10.2.dev20260603
libtpu: 0.0.44.dev20260713+nightly
codegen_flags: <defaults>
</compile_context>

<pallas_src>
import functools
import math

import jax
import jax.numpy as jnp
from jax import lax
from jax.experimental import pallas as pl
from jax.experimental.pallas import tpu as pltpu
from jax.experimental.pallas import tpu_sc as plsc

N = 131072
C = 100
EPS = 1e-6
W2 = math.exp(-2.0)
W1 = math.exp(-1.0)
LOG1PEPS = math.log1p(EPS)
LN2 = 0.6931471805599453

NW = 32
ROWS_PER_W = N // NW
R = 256
NCHUNK = ROWS_PER_W // R


def _plog(x):
    bits = plsc.bitcast(x, jnp.int32)
    ei = ((bits >> 23) & 0xFF) - 126
    mant = plsc.bitcast((bits & 0x007FFFFF) | 0x3F000000, jnp.float32)
    adj = mant < 0.70710678
    mant = jnp.where(adj, mant * 2.0, mant)
    ef = (ei - adj.astype(jnp.int32)).astype(jnp.float32)
    f = mant - 1.0
    z = f * f
    p = jnp.float32(7.0376836292e-2)
    for coef in (-1.1514610310e-1, 1.1676998740e-1, -1.2420140846e-1,
                 1.4249322787e-1, -1.6668057665e-1, 2.0000714765e-1,
                 -2.4999993993e-1, 3.3333331174e-1):
        p = p * f + jnp.float32(coef)
    return f + f * z * p - 0.5 * z + ef * jnp.float32(LN2)


def _sc_loss(xt_hbm, y_hbm, out_hbm, xb0, xb1, yw, sx0, sx1, sy, obuf):
    cid = lax.axis_index("c")
    sid = lax.axis_index("s")
    wid = cid * 16 + sid
    base = wid * ROWS_PER_W

    xbufs = (xb0, xb1)
    sxs = (sx0, sx1)
    lane = lax.iota(jnp.int32, 16)

    def issue(c, b):
        r0 = base + c * R
        pltpu.async_copy(xt_hbm.at[:, pl.ds(r0, R)], xbufs[b], sxs[b])

    def wait(c, b):
        r0 = base + c * R
        pltpu.make_async_copy(xt_hbm.at[:, pl.ds(r0, R)], xbufs[b],
                              sxs[b]).wait()

    pltpu.async_copy(y_hbm.at[pl.ds(base, ROWS_PER_W)], yw, sy)
    issue(0, 0)
    pltpu.make_async_copy(y_hbm.at[pl.ds(base, ROWS_PER_W)], yw, sy).wait()

    def compute_chunk(c, xb, acc):
        def group_body(j, acc):
            roff = j * 16
            rowv = roff + lane
            zv = jnp.exp(xb[0, pl.ds(roff, 16)])
            for cc in range(1, C):
                zv = zv + jnp.exp(xb[cc, pl.ds(roff, 16)])
            yv = yw[pl.ds(c * R + roff, 16)]
            gbase = (yv // 10) * 10
            g = jnp.exp(plsc.load_gather(xb, [gbase, rowv]))
            for t in range(1, 10):
                g = g + jnp.exp(plsc.load_gather(xb, [gbase + t, rowv]))
            ey = jnp.exp(plsc.load_gather(xb, [yv, rowv]))
            inv_z = 1.0 / zv
            s = 1.0 + g * inv_z
            py = ey * inv_z
            la = _plog(s + EPS)
            lb = _plog(py + EPS)
            return acc + (jnp.float32(W2 - W1) * la + jnp.float32(W1) * lb)

        return lax.fori_loop(0, R // 16, group_body, acc)

    def chunk_pair(i, acc):
        for b in range(2):
            c = 2 * i + b

            @pl.when(c + 1 < NCHUNK)
            def _():
                issue(c + 1, 1 - b)

            wait(c, b)
            acc = compute_chunk(c, xbufs[b], acc)
        return acc

    lossacc = lax.fori_loop(0, NCHUNK // 2, chunk_pair,
                            jnp.zeros((16,), jnp.float32))

    obuf[...] = lossacc
    pltpu.sync_copy(obuf, out_hbm.at[pl.ds(wid * 16, 16)])


def _sc_reduce(part_hbm, out_hbm, pbuf, obuf, sem):
    cid = lax.axis_index("c")
    sid = lax.axis_index("s")

    @pl.when((cid == 0) & (sid == 0))
    def _():
        pltpu.async_copy(part_hbm, pbuf, sem).wait()
        tot = pbuf[pl.ds(0, 16)]
        for i in range(1, NW):
            tot = tot + pbuf[pl.ds(i * 16, 16)]
        total = jnp.sum(tot)
        res = -total * jnp.float32(1.0 / N) + jnp.float32(W2 * LOG1PEPS)
        obuf[...] = jnp.full((16,), res, jnp.float32)
        pltpu.sync_copy(obuf, out_hbm)


@jax.jit
def _run(x, y):
    mesh = plsc.VectorSubcoreMesh(core_axis_name="c", subcore_axis_name="s")
    xt = x.T
    f = functools.partial(
        pl.kernel,
        out_type=jax.ShapeDtypeStruct((NW * 16,), jnp.float32),
        mesh=mesh,
        compiler_params=pltpu.CompilerParams(needs_layout_passes=False, use_tc_tiling_on_sc=True),
        scratch_types=[
            pltpu.VMEM((C, R), jnp.float32),
            pltpu.VMEM((C, R), jnp.float32),
            pltpu.VMEM((ROWS_PER_W,), jnp.int32),
            pltpu.SemaphoreType.DMA,
            pltpu.SemaphoreType.DMA,
            pltpu.SemaphoreType.DMA,
            pltpu.VMEM((16,), jnp.float32),
        ],
    )(_sc_loss)
    parts = f(xt, y)
    g = functools.partial(
        pl.kernel,
        out_type=jax.ShapeDtypeStruct((16,), jnp.float32),
        mesh=mesh,
        compiler_params=pltpu.CompilerParams(needs_layout_passes=False),
        scratch_types=[
            pltpu.VMEM((NW * 16,), jnp.float32),
            pltpu.VMEM((16,), jnp.float32),
            pltpu.SemaphoreType.DMA,
        ],
    )(_sc_reduce)
    out = g(parts)
    return out[0]


def kernel(input, y_true, path_matrix):
    del path_matrix
    return _run(input, y_true.astype(jnp.int32))

# --- scband reference (transcript-rebuilt; emitter-appended) ---
"""Pipeline reference for scband-hierarchical-cross-entropy-67336497266961 (READ-ONLY COPY).

The authoritative reference and input builder live on the scoring server;
editing this copy changes nothing except your own understanding.
"""

import jax, jax.numpy as jnp
import numpy as np

N = 131072
C = 100
DEPTH = 2
ALPHA = 1.0
EPS = 1e-06


def _build_path_matrix():
    # 2-level tree: row 0 = root (node 0) for every leaf, row 1 = direct parent.
    # 100 leaves grouped into 10 superclasses -> parent nodes 1..10, root = 0.
    M = np.zeros((DEPTH, C), dtype=np.int32)
    M[1, :] = 1 + np.arange(C) // 10
    return jnp.asarray(M)


def setup_inputs(seed: int = 0):
    key = jax.random.key(seed)
    k1, k2 = jax.random.split(key)
    x = jax.random.normal(k1, (N, C), dtype=jnp.float32)
    y = jax.random.randint(k2, (N,), 0, C, dtype=jnp.int32)
    return {"input": x, "y_true": y, "path_matrix": _build_path_matrix()}


def reference(input, y_true, path_matrix):
    M = path_matrix
    n_nodes = M.shape[1] // 10 + 1
    p = jax.nn.softmax(input, axis=-1)
    # cum_proba initialized to ones, then scatter-add leaf probs onto ancestor nodes
    cum_proba = jnp.ones((p.shape[0], n_nodes), dtype=p.dtype)
    for d in range(M.shape[0] - 1, 0, -1):
        cum_proba = cum_proba.at[:, M[d, :]].add(p)
    num = jnp.concatenate([cum_proba[:, M[1:, :]], p[:, None, :]], axis=1)
    den = cum_proba[:, M]
    cond_proba = (num + EPS) / (den + EPS)
    c = jnp.exp(-(ALPHA * jnp.arange(M.shape[0], 0, -1, dtype=jnp.float32)))
    out = c[None, :, None] * jnp.log(cond_proba)
    out = -jnp.sum(out, axis=1)  # [N, C]
    out = jnp.take_along_axis(out, y_true[:, None].astype(jnp.int32), axis=1)[:, 0]
    return jnp.mean(out)

if __name__ == "__main__":
    import jax
    _d = setup_inputs()
    print(jax.jit(kernel)(*tuple(_d.values())))

</pallas_src>

<mosaic_0001>
#map = affine_map<(d0, d1) -> (0, 0)>
#map1 = affine_map<(d0, d1) -> (0)>
module attributes {stable_mosaic.version = 14 : i64} {
  func.func @_sc_loss(%arg0: i32, %arg1: i32, %arg2: memref<100x131072xf32, #tpu.memory_space<hbm>>, %arg3: memref<131072xi32, #tpu.memory_space<hbm>>, %arg4: memref<512xf32, #tpu.memory_space<hbm>>, %arg5: memref<100x256xf32, #tpu.memory_space<vmem>>, %arg6: memref<100x256xf32, #tpu.memory_space<vmem>>, %arg7: memref<4096xi32, #tpu.memory_space<vmem>>, %arg8: memref<!tpu.dma_semaphore, #tpu.memory_space<semaphore_mem>>, %arg9: memref<!tpu.dma_semaphore, #tpu.memory_space<semaphore_mem>>, %arg10: memref<!tpu.dma_semaphore, #tpu.memory_space<semaphore_mem>>, %arg11: memref<16xf32, #tpu.memory_space<vmem>>) attributes {dimension_semantics = [#tpu.dimension_semantics<core_parallel>, #tpu.dimension_semantics<subcore_parallel>], iteration_bounds = array<i64: 2, 16>, scalar_prefetch = 0 : i64, scratch_operands = 7 : i64, tpu.core_type = #tpu.core_type<sc_vector_subcore>, window_params = [{transform_indices = #map}, {transform_indices = #map1}, {transform_indices = #map1}]} {
    %mul3A = arith.constant 16 : i32
    %mul3A_0 = arith.muli %arg0, %mul3A : i32
    %add3A = arith.addi %mul3A_0, %arg1 : i32
    %mul3A_1 = arith.constant 4096 : i32
    %mul3A_2 = arith.muli %add3A, %mul3A_1 : i32
    %iota3A = tpu.iota {dimensions = array<i32: 0>} : vector<16xi32>
    %dma_start3A = tpu.memref_slice %arg3[%mul3A_2] : memref<131072xi32, #tpu.memory_space<hbm>> -> memref<4096xi32, #tpu.memory_space<hbm>>
    %dma_start3A_3 = tpu.memref_slice %arg3[%mul3A_2] : memref<131072xi32, #tpu.memory_space<hbm>> -> memref<4096xi32, #tpu.memory_space<hbm>>
    tpu.enqueue_dma source(%dma_start3A_3 : memref<4096xi32, #tpu.memory_space<hbm>>) target(%arg7 : memref<4096xi32, #tpu.memory_space<vmem>>) target_semaphore(%arg10 : memref<!tpu.dma_semaphore, #tpu.memory_space<semaphore_mem>>)
    %add3A_4 = arith.constant 0 : i32
    %add3A_5 = arith.addi %mul3A_2, %add3A_4 : i32
    %dma_start3A_6 = arith.constant 0 : i32
    %dma_start3A_7 = tpu.memref_slice %arg2[%dma_start3A_6, %add3A_5] : memref<100x131072xf32, #tpu.memory_space<hbm>> -> memref<100x256xf32, #tpu.memory_space<hbm>>
    %dma_start3A_8 = arith.constant 0 : i32
    %dma_start3A_9 = tpu.memref_slice %arg2[%dma_start3A_8, %add3A_5] : memref<100x131072xf32, #tpu.memory_space<hbm>> -> memref<100x256xf32, #tpu.memory_space<hbm>>
    tpu.enqueue_dma source(%dma_start3A_9 : memref<100x256xf32, #tpu.memory_space<hbm>>) target(%arg5 : memref<100x256xf32, #tpu.memory_space<vmem>>) target_semaphore(%arg8 : memref<!tpu.dma_semaphore, #tpu.memory_space<semaphore_mem>>)
    %dma_wait3A = tpu.memref_slice %arg3[%mul3A_2] : memref<131072xi32, #tpu.memory_space<hbm>> -> memref<4096xi32, #tpu.memory_space<hbm>>
    %dma_wait3A_10 = tpu.memref_slice %arg3[%mul3A_2] : memref<131072xi32, #tpu.memory_space<hbm>> -> memref<4096xi32, #tpu.memory_space<hbm>>
    tpu.wait_dma2 semaphore(%arg10 : memref<!tpu.dma_semaphore, #tpu.memory_space<semaphore_mem>>) src(%dma_wait3A_10 : memref<4096xi32, #tpu.memory_space<hbm>>) dst(%arg7 : memref<4096xi32, #tpu.memory_space<vmem>>)
    %broadcast_in_dim3A = arith.constant 0.000000e+00 : f32
    %broadcast_in_dim3A_11 = vector.broadcast %broadcast_in_dim3A : f32 to vector<16xf32>
    %scan3A = arith.constant 0 : i32
    %scan3A_12 = arith.constant 8 : i32
    %scan3A_13 = arith.addi %scan3A, %scan3A_12 : i32
    %scan3A_14 = arith.constant 1 : i32
    %scan3A_15 = scf.for %scan3A_20 = %scan3A to %scan3A_13 step %scan3A_14 iter_args(%scan3A_21 = %broadcast_in_dim3A_11) -> (vector<16xf32>)  : i32 {
      %mul3A_22 = arith.constant 2 : i32
      %mul3A_23 = arith.muli %mul3A_22, %scan3A_20 : i32
      %add3A_24 = arith.constant 0 : i32
      %add3A_25 = arith.addi %mul3A_23, %add3A_24 : i32
      %add3A_26 = arith.constant 1 : i32
      %add3A_27 = arith.addi %add3A_25, %add3A_26 : i32
      %lt3A = arith.constant 16 : i32
      %lt3A_28 = arith.cmpi slt, %add3A_27, %lt3A : i32
      %convert_element_type3A = arith.extui %lt3A_28 : i1 to i32
      %cond3A = arith.constant 0 : i32
      %cond3A_29 = arith.cmpi ne, %convert_element_type3A, %cond3A : i32
      scf.if %cond3A_29 {
        %add3A_67 = arith.constant 1 : i32
        %add3A_68 = arith.addi %add3A_25, %add3A_67 : i32
        %mul3A_69 = arith.constant 256 : i32
        %mul3A_70 = arith.muli %add3A_68, %mul3A_69 : i32
        %add3A_71 = arith.addi %mul3A_2, %mul3A_70 : i32
        %dma_start3A_72 = arith.constant 0 : i32
        %dma_start3A_73 = tpu.memref_slice %arg2[%dma_start3A_72, %add3A_71] : memref<100x131072xf32, #tpu.memory_space<hbm>> -> memref<100x256xf32, #tpu.memory_space<hbm>>
        %dma_start3A_74 = arith.constant 0 : i32
        %dma_start3A_75 = tpu.memref_slice %arg2[%dma_start3A_74, %add3A_71] : memref<100x131072xf32, #tpu.memory_space<hbm>> -> memref<100x256xf32, #tpu.memory_space<hbm>>
        tpu.enqueue_dma source(%dma_start3A_75 : memref<100x256xf32, #tpu.memory_space<hbm>>) target(%arg6 : memref<100x256xf32, #tpu.memory_space<vmem>>) target_semaphore(%arg9 : memref<!tpu.dma_semaphore, #tpu.memory_space<semaphore_mem>>)
      } else {
      }
      %mul3A_30 = arith.constant 256 : i32
      %mul3A_31 = arith.muli %add3A_25, %mul3A_30 : i32
      %add3A_32 = arith.addi %mul3A_2, %mul3A_31 : i32
      %dma_wait3A_33 = arith.constant 0 : i32
      %dma_wait3A_34 = tpu.memref_slice %arg2[%dma_wait3A_33, %add3A_32] : memref<100x131072xf32, #tpu.memory_space<hbm>> -> memref<100x256xf32, #tpu.memory_space<hbm>>
      %dma_wait3A_35 = arith.constant 0 : i32
      %dma_wait3A_36 = tpu.memref_slice %arg2[%dma_wait3A_35, %add3A_32] : memref<100x131072xf32, #tpu.memory_space<hbm>> -> memref<100x256xf32, #tpu.memory_space<hbm>>
      tpu.wait_dma2 semaphore(%arg8 : memref<!tpu.dma_semaphore, #tpu.memory_space<semaphore_mem>>) src(%dma_wait3A_36 : memref<100x256xf32, #tpu.memory_space<hbm>>) dst(%arg5 : memref<100x256xf32, #tpu.memory_space<vmem>>)
      %scan3A_37 = arith.constant 0 : i32
      %scan3A_38 = arith.constant 16 : i32
      %scan3A_39 = arith.addi %scan3A_37, %scan3A_38 : i32
      %scan3A_40 = arith.constant 1 : i32
      %scan3A_41 = scf.for %scan3A_67 = %scan3A_37 to %scan3A_39 step %scan3A_40 iter_args(%scan3A_68 = %scan3A_21) -> (vector<16xf32>)  : i32 {
        %mul3A_69 = arith.constant 16 : i32
        %mul3A_70 = arith.muli %scan3A_67, %mul3A_69 : i32
        %add3A_71 = vector.broadcast %mul3A_70 : i32 to vector<16xi32>
        %add3A_72 = arith.addi %add3A_71, %iota3A : vector<16xi32>
        %get3A = arith.constant 0 : i32
        %get3A_73 = arith.index_cast %get3A : i32 to index
        %get3A_74 = arith.index_cast %mul3A_70 : i32 to index
        %get3A_75 = tpu.vector_load %arg5[%get3A_73, %get3A_74] {strides = array<i32>} : memref<100x256xf32, #tpu.memory_space<vmem>>, vector<16xf32>,
        %exp3A = math.exp %get3A_75 : vector<16xf32>
        %get3A_76 = arith.constant 1 : i32
        %get3A_77 = arith.index_cast %get3A_76 : i32 to index
        %get3A_78 = arith.index_cast %mul3A_70 : i32 to index
        %get3A_79 = tpu.vector_load %arg5[%get3A_77, %get3A_78] {strides = array<i32>} : memref<100x256xf32, #tpu.memory_space<vmem>>, vector<16xf32>,
        %exp3A_80 = math.exp %get3A_79 : vector<16xf32>
        %add3A_81 = arith.addf %exp3A, %exp3A_80 : vector<16xf32>
        %get3A_82 = arith.constant 2 : i32
        %get3A_83 = arith.index_cast %get3A_82 : i32 to index
        %get3A_84 = arith.index_cast %mul3A_70 : i32 to index
        %get3A_85 = tpu.vector_load %arg5[%get3A_83, %get3A_84] {strides = array<i32>} : memref<100x256xf32, #tpu.memory_space<vmem>>, vector<16xf32>,
        %exp3A_86 = math.exp %get3A_85 : vector<16xf32>
        %add3A_87 = arith.addf %add3A_81, %exp3A_86 : vector<16xf32>
        %get3A_88 = arith.constant 3 : i32
        %get3A_89 = arith.index_cast %get3A_88 : i32 to index
        %get3A_90 = arith.index_cast %mul3A_70 : i32 to index
        %get3A_91 = tpu.vector_load %arg5[%get3A_89, %get3A_90] {strides = array<i32>} : memref<100x256xf32, #tpu.memory_space<vmem>>, vector<16xf32>,
        %exp3A_92 = math.exp %get3A_91 : vector<16xf32>
        %add3A_93 = arith.addf %add3A_87, %exp3A_92 : vector<16xf32>
        %get3A_94 = arith.constant 4 : i32
        %get3A_95 = arith.index_cast %get3A_94 : i32 to index
        %get3A_96 = arith.index_cast %mul3A_70 : i32 to index
        %get3A_97 = tpu.vector_load %arg5[%get3A_95, %get3A_96] {strides = array<i32>} : memref<100x256xf32, #tpu.memory_space<vmem>>, vector<16xf32>,
        %exp3A_98 = math.exp %get3A_97 : vector<16xf32>
        %add3A_99 = arith.addf %add3A_93, %exp3A_98 : vector<16xf32>
        %get3A_100 = arith.constant 5 : i32
        %get3A_101 = arith.index_cast %get3A_100 : i32 to index
        %get3A_102 = arith.index_cast %mul3A_70 : i32 to index
        %get3A_103 = tpu.vector_load %arg5[%get3A_101, %get3A_102] {strides = array<i32>} : memref<100x256xf32, #tpu.memory_space<vmem>>, vector<16xf32>,
        %exp3A_104 = math.exp %get3A_103 : vector<16xf32>
        %add3A_105 = arith.addf %add3A_99, %exp3A_104 : vector<16xf32>
        %get3A_106 = arith.constant 6 : i32
        %get3A_107 = arith.index_cast %get3A_106 : i32 to index
        %get3A_108 = arith.index_cast %mul3A_70 : i32 to index
        %get3A_109 = tpu.vector_load %arg5[%get3A_107, %get3A_108] {strides = array<i32>} : memref<100x256xf32, #tpu.memory_space<vmem>>, vector<16xf32>,
        %exp3A_110 = math.exp %get3A_109 : vector<16xf32>
        %add3A_111 = arith.addf %add3A_105, %exp3A_110 : vector<16xf32>
        %get3A_112 = arith.constant 7 : i32
        %get3A_113 = arith.index_cast %get3A_112 : i32 to index
        %get3A_114 = arith.index_cast %mul3A_70 : i32 to index
        %get3A_115 = tpu.vector_load %arg5[%get3A_113, %get3A_114] {strides = array<i32>} : memref<100x256xf32, #tpu.memory_space<vmem>>, vector<16xf32>,
        %exp3A_116 = math.exp %get3A_115 : vector<16xf32>
        %add3A_117 = arith.addf %add3A_111, %exp3A_116 : vector<16xf32>
        %get3A_118 = arith.constant 8 : i32
        %get3A_119 = arith.index_cast %get3A_118 : i32 to index
        %get3A_120 = arith.index_cast %mul3A_70 : i32 to index
        %get3A_121 = tpu.vector_load %arg5[%get3A_119, %get3A_120] {strides = array<i32>} : memref<100x256xf32, #tpu.memory_space<vmem>>, vector<16xf32>,
        %exp3A_122 = math.exp %get3A_121 : vector<16xf32>
        %add3A_123 = arith.addf %add3A_117, %exp3A_122 : vector<16xf32>
        %get3A_124 = arith.constant 9 : i32
        %get3A_125 = arith.index_cast %get3A_124 : i32 to index
        %get3A_126 = arith.index_cast %mul3A_70 : i32 to index
        %get3A_127 = tpu.vector_load %arg5[%get3A_125, %get3A_126] {strides = array<i32>} : memref<100x256xf32, #tpu.memory_space<vmem>>, vector<16xf32>,
        %exp3A_128 = math.exp %get3A_127 : vector<16xf32>
        %add3A_129 = arith.addf %add3A_123, %exp3A_128 : vector<16xf32>
        %get3A_130 = arith.constant 10 : i32
        %get3A_131 = arith.index_cast %get3A_130 : i32 to index
        %get3A_132 = arith.index_cast %mul3A_70 : i32 to index
        %get3A_133 = tpu.vector_load %arg5[%get3A_131, %get3A_132] {strides = array<i32>} : memref<100x256xf32, #tpu.memory_space<vmem>>, vector<16xf32>,
        %exp3A_134 = math.exp %get3A_133 : vector<16xf32>
        %add3A_135 = arith.addf %add3A_129, %exp3A_134 : vector<16xf32>
        %get3A_136 = arith.constant 11 : i32
        %get3A_137 = arith.index_cast %get3A_136 : i32 to index
        %get3A_138 = arith.index_cast %mul3A_70 : i32 to index
        %get3A_139 = tpu.vector_load %arg5[%get3A_137, %get3A_138] {strides = array<i32>} : memref<100x256xf32, #tpu.memory_space<vmem>>, vector<16xf32>,
        %exp3A_140 = math.exp %get3A_139 : vector<16xf32>
        %add3A_141 = arith.addf %add3A_135, %exp3A_140 : vector<16xf32>
        %get3A_142 = arith.constant 12 : i32
        %get3A_143 = arith.index_cast %get3A_142 : i32 to index
        %get3A_144 = arith.index_cast %mul3A_70 : i32 to index
        %get3A_145 = tpu.vector_load %arg5[%get3A_143, %get3A_144] {strides = array<i32>} : memref<100x256xf32, #tpu.memory_space<vmem>>, vector<16xf32>,
        %exp3A_146 = math.exp %get3A_145 : vector<16xf32>
        %add3A_147 = arith.addf %add3A_141, %exp3A_146 : vector<16xf32>
        %get3A_148 = arith.constant 13 : i32
        %get3A_149 = arith.index_cast %get3A_148 : i32 to index
        %get3A_150 = arith.index_cast %mul3A_70 : i32 to index
        %get3A_151 = tpu.vector_load %arg5[%get3A_149, %get3A_150] {strides = array<i32>} : memref<100x256xf32, #tpu.memory_space<vmem>>, vector<16xf32>,
        %exp3A_152 = math.exp %get3A_151 : vector<16xf32>
        %add3A_153 = arith.addf %add3A_147, %exp3A_152 : vector<16xf32>
        %get3A_154 = arith.constant 14 : i32
        %get3A_155 = arith.index_cast %get3A_154 : i32 to index
        %get3A_156 = arith.index_cast %mul3A_70 : i32 to index
        %get3A_157 = tpu.vector_load %arg5[%get3A_155, %get3A_156] {strides = array<i32>} : memref<100x256xf32, #tpu.memory_space<vmem>>, vector<16xf32>,
        %exp3A_158 = math.exp %get3A_157 : vector<16xf32>
        %add3A_159 = arith.addf %add3A_153, %exp3A_158 : vector<16xf32>
        %get3A_160 = arith.constant 15 : i32
        %get3A_161 = arith.index_cast %get3A_160 : i32 to index
        %get3A_162 = arith.index_cast %mul3A_70 : i32 to index
        %get3A_163 = tpu.vector_load %arg5[%get3A_161, %get3A_162] {strides = array<i32>} : memref<100x256xf32, #tpu.memory_space<vmem>>, vector<16xf32>,
        %exp3A_164 = math.exp %get3A_163 : vector<16xf32>
        %add3A_165 = arith.addf %add3A_159, %exp3A_164 : vector<16xf32>
        %get3A_166 = arith.constant 16 : i32
        %get3A_167 = arith.index_cast %get3A_166 : i32 to index
        %get3A_168 = arith.index_cast %mul3A_70 : i32 to index
        %get3A_169 = tpu.vector_load %arg5[%get3A_167, %get3A_168] {strides = array<i32>} : memref<100x256xf32, #tpu.memory_space<vmem>>, vector<16xf32>,
        %exp3A_170 = math.exp %get3A_169 : vector<16xf32>
        %add3A_171 = arith.addf %add3A_165, %exp3A_170 : vector<16xf32>
        %get3A_172 = arith.constant 17 : i32
        %get3A_173 = arith.index_cast %get3A_172 : i32 to index
        %get3A_174 = arith.index_cast %mul3A_70 : i32 to index
        %get3A_175 = tpu.vector_load %arg5[%get3A_173, %get3A_174] {strides = array<i32>} : memref<100x256xf32, #tpu.memory_space<vmem>>, vector<16xf32>,
        %exp3A_176 = math.exp %get3A_175 : vector<16xf32>
        %add3A_177 = arith.addf %add3A_171, %exp3A_176 : vector<16xf32>
        %get3A_178 = arith.constant 18 : i32
        %get3A_179 = arith.index_cast %get3A_178 : i32 to index
        %get3A_180 = arith.index_cast %mul3A_70 : i32 to index
        %get3A_181 = tpu.vector_load %arg5[%get3A_179, %get3A_180] {strides = array<i32>} : memref<100x256xf32, #tpu.memory_space<vmem>>, vector<16xf32>,
        %exp3A_182 = math.exp %get3A_181 : vector<16xf32>
        %add3A_183 = arith.addf %add3A_177, %exp3A_182 : vector<16xf32>
        %get3A_184 = arith.constant 19 : i32
        %get3A_185 = arith.index_cast %get3A_184 : i32 to index
        %get3A_186 = arith.index_cast %mul3A_70 : i32 to index
        %get3A_187 = tpu.vector_load %arg5[%get3A_185, %get3A_186] {strides = array<i32>} : memref<100x256xf32, #tpu.memory_space<vmem>>, vector<16xf32>,
        %exp3A_188 = math.exp %get3A_187 : vector<16xf32>
        %add3A_189 = arith.addf %add3A_183, %exp3A_188 : vector<16xf32>
        %get3A_190 = arith.constant 20 : i32
        %get3A_191 = arith.index_cast %get3A_190 : i32 to index
        %get3A_192 = arith.index_cast %mul3A_70 : i32 to index
        %get3A_193 = tpu.vector_load %arg5[%get3A_191, %get3A_192] {strides = array<i32>} : memref<100x256xf32, #tpu.memory_space<vmem>>, vector<16xf32>,
        %exp3A_194 = math.exp %get3A_193 : vector<16xf32>
        %add3A_195 = arith.addf %add3A_189, %exp3A_194 : vector<16xf32>
        %get3A_196 = arith.constant 21 : i32
        %get3A_197 = arith.index_cast %get3A_196 : i32 to index
        %get3A_198 = arith.index_cast %mul3A_70 : i32 to index
        %get3A_199 = tpu.vector_load %arg5[%get3A_197, %get3A_198] {strides = array<i32>} : memref<100x256xf32, #tpu.memory_space<vmem>>, vector<16xf32>,
        %exp3A_200 = math.exp %get3A_199 : vector<16xf32>
        %add3A_201 = arith.addf %add3A_195, %exp3A_200 : vector<16xf32>
        %get3A_202 = arith.constant 22 : i32
        %get3A_203 = arith.index_cast %get3A_202 : i32 to index
        %get3A_204 = arith.index_cast %mul3A_70 : i32 to index
        %get3A_205 = tpu.vector_load %arg5[%get3A_203, %get3A_204] {strides = array<i32>} : memref<100x256xf32, #tpu.memory_space<vmem>>, vector<16xf32>,
        %exp3A_206 = math.exp %get3A_205 : vector<16xf32>
        %add3A_207 = arith.addf %add3A_201, %exp3A_206 : vector<16xf32>
        %get3A_208 = arith.constant 23 : i32
        %get3A_209 = arith.index_cast %get3A_208 : i32 to index
        %get3A_210 = arith.index_cast %mul3A_70 : i32 to index
        %get3A_211 = tpu.vector_load %arg5[%get3A_209, %get3A_210] {strides = array<i32>} : memref<100x256xf32, #tpu.memory_space<vmem>>, vector<16xf32>,
        %exp3A_212 = math.exp %get3A_211 : vector<16xf32>
        %add3A_213 = arith.addf %add3A_207, %exp3A_212 : vector<16xf32>
        %get3A_214 = arith.constant 24 : i32
        %get3A_215 = arith.index_cast %get3A_214 : i32 to index
        %get3A_216 = arith.index_cast %mul3A_70 : i32 to index
        %get3A_217 = tpu.vector_load %arg5[%get3A_215, %get3A_216] {strides = array<i32>} : memref<100x256xf32, #tpu.memory_space<vmem>>, vector<16xf32>,
        %exp3A_218 = math.exp %get3A_217 : vector<16xf32>
        %add3A_219 = arith.addf %add3A_213, %exp3A_218 : vector<16xf32>
        %get3A_220 = arith.constant 25 : i32
        %get3A_221 = arith.index_cast %get3A_220 : i32 to index
        %get3A_222 = arith.index_cast %mul3A_70 : i32 to index
        %get3A_223 = tpu.vector_load %arg5[%get3A_221, %get3A_222] {strides = array<i32>} : memref<100x256xf32, #tpu.memory_space<vmem>>, vector<16xf32>,
        %exp3A_224 = math.exp %get3A_223 : vector<16xf32>
        %add3A_225 = arith.addf %add3A_219, %exp3A_224 : vector<16xf32>
        %get3A_226 = arith.constant 26 : i32
        %get3A_227 = arith.index_cast %get3A_226 : i32 to index
        %get3A_228 = arith.index_cast %mul3A_70 : i32 to index
        %get3A_229 = tpu.vector_load %arg5[%get3A_227, %get3A_228] {strides = array<i32>} : memref<100x256xf32, #tpu.memory_space<vmem>>, vector<16xf32>,
        %exp3A_230 = math.exp %get3A_229 : vector<16xf32>
        %add3A_231 = arith.addf %add3A_225, %exp3A_230 : vector<16xf32>
        %get3A_232 = arith.constant 27 : i32
        %get3A_233 = arith.index_cast %get3A_232 : i32 to index
        %get3A_234 = arith.index_cast %mul3A_70 : i32 to index
        %get3A_235 = tpu.vector_load %arg5[%get3A_233, %get3A_234] {strides = array<i32>} : memref<100x256xf32, #tpu.memory_space<vmem>>, vector<16xf32>,
        %exp3A_236 = math.exp %get3A_235 : vector<16xf32>
        %add3A_237 = arith.addf %add3A_231, %exp3A_236 : vector<16xf32>
        %get3A_238 = arith.constant 28 : i32
        %get3A_239 = arith.index_cast %get3A_238 : i32 to index
        %get3A_240 = arith.index_cast %mul3A_70 : i32 to index
        %get3A_241 = tpu.vector_load %arg5[%get3A_239, %get3A_240] {strides = array<i32>} : memref<100x256xf32, #tpu.memory_space<vmem>>, vector<16xf32>,
        %exp3A_242 = math.exp %get3A_241 : vector<16xf32>
        %add3A_243 = arith.addf %add3A_237, %exp3A_242 : vector<16xf32>
        %get3A_244 = arith.constant 29 : i32
        %get3A_245 = arith.index_cast %get3A_244 : i32 to index
        %get3A_246 = arith.index_cast %mul3A_70 : i32 to index
        %get3A_247 = tpu.vector_load %arg5[%get3A_245, %get3A_246] {strides = array<i32>} : memref<100x256xf32, #tpu.memory_space<vmem>>, vector<16xf32>,
        %exp3A_248 = math.exp %get3A_247 : vector<16xf32>
        %add3A_249 = arith.addf %add3A_243, %exp3A_248 : vector<16xf32>
        %get3A_250 = arith.constant 30 : i32
        %get3A_251 = arith.index_cast %get3A_250 : i32 to index
        %get3A_252 = arith.index_cast %mul3A_70 : i32 to index
        %get3A_253 = tpu.vector_load %arg5[%get3A_251, %get3A_252] {strides = array<i32>} : memref<100x256xf32, #tpu.memory_space<vmem>>, vector<16xf32>,
        %exp3A_254 = math.exp %get3A_253 : vector<16xf32>
        %add3A_255 = arith.addf %add3A_249, %exp3A_254 : vector<16xf32>
        %get3A_256 = arith.constant 31 : i32
        %get3A_257 = arith.index_cast %get3A_256 : i32 to index
        %get3A_258 = arith.index_cast %mul3A_70 : i32 to index
        %get3A_259 = tpu.vector_load %arg5[%get3A_257, %get3A_258] {strides = array<i32>} : memref<100x256xf32, #tpu.memory_space<vmem>>, vector<16xf32>,
        %exp3A_260 = math.exp %get3A_259 : vector<16xf32>
        %add3A_261 = arith.addf %add3A_255, %exp3A_260 : vector<16xf32>
        %get3A_262 = arith.constant 32 : i32
        %get3A_263 = arith.index_cast %get3A_262 : i32 to index
        %get3A_264 = arith.index_cast %mul3A_70 : i32 to index
        %get3A_265 = tpu.vector_load %arg5[%get3A_263, %get3A_264] {strides = array<i32>} : memref<100x256xf32, #tpu.memory_space<vmem>>, vector<16xf32>,
        %exp3A_266 = math.exp %get3A_265 : vector<16xf32>
        %add3A_267 = arith.addf %add3A_261, %exp3A_266 : vector<16xf32>
        %get3A_268 = arith.constant 33 : i32
        %get3A_269 = arith.index_cast %get3A_268 : i32 to index
        %get3A_270 = arith.index_cast %mul3A_70 : i32 to index
        %get3A_271 = tpu.vector_load %arg5[%get3A_269, %get3A_270] {strides = array<i32>} : memref<100x256xf32, #tpu.memory_space<vmem>>, vector<16xf32>,
        %exp3A_272 = math.exp %get3A_271 : vector<16xf32>
        %add3A_273 = arith.addf %add3A_267, %exp3A_272 : vector<16xf32>
        %get3A_274 = arith.constant 34 : i32
        %get3A_275 = arith.index_cast %get3A_274 : i32 to index
        %get3A_276 = arith.index_cast %mul3A_70 : i32 to index
        %get3A_277 = tpu.vector_load %arg5[%get3A_275, %get3A_276] {strides = array<i32>} : memref<100x256xf32, #tpu.memory_space<vmem>>, vector<16xf32>,
        %exp3A_278 = math.exp %get3A_277 : vector<16xf32>
        %add3A_279 = arith.addf %add3A_273, %exp3A_278 : vector<16xf32>
        %get3A_280 = arith.constant 35 : i32
        %get3A_281 = arith.index_cast %get3A_280 : i32 to index
        %get3A_282 = arith.index_cast %mul3A_70 : i32 to index
        %get3A_283 = tpu.vector_load %arg5[%get3A_281, %get3A_282] {strides = array<i32>} : memref<100x256xf32, #tpu.memory_space<vmem>>, vector<16xf32>,
        %exp3A_284 = math.exp %get3A_283 : vector<16xf32>
        %add3A_285 = arith.addf %add3A_279, %exp3A_284 : vector<16xf32>
        %get3A_286 = arith.constant 36 : i32
        %get3A_287 = arith.index_cast %get3A_286 : i32 to index
        %get3A_288 = arith.index_cast %mul3A_70 : i32 to index
        %get3A_289 = tpu.vector_load %arg5[%get3A_287, %get3A_288] {strides = array<i32>} : memref<100x256xf32, #tpu.memory_space<vmem>>, vector<16xf32>,
        %exp3A_290 = math.exp %get3A_289 : vector<16xf32>
        %add3A_291 = arith.addf %add3A_285, %exp3A_290 : vector<16xf32>
        %get3A_292 = arith.constant 37 : i32
        %get3A_293 = arith.index_cast %get3A_292 : i32 to index
        %get3A_294 = arith.index_cast %mul3A_70 : i32 to index
        %get3A_295 = tpu.vector_load %arg5[%get3A_293, %get3A_294] {strides = array<i32>} : memref<100x256xf32, #tpu.memory_space<vmem>>, vector<16xf32>,
        %exp3A_296 = math.exp %get3A_295 : vector<16xf32>
        %add3A_297 = arith.addf %add3A_291, %exp3A_296 : vector<16xf32>
        %get3A_298 = arith.constant 38 : i32
        %get3A_299 = arith.index_cast %get3A_298 : i32 to index
        %get3A_300 = arith.index_cast %mul3A_70 : i32 to index
        %get3A_301 = tpu.vector_load %arg5[%get3A_299, %get3A_300] {strides = array<i32>} : memref<100x256xf32, #tpu.memory_space<vmem>>, vector<16xf32>,
        %exp3A_302 = math.exp %get3A_301 : vector<16xf32>
        %add3A_303 = arith.addf %add3A_297, %exp3A_302 : vector<16xf32>
        %get3A_304 = arith.constant 39 : i32
        %get3A_305 = arith.index_cast %get3A_304 : i32 to index
        %get3A_306 = arith.index_cast %mul3A_70 : i32 to index
        %get3A_307 = tpu.vector_load %arg5[%get3A_305, %get3A_306] {strides = array<i32>} : memref<100x256xf32, #tpu.memory_space<vmem>>, vector<16xf32>,
        %exp3A_308 = math.exp %get3A_307 : vector<16xf32>
        %add3A_309 = arith.addf %add3A_303, %exp3A_308 : vector<16xf32>
        %get3A_310 = arith.constant 40 : i32
        %get3A_311 = arith.index_cast %get3A_310 : i32 to index
        %get3A_312 = arith.index_cast %mul3A_70 : i32 to index
        %get3A_313 = tpu.vector_load %arg5[%get3A_311, %get3A_312] {strides = array<i32>} : memref<100x256xf32, #tpu.memory_space<vmem>>, vector<16xf32>,
        %exp3A_314 = math.exp %get3A_313 : vector<16xf32>
        %add3A_315 = arith.addf %add3A_309, %exp3A_314 : vector<16xf32>
        %get3A_316 = arith.constant 41 : i32
        %get3A_317 = arith.index_cast %get3A_316 : i32 to index
        %get3A_318 = arith.index_cast %mul3A_70 : i32 to index
        %get3A_319 = tpu.vector_load %arg5[%get3A_317, %get3A_318] {strides = array<i32>} : memref<100x256xf32, #tpu.memory_space<vmem>>, vector<16xf32>,
        %exp3A_320 = math.exp %get3A_319 : vector<16xf32>
        %add3A_321 = arith.addf %add3A_315, %exp3A_320 : vector<16xf32>
        %get3A_322 = arith.constant 42 : i32
        %get3A_323 = arith.index_cast %get3A_322 : i32 to index
        %get3A_324 = arith.index_cast %mul3A_70 : i32 to index
        %get3A_325 = tpu.vector_load %arg5[%get3A_323, %get3A_324] {strides = array<i32>} : memref<100x256xf32, #tpu.memory_space<vmem>>, vector<16xf32>,
        %exp3A_326 = math.exp %get3A_325 : vector<16xf32>
        %add3A_327 = arith.addf %add3A_321, %exp3A_326 : vector<16xf32>
        %get3A_328 = arith.constant 43 : i32
        %get3A_329 = arith.index_cast %get3A_328 : i32 to index
        %get3A_330 = arith.index_cast %mul3A_70 : i32 to index
        %get3A_331 = tpu.vector_load %arg5[%get3A_329, %get3A_330] {strides = array<i32>} : memref<100x256xf32, #tpu.memory_space<vmem>>, vector<16xf32>,
        %exp3A_332 = math.exp %get3A_331 : vector<16xf32>
        %add3A_333 = arith.addf %add3A_327, %exp3A_332 : vector<16xf32>
        %get3A_334 = arith.constant 44 : i32
        %get3A_335 = arith.index_cast %get3A_334 : i32 to index
        %get3A_336 = arith.index_cast %mul3A_70 : i32 to index
        %get3A_337 = tpu.vector_load %arg5[%get3A_335, %get3A_336] {strides = array<i32>} : memref<100x256xf32, #tpu.memory_space<vmem>>, vector<16xf32>,
        %exp3A_338 = math.exp %get3A_337 : vector<16xf32>
        %add3A_339 = arith.addf %add3A_333, %exp3A_338 : vector<16xf32>
        %get3A_340 = arith.constant 45 : i32
        %get3A_341 = arith.index_cast %get3A_340 : i32 to index
        %get3A_342 = arith.index_cast %mul3A_70 : i32 to index
        %get3A_343 = tpu.vector_load %arg5[%get3A_341, %get3A_342] {strides = array<i32>} : memref<100x256xf32, #tpu.memory_space<vmem>>, vector<16xf32>,
        %exp3A_344 = math.exp %get3A_343 : vector<16xf32>
        %add3A_345 = arith.addf %add3A_339, %exp3A_344 : vector<16xf32>
        %get3A_346 = arith.constant 46 : i32
        %get3A_347 = arith.index_cast %get3A_346 : i32 to index
        %get3A_348 = arith.index_cast %mul3A_70 : i32 to index
        %get3A_349 = tpu.vector_load %arg5[%get3A_347, %get3A_348] {strides = array<i32>} : memref<100x256xf32, #tpu.memory_space<vmem>>, vector<16xf32>,
        %exp3A_350 = math.exp %get3A_349 : vector<16xf32>
        %add3A_351 = arith.addf %add3A_345, %exp3A_350 : vector<16xf32>
        %get3A_352 = arith.constant 47 : i32
        %get3A_353 = arith.index_cast %get3A_352 : i32 to index
        %get3A_354 = arith.index_cast %mul3A_70 : i32 to index
        %get3A_355 = tpu.vector_load %arg5[%get3A_353, %get3A_354] {strides = array<i32>} : memref<100x256xf32, #tpu.memory_space<vmem>>, vector<16xf32>,
        %exp3A_356 = math.exp %get3A_355 : vector<16xf32>
        %add3A_357 = arith.addf %add3A_351, %exp3A_356 : vector<16xf32>
        %get3A_358 = arith.constant 48 : i32
        %get3A_359 = arith.index_cast %get3A_358 : i32 to index
        %get3A_360 = arith.index_cast %mul3A_70 : i32 to index
        %get3A_361 = tpu.vector_load %arg5[%get3A_359, %get3A_360] {strides = array<i32>} : memref<100x256xf32, #tpu.memory_space<vmem>>, vector<16xf32>,
        %exp3A_362 = math.exp %get3A_361 : vector<16xf32>
        %add3A_363 = arith.addf %add3A_357, %exp3A_362 : vector<16xf32>
        %get3A_364 = arith.constant 49 : i32
        %get3A_365 = arith.index_cast %get3A_364 : i32 to index
        %get3A_366 = arith.index_cast %mul3A_70 : i32 to index
        %get3A_367 = tpu.vector_load %arg5[%get3A_365, %get3A_366] {strides = array<i32>} : memref<100x256xf32, #tpu.memory_space<vmem>>, vector<16xf32>,
        %exp3A_368 = math.exp %get3A_367 : vector<16xf32>
        %add3A_369 = arith.addf %add3A_363, %exp3A_368 : vector<16xf32>
        %get3A_370 = arith.constant 50 : i32
        %get3A_371 = arith.index_cast %get3A_370 : i32 to index
        %get3A_372 = arith.index_cast %mul3A_70 : i32 to index
        %get3A_373 = tpu.vector_load %arg5[%get3A_371, %get3A_372] {strides = array<i32>} : memref<100x256xf32, #tpu.memory_space<vmem>>, vector<16xf32>,
        %exp3A_374 = math.exp %get3A_373 : vector<16xf32>
        %add3A_375 = arith.addf %add3A_369, %exp3A_374 : vector<16xf32>
        %get3A_376 = arith.constant 51 : i32
        %get3A_377 = arith.index_cast %get3A_376 : i32 to index
        %get3A_378 = arith.index_cast %mul3A_70 : i32 to index
        %get3A_379 = tpu.vector_load %arg5[%get3A_377, %get3A_378] {strides = array<i32>} : memref<100x256xf32, #tpu.memory_space<vmem>>, vector<16xf32>,
        %exp3A_380 = math.exp %get3A_379 : vector<16xf32>
        %add3A_381 = arith.addf %add3A_375, %exp3A_380 : vector<16xf32>
        %get3A_382 = arith.constant 52 : i32
        %get3A_383 = arith.index_cast %get3A_382 : i32 to index
        %get3A_384 = arith.index_cast %mul3A_70 : i32 to index
        %get3A_385 = tpu.vector_load %arg5[%get3A_383, %get3A_384] {strides = array<i32>} : memref<100x256xf32, #tpu.memory_space<vmem>>, vector<16xf32>,
        %exp3A_386 = math.exp %get3A_385 : vector<16xf32>
        %add3A_387 = arith.addf %add3A_381, %exp3A_386 : vector<16xf32>
        %get3A_388 = arith.constant 53 : i32
        %get3A_389 = arith.index_cast %get3A_388 : i32 to index
        %get3A_390 = arith.index_cast %mul3A_70 : i32 to index
        %get3A_391 = tpu.vector_load %arg5[%get3A_389, %get3A_390] {strides = array<i32>} : memref<100x256xf32, #tpu.memory_space<vmem>>, vector<16xf32>,
        %exp3A_392 = math.exp %get3A_391 : vector<16xf32>
        %add3A_393 = arith.addf %add3A_387, %exp3A_392 : vector<16xf32>
        %get3A_394 = arith.constant 54 : i32
        %get3A_395 = arith.index_cast %get3A_394 : i32 to index
        %get3A_396 = arith.index_cast %mul3A_70 : i32 to index
        %get3A_397 = tpu.vector_load %arg5[%get3A_395, %get3A_396] {strides = array<i32>} : memref<100x256xf32, #tpu.memory_space<vmem>>, vector<16xf32>,
        %exp3A_398 = math.exp %get3A_397 : vector<16xf32>
        %add3A_399 = arith.addf %add3A_393, %exp3A_398 : vector<16xf32>
        %get3A_400 = arith.constant 55 : i32
        %get3A_401 = arith.index_cast %get3A_400 : i32 to index
        %get3A_402 = arith.index_cast %mul3A_70 : i32 to index
        %get3A_403 = tpu.vector_load %arg5[%get3A_401, %get3A_402] {strides = array<i32>} : memref<100x256xf32, #tpu.memory_space<vmem>>, vector<16xf32>,
        %exp3A_404 = math.exp %get3A_403 : vector<16xf32>
        %add3A_405 = arith.addf %add3A_399, %exp3A_404 : vector<16xf32>
        %get3A_406 = arith.constant 56 : i32
        %get3A_407 = arith.index_cast %get3A_406 : i32 to index
        %get3A_408 = arith.index_cast %mul3A_70 : i32 to index
        %get3A_409 = tpu.vector_load %arg5[%get3A_407, %get3A_408] {strides = array<i32>} : memref<100x256xf32, #tpu.memory_space<vmem>>, vector<16xf32>,
        %exp3A_410 = math.exp %get3A_409 : vector<16xf32>
        %add3A_411 = arith.addf %add3A_405, %exp3A_410 : vector<16xf32>
        %get3A_412 = arith.constant 57 : i32
        %get3A_413 = arith.index_cast %get3A_412 : i32 to index
        %get3A_414 = arith.index_cast %mul3A_70 : i32 to index
        %get3A_415 = tpu.vector_load %arg5[%get3A_413, %get3A_414] {strides = array<i32>} : memref<100x256xf32, #tpu.memory_space<vmem>>, vector<16xf32>,
        %exp3A_416 = math.exp %get3A_415 : vector<16xf32>
        %add3A_417 = arith.addf %add3A_411, %exp3A_416 : vector<16xf32>
        %get3A_418 = arith.constant 58 : i32
        %get3A_419 = arith.index_cast %get3A_418 : i32 to index
        %get3A_420 = arith.index_cast %mul3A_70 : i32 to index
        %get3A_421 = tpu.vector_load %arg5[%get3A_419, %get3A_420] {strides = array<i32>} : memref<100x256xf32, #tpu.memory_space<vmem>>, vector<16xf32>,
        %exp3A_422 = math.exp %get3A_421 : vector<16xf32>
        %add3A_423 = arith.addf %add3A_417, %exp3A_422 : vector<16xf32>
        %get3A_424 = arith.constant 59 : i32
        %get3A_425 = arith.index_cast %get3A_424 : i32 to index
        %get3A_426 = arith.index_cast %mul3A_70 : i32 to index
        %get3A_427 = tpu.vector_load %arg5[%get3A_425, %get3A_426] {strides = array<i32>} : memref<100x256xf32, #tpu.memory_space<vmem>>, vector<16xf32>,
        %exp3A_428 = math.exp %get3A_427 : vector<16xf32>
        %add3A_429 = arith.addf %add3A_423, %exp3A_428 : vector<16xf32>
        %get3A_430 = arith.constant 60 : i32
        %get3A_431 = arith.index_cast %get3A_430 : i32 to index
        %get3A_432 = arith.index_cast %mul3A_70 : i32 to index
        %get3A_433 = tpu.vector_load %arg5[%get3A_431, %get3A_432] {strides = array<i32>} : memref<100x256xf32, #tpu.memory_space<vmem>>, vector<16xf32>,
        %exp3A_434 = math.exp %get3A_433 : vector<16xf32>
        %add3A_435 = arith.addf %add3A_429, %exp3A_434 : vector<16xf32>
        %get3A_436 = arith.constant 61 : i32
        %get3A_437 = arith.index_cast %get3A_436 : i32 to index
        %get3A_438 = arith.index_cast %mul3A_70 : i32 to index
        %get3A_439 = tpu.vector_load %arg5[%get3A_437, %get3A_438] {strides = array<i32>} : memref<100x256xf32, #tpu.memory_space<vmem>>, vector<16xf32>,
        %exp3A_440 = math.exp %get3A_439 : vector<16xf32>
        %add3A_441 = arith.addf %add3A_435, %exp3A_440 : vector<16xf32>
        %get3A_442 = arith.constant 62 : i32
        %get3A_443 = arith.index_cast %get3A_442 : i32 to index
        %get3A_444 = arith.index_cast %mul3A_70 : i32 to index
        %get3A_445 = tpu.vector_load %arg5[%get3A_443, %get3A_444] {strides = array<i32>} : memref<100x256xf32, #tpu.memory_space<vmem>>, vector<16xf32>,
        %exp3A_446 = math.exp %get3A_445 : vector<16xf32>
        %add3A_447 = arith.addf %add3A_441, %exp3A_446 : vector<16xf32>
        %get3A_448 = arith.constant 63 : i32
        %get3A_449 = arith.index_cast %get3A_448 : i32 to index
        %get3A_450 = arith.index_cast %mul3A_70 : i32 to index
        %get3A_451 = tpu.vector_load %arg5[%get3A_449, %get3A_450] {strides = array<i32>} : memref<100x256xf32, #tpu.memory_space<vmem>>, vector<16xf32>,
        %exp3A_452 = math.exp %get3A_451 : vector<16xf32>
        %add3A_453 = arith.addf %add3A_447, %exp3A_452 : vector<16xf32>
        %get3A_454 = arith.constant 64 : i32
        %get3A_455 = arith.index_cast %get3A_454 : i32 to index
        %get3A_456 = arith.index_cast %mul3A_70 : i32 to index
        %get3A_457 = tpu.vector_load %arg5[%get3A_455, %get3A_456] {strides = array<i32>} : memref<100x256xf32, #tpu.memory_space<vmem>>, vector<16xf32>,
        %exp3A_458 = math.exp %get3A_457 : vector<16xf32>
        %add3A_459 = arith.addf %add3A_453, %exp3A_458 : vector<16xf32>
        %get3A_460 = arith.constant 65 : i32
        %get3A_461 = arith.index_cast %get3A_460 : i32 to index
        %get3A_462 = arith.index_cast %mul3A_70 : i32 to index
        %get3A_463 = tpu.vector_load %arg5[%get3A_461, %get3A_462] {strides = array<i32>} : memref<100x256xf32, #tpu.memory_space<vmem>>, vector<16xf32>,
        %exp3A_464 = math.exp %get3A_463 : vector<16xf32>
        %add3A_465 = arith.addf %add3A_459, %exp3A_464 : vector<16xf32>
        %get3A_466 = arith.constant 66 : i32
        %get3A_467 = arith.index_cast %get3A_466 : i32 to index
        %get3A_468 = arith.index_cast %mul3A_70 : i32 to index
        %get3A_469 = tpu.vector_load %arg5[%get3A_467, %get3A_468] {strides = array<i32>} : memref<100x256xf32, #tpu.memory_space<vmem>>, vector<16xf32>,
        %exp3A_470 = math.exp %get3A_469 : vector<16xf32>
        %add3A_471 = arith.addf %add3A_465, %exp3A_470 : vector<16xf32>
        %get3A_472 = arith.constant 67 : i32
        %get3A_473 = arith.index_cast %get3A_472 : i32 to index
        %get3A_474 = arith.index_cast %mul3A_70 : i32 to index
        %get3A_475 = tpu.vector_load %arg5[%get3A_473, %get3A_474] {strides = array<i32>} : memref<100x256xf32, #tpu.memory_space<vmem>>, vector<16xf32>,
        %exp3A_476 = math.exp %get3A_475 : vector<16xf32>
        %add3A_477 = arith.addf %add3A_471, %exp3A_476 : vector<16xf32>
        %get3A_478 = arith.constant 68 : i32
        %get3A_479 = arith.index_cast %get3A_478 : i32 to index
        %get3A_480 = arith.index_cast %mul3A_70 : i32 to index
        %get3A_481 = tpu.vector_load %arg5[%get3A_479, %get3A_480] {strides = array<i32>} : memref<100x256xf32, #tpu.memory_space<vmem>>, vector<16xf32>,
        %exp3A_482 = math.exp %get3A_481 : vector<16xf32>
        %add3A_483 = arith.addf %add3A_477, %exp3A_482 : vector<16xf32>
        %get3A_484 = arith.constant 69 : i32
        %get3A_485 = arith.index_cast %get3A_484 : i32 to index
        %get3A_486 = arith.index_cast %mul3A_70 : i32 to index
        %get3A_487 = tpu.vector_load %arg5[%get3A_485, %get3A_486] {strides = array<i32>} : memref<100x256xf32, #tpu.memory_space<vmem>>, vector<16xf32>,
        %exp3A_488 = math.exp %get3A_487 : vector<16xf32>
        %add3A_489 = arith.addf %add3A_483, %exp3A_488 : vector<16xf32>
        %get3A_490 = arith.constant 70 : i32
        %get3A_491 = arith.index_cast %get3A_490 : i32 to index
        %get3A_492 = arith.index_cast %mul3A_70 : i32 to index
        %get3A_493 = tpu.vector_load %arg5[%get3A_491, %get3A_492] {strides = array<i32>} : memref<100x256xf32, #tpu.memory_space<vmem>>, vector<16xf32>,
        %exp3A_494 = math.exp %get3A_493 : vector<16xf32>
        %add3A_495 = arith.addf %add3A_489, %exp3A_494 : vector<16xf32>
        %get3A_496 = arith.constant 71 : i32
        %get3A_497 = arith.index_cast %get3A_496 : i32 to index
        %get3A_498 = arith.index_cast %mul3A_70 : i32 to index
        %get3A_499 = tpu.vector_load %arg5[%get3A_497, %get3A_498] {strides = array<i32>} : memref<100x256xf32, #tpu.memory_space<vmem>>, vector<16xf32>,
        %exp3A_500 = math.exp %get3A_499 : vector<16xf32>
        %add3A_501 = arith.addf %add3A_495, %exp3A_500 : vector<16xf32>
        %get3A_502 = arith.constant 72 : i32
        %get3A_503 = arith.index_cast %get3A_502 : i32 to index
        %get3A_504 = arith.index_cast %mul3A_70 : i32 to index
        %get3A_505 = tpu.vector_load %arg5[%get3A_503, %get3A_504] {strides = array<i32>} : memref<100x256xf32, #tpu.memory_space<vmem>>, vector<16xf32>,
        %exp3A_506 = math.exp %get3A_505 : vector<16xf32>
        %add3A_507 = arith.addf %add3A_501, %exp3A_506 : vector<16xf32>
        %get3A_508 = arith.constant 73 : i32
        %get3A_509 = arith.index_cast %get3A_508 : i32 to index
        %get3A_510 = arith.index_cast %mul3A_70 : i32 to index
        %get3A_511 = tpu.vector_load %arg5[%get3A_509, %get3A_510] {strides = array<i32>} : memref<100x256xf32, #tpu.memory_space<vmem>>, vector<16xf32>,
        %exp3A_512 = math.exp %get3A_511 : vector<16xf32>
        %add3A_513 = arith.addf %add3A_507, %exp3A_512 : vector<16xf32>
        %get3A_514 = arith.constant 74 : i32
        %get3A_515 = arith.index_cast %get3A_514 : i32 to index
        %get3A_516 = arith.index_cast %mul3A_70 : i32 to index
        %get3A_517 = tpu.vector_load %arg5[%get3A_515, %get3A_516] {strides = array<i32>} : memref<100x256xf32, #tpu.memory_space<vmem>>, vector<16xf32>,
        %exp3A_518 = math.exp %get3A_517 : vector<16xf32>
        %add3A_519 = arith.addf %add3A_513, %exp3A_518 : vector<16xf32>
        %get3A_520 = arith.constant 75 : i32
        %get3A_521 = arith.index_cast %get3A_520 : i32 to index
        %get3A_522 = arith.index_cast %mul3A_70 : i32 to index
        %get3A_523 = tpu.vector_load %arg5[%get3A_521, %get3A_522] {strides = array<i32>} : memref<100x256xf32, #tpu.memory_space<vmem>>, vector<16xf32>,
        %exp3A_524 = math.exp %get3A_523 : vector<16xf32>
        %add3A_525 = arith.addf %add3A_519, %exp3A_524 : vector<16xf32>
        %get3A_526 = arith.constant 76 : i32
        %get3A_527 = arith.index_cast %get3A_526 : i32 to index
        %get3A_528 = arith.index_cast %mul3A_70 : i32 to index
        %get3A_529 = tpu.vector_load %arg5[%get3A_527, %get3A_528] {strides = array<i32>} : memref<100x256xf32, #tpu.memory_space<vmem>>, vector<16xf32>,
        %exp3A_530 = math.exp %get3A_529 : vector<16xf32>
        %add3A_531 = arith.addf %add3A_525, %exp3A_530 : vector<16xf32>
        %get3A_532 = arith.constant 77 : i32
        %get3A_533 = arith.index_cast %get3A_532 : i32 to index
        %get3A_534 = arith.index_cast %mul3A_70 : i32 to index
        %get3A_535 = tpu.vector_load %arg5[%get3A_533, %get3A_534] {strides = array<i32>} : memref<100x256xf32, #tpu.memory_space<vmem>>, vector<16xf32>,
        %exp3A_536 = math.exp %get3A_535 : vector<16xf32>
        %add3A_537 = arith.addf %add3A_531, %exp3A_536 : vector<16xf32>
        %get3A_538 = arith.constant 78 : i32
        %get3A_539 = arith.index_cast %get3A_538 : i32 to index
        %get3A_540 = arith.index_cast %mul3A_70 : i32 to index
        %get3A_541 = tpu.vector_load %arg5[%get3A_539, %get3A_540] {strides = array<i32>} : memref<100x256xf32, #tpu.memory_space<vmem>>, vector<16xf32>,
        %exp3A_542 = math.exp %get3A_541 : vector<16xf32>
        %add3A_543 = arith.addf %add3A_537, %exp3A_542 : vector<16xf32>
        %get3A_544 = arith.constant 79 : i32
        %get3A_545 = arith.index_cast %get3A_544 : i32 to index
        %get3A_546 = arith.index_cast %mul3A_70 : i32 to index
        %get3A_547 = tpu.vector_load %arg5[%get3A_545, %get3A_546] {strides = array<i32>} : memref<100x256xf32, #tpu.memory_space<vmem>>, vector<16xf32>,
        %exp3A_548 = math.exp %get3A_547 : vector<16xf32>
        %add3A_549 = arith.addf %add3A_543, %exp3A_548 : vector<16xf32>
        %get3A_550 = arith.constant 80 : i32
        %get3A_551 = arith.index_cast %get3A_550 : i32 to index
        %get3A_552 = arith.index_cast %mul3A_70 : i32 to index
        %get3A_553 = tpu.vector_load %arg5[%get3A_551, %get3A_552] {strides = array<i32>} : memref<100x256xf32, #tpu.memory_space<vmem>>, vector<16xf32>,
        %exp3A_554 = math.exp %get3A_553 : vector<16xf32>
        %add3A_555 = arith.addf %add3A_549, %exp3A_554 : vector<16xf32>
        %get3A_556 = arith.constant 81 : i32
        %get3A_557 = arith.index_cast %get3A_556 : i32 to index
        %get3A_558 = arith.index_cast %mul3A_70 : i32 to index
        %get3A_559 = tpu.vector_load %arg5[%get3A_557, %get3A_558] {strides = array<i32>} : memref<100x256xf32, #tpu.memory_space<vmem>>, vector<16xf32>,
        %exp3A_560 = math.exp %get3A_559 : vector<16xf32>
        %add3A_561 = arith.addf %add3A_555, %exp3A_560 : vector<16xf32>
        %get3A_562 = arith.constant 82 : i32
        %get3A_563 = arith.index_cast %get3A_562 : i32 to index
        %get3A_564 = arith.index_cast %mul3A_70 : i32 to index
        %get3A_565 = tpu.vector_load %arg5[%get3A_563, %get3A_564] {strides = array<i32>} : memref<100x256xf32, #tpu.memory_space<vmem>>, vector<16xf32>,
        %exp3A_566 = math.exp %get3A_565 : vector<16xf32>
        %add3A_567 = arith.addf %add3A_561, %exp3A_566 : vector<16xf32>
        %get3A_568 = arith.constant 83 : i32
        %get3A_569 = arith.index_cast %get3A_568 : i32 to index
        %get3A_570 = arith.index_cast %mul3A_70 : i32 to index
        %get3A_571 = tpu.vector_load %arg5[%get3A_569, %get3A_570] {strides = array<i32>} : memref<100x256xf32, #tpu.memory_space<vmem>>, vector<16xf32>,
        %exp3A_572 = math.exp %get3A_571 : vector<16xf32>
        %add3A_573 = arith.addf %add3A_567, %exp3A_572 : vector<16xf32>
        %get3A_574 = arith.constant 84 : i32
        %get3A_575 = arith.index_cast %get3A_574 : i32 to index
        %get3A_576 = arith.index_cast %mul3A_70 : i32 to index
        %get3A_577 = tpu.vector_load %arg5[%get3A_575, %get3A_576] {strides = array<i32>} : memref<100x256xf32, #tpu.memory_space<vmem>>, vector<16xf32>,
        %exp3A_578 = math.exp %get3A_577 : vector<16xf32>
        %add3A_579 = arith.addf %add3A_573, %exp3A_578 : vector<16xf32>
        %get3A_580 = arith.constant 85 : i32
        %get3A_581 = arith.index_cast %get3A_580 : i32 to index
        %get3A_582 = arith.index_cast %mul3A_70 : i32 to index
        %get3A_583 = tpu.vector_load %arg5[%get3A_581, %get3A_582] {strides = array<i32>} : memref<100x256xf32, #tpu.memory_space<vmem>>, vector<16xf32>,
        %exp3A_584 = math.exp %get3A_583 : vector<16xf32>
        %add3A_585 = arith.addf %add3A_579, %exp3A_584 : vector<16xf32>
        %get3A_586 = arith.constant 86 : i32
        %get3A_587 = arith.index_cast %get3A_586 : i32 to index
        %get3A_588 = arith.index_cast %mul3A_70 : i32 to index
        %get3A_589 = tpu.vector_load %arg5[%get3A_587, %get3A_588] {strides = array<i32>} : memref<100x256xf32, #tpu.memory_space<vmem>>, vector<16xf32>,
        %exp3A_590 = math.exp %get3A_589 : vector<16xf32>
        %add3A_591 = arith.addf %add3A_585, %exp3A_590 : vector<16xf32>
        %get3A_592 = arith.constant 87 : i32
        %get3A_593 = arith.index_cast %get3A_592 : i32 to index
        %get3A_594 = arith.index_cast %mul3A_70 : i32 to index
        %get3A_595 = tpu.vector_load %arg5[%get3A_593, %get3A_594] {strides = array<i32>} : memref<100x256xf32, #tpu.memory_space<vmem>>, vector<16xf32>,
        %exp3A_596 = math.exp %get3A_595 : vector<16xf32>
        %add3A_597 = arith.addf %add3A_591, %exp3A_596 : vector<16xf32>
        %get3A_598 = arith.constant 88 : i32
        %get3A_599 = arith.index_cast %get3A_598 : i32 to index
        %get3A_600 = arith.index_cast %mul3A_70 : i32 to index
        %get3A_601 = tpu.vector_load %arg5[%get3A_599, %get3A_600] {strides = array<i32>} : memref<100x256xf32, #tpu.memory_space<vmem>>, vector<16xf32>,
        %exp3A_602 = math.exp %get3A_601 : vector<16xf32>
        %add3A_603 = arith.addf %add3A_597, %exp3A_602 : vector<16xf32>
        %get3A_604 = arith.constant 89 : i32
        %get3A_605 = arith.index_cast %get3A_604 : i32 to index
        %get3A_606 = arith.index_cast %mul3A_70 : i32 to index
        %get3A_607 = tpu.vector_load %arg5[%get3A_605, %get3A_606] {strides = array<i32>} : memref<100x256xf32, #tpu.memory_space<vmem>>, vector<16xf32>,
        %exp3A_608 = math.exp %get3A_607 : vector<16xf32>
        %add3A_609 = arith.addf %add3A_603, %exp3A_608 : vector<16xf32>
        %get3A_610 = arith.constant 90 : i32
        %get3A_611 = arith.index_cast %get3A_610 : i32 to index
        %get3A_612 = arith.index_cast %mul3A_70 : i32 to index
        %get3A_613 = tpu.vector_load %arg5[%get3A_611, %get3A_612] {strides = array<i32>} : memref<100x256xf32, #tpu.memory_space<vmem>>, vector<16xf32>,
        %exp3A_614 = math.exp %get3A_613 : vector<16xf32>
        %add3A_615 = arith.addf %add3A_609, %exp3A_614 : vector<16xf32>
        %get3A_616 = arith.constant 91 : i32
        %get3A_617 = arith.index_cast %get3A_616 : i32 to index
        %get3A_618 = arith.index_cast %mul3A_70 : i32 to index
        %get3A_619 = tpu.vector_load %arg5[%get3A_617, %get3A_618] {strides = array<i32>} : memref<100x256xf32, #tpu.memory_space<vmem>>, vector<16xf32>,
        %exp3A_620 = math.exp %get3A_619 : vector<16xf32>
        %add3A_621 = arith.addf %add3A_615, %exp3A_620 : vector<16xf32>
        %get3A_622 = arith.constant 92 : i32
        %get3A_623 = arith.index_cast %get3A_622 : i32 to index
        %get3A_624 = arith.index_cast %mul3A_70 : i32 to index
        %get3A_625 = tpu.vector_load %arg5[%get3A_623, %get3A_624] {strides = array<i32>} : memref<100x256xf32, #tpu.memory_space<vmem>>, vector<16xf32>,
        %exp3A_626 = math.exp %get3A_625 : vector<16xf32>
        %add3A_627 = arith.addf %add3A_621, %exp3A_626 : vector<16xf32>
        %get3A_628 = arith.constant 93 : i32
        %get3A_629 = arith.index_cast %get3A_628 : i32 to index
        %get3A_630 = arith.index_cast %mul3A_70 : i32 to index
        %get3A_631 = tpu.vector_load %arg5[%get3A_629, %get3A_630] {strides = array<i32>} : memref<100x256xf32, #tpu.memory_space<vmem>>, vector<16xf32>,
        %exp3A_632 = math.exp %get3A_631 : vector<16xf32>
        %add3A_633 = arith.addf %add3A_627, %exp3A_632 : vector<16xf32>
        %get3A_634 = arith.constant 94 : i32
        %get3A_635 = arith.index_cast %get3A_634 : i32 to index
        %get3A_636 = arith.index_cast %mul3A_70 : i32 to index
        %get3A_637 = tpu.vector_load %arg5[%get3A_635, %get3A_636] {strides = array<i32>} : memref<100x256xf32, #tpu.memory_space<vmem>>, vector<16xf32>,
        %exp3A_638 = math.exp %get3A_637 : vector<16xf32>
        %add3A_639 = arith.addf %add3A_633, %exp3A_638 : vector<16xf32>
        %get3A_640 = arith.constant 95 : i32
        %get3A_641 = arith.index_cast %get3A_640 : i32 to index
        %get3A_642 = arith.index_cast %mul3A_70 : i32 to index
        %get3A_643 = tpu.vector_load %arg5[%get3A_641, %get3A_642] {strides = array<i32>} : memref<100x256xf32, #tpu.memory_space<vmem>>, vector<16xf32>,
        %exp3A_644 = math.exp %get3A_643 : vector<16xf32>
        %add3A_645 = arith.addf %add3A_639, %exp3A_644 : vector<16xf32>
        %get3A_646 = arith.constant 96 : i32
        %get3A_647 = arith.index_cast %get3A_646 : i32 to index
        %get3A_648 = arith.index_cast %mul3A_70 : i32 to index
        %get3A_649 = tpu.vector_load %arg5[%get3A_647, %get3A_648] {strides = array<i32>} : memref<100x256xf32, #tpu.memory_space<vmem>>, vector<16xf32>,
        %exp3A_650 = math.exp %get3A_649 : vector<16xf32>
        %add3A_651 = arith.addf %add3A_645, %exp3A_650 : vector<16xf32>
        %get3A_652 = arith.constant 97 : i32
        %get3A_653 = arith.index_cast %get3A_652 : i32 to index
        %get3A_654 = arith.index_cast %mul3A_70 : i32 to index
        %get3A_655 = tpu.vector_load %arg5[%get3A_653, %get3A_654] {strides = array<i32>} : memref<100x256xf32, #tpu.memory_space<vmem>>, vector<16xf32>,
        %exp3A_656 = math.exp %get3A_655 : vector<16xf32>
        %add3A_657 = arith.addf %add3A_651, %exp3A_656 : vector<16xf32>
        %get3A_658 = arith.constant 98 : i32
        %get3A_659 = arith.index_cast %get3A_658 : i32 to index
        %get3A_660 = arith.index_cast %mul3A_70 : i32 to index
        %get3A_661 = tpu.vector_load %arg5[%get3A_659, %get3A_660] {strides = array<i32>} : memref<100x256xf32, #tpu.memory_space<vmem>>, vector<16xf32>,
        %exp3A_662 = math.exp %get3A_661 : vector<16xf32>
        %add3A_663 = arith.addf %add3A_657, %exp3A_662 : vector<16xf32>
        %get3A_664 = arith.constant 99 : i32
        %get3A_665 = arith.index_cast %get3A_664 : i32 to index
        %get3A_666 = arith.index_cast %mul3A_70 : i32 to index
        %get3A_667 = tpu.vector_load %arg5[%get3A_665, %get3A_666] {strides = array<i32>} : memref<100x256xf32, #tpu.memory_space<vmem>>, vector<16xf32>,
        %exp3A_668 = math.exp %get3A_667 : vector<16xf32>
        %add3A_669 = arith.addf %add3A_663, %exp3A_668 : vector<16xf32>
        %mul3A_670 = arith.constant 256 : i32
        %mul3A_671 = arith.muli %add3A_25, %mul3A_670 : i32
        %add3A_672 = arith.addi %mul3A_671, %mul3A_70 : i32
        %get3A_673 = arith.index_cast %add3A_672 : i32 to index
        %get3A_674 = tpu.vector_load %arg7[%get3A_673] {strides = array<i32>} : memref<4096xi32, #tpu.memory_space<vmem>>, vector<16xi32>,
        %jit3A = arith.constant 10 : i32
        %div3A = vector.broadcast %jit3A : i32 to vector<16xi32>
        %div3A_675 = arith.divsi %get3A_674, %div3A : vector<16xi32>
        %sign3A = arith.constant 0 : i32
        %sign3A_676 = vector.broadcast %sign3A : i32 to vector<16xi32>
        %sign3A_677 = arith.cmpi sgt, %get3A_674, %sign3A_676 : vector<16xi32>
        %sign3A_678 = arith.extui %sign3A_677 : vector<16xi1> to vector<16xi32>
        %sign3A_679 = arith.constant 0 : i32
        %sign3A_680 = vector.broadcast %sign3A_679 : i32 to vector<16xi32>
        %sign3A_681 = arith.cmpi slt, %get3A_674, %sign3A_680 : vector<16xi32>
        %sign3A_682 = arith.extui %sign3A_681 : vector<16xi1> to vector<16xi32>
        %sign3A_683 = arith.subi %sign3A_678, %sign3A_682 : vector<16xi32>
        %sign3A_684 = arith.constant 0 : i32
        %sign3A_685 = arith.cmpi sgt, %jit3A, %sign3A_684 : i32
        %sign3A_686 = arith.extui %sign3A_685 : i1 to i32
        %sign3A_687 = arith.constant 0 : i32
        %sign3A_688 = arith.cmpi slt, %jit3A, %sign3A_687 : i32
        %sign3A_689 = arith.extui %sign3A_688 : i1 to i32
        %sign3A_690 = arith.subi %sign3A_686, %sign3A_689 : i32
        %ne3A = vector.broadcast %sign3A_690 : i32 to vector<16xi32>
        %ne3A_691 = arith.cmpi ne, %sign3A_683, %ne3A : vector<16xi32>
        %rem3A = vector.broadcast %jit3A : i32 to vector<16xi32>
        %rem3A_692 = arith.remsi %get3A_674, %rem3A : vector<16xi32>
        %ne3A_693 = arith.constant 0 : i32
        %ne3A_694 = vector.broadcast %ne3A_693 : i32 to vector<16xi32>
        %ne3A_695 = arith.cmpi ne, %rem3A_692, %ne3A_694 : vector<16xi32>
        %and3A = arith.andi %ne3A_691, %ne3A_695 : vector<16xi1>
        %sub3A = arith.constant 1 : i32
        %sub3A_696 = vector.broadcast %sub3A : i32 to vector<16xi32>
        %sub3A_697 = arith.subi %div3A_675, %sub3A_696 : vector<16xi32>
        %select_n3A = arith.select %and3A, %sub3A_697, %div3A_675 : vector<16xi1>, vector<16xi32>
        %mul3A_698 = arith.constant 10 : i32
        %mul3A_699 = vector.broadcast %mul3A_698 : i32 to vector<16xi32>
        %mul3A_700 = arith.muli %select_n3A, %mul3A_699 : vector<16xi32>
        %gather3A = tpu.vector_load_idx %arg5[%mul3A_700, %add3A_72] : memref<100x256xf32, #tpu.memory_space<vmem>>[vector<16xi32>, vector<16xi32>], vector<16xf32>,
        %exp3A_701 = math.exp %gather3A : vector<16xf32>
        %add3A_702 = arith.constant 1 : i32
        %add3A_703 = vector.broadcast %add3A_702 : i32 to vector<16xi32>
        %add3A_704 = arith.addi %mul3A_700, %add3A_703 : vector<16xi32>
        %gather3A_705 = tpu.vector_load_idx %arg5[%add3A_704, %add3A_72] : memref<100x256xf32, #tpu.memory_space<vmem>>[vector<16xi32>, vector<16xi32>], vector<16xf32>,
        %exp3A_706 = math.exp %gather3A_705 : vector<16xf32>
        %add3A_707 = arith.addf %exp3A_701, %exp3A_706 : vector<16xf32>
        %add3A_708 = arith.constant 2 : i32
        %add3A_709 = vector.broadcast %add3A_708 : i32 to vector<16xi32>
        %add3A_710 = arith.addi %mul3A_700, %add3A_709 : vector<16xi32>
        %gather3A_711 = tpu.vector_load_idx %arg5[%add3A_710, %add3A_72] : memref<100x256xf32, #tpu.memory_space<vmem>>[vector<16xi32>, vector<16xi32>], vector<16xf32>,
        %exp3A_712 = math.exp %gather3A_711 : vector<16xf32>
        %add3A_713 = arith.addf %add3A_707, %exp3A_712 : vector<16xf32>
        %add3A_714 = arith.constant 3 : i32
        %add3A_715 = vector.broadcast %add3A_714 : i32 to vector<16xi32>
        %add3A_716 = arith.addi %mul3A_700, %add3A_715 : vector<16xi32>
        %gather3A_717 = tpu.vector_load_idx %arg5[%add3A_716, %add3A_72] : memref<100x256xf32, #tpu.memory_space<vmem>>[vector<16xi32>, vector<16xi32>], vector<16xf32>,
        %exp3A_718 = math.exp %gather3A_717 : vector<16xf32>
        %add3A_719 = arith.addf %add3A_713, %exp3A_718 : vector<16xf32>
        %add3A_720 = arith.constant 4 : i32
        %add3A_721 = vector.broadcast %add3A_720 : i32 to vector<16xi32>
        %add3A_722 = arith.addi %mul3A_700, %add3A_721 : vector<16xi32>
        %gather3A_723 = tpu.vector_load_idx %arg5[%add3A_722, %add3A_72] : memref<100x256xf32, #tpu.memory_space<vmem>>[vector<16xi32>, vector<16xi32>], vector<16xf32>,
        %exp3A_724 = math.exp %gather3A_723 : vector<16xf32>
        %add3A_725 = arith.addf %add3A_719, %exp3A_724 : vector<16xf32>
        %add3A_726 = arith.constant 5 : i32
        %add3A_727 = vector.broadcast %add3A_726 : i32 to vector<16xi32>
        %add3A_728 = arith.addi %mul3A_700, %add3A_727 : vector<16xi32>
        %gather3A_729 = tpu.vector_load_idx %arg5[%add3A_728, %add3A_72] : memref<100x256xf32, #tpu.memory_space<vmem>>[vector<16xi32>, vector<16xi32>], vector<16xf32>,
        %exp3A_730 = math.exp %gather3A_729 : vector<16xf32>
        %add3A_731 = arith.addf %add3A_725, %exp3A_730 : vector<16xf32>
        %add3A_732 = arith.constant 6 : i32
        %add3A_733 = vector.broadcast %add3A_732 : i32 to vector<16xi32>
        %add3A_734 = arith.addi %mul3A_700, %add3A_733 : vector<16xi32>
        %gather3A_735 = tpu.vector_load_idx %arg5[%add3A_734, %add3A_72] : memref<100x256xf32, #tpu.memory_space<vmem>>[vector<16xi32>, vector<16xi32>], vector<16xf32>,
        %exp3A_736 = math.exp %gather3A_735 : vector<16xf32>
        %add3A_737 = arith.addf %add3A_731, %exp3A_736 : vector<16xf32>
        %add3A_738 = arith.constant 7 : i32
        %add3A_739 = vector.broadcast %add3A_738 : i32 to vector<16xi32>
        %add3A_740 = arith.addi %mul3A_700, %add3A_739 : vector<16xi32>
        %gather3A_741 = tpu.vector_load_idx %arg5[%add3A_740, %add3A_72] : memref<100x256xf32, #tpu.memory_space<vmem>>[vector<16xi32>, vector<16xi32>], vector<16xf32>,
        %exp3A_742 = math.exp %gather3A_741 : vector<16xf32>
        %add3A_743 = arith.addf %add3A_737, %exp3A_742 : vector<16xf32>
        %add3A_744 = arith.constant 8 : i32
        %add3A_745 = vector.broadcast %add3A_744 : i32 to vector<16xi32>
        %add3A_746 = arith.addi %mul3A_700, %add3A_745 : vector<16xi32>
        %gather3A_747 = tpu.vector_load_idx %arg5[%add3A_746, %add3A_72] : memref<100x256xf32, #tpu.memory_space<vmem>>[vector<16xi32>, vector<16xi32>], vector<16xf32>,
        %exp3A_748 = math.exp %gather3A_747 : vector<16xf32>
        %add3A_749 = arith.addf %add3A_743, %exp3A_748 : vector<16xf32>
        %add3A_750 = arith.constant 9 : i32
        %add3A_751 = vector.broadcast %add3A_750 : i32 to vector<16xi32>
        %add3A_752 = arith.addi %mul3A_700, %add3A_751 : vector<16xi32>
        %gather3A_753 = tpu.vector_load_idx %arg5[%add3A_752, %add3A_72] : memref<100x256xf32, #tpu.memory_space<vmem>>[vector<16xi32>, vector<16xi32>], vector<16xf32>,
        %exp3A_754 = math.exp %gather3A_753 : vector<16xf32>
        %add3A_755 = arith.addf %add3A_749, %exp3A_754 : vector<16xf32>
        %gather3A_756 = tpu.vector_load_idx %arg5[%get3A_674, %add3A_72] : memref<100x256xf32, #tpu.memory_space<vmem>>[vector<16xi32>, vector<16xi32>], vector<16xf32>,
        %exp3A_757 = math.exp %gather3A_756 : vector<16xf32>
        %div3A_758 = arith.constant 1.000000e+00 : f32
        %div3A_759 = vector.broadcast %div3A_758 : f32 to vector<16xf32>
        %div3A_760 = arith.divf %div3A_759, %add3A_669 : vector<16xf32>
        %mul3A_761 = arith.mulf %add3A_755, %div3A_760 : vector<16xf32>
        %add3A_762 = arith.constant 1.000000e+00 : f32
        %add3A_763 = vector.broadcast %add3A_762 : f32 to vector<16xf32>
        %add3A_764 = arith.addf %add3A_763, %mul3A_761 : vector<16xf32>
        %mul3A_765 = arith.mulf %exp3A_757, %div3A_760 : vector<16xf32>
        %add3A_766 = arith.constant 9.99999997E-7 : f32
        %add3A_767 = vector.broadcast %add3A_766 : f32 to vector<16xf32>
        %add3A_768 = arith.addf %add3A_764, %add3A_767 : vector<16xf32>
        %bitcast3A = vector.bitcast %add3A_768 : vector<16xf32> to vector<16xi32>
        %shift_right_arithmetic3A = arith.constant 23 : i32
        %shift_right_arithmetic3A_769 = vector.broadcast %shift_right_arithmetic3A : i32 to vector<16xi32>
        %shift_right_arithmetic3A_770 = arith.shrsi %bitcast3A, %shift_right_arithmetic3A_769 : vector<16xi32>
        %and3A_771 = arith.constant 255 : i32
        %and3A_772 = vector.broadcast %and3A_771 : i32 to vector<16xi32>
        %and3A_773 = arith.andi %shift_right_arithmetic3A_770, %and3A_772 : vector<16xi32>
        %sub3A_774 = arith.constant 126 : i32
        %sub3A_775 = vector.broadcast %sub3A_774 : i32 to vector<16xi32>
        %sub3A_776 = arith.subi %and3A_773, %sub3A_775 : vector<16xi32>
        %and3A_777 = arith.constant 8388607 : i32
        %and3A_778 = vector.broadcast %and3A_777 : i32 to vector<16xi32>
        %and3A_779 = arith.andi %bitcast3A, %and3A_778 : vector<16xi32>
        %or3A = arith.constant 1056964608 : i32
        %or3A_780 = vector.broadcast %or3A : i32 to vector<16xi32>
        %or3A_781 = arith.ori %and3A_779, %or3A_780 : vector<16xi32>
        %bitcast3A_782 = vector.bitcast %or3A_781 : vector<16xi32> to vector<16xf32>
        %lt3A_783 = arith.constant 0.707106769 : f32
        %lt3A_784 = vector.broadcast %lt3A_783 : f32 to vector<16xf32>
        %lt3A_785 = arith.cmpf olt, %bitcast3A_782, %lt3A_784 : vector<16xf32>
        %mul3A_786 = arith.constant 2.000000e+00 : f32
        %mul3A_787 = vector.broadcast %mul3A_786 : f32 to vector<16xf32>
        %mul3A_788 = arith.mulf %bitcast3A_782, %mul3A_787 : vector<16xf32>
        %select_n3A_789 = arith.select %lt3A_785, %mul3A_788, %bitcast3A_782 : vector<16xi1>, vector<16xf32>
        %convert_element_type3A_790 = arith.extui %lt3A_785 : vector<16xi1> to vector<16xi32>
        %sub3A_791 = arith.subi %sub3A_776, %convert_element_type3A_790 : vector<16xi32>
        %convert_element_type3A_792 = arith.sitofp %sub3A_791 : vector<16xi32> to vector<16xf32>
        %sub3A_793 = arith.constant 1.000000e+00 : f32
        %sub3A_794 = vector.broadcast %sub3A_793 : f32 to vector<16xf32>
        %sub3A_795 = arith.subf %select_n3A_789, %sub3A_794 : vector<16xf32>
        %mul3A_796 = arith.mulf %sub3A_795, %sub3A_795 : vector<16xf32>
        %mul3A_797 = arith.constant 0.0703768358 : f32
        %mul3A_798 = vector.broadcast %mul3A_797 : f32 to vector<16xf32>
        %mul3A_799 = arith.mulf %mul3A_798, %sub3A_795 : vector<16xf32>
        %add3A_800 = arith.constant -0.115146101 : f32
        %add3A_801 = vector.broadcast %add3A_800 : f32 to vector<16xf32>
        %add3A_802 = arith.addf %mul3A_799, %add3A_801 : vector<16xf32>
        %mul3A_803 = arith.mulf %add3A_802, %sub3A_795 : vector<16xf32>
        %add3A_804 = arith.constant 0.116769984 : f32
        %add3A_805 = vector.broadcast %add3A_804 : f32 to vector<16xf32>
        %add3A_806 = arith.addf %mul3A_803, %add3A_805 : vector<16xf32>
        %mul3A_807 = arith.mulf %add3A_806, %sub3A_795 : vector<16xf32>
        %add3A_808 = arith.constant -0.12420141 : f32
        %add3A_809 = vector.broadcast %add3A_808 : f32 to vector<16xf32>
        %add3A_810 = arith.addf %mul3A_807, %add3A_809 : vector<16xf32>
        %mul3A_811 = arith.mulf %add3A_810, %sub3A_795 : vector<16xf32>
        %add3A_812 = arith.constant 0.142493233 : f32
        %add3A_813 = vector.broadcast %add3A_812 : f32 to vector<16xf32>
        %add3A_814 = arith.addf %mul3A_811, %add3A_813 : vector<16xf32>
        %mul3A_815 = arith.mulf %add3A_814, %sub3A_795 : vector<16xf32>
        %add3A_816 = arith.constant -0.166680574 : f32
        %add3A_817 = vector.broadcast %add3A_816 : f32 to vector<16xf32>
        %add3A_818 = arith.addf %mul3A_815, %add3A_817 : vector<16xf32>
        %mul3A_819 = arith.mulf %add3A_818, %sub3A_795 : vector<16xf32>
        %add3A_820 = arith.constant 0.200007141 : f32
        %add3A_821 = vector.broadcast %add3A_820 : f32 to vector<16xf32>
        %add3A_822 = arith.addf %mul3A_819, %add3A_821 : vector<16xf32>
        %mul3A_823 = arith.mulf %add3A_822, %sub3A_795 : vector<16xf32>
        %add3A_824 = arith.constant -0.24999994 : f32
        %add3A_825 = vector.broadcast %add3A_824 : f32 to vector<16xf32>
        %add3A_826 = arith.addf %mul3A_823, %add3A_825 : vector<16xf32>
        %mul3A_827 = arith.mulf %add3A_826, %sub3A_795 : vector<16xf32>
        %add3A_828 = arith.constant 0.333333313 : f32
        %add3A_829 = vector.broadcast %add3A_828 : f32 to vector<16xf32>
        %add3A_830 = arith.addf %mul3A_827, %add3A_829 : vector<16xf32>
        %mul3A_831 = arith.mulf %sub3A_795, %mul3A_796 : vector<16xf32>
        %mul3A_832 = arith.mulf %mul3A_831, %add3A_830 : vector<16xf32>
        %add3A_833 = arith.addf %sub3A_795, %mul3A_832 : vector<16xf32>
        %mul3A_834 = arith.constant 5.000000e-01 : f32
        %mul3A_835 = vector.broadcast %mul3A_834 : f32 to vector<16xf32>
        %mul3A_836 = arith.mulf %mul3A_835, %mul3A_796 : vector<16xf32>
        %sub3A_837 = arith.subf %add3A_833, %mul3A_836 : vector<16xf32>
        %mul3A_838 = arith.constant 0.693147182 : f32
        %mul3A_839 = vector.broadcast %mul3A_838 : f32 to vector<16xf32>
        %mul3A_840 = arith.mulf %convert_element_type3A_792, %mul3A_839 : vector<16xf32>
        %add3A_841 = arith.addf %sub3A_837, %mul3A_840 : vector<16xf32>
        %add3A_842 = arith.constant 9.99999997E-7 : f32
        %add3A_843 = vector.broadcast %add3A_842 : f32 to vector<16xf32>
        %add3A_844 = arith.addf %mul3A_765, %add3A_843 : vector<16xf32>
        %bitcast3A_845 = vector.bitcast %add3A_844 : vector<16xf32> to vector<16xi32>
        %shift_right_arithmetic3A_846 = arith.constant 23 : i32
        %shift_right_arithmetic3A_847 = vector.broadcast %shift_right_arithmetic3A_846 : i32 to vector<16xi32>
        %shift_right_arithmetic3A_848 = arith.shrsi %bitcast3A_845, %shift_right_arithmetic3A_847 : vector<16xi32>
        %and3A_849 = arith.constant 255 : i32
        %and3A_850 = vector.broadcast %and3A_849 : i32 to vector<16xi32>
        %and3A_851 = arith.andi %shift_right_arithmetic3A_848, %and3A_850 : vector<16xi32>
        %sub3A_852 = arith.constant 126 : i32
        %sub3A_853 = vector.broadcast %sub3A_852 : i32 to vector<16xi32>
        %sub3A_854 = arith.subi %and3A_851, %sub3A_853 : vector<16xi32>
        %and3A_855 = arith.constant 8388607 : i32
        %and3A_856 = vector.broadcast %and3A_855 : i32 to vector<16xi32>
        %and3A_857 = arith.andi %bitcast3A_845, %and3A_856 : vector<16xi32>
        %or3A_858 = arith.constant 1056964608 : i32
        %or3A_859 = vector.broadcast %or3A_858 : i32 to vector<16xi32>
        %or3A_860 = arith.ori %and3A_857, %or3A_859 : vector<16xi32>
        %bitcast3A_861 = vector.bitcast %or3A_860 : vector<16xi32> to vector<16xf32>
        %lt3A_862 = arith.constant 0.707106769 : f32
        %lt3A_863 = vector.broadcast %lt3A_862 : f32 to vector<16xf32>
        %lt3A_864 = arith.cmpf olt, %bitcast3A_861, %lt3A_863 : vector<16xf32>
        %mul3A_865 = arith.constant 2.000000e+00 : f32
        %mul3A_866 = vector.broadcast %mul3A_865 : f32 to vector<16xf32>
        %mul3A_867 = arith.mulf %bitcast3A_861, %mul3A_866 : vector<16xf32>
        %select_n3A_868 = arith.select %lt3A_864, %mul3A_867, %bitcast3A_861 : vector<16xi1>, vector<16xf32>
        %convert_element_type3A_869 = arith.extui %lt3A_864 : vector<16xi1> to vector<16xi32>
        %sub3A_870 = arith.subi %sub3A_854, %convert_element_type3A_869 : vector<16xi32>
        %convert_element_type3A_871 = arith.sitofp %sub3A_870 : vector<16xi32> to vector<16xf32>
        %sub3A_872 = arith.constant 1.000000e+00 : f32
        %sub3A_873 = vector.broadcast %sub3A_872 : f32 to vector<16xf32>
        %sub3A_874 = arith.subf %select_n3A_868, %sub3A_873 : vector<16xf32>
        %mul3A_875 = arith.mulf %sub3A_874, %sub3A_874 : vector<16xf32>
        %mul3A_876 = arith.constant 0.0703768358 : f32
        %mul3A_877 = vector.broadcast %mul3A_876 : f32 to vector<16xf32>
        %mul3A_878 = arith.mulf %mul3A_877, %sub3A_874 : vector<16xf32>
        %add3A_879 = arith.constant -0.115146101 : f32
        %add3A_880 = vector.broadcast %add3A_879 : f32 to vector<16xf32>
        %add3A_881 = arith.addf %mul3A_878, %add3A_880 : vector<16xf32>
        %mul3A_882 = arith.mulf %add3A_881, %sub3A_874 : vector<16xf32>
        %add3A_883 = arith.constant 0.116769984 : f32
        %add3A_884 = vector.broadcast %add3A_883 : f32 to vector<16xf32>
        %add3A_885 = arith.addf %mul3A_882, %add3A_884 : vector<16xf32>
        %mul3A_886 = arith.mulf %add3A_885, %sub3A_874 : vector<16xf32>
        %add3A_887 = arith.constant -0.12420141 : f32
        %add3A_888 = vector.broadcast %add3A_887 : f32 to vector<16xf32>
        %add3A_889 = arith.addf %mul3A_886, %add3A_888 : vector<16xf32>
        %mul3A_890 = arith.mulf %add3A_889, %sub3A_874 : vector<16xf32>
        %add3A_891 = arith.constant 0.142493233 : f32
        %add3A_892 = vector.broadcast %add3A_891 : f32 to vector<16xf32>
        %add3A_893 = arith.addf %mul3A_890, %add3A_892 : vector<16xf32>
        %mul3A_894 = arith.mulf %add3A_893, %sub3A_874 : vector<16xf32>
        %add3A_895 = arith.constant -0.166680574 : f32
        %add3A_896 = vector.broadcast %add3A_895 : f32 to vector<16xf32>
        %add3A_897 = arith.addf %mul3A_894, %add3A_896 : vector<16xf32>
        %mul3A_898 = arith.mulf %add3A_897, %sub3A_874 : vector<16xf32>
        %add3A_899 = arith.constant 0.200007141 : f32
        %add3A_900 = vector.broadcast %add3A_899 : f32 to vector<16xf32>
        %add3A_901 = arith.addf %mul3A_898, %add3A_900 : vector<16xf32>
        %mul3A_902 = arith.mulf %add3A_901, %sub3A_874 : vector<16xf32>
        %add3A_903 = arith.constant -0.24999994 : f32
        %add3A_904 = vector.broadcast %add3A_903 : f32 to vector<16xf32>
        %add3A_905 = arith.addf %mul3A_902, %add3A_904 : vector<16xf32>
        %mul3A_906 = arith.mulf %add3A_905, %sub3A_874 : vector<16xf32>
        %add3A_907 = arith.constant 0.333333313 : f32
        %add3A_908 = vector.broadcast %add3A_907 : f32 to vector<16xf32>
        %add3A_909 = arith.addf %mul3A_906, %add3A_908 : vector<16xf32>
        %mul3A_910 = arith.mulf %sub3A_874, %mul3A_875 : vector<16xf32>
        %mul3A_911 = arith.mulf %mul3A_910, %add3A_909 : vector<16xf32>
        %add3A_912 = arith.addf %sub3A_874, %mul3A_911 : vector<16xf32>
        %mul3A_913 = arith.constant 5.000000e-01 : f32
        %mul3A_914 = vector.broadcast %mul3A_913 : f32 to vector<16xf32>
        %mul3A_915 = arith.mulf %mul3A_914, %mul3A_875 : vector<16xf32>
        %sub3A_916 = arith.subf %add3A_912, %mul3A_915 : vector<16xf32>
        %mul3A_917 = arith.constant 0.693147182 : f32
        %mul3A_918 = vector.broadcast %mul3A_917 : f32 to vector<16xf32>
        %mul3A_919 = arith.mulf %convert_element_type3A_871, %mul3A_918 : vector<16xf32>
        %add3A_920 = arith.addf %sub3A_916, %mul3A_919 : vector<16xf32>
        %mul3A_921 = arith.constant -0.232544154 : f32
        %mul3A_922 = vector.broadcast %mul3A_921 : f32 to vector<16xf32>
        %mul3A_923 = arith.mulf %mul3A_922, %add3A_841 : vector<16xf32>
        %mul3A_924 = arith.constant 0.36787945 : f32
        %mul3A_925 = vector.broadcast %mul3A_924 : f32 to vector<16xf32>
        %mul3A_926 = arith.mulf %mul3A_925, %add3A_920 : vector<16xf32>
        %add3A_927 = arith.addf %mul3A_923, %mul3A_926 : vector<16xf32>
        %add3A_928 = arith.addf %scan3A_68, %add3A_927 : vector<16xf32>
        scf.yield %add3A_928 : vector<16xf32>
      }
      %scan3A_42 = arith.constant 16 : i32
      %mul3A_43 = arith.constant 2 : i32
      %mul3A_44 = arith.muli %mul3A_43, %scan3A_20 : i32
      %add3A_45 = arith.constant 1 : i32
      %add3A_46 = arith.addi %mul3A_44, %add3A_45 : i32
      %add3A_47 = arith.constant 1 : i32
      %add3A_48 = arith.addi %add3A_46, %add3A_47 : i32
      %lt3A_49 = arith.constant 16 : i32
      %lt3A_50 = arith.cmpi slt, %add3A_48, %lt3A_49 : i32
      %convert_element_type3A_51 = arith.extui %lt3A_50 : i1 to i32
      %cond3A_52 = arith.constant 0 : i32
      %cond3A_53 = arith.cmpi ne, %convert_element_type3A_51, %cond3A_52 : i32
      scf.if %cond3A_53 {
        %add3A_67 = arith.constant 1 : i32
        %add3A_68 = arith.addi %add3A_46, %add3A_67 : i32
        %mul3A_69 = arith.constant 256 : i32
        %mul3A_70 = arith.muli %add3A_68, %mul3A_69 : i32
        %add3A_71 = arith.addi %mul3A_2, %mul3A_70 : i32
        %dma_start3A_72 = arith.constant 0 : i32
        %dma_start3A_73 = tpu.memref_slice %arg2[%dma_start3A_72, %add3A_71] : memref<100x131072xf32, #tpu.memory_space<hbm>> -> memref<100x256xf32, #tpu.memory_space<hbm>>
        %dma_start3A_74 = arith.constant 0 : i32
        %dma_start3A_75 = tpu.memref_slice %arg2[%dma_start3A_74, %add3A_71] : memref<100x131072xf32, #tpu.memory_space<hbm>> -> memref<100x256xf32, #tpu.memory_space<hbm>>
        tpu.enqueue_dma source(%dma_start3A_75 : memref<100x256xf32, #tpu.memory_space<hbm>>) target(%arg5 : memref<100x256xf32, #tpu.memory_space<vmem>>) target_semaphore(%arg8 : memref<!tpu.dma_semaphore, #tpu.memory_space<semaphore_mem>>)
      } else {
      }
      %mul3A_54 = arith.constant 256 : i32
      %mul3A_55 = arith.muli %add3A_46, %mul3A_54 : i32
      %add3A_56 = arith.addi %mul3A_2, %mul3A_55 : i32
      %dma_wait3A_57 = arith.constant 0 : i32
      %dma_wait3A_58 = tpu.memref_slice %arg2[%dma_wait3A_57, %add3A_56] : memref<100x131072xf32, #tpu.memory_space<hbm>> -> memref<100x256xf32, #tpu.memory_space<hbm>>
      %dma_wait3A_59 = arith.constant 0 : i32
      %dma_wait3A_60 = tpu.memref_slice %arg2[%dma_wait3A_59, %add3A_56] : memref<100x131072xf32, #tpu.memory_space<hbm>> -> memref<100x256xf32, #tpu.memory_space<hbm>>
      tpu.wait_dma2 semaphore(%arg9 : memref<!tpu.dma_semaphore, #tpu.memory_space<semaphore_mem>>) src(%dma_wait3A_60 : memref<100x256xf32, #tpu.memory_space<hbm>>) dst(%arg6 : memref<100x256xf32, #tpu.memory_space<vmem>>)
      %scan3A_61 = arith.constant 0 : i32
      %scan3A_62 = arith.constant 16 : i32
      %scan3A_63 = arith.addi %scan3A_61, %scan3A_62 : i32
      %scan3A_64 = arith.constant 1 : i32
      %scan3A_65 = scf.for %scan3A_67 = %scan3A_61 to %scan3A_63 step %scan3A_64 iter_args(%scan3A_68 = %scan3A_41) -> (vector<16xf32>)  : i32 {
        %mul3A_69 = arith.constant 16 : i32
        %mul3A_70 = arith.muli %scan3A_67, %mul3A_69 : i32
        %add3A_71 = vector.broadcast %mul3A_70 : i32 to vector<16xi32>
        %add3A_72 = arith.addi %add3A_71, %iota3A : vector<16xi32>
        %get3A = arith.constant 0 : i32
        %get3A_73 = arith.index_cast %get3A : i32 to index
        %get3A_74 = arith.index_cast %mul3A_70 : i32 to index
        %get3A_75 = tpu.vector_load %arg6[%get3A_73, %get3A_74] {strides = array<i32>} : memref<100x256xf32, #tpu.memory_space<vmem>>, vector<16xf32>,
        %exp3A = math.exp %get3A_75 : vector<16xf32>
        %get3A_76 = arith.constant 1 : i32
        %get3A_77 = arith.index_cast %get3A_76 : i32 to index
        %get3A_78 = arith.index_cast %mul3A_70 : i32 to index
        %get3A_79 = tpu.vector_load %arg6[%get3A_77, %get3A_78] {strides = array<i32>} : memref<100x256xf32, #tpu.memory_space<vmem>>, vector<16xf32>,
        %exp3A_80 = math.exp %get3A_79 : vector<16xf32>
        %add3A_81 = arith.addf %exp3A, %exp3A_80 : vector<16xf32>
        %get3A_82 = arith.constant 2 : i32
        %get3A_83 = arith.index_cast %get3A_82 : i32 to index
        %get3A_84 = arith.index_cast %mul3A_70 : i32 to index
        %get3A_85 = tpu.vector_load %arg6[%get3A_83, %get3A_84] {strides = array<i32>} : memref<100x256xf32, #tpu.memory_space<vmem>>, vector<16xf32>,
        %exp3A_86 = math.exp %get3A_85 : vector<16xf32>
        %add3A_87 = arith.addf %add3A_81, %exp3A_86 : vector<16xf32>
        %get3A_88 = arith.constant 3 : i32
        %get3A_89 = arith.index_cast %get3A_88 : i32 to index
        %get3A_90 = arith.index_cast %mul3A_70 : i32 to index
        %get3A_91 = tpu.vector_load %arg6[%get3A_89, %get3A_90] {strides = array<i32>} : memref<100x256xf32, #tpu.memory_space<vmem>>, vector<16xf32>,
        %exp3A_92 = math.exp %get3A_91 : vector<16xf32>
        %add3A_93 = arith.addf %add3A_87, %exp3A_92 : vector<16xf32>
        %get3A_94 = arith.constant 4 : i32
        %get3A_95 = arith.index_cast %get3A_94 : i32 to index
        %get3A_96 = arith.index_cast %mul3A_70 : i32 to index
        %get3A_97 = tpu.vector_load %arg6[%get3A_95, %get3A_96] {strides = array<i32>} : memref<100x256xf32, #tpu.memory_space<vmem>>, vector<16xf32>,
        %exp3A_98 = math.exp %get3A_97 : vector<16xf32>
        %add3A_99 = arith.addf %add3A_93, %exp3A_98 : vector<16xf32>
        %get3A_100 = arith.constant 5 : i32
        %get3A_101 = arith.index_cast %get3A_100 : i32 to index
        %get3A_102 = arith.index_cast %mul3A_70 : i32 to index
        %get3A_103 = tpu.vector_load %arg6[%get3A_101, %get3A_102] {strides = array<i32>} : memref<100x256xf32, #tpu.memory_space<vmem>>, vector<16xf32>,
        %exp3A_104 = math.exp %get3A_103 : vector<16xf32>
        %add3A_105 = arith.addf %add3A_99, %exp3A_104 : vector<16xf32>
        %get3A_106 = arith.constant 6 : i32
        %get3A_107 = arith.index_cast %get3A_106 : i32 to index
        %get3A_108 = arith.index_cast %mul3A_70 : i32 to index
        %get3A_109 = tpu.vector_load %arg6[%get3A_107, %get3A_108] {strides = array<i32>} : memref<100x256xf32, #tpu.memory_space<vmem>>, vector<16xf32>,
        %exp3A_110 = math.exp %get3A_109 : vector<16xf32>
        %add3A_111 = arith.addf %add3A_105, %exp3A_110 : vector<16xf32>
        %get3A_112 = arith.constant 7 : i32
        %get3A_113 = arith.index_cast %get3A_112 : i32 to index
        %get3A_114 = arith.index_cast %mul3A_70 : i32 to index
        %get3A_115 = tpu.vector_load %arg6[%get3A_113, %get3A_114] {strides = array<i32>} : memref<100x256xf32, #tpu.memory_space<vmem>>, vector<16xf32>,
        %exp3A_116 = math.exp %get3A_115 : vector<16xf32>
        %add3A_117 = arith.addf %add3A_111, %exp3A_116 : vector<16xf32>
        %get3A_118 = arith.constant 8 : i32
        %get3A_119 = arith.index_cast %get3A_118 : i32 to index
        %get3A_120 = arith.index_cast %mul3A_70 : i32 to index
        %get3A_121 = tpu.vector_load %arg6[%get3A_119, %get3A_120] {strides = array<i32>} : memref<100x256xf32, #tpu.memory_space<vmem>>, vector<16xf32>,
        %exp3A_122 = math.exp %get3A_121 : vector<16xf32>
        %add3A_123 = arith.addf %add3A_117, %exp3A_122 : vector<16xf32>
        %get3A_124 = arith.constant 9 : i32
        %get3A_125 = arith.index_cast %get3A_124 : i32 to index
        %get3A_126 = arith.index_cast %mul3A_70 : i32 to index
        %get3A_127 = tpu.vector_load %arg6[%get3A_125, %get3A_126] {strides = array<i32>} : memref<100x256xf32, #tpu.memory_space<vmem>>, vector<16xf32>,
        %exp3A_128 = math.exp %get3A_127 : vector<16xf32>
        %add3A_129 = arith.addf %add3A_123, %exp3A_128 : vector<16xf32>
        %get3A_130 = arith.constant 10 : i32
        %get3A_131 = arith.index_cast %get3A_130 : i32 to index
        %get3A_132 = arith.index_cast %mul3A_70 : i32 to index
        %get3A_133 = tpu.vector_load %arg6[%get3A_131, %get3A_132] {strides = array<i32>} : memref<100x256xf32, #tpu.memory_space<vmem>>, vector<16xf32>,
        %exp3A_134 = math.exp %get3A_133 : vector<16xf32>
        %add3A_135 = arith.addf %add3A_129, %exp3A_134 : vector<16xf32>
        %get3A_136 = arith.constant 11 : i32
        %get3A_137 = arith.index_cast %get3A_136 : i32 to index
        %get3A_138 = arith.index_cast %mul3A_70 : i32 to index
        %get3A_139 = tpu.vector_load %arg6[%get3A_137, %get3A_138] {strides = array<i32>} : memref<100x256xf32, #tpu.memory_space<vmem>>, vector<16xf32>,
        %exp3A_140 = math.exp %get3A_139 : vector<16xf32>
        %add3A_141 = arith.addf %add3A_135, %exp3A_140 : vector<16xf32>
        %get3A_142 = arith.constant 12 : i32
        %get3A_143 = arith.index_cast %get3A_142 : i32 to index
        %get3A_144 = arith.index_cast %mul3A_70 : i32 to index
        %get3A_145 = tpu.vector_load %arg6[%get3A_143, %get3A_144] {strides = array<i32>} : memref<100x256xf32, #tpu.memory_space<vmem>>, vector<16xf32>,
        %exp3A_146 = math.exp %get3A_145 : vector<16xf32>
        %add3A_147 = arith.addf %add3A_141, %exp3A_146 : vector<16xf32>
        %get3A_148 = arith.constant 13 : i32
        %get3A_149 = arith.index_cast %get3A_148 : i32 to index
        %get3A_150 = arith.index_cast %mul3A_70 : i32 to index
        %get3A_151 = tpu.vector_load %arg6[%get3A_149, %get3A_150] {strides = array<i32>} : memref<100x256xf32, #tpu.memory_space<vmem>>, vector<16xf32>,
        %exp3A_152 = math.exp %get3A_151 : vector<16xf32>
        %add3A_153 = arith.addf %add3A_147, %exp3A_152 : vector<16xf32>
        %get3A_154 = arith.constant 14 : i32
        %get3A_155 = arith.index_cast %get3A_154 : i32 to index
        %get3A_156 = arith.index_cast %mul3A_70 : i32 to index
        %get3A_157 = tpu.vector_load %arg6[%get3A_155, %get3A_156] {strides = array<i32>} : memref<100x256xf32, #tpu.memory_space<vmem>>, vector<16xf32>,
        %exp3A_158 = math.exp %get3A_157 : vector<16xf32>
        %add3A_159 = arith.addf %add3A_153, %exp3A_158 : vector<16xf32>
        %get3A_160 = arith.constant 15 : i32
        %get3A_161 = arith.index_cast %get3A_160 : i32 to index
        %get3A_162 = arith.index_cast %mul3A_70 : i32 to index
        %get3A_163 = tpu.vector_load %arg6[%get3A_161, %get3A_162] {strides = array<i32>} : memref<100x256xf32, #tpu.memory_space<vmem>>, vector<16xf32>,
        %exp3A_164 = math.exp %get3A_163 : vector<16xf32>
        %add3A_165 = arith.addf %add3A_159, %exp3A_164 : vector<16xf32>
        %get3A_166 = arith.constant 16 : i32
        %get3A_167 = arith.index_cast %get3A_166 : i32 to index
        %get3A_168 = arith.index_cast %mul3A_70 : i32 to index
        %get3A_169 = tpu.vector_load %arg6[%get3A_167, %get3A_168] {strides = array<i32>} : memref<100x256xf32, #tpu.memory_space<vmem>>, vector<16xf32>,
        %exp3A_170 = math.exp %get3A_169 : vector<16xf32>
        %add3A_171 = arith.addf %add3A_165, %exp3A_170 : vector<16xf32>
        %get3A_172 = arith.constant 17 : i32
        %get3A_173 = arith.index_cast %get3A_172 : i32 to index
        %get3A_174 = arith.index_cast %mul3A_70 : i32 to index
        %get3A_175 = tpu.vector_load %arg6[%get3A_173, %get3A_174] {strides = array<i32>} : memref<100x256xf32, #tpu.memory_space<vmem>>, vector<16xf32>,
        %exp3A_176 = math.exp %get3A_175 : vector<16xf32>
        %add3A_177 = arith.addf %add3A_171, %exp3A_176 : vector<16xf32>
        %get3A_178 = arith.constant 18 : i32
        %get3A_179 = arith.index_cast %get3A_178 : i32 to index
        %get3A_180 = arith.index_cast %mul3A_70 : i32 to index
        %get3A_181 = tpu.vector_load %arg6[%get3A_179, %get3A_180] {strides = array<i32>} : memref<100x256xf32, #tpu.memory_space<vmem>>, vector<16xf32>,
        %exp3A_182 = math.exp %get3A_181 : vector<16xf32>
        %add3A_183 = arith.addf %add3A_177, %exp3A_182 : vector<16xf32>
        %get3A_184 = arith.constant 19 : i32
        %get3A_185 = arith.index_cast %get3A_184 : i32 to index
        %get3A_186 = arith.index_cast %mul3A_70 : i32 to index
        %get3A_187 = tpu.vector_load %arg6[%get3A_185, %get3A_186] {strides = array<i32>} : memref<100x256xf32, #tpu.memory_space<vmem>>, vector<16xf32>,
        %exp3A_188 = math.exp %get3A_187 : vector<16xf32>
        %add3A_189 = arith.addf %add3A_183, %exp3A_188 : vector<16xf32>
        %get3A_190 = arith.constant 20 : i32
        %get3A_191 = arith.index_cast %get3A_190 : i32 to index
        %get3A_192 = arith.index_cast %mul3A_70 : i32 to index
        %get3A_193 = tpu.vector_load %arg6[%get3A_191, %get3A_192] {strides = array<i32>} : memref<100x256xf32, #tpu.memory_space<vmem>>, vector<16xf32>,
        %exp3A_194 = math.exp %get3A_193 : vector<16xf32>
        %add3A_195 = arith.addf %add3A_189, %exp3A_194 : vector<16xf32>
        %get3A_196 = arith.constant 21 : i32
        %get3A_197 = arith.index_cast %get3A_196 : i32 to index
        %get3A_198 = arith.index_cast %mul3A_70 : i32 to index
        %get3A_199 = tpu.vector_load %arg6[%get3A_197, %get3A_198] {strides = array<i32>} : memref<100x256xf32, #tpu.memory_space<vmem>>, vector<16xf32>,
        %exp3A_200 = math.exp %get3A_199 : vector<16xf32>
        %add3A_201 = arith.addf %add3A_195, %exp3A_200 : vector<16xf32>
        %get3A_202 = arith.constant 22 : i32
        %get3A_203 = arith.index_cast %get3A_202 : i32 to index
        %get3A_204 = arith.index_cast %mul3A_70 : i32 to index
        %get3A_205 = tpu.vector_load %arg6[%get3A_203, %get3A_204] {strides = array<i32>} : memref<100x256xf32, #tpu.memory_space<vmem>>, vector<16xf32>,
        %exp3A_206 = math.exp %get3A_205 : vector<16xf32>
        %add3A_207 = arith.addf %add3A_201, %exp3A_206 : vector<16xf32>
        %get3A_208 = arith.constant 23 : i32
        %get3A_209 = arith.index_cast %get3A_208 : i32 to index
        %get3A_210 = arith.index_cast %mul3A_70 : i32 to index
        %get3A_211 = tpu.vector_load %arg6[%get3A_209, %get3A_210] {strides = array<i32>} : memref<100x256xf32, #tpu.memory_space<vmem>>, vector<16xf32>,
        %exp3A_212 = math.exp %get3A_211 : vector<16xf32>
        %add3A_213 = arith.addf %add3A_207, %exp3A_212 : vector<16xf32>
        %get3A_214 = arith.constant 24 : i32
        %get3A_215 = arith.index_cast %get3A_214 : i32 to index
        %get3A_216 = arith.index_cast %mul3A_70 : i32 to index
        %get3A_217 = tpu.vector_load %arg6[%get3A_215, %get3A_216] {strides = array<i32>} : memref<100x256xf32, #tpu.memory_space<vmem>>, vector<16xf32>,
        %exp3A_218 = math.exp %get3A_217 : vector<16xf32>
        %add3A_219 = arith.addf %add3A_213, %exp3A_218 : vector<16xf32>
        %get3A_220 = arith.constant 25 : i32
        %get3A_221 = arith.index_cast %get3A_220 : i32 to index
        %get3A_222 = arith.index_cast %mul3A_70 : i32 to index
        %get3A_223 = tpu.vector_load %arg6[%get3A_221, %get3A_222] {strides = array<i32>} : memref<100x256xf32, #tpu.memory_space<vmem>>, vector<16xf32>,
        %exp3A_224 = math.exp %get3A_223 : vector<16xf32>
        %add3A_225 = arith.addf %add3A_219, %exp3A_224 : vector<16xf32>
        %get3A_226 = arith.constant 26 : i32
        %get3A_227 = arith.index_cast %get3A_226 : i32 to index
        %get3A_228 = arith.index_cast %mul3A_70 : i32 to index
        %get3A_229 = tpu.vector_load %arg6[%get3A_227, %get3A_228] {strides = array<i32>} : memref<100x256xf32, #tpu.memory_space<vmem>>, vector<16xf32>,
        %exp3A_230 = math.exp %get3A_229 : vector<16xf32>
        %add3A_231 = arith.addf %add3A_225, %exp3A_230 : vector<16xf32>
        %get3A_232 = arith.constant 27 : i32
        %get3A_233 = arith.index_cast %get3A_232 : i32 to index
        %get3A_234 = arith.index_cast %mul3A_70 : i32 to index
        %get3A_235 = tpu.vector_load %arg6[%get3A_233, %get3A_234] {strides = array<i32>} : memref<100x256xf32, #tpu.memory_space<vmem>>, vector<16xf32>,
        %exp3A_236 = math.exp %get3A_235 : vector<16xf32>
        %add3A_237 = arith.addf %add3A_231, %exp3A_236 : vector<16xf32>
        %get3A_238 = arith.constant 28 : i32
        %get3A_239 = arith.index_cast %get3A_238 : i32 to index
        %get3A_240 = arith.index_cast %mul3A_70 : i32 to index
        %get3A_241 = tpu.vector_load %arg6[%get3A_239, %get3A_240] {strides = array<i32>} : memref<100x256xf32, #tpu.memory_space<vmem>>, vector<16xf32>,
        %exp3A_242 = math.exp %get3A_241 : vector<16xf32>
        %add3A_243 = arith.addf %add3A_237, %exp3A_242 : vector<16xf32>
        %get3A_244 = arith.constant 29 : i32
        %get3A_245 = arith.index_cast %get3A_244 : i32 to index
        %get3A_246 = arith.index_cast %mul3A_70 : i32 to index
        %get3A_247 = tpu.vector_load %arg6[%get3A_245, %get3A_246] {strides = array<i32>} : memref<100x256xf32, #tpu.memory_space<vmem>>, vector<16xf32>,
        %exp3A_248 = math.exp %get3A_247 : vector<16xf32>
        %add3A_249 = arith.addf %add3A_243, %exp3A_248 : vector<16xf32>
        %get3A_250 = arith.constant 30 : i32
        %get3A_251 = arith.index_cast %get3A_250 : i32 to index
        %get3A_252 = arith.index_cast %mul3A_70 : i32 to index
        %get3A_253 = tpu.vector_load %arg6[%get3A_251, %get3A_252] {strides = array<i32>} : memref<100x256xf32, #tpu.memory_space<vmem>>, vector<16xf32>,
        %exp3A_254 = math.exp %get3A_253 : vector<16xf32>
        %add3A_255 = arith.addf %add3A_249, %exp3A_254 : vector<16xf32>
        %get3A_256 = arith.constant 31 : i32
        %get3A_257 = arith.index_cast %get3A_256 : i32 to index
        %get3A_258 = arith.index_cast %mul3A_70 : i32 to index
        %get3A_259 = tpu.vector_load %arg6[%get3A_257, %get3A_258] {strides = array<i32>} : memref<100x256xf32, #tpu.memory_space<vmem>>, vector<16xf32>,
        %exp3A_260 = math.exp %get3A_259 : vector<16xf32>
        %add3A_261 = arith.addf %add3A_255, %exp3A_260 : vector<16xf32>
        %get3A_262 = arith.constant 32 : i32
        %get3A_263 = arith.index_cast %get3A_262 : i32 to index
        %get3A_264 = arith.index_cast %mul3A_70 : i32 to index
        %get3A_265 = tpu.vector_load %arg6[%get3A_263, %get3A_264] {strides = array<i32>} : memref<100x256xf32, #tpu.memory_space<vmem>>, vector<16xf32>,
        %exp3A_266 = math.exp %get3A_265 : vector<16xf32>
        %add3A_267 = arith.addf %add3A_261, %exp3A_266 : vector<16xf32>
        %get3A_268 = arith.constant 33 : i32
        %get3A_269 = arith.index_cast %get3A_268 : i32 to index
        %get3A_270 = arith.index_cast %mul3A_70 : i32 to index
        %get3A_271 = tpu.vector_load %arg6[%get3A_269, %get3A_270] {strides = array<i32>} : memref<100x256xf32, #tpu.memory_space<vmem>>, vector<16xf32>,
        %exp3A_272 = math.exp %get3A_271 : vector<16xf32>
        %add3A_273 = arith.addf %add3A_267, %exp3A_272 : vector<16xf32>
        %get3A_274 = arith.constant 34 : i32
        %get3A_275 = arith.index_cast %get3A_274 : i32 to index
        %get3A_276 = arith.index_cast %mul3A_70 : i32 to index
        %get3A_277 = tpu.vector_load %arg6[%get3A_275, %get3A_276] {strides = array<i32>} : memref<100x256xf32, #tpu.memory_space<vmem>>, vector<16xf32>,
        %exp3A_278 = math.exp %get3A_277 : vector<16xf32>
        %add3A_279 = arith.addf %add3A_273, %exp3A_278 : vector<16xf32>
        %get3A_280 = arith.constant 35 : i32
        %get3A_281 = arith.index_cast %get3A_280 : i32 to index
        %get3A_282 = arith.index_cast %mul3A_70 : i32 to index
        %get3A_283 = tpu.vector_load %arg6[%get3A_281, %get3A_282] {strides = array<i32>} : memref<100x256xf32, #tpu.memory_space<vmem>>, vector<16xf32>,
        %exp3A_284 = math.exp %get3A_283 : vector<16xf32>
        %add3A_285 = arith.addf %add3A_279, %exp3A_284 : vector<16xf32>
        %get3A_286 = arith.constant 36 : i32
        %get3A_287 = arith.index_cast %get3A_286 : i32 to index
        %get3A_288 = arith.index_cast %mul3A_70 : i32 to index
        %get3A_289 = tpu.vector_load %arg6[%get3A_287, %get3A_288] {strides = array<i32>} : memref<100x256xf32, #tpu.memory_space<vmem>>, vector<16xf32>,
        %exp3A_290 = math.exp %get3A_289 : vector<16xf32>
        %add3A_291 = arith.addf %add3A_285, %exp3A_290 : vector<16xf32>
        %get3A_292 = arith.constant 37 : i32
        %get3A_293 = arith.index_cast %get3A_292 : i32 to index
        %get3A_294 = arith.index_cast %mul3A_70 : i32 to index
        %get3A_295 = tpu.vector_load %arg6[%get3A_293, %get3A_294] {strides = array<i32>} : memref<100x256xf32, #tpu.memory_space<vmem>>, vector<16xf32>,
        %exp3A_296 = math.exp %get3A_295 : vector<16xf32>
        %add3A_297 = arith.addf %add3A_291, %exp3A_296 : vector<16xf32>
        %get3A_298 = arith.constant 38 : i32
        %get3A_299 = arith.index_cast %get3A_298 : i32 to index
        %get3A_300 = arith.index_cast %mul3A_70 : i32 to index
        %get3A_301 = tpu.vector_load %arg6[%get3A_299, %get3A_300] {strides = array<i32>} : memref<100x256xf32, #tpu.memory_space<vmem>>, vector<16xf32>,
        %exp3A_302 = math.exp %get3A_301 : vector<16xf32>
        %add3A_303 = arith.addf %add3A_297, %exp3A_302 : vector<16xf32>
        %get3A_304 = arith.constant 39 : i32
        %get3A_305 = arith.index_cast %get3A_304 : i32 to index
        %get3A_306 = arith.index_cast %mul3A_70 : i32 to index
        %get3A_307 = tpu.vector_load %arg6[%get3A_305, %get3A_306] {strides = array<i32>} : memref<100x256xf32, #tpu.memory_space<vmem>>, vector<16xf32>,
        %exp3A_308 = math.exp %get3A_307 : vector<16xf32>
        %add3A_309 = arith.addf %add3A_303, %exp3A_308 : vector<16xf32>
        %get3A_310 = arith.constant 40 : i32
        %get3A_311 = arith.index_cast %get3A_310 : i32 to index
        %get3A_312 = arith.index_cast %mul3A_70 : i32 to index
        %get3A_313 = tpu.vector_load %arg6[%get3A_311, %get3A_312] {strides = array<i32>} : memref<100x256xf32, #tpu.memory_space<vmem>>, vector<16xf32>,
        %exp3A_314 = math.exp %get3A_313 : vector<16xf32>
        %add3A_315 = arith.addf %add3A_309, %exp3A_314 : vector<16xf32>
        %get3A_316 = arith.constant 41 : i32
        %get3A_317 = arith.index_cast %get3A_316 : i32 to index
        %get3A_318 = arith.index_cast %mul3A_70 : i32 to index
        %get3A_319 = tpu.vector_load %arg6[%get3A_317, %get3A_318] {strides = array<i32>} : memref<100x256xf32, #tpu.memory_space<vmem>>, vector<16xf32>,
        %exp3A_320 = math.exp %get3A_319 : vector<16xf32>
        %add3A_321 = arith.addf %add3A_315, %exp3A_320 : vector<16xf32>
        %get3A_322 = arith.constant 42 : i32
        %get3A_323 = arith.index_cast %get3A_322 : i32 to index
        %get3A_324 = arith.index_cast %mul3A_70 : i32 to index
        %get3A_325 = tpu.vector_load %arg6[%get3A_323, %get3A_324] {strides = array<i32>} : memref<100x256xf32, #tpu.memory_space<vmem>>, vector<16xf32>,
        %exp3A_326 = math.exp %get3A_325 : vector<16xf32>
        %add3A_327 = arith.addf %add3A_321, %exp3A_326 : vector<16xf32>
        %get3A_328 = arith.constant 43 : i32
        %get3A_329 = arith.index_cast %get3A_328 : i32 to index
        %get3A_330 = arith.index_cast %mul3A_70 : i32 to index
        %get3A_331 = tpu.vector_load %arg6[%get3A_329, %get3A_330] {strides = array<i32>} : memref<100x256xf32, #tpu.memory_space<vmem>>, vector<16xf32>,
        %exp3A_332 = math.exp %get3A_331 : vector<16xf32>
        %add3A_333 = arith.addf %add3A_327, %exp3A_332 : vector<16xf32>
        %get3A_334 = arith.constant 44 : i32
        %get3A_335 = arith.index_cast %get3A_334 : i32 to index
        %get3A_336 = arith.index_cast %mul3A_70 : i32 to index
        %get3A_337 = tpu.vector_load %arg6[%get3A_335, %get3A_336] {strides = array<i32>} : memref<100x256xf32, #tpu.memory_space<vmem>>, vector<16xf32>,
        %exp3A_338 = math.exp %get3A_337 : vector<16xf32>
        %add3A_339 = arith.addf %add3A_333, %exp3A_338 : vector<16xf32>
        %get3A_340 = arith.constant 45 : i32
        %get3A_341 = arith.index_cast %get3A_340 : i32 to index
        %get3A_342 = arith.index_cast %mul3A_70 : i32 to index
        %get3A_343 = tpu.vector_load %arg6[%get3A_341, %get3A_342] {strides = array<i32>} : memref<100x256xf32, #tpu.memory_space<vmem>>, vector<16xf32>,
        %exp3A_344 = math.exp %get3A_343 : vector<16xf32>
        %add3A_345 = arith.addf %add3A_339, %exp3A_344 : vector<16xf32>
        %get3A_346 = arith.constant 46 : i32
        %get3A_347 = arith.index_cast %get3A_346 : i32 to index
        %get3A_348 = arith.index_cast %mul3A_70 : i32 to index
        %get3A_349 = tpu.vector_load %arg6[%get3A_347, %get3A_348] {strides = array<i32>} : memref<100x256xf32, #tpu.memory_space<vmem>>, vector<16xf32>,
        %exp3A_350 = math.exp %get3A_349 : vector<16xf32>
        %add3A_351 = arith.addf %add3A_345, %exp3A_350 : vector<16xf32>
        %get3A_352 = arith.constant 47 : i32
        %get3A_353 = arith.index_cast %get3A_352 : i32 to index
        %get3A_354 = arith.index_cast %mul3A_70 : i32 to index
        %get3A_355 = tpu.vector_load %arg6[%get3A_353, %get3A_354] {strides = array<i32>} : memref<100x256xf32, #tpu.memory_space<vmem>>, vector<16xf32>,
        %exp3A_356 = math.exp %get3A_355 : vector<16xf32>
        %add3A_357 = arith.addf %add3A_351, %exp3A_356 : vector<16xf32>
        %get3A_358 = arith.constant 48 : i32
        %get3A_359 = arith.index_cast %get3A_358 : i32 to index
        %get3A_360 = arith.index_cast %mul3A_70 : i32 to index
        %get3A_361 = tpu.vector_load %arg6[%get3A_359, %get3A_360] {strides = array<i32>} : memref<100x256xf32, #tpu.memory_space<vmem>>, vector<16xf32>,
        %exp3A_362 = math.exp %get3A_361 : vector<16xf32>
        %add3A_363 = arith.addf %add3A_357, %exp3A_362 : vector<16xf32>
        %get3A_364 = arith.constant 49 : i32
        %get3A_365 = arith.index_cast %get3A_364 : i32 to index
        %get3A_366 = arith.index_cast %mul3A_70 : i32 to index
        %get3A_367 = tpu.vector_load %arg6[%get3A_365, %get3A_366] {strides = array<i32>} : memref<100x256xf32, #tpu.memory_space<vmem>>, vector<16xf32>,
        %exp3A_368 = math.exp %get3A_367 : vector<16xf32>
        %add3A_369 = arith.addf %add3A_363, %exp3A_368 : vector<16xf32>
        %get3A_370 = arith.constant 50 : i32
        %get3A_371 = arith.index_cast %get3A_370 : i32 to index
        %get3A_372 = arith.index_cast %mul3A_70 : i32 to index
        %get3A_373 = tpu.vector_load %arg6[%get3A_371, %get3A_372] {strides = array<i32>} : memref<100x256xf32, #tpu.memory_space<vmem>>, vector<16xf32>,
        %exp3A_374 = math.exp %get3A_373 : vector<16xf32>
        %add3A_375 = arith.addf %add3A_369, %exp3A_374 : vector<16xf32>
        %get3A_376 = arith.constant 51 : i32
        %get3A_377 = arith.index_cast %get3A_376 : i32 to index
        %get3A_378 = arith.index_cast %mul3A_70 : i32 to index
        %get3A_379 = tpu.vector_load %arg6[%get3A_377, %get3A_378] {strides = array<i32>} : memref<100x256xf32, #tpu.memory_space<vmem>>, vector<16xf32>,
        %exp3A_380 = math.exp %get3A_379 : vector<16xf32>
        %add3A_381 = arith.addf %add3A_375, %exp3A_380 : vector<16xf32>
        %get3A_382 = arith.constant 52 : i32
        %get3A_383 = arith.index_cast %get3A_382 : i32 to index
        %get3A_384 = arith.index_cast %mul3A_70 : i32 to index
        %get3A_385 = tpu.vector_load %arg6[%get3A_383, %get3A_384] {strides = array<i32>} : memref<100x256xf32, #tpu.memory_space<vmem>>, vector<16xf32>,
        %exp3A_386 = math.exp %get3A_385 : vector<16xf32>
        %add3A_387 = arith.addf %add3A_381, %exp3A_386 : vector<16xf32>
        %get3A_388 = arith.constant 53 : i32
        %get3A_389 = arith.index_cast %get3A_388 : i32 to index
        %get3A_390 = arith.index_cast %mul3A_70 : i32 to index
        %get3A_391 = tpu.vector_load %arg6[%get3A_389, %get3A_390] {strides = array<i32>} : memref<100x256xf32, #tpu.memory_space<vmem>>, vector<16xf32>,
        %exp3A_392 = math.exp %get3A_391 : vector<16xf32>
        %add3A_393 = arith.addf %add3A_387, %exp3A_392 : vector<16xf32>
        %get3A_394 = arith.constant 54 : i32
        %get3A_395 = arith.index_cast %get3A_394 : i32 to index
        %get3A_396 = arith.index_cast %mul3A_70 : i32 to index
        %get3A_397 = tpu.vector_load %arg6[%get3A_395, %get3A_396] {strides = array<i32>} : memref<100x256xf32, #tpu.memory_space<vmem>>, vector<16xf32>,
        %exp3A_398 = math.exp %get3A_397 : vector<16xf32>
        %add3A_399 = arith.addf %add3A_393, %exp3A_398 : vector<16xf32>
        %get3A_400 = arith.constant 55 : i32
        %get3A_401 = arith.index_cast %get3A_400 : i32 to index
        %get3A_402 = arith.index_cast %mul3A_70 : i32 to index
        %get3A_403 = tpu.vector_load %arg6[%get3A_401, %get3A_402] {strides = array<i32>} : memref<100x256xf32, #tpu.memory_space<vmem>>, vector<16xf32>,
        %exp3A_404 = math.exp %get3A_403 : vector<16xf32>
        %add3A_405 = arith.addf %add3A_399, %exp3A_404 : vector<16xf32>
        %get3A_406 = arith.constant 56 : i32
        %get3A_407 = arith.index_cast %get3A_406 : i32 to index
        %get3A_408 = arith.index_cast %mul3A_70 : i32 to index
        %get3A_409 = tpu.vector_load %arg6[%get3A_407, %get3A_408] {strides = array<i32>} : memref<100x256xf32, #tpu.memory_space<vmem>>, vector<16xf32>,
        %exp3A_410 = math.exp %get3A_409 : vector<16xf32>
        %add3A_411 = arith.addf %add3A_405, %exp3A_410 : vector<16xf32>
        %get3A_412 = arith.constant 57 : i32
        %get3A_413 = arith.index_cast %get3A_412 : i32 to index
        %get3A_414 = arith.index_cast %mul3A_70 : i32 to index
        %get3A_415 = tpu.vector_load %arg6[%get3A_413, %get3A_414] {strides = array<i32>} : memref<100x256xf32, #tpu.memory_space<vmem>>, vector<16xf32>,
        %exp3A_416 = math.exp %get3A_415 : vector<16xf32>
        %add3A_417 = arith.addf %add3A_411, %exp3A_416 : vector<16xf32>
        %get3A_418 = arith.constant 58 : i32
        %get3A_419 = arith.index_cast %get3A_418 : i32 to index
        %get3A_420 = arith.index_cast %mul3A_70 : i32 to index
        %get3A_421 = tpu.vector_load %arg6[%get3A_419, %get3A_420] {strides = array<i32>} : memref<100x256xf32, #tpu.memory_space<vmem>>, vector<16xf32>,
        %exp3A_422 = math.exp %get3A_421 : vector<16xf32>
        %add3A_423 = arith.addf %add3A_417, %exp3A_422 : vector<16xf32>
        %get3A_424 = arith.constant 59 : i32
        %get3A_425 = arith.index_cast %get3A_424 : i32 to index
        %get3A_426 = arith.index_cast %mul3A_70 : i32 to index
        %get3A_427 = tpu.vector_load %arg6[%get3A_425, %get3A_426] {strides = array<i32>} : memref<100x256xf32, #tpu.memory_space<vmem>>, vector<16xf32>,
        %exp3A_428 = math.exp %get3A_427 : vector<16xf32>
        %add3A_429 = arith.addf %add3A_423, %exp3A_428 : vector<16xf32>
        %get3A_430 = arith.constant 60 : i32
        %get3A_431 = arith.index_cast %get3A_430 : i32 to index
        %get3A_432 = arith.index_cast %mul3A_70 : i32 to index
        %get3A_433 = tpu.vector_load %arg6[%get3A_431, %get3A_432] {strides = array<i32>} : memref<100x256xf32, #tpu.memory_space<vmem>>, vector<16xf32>,
        %exp3A_434 = math.exp %get3A_433 : vector<16xf32>
        %add3A_435 = arith.addf %add3A_429, %exp3A_434 : vector<16xf32>
        %get3A_436 = arith.constant 61 : i32
        %get3A_437 = arith.index_cast %get3A_436 : i32 to index
        %get3A_438 = arith.index_cast %mul3A_70 : i32 to index
        %get3A_439 = tpu.vector_load %arg6[%get3A_437, %get3A_438] {strides = array<i32>} : memref<100x256xf32, #tpu.memory_space<vmem>>, vector<16xf32>,
        %exp3A_440 = math.exp %get3A_439 : vector<16xf32>
        %add3A_441 = arith.addf %add3A_435, %exp3A_440 : vector<16xf32>
        %get3A_442 = arith.constant 62 : i32
        %get3A_443 = arith.index_cast %get3A_442 : i32 to index
        %get3A_444 = arith.index_cast %mul3A_70 : i32 to index
        %get3A_445 = tpu.vector_load %arg6[%get3A_443, %get3A_444] {strides = array<i32>} : memref<100x256xf32, #tpu.memory_space<vmem>>, vector<16xf32>,
        %exp3A_446 = math.exp %get3A_445 : vector<16xf32>
        %add3A_447 = arith.addf %add3A_441, %exp3A_446 : vector<16xf32>
        %get3A_448 = arith.constant 63 : i32
        %get3A_449 = arith.index_cast %get3A_448 : i32 to index
        %get3A_450 = arith.index_cast %mul3A_70 : i32 to index
        %get3A_451 = tpu.vector_load %arg6[%get3A_449, %get3A_450] {strides = array<i32>} : memref<100x256xf32, #tpu.memory_space<vmem>>, vector<16xf32>,
        %exp3A_452 = math.exp %get3A_451 : vector<16xf32>
        %add3A_453 = arith.addf %add3A_447, %exp3A_452 : vector<16xf32>
        %get3A_454 = arith.constant 64 : i32
        %get3A_455 = arith.index_cast %get3A_454 : i32 to index
        %get3A_456 = arith.index_cast %mul3A_70 : i32 to index
        %get3A_457 = tpu.vector_load %arg6[%get3A_455, %get3A_456] {strides = array<i32>} : memref<100x256xf32, #tpu.memory_space<vmem>>, vector<16xf32>,
        %exp3A_458 = math.exp %get3A_457 : vector<16xf32>
        %add3A_459 = arith.addf %add3A_453, %exp3A_458 : vector<16xf32>
        %get3A_460 = arith.constant 65 : i32
        %get3A_461 = arith.index_cast %get3A_460 : i32 to index
        %get3A_462 = arith.index_cast %mul3A_70 : i32 to index
        %get3A_463 = tpu.vector_load %arg6[%get3A_461, %get3A_462] {strides = array<i32>} : memref<100x256xf32, #tpu.memory_space<vmem>>, vector<16xf32>,
        %exp3A_464 = math.exp %get3A_463 : vector<16xf32>
        %add3A_465 = arith.addf %add3A_459, %exp3A_464 : vector<16xf32>
        %get3A_466 = arith.constant 66 : i32
        %get3A_467 = arith.index_cast %get3A_466 : i32 to index
        %get3A_468 = arith.index_cast %mul3A_70 : i32 to index
        %get3A_469 = tpu.vector_load %arg6[%get3A_467, %get3A_468] {strides = array<i32>} : memref<100x256xf32, #tpu.memory_space<vmem>>, vector<16xf32>,
        %exp3A_470 = math.exp %get3A_469 : vector<16xf32>
        %add3A_471 = arith.addf %add3A_465, %exp3A_470 : vector<16xf32>
        %get3A_472 = arith.constant 67 : i32
        %get3A_473 = arith.index_cast %get3A_472 : i32 to index
        %get3A_474 = arith.index_cast %mul3A_70 : i32 to index
        %get3A_475 = tpu.vector_load %arg6[%get3A_473, %get3A_474] {strides = array<i32>} : memref<100x256xf32, #tpu.memory_space<vmem>>, vector<16xf32>,
        %exp3A_476 = math.exp %get3A_475 : vector<16xf32>
        %add3A_477 = arith.addf %add3A_471, %exp3A_476 : vector<16xf32>
        %get3A_478 = arith.constant 68 : i32
        %get3A_479 = arith.index_cast %get3A_478 : i32 to index
        %get3A_480 = arith.index_cast %mul3A_70 : i32 to index
        %get3A_481 = tpu.vector_load %arg6[%get3A_479, %get3A_480] {strides = array<i32>} : memref<100x256xf32, #tpu.memory_space<vmem>>, vector<16xf32>,
        %exp3A_482 = math.exp %get3A_481 : vector<16xf32>
        %add3A_483 = arith.addf %add3A_477, %exp3A_482 : vector<16xf32>
        %get3A_484 = arith.constant 69 : i32
        %get3A_485 = arith.index_cast %get3A_484 : i32 to index
        %get3A_486 = arith.index_cast %mul3A_70 : i32 to index
        %get3A_487 = tpu.vector_load %arg6[%get3A_485, %get3A_486] {strides = array<i32>} : memref<100x256xf32, #tpu.memory_space<vmem>>, vector<16xf32>,
        %exp3A_488 = math.exp %get3A_487 : vector<16xf32>
        %add3A_489 = arith.addf %add3A_483, %exp3A_488 : vector<16xf32>
        %get3A_490 = arith.constant 70 : i32
        %get3A_491 = arith.index_cast %get3A_490 : i32 to index
        %get3A_492 = arith.index_cast %mul3A_70 : i32 to index
        %get3A_493 = tpu.vector_load %arg6[%get3A_491, %get3A_492] {strides = array<i32>} : memref<100x256xf32, #tpu.memory_space<vmem>>, vector<16xf32>,
        %exp3A_494 = math.exp %get3A_493 : vector<16xf32>
        %add3A_495 = arith.addf %add3A_489, %exp3A_494 : vector<16xf32>
        %get3A_496 = arith.constant 71 : i32
        %get3A_497 = arith.index_cast %get3A_496 : i32 to index
        %get3A_498 = arith.index_cast %mul3A_70 : i32 to index
        %get3A_499 = tpu.vector_load %arg6[%get3A_497, %get3A_498] {strides = array<i32>} : memref<100x256xf32, #tpu.memory_space<vmem>>, vector<16xf32>,
        %exp3A_500 = math.exp %get3A_499 : vector<16xf32>
        %add3A_501 = arith.addf %add3A_495, %exp3A_500 : vector<16xf32>
        %get3A_502 = arith.constant 72 : i32
        %get3A_503 = arith.index_cast %get3A_502 : i32 to index
        %get3A_504 = arith.index_cast %mul3A_70 : i32 to index
        %get3A_505 = tpu.vector_load %arg6[%get3A_503, %get3A_504] {strides = array<i32>} : memref<100x256xf32, #tpu.memory_space<vmem>>, vector<16xf32>,
        %exp3A_506 = math.exp %get3A_505 : vector<16xf32>
        %add3A_507 = arith.addf %add3A_501, %exp3A_506 : vector<16xf32>
        %get3A_508 = arith.constant 73 : i32
        %get3A_509 = arith.index_cast %get3A_508 : i32 to index
        %get3A_510 = arith.index_cast %mul3A_70 : i32 to index
        %get3A_511 = tpu.vector_load %arg6[%get3A_509, %get3A_510] {strides = array<i32>} : memref<100x256xf32, #tpu.memory_space<vmem>>, vector<16xf32>,
        %exp3A_512 = math.exp %get3A_511 : vector<16xf32>
        %add3A_513 = arith.addf %add3A_507, %exp3A_512 : vector<16xf32>
        %get3A_514 = arith.constant 74 : i32
        %get3A_515 = arith.index_cast %get3A_514 : i32 to index
        %get3A_516 = arith.index_cast %mul3A_70 : i32 to index
        %get3A_517 = tpu.vector_load %arg6[%get3A_515, %get3A_516] {strides = array<i32>} : memref<100x256xf32, #tpu.memory_space<vmem>>, vector<16xf32>,
        %exp3A_518 = math.exp %get3A_517 : vector<16xf32>
        %add3A_519 = arith.addf %add3A_513, %exp3A_518 : vector<16xf32>
        %get3A_520 = arith.constant 75 : i32
        %get3A_521 = arith.index_cast %get3A_520 : i32 to index
        %get3A_522 = arith.index_cast %mul3A_70 : i32 to index
        %get3A_523 = tpu.vector_load %arg6[%get3A_521, %get3A_522] {strides = array<i32>} : memref<100x256xf32, #tpu.memory_space<vmem>>, vector<16xf32>,
        %exp3A_524 = math.exp %get3A_523 : vector<16xf32>
        %add3A_525 = arith.addf %add3A_519, %exp3A_524 : vector<16xf32>
        %get3A_526 = arith.constant 76 : i32
        %get3A_527 = arith.index_cast %get3A_526 : i32 to index
        %get3A_528 = arith.index_cast %mul3A_70 : i32 to index
        %get3A_529 = tpu.vector_load %arg6[%get3A_527, %get3A_528] {strides = array<i32>} : memref<100x256xf32, #tpu.memory_space<vmem>>, vector<16xf32>,
        %exp3A_530 = math.exp %get3A_529 : vector<16xf32>
        %add3A_531 = arith.addf %add3A_525, %exp3A_530 : vector<16xf32>
        %get3A_532 = arith.constant 77 : i32
        %get3A_533 = arith.index_cast %get3A_532 : i32 to index
        %get3A_534 = arith.index_cast %mul3A_70 : i32 to index
        %get3A_535 = tpu.vector_load %arg6[%get3A_533, %get3A_534] {strides = array<i32>} : memref<100x256xf32, #tpu.memory_space<vmem>>, vector<16xf32>,
        %exp3A_536 = math.exp %get3A_535 : vector<16xf32>
        %add3A_537 = arith.addf %add3A_531, %exp3A_536 : vector<16xf32>
        %get3A_538 = arith.constant 78 : i32
        %get3A_539 = arith.index_cast %get3A_538 : i32 to index
        %get3A_540 = arith.index_cast %mul3A_70 : i32 to index
        %get3A_541 = tpu.vector_load %arg6[%get3A_539, %get3A_540] {strides = array<i32>} : memref<100x256xf32, #tpu.memory_space<vmem>>, vector<16xf32>,
        %exp3A_542 = math.exp %get3A_541 : vector<16xf32>
        %add3A_543 = arith.addf %add3A_537, %exp3A_542 : vector<16xf32>
        %get3A_544 = arith.constant 79 : i32
        %get3A_545 = arith.index_cast %get3A_544 : i32 to index
        %get3A_546 = arith.index_cast %mul3A_70 : i32 to index
        %get3A_547 = tpu.vector_load %arg6[%get3A_545, %get3A_546] {strides = array<i32>} : memref<100x256xf32, #tpu.memory_space<vmem>>, vector<16xf32>,
        %exp3A_548 = math.exp %get3A_547 : vector<16xf32>
        %add3A_549 = arith.addf %add3A_543, %exp3A_548 : vector<16xf32>
        %get3A_550 = arith.constant 80 : i32
        %get3A_551 = arith.index_cast %get3A_550 : i32 to index
        %get3A_552 = arith.index_cast %mul3A_70 : i32 to index
        %get3A_553 = tpu.vector_load %arg6[%get3A_551, %get3A_552] {strides = array<i32>} : memref<100x256xf32, #tpu.memory_space<vmem>>, vector<16xf32>,
        %exp3A_554 = math.exp %get3A_553 : vector<16xf32>
        %add3A_555 = arith.addf %add3A_549, %exp3A_554 : vector<16xf32>
        %get3A_556 = arith.constant 81 : i32
        %get3A_557 = arith.index_cast %get3A_556 : i32 to index
        %get3A_558 = arith.index_cast %mul3A_70 : i32 to index
        %get3A_559 = tpu.vector_load %arg6[%get3A_557, %get3A_558] {strides = array<i32>} : memref<100x256xf32, #tpu.memory_space<vmem>>, vector<16xf32>,
        %exp3A_560 = math.exp %get3A_559 : vector<16xf32>
        %add3A_561 = arith.addf %add3A_555, %exp3A_560 : vector<16xf32>
        %get3A_562 = arith.constant 82 : i32
        %get3A_563 = arith.index_cast %get3A_562 : i32 to index
        %get3A_564 = arith.index_cast %mul3A_70 : i32 to index
        %get3A_565 = tpu.vector_load %arg6[%get3A_563, %get3A_564] {strides = array<i32>} : memref<100x256xf32, #tpu.memory_space<vmem>>, vector<16xf32>,
        %exp3A_566 = math.exp %get3A_565 : vector<16xf32>
        %add3A_567 = arith.addf %add3A_561, %exp3A_566 : vector<16xf32>
        %get3A_568 = arith.constant 83 : i32
        %get3A_569 = arith.index_cast %get3A_568 : i32 to index
        %get3A_570 = arith.index_cast %mul3A_70 : i32 to index
        %get3A_571 = tpu.vector_load %arg6[%get3A_569, %get3A_570] {strides = array<i32>} : memref<100x256xf32, #tpu.memory_space<vmem>>, vector<16xf32>,
        %exp3A_572 = math.exp %get3A_571 : vector<16xf32>
        %add3A_573 = arith.addf %add3A_567, %exp3A_572 : vector<16xf32>
        %get3A_574 = arith.constant 84 : i32
        %get3A_575 = arith.index_cast %get3A_574 : i32 to index
        %get3A_576 = arith.index_cast %mul3A_70 : i32 to index
        %get3A_577 = tpu.vector_load %arg6[%get3A_575, %get3A_576] {strides = array<i32>} : memref<100x256xf32, #tpu.memory_space<vmem>>, vector<16xf32>,
        %exp3A_578 = math.exp %get3A_577 : vector<16xf32>
        %add3A_579 = arith.addf %add3A_573, %exp3A_578 : vector<16xf32>
        %get3A_580 = arith.constant 85 : i32
        %get3A_581 = arith.index_cast %get3A_580 : i32 to index
        %get3A_582 = arith.index_cast %mul3A_70 : i32 to index
        %get3A_583 = tpu.vector_load %arg6[%get3A_581, %get3A_582] {strides = array<i32>} : memref<100x256xf32, #tpu.memory_space<vmem>>, vector<16xf32>,
        %exp3A_584 = math.exp %get3A_583 : vector<16xf32>
        %add3A_585 = arith.addf %add3A_579, %exp3A_584 : vector<16xf32>
        %get3A_586 = arith.constant 86 : i32
        %get3A_587 = arith.index_cast %get3A_586 : i32 to index
        %get3A_588 = arith.index_cast %mul3A_70 : i32 to index
        %get3A_589 = tpu.vector_load %arg6[%get3A_587, %get3A_588] {strides = array<i32>} : memref<100x256xf32, #tpu.memory_space<vmem>>, vector<16xf32>,
        %exp3A_590 = math.exp %get3A_589 : vector<16xf32>
        %add3A_591 = arith.addf %add3A_585, %exp3A_590 : vector<16xf32>
        %get3A_592 = arith.constant 87 : i32
        %get3A_593 = arith.index_cast %get3A_592 : i32 to index
        %get3A_594 = arith.index_cast %mul3A_70 : i32 to index
        %get3A_595 = tpu.vector_load %arg6[%get3A_593, %get3A_594] {strides = array<i32>} : memref<100x256xf32, #tpu.memory_space<vmem>>, vector<16xf32>,
        %exp3A_596 = math.exp %get3A_595 : vector<16xf32>
        %add3A_597 = arith.addf %add3A_591, %exp3A_596 : vector<16xf32>
        %get3A_598 = arith.constant 88 : i32
        %get3A_599 = arith.index_cast %get3A_598 : i32 to index
        %get3A_600 = arith.index_cast %mul3A_70 : i32 to index
        %get3A_601 = tpu.vector_load %arg6[%get3A_599, %get3A_600] {strides = array<i32>} : memref<100x256xf32, #tpu.memory_space<vmem>>, vector<16xf32>,
        %exp3A_602 = math.exp %get3A_601 : vector<16xf32>
        %add3A_603 = arith.addf %add3A_597, %exp3A_602 : vector<16xf32>
        %get3A_604 = arith.constant 89 : i32
        %get3A_605 = arith.index_cast %get3A_604 : i32 to index
        %get3A_606 = arith.index_cast %mul3A_70 : i32 to index
        %get3A_607 = tpu.vector_load %arg6[%get3A_605, %get3A_606] {strides = array<i32>} : memref<100x256xf32, #tpu.memory_space<vmem>>, vector<16xf32>,
        %exp3A_608 = math.exp %get3A_607 : vector<16xf32>
        %add3A_609 = arith.addf %add3A_603, %exp3A_608 : vector<16xf32>
        %get3A_610 = arith.constant 90 : i32
        %get3A_611 = arith.index_cast %get3A_610 : i32 to index
        %get3A_612 = arith.index_cast %mul3A_70 : i32 to index
        %get3A_613 = tpu.vector_load %arg6[%get3A_611, %get3A_612] {strides = array<i32>} : memref<100x256xf32, #tpu.memory_space<vmem>>, vector<16xf32>,
        %exp3A_614 = math.exp %get3A_613 : vector<16xf32>
        %add3A_615 = arith.addf %add3A_609, %exp3A_614 : vector<16xf32>
        %get3A_616 = arith.constant 91 : i32
        %get3A_617 = arith.index_cast %get3A_616 : i32 to index
        %get3A_618 = arith.index_cast %mul3A_70 : i32 to index
        %get3A_619 = tpu.vector_load %arg6[%get3A_617, %get3A_618] {strides = array<i32>} : memref<100x256xf32, #tpu.memory_space<vmem>>, vector<16xf32>,
        %exp3A_620 = math.exp %get3A_619 : vector<16xf32>
        %add3A_621 = arith.addf %add3A_615, %exp3A_620 : vector<16xf32>
        %get3A_622 = arith.constant 92 : i32
        %get3A_623 = arith.index_cast %get3A_622 : i32 to index
        %get3A_624 = arith.index_cast %mul3A_70 : i32 to index
        %get3A_625 = tpu.vector_load %arg6[%get3A_623, %get3A_624] {strides = array<i32>} : memref<100x256xf32, #tpu.memory_space<vmem>>, vector<16xf32>,
        %exp3A_626 = math.exp %get3A_625 : vector<16xf32>
        %add3A_627 = arith.addf %add3A_621, %exp3A_626 : vector<16xf32>
        %get3A_628 = arith.constant 93 : i32
        %get3A_629 = arith.index_cast %get3A_628 : i32 to index
        %get3A_630 = arith.index_cast %mul3A_70 : i32 to index
        %get3A_631 = tpu.vector_load %arg6[%get3A_629, %get3A_630] {strides = array<i32>} : memref<100x256xf32, #tpu.memory_space<vmem>>, vector<16xf32>,
        %exp3A_632 = math.exp %get3A_631 : vector<16xf32>
        %add3A_633 = arith.addf %add3A_627, %exp3A_632 : vector<16xf32>
        %get3A_634 = arith.constant 94 : i32
        %get3A_635 = arith.index_cast %get3A_634 : i32 to index
        %get3A_636 = arith.index_cast %mul3A_70 : i32 to index
        %get3A_637 = tpu.vector_load %arg6[%get3A_635, %get3A_636] {strides = array<i32>} : memref<100x256xf32, #tpu.memory_space<vmem>>, vector<16xf32>,
        %exp3A_638 = math.exp %get3A_637 : vector<16xf32>
        %add3A_639 = arith.addf %add3A_633, %exp3A_638 : vector<16xf32>
        %get3A_640 = arith.constant 95 : i32
        %get3A_641 = arith.index_cast %get3A_640 : i32 to index
        %get3A_642 = arith.index_cast %mul3A_70 : i32 to index
        %get3A_643 = tpu.vector_load %arg6[%get3A_641, %get3A_642] {strides = array<i32>} : memref<100x256xf32, #tpu.memory_space<vmem>>, vector<16xf32>,
        %exp3A_644 = math.exp %get3A_643 : vector<16xf32>
        %add3A_645 = arith.addf %add3A_639, %exp3A_644 : vector<16xf32>
        %get3A_646 = arith.constant 96 : i32
        %get3A_647 = arith.index_cast %get3A_646 : i32 to index
        %get3A_648 = arith.index_cast %mul3A_70 : i32 to index
        %get3A_649 = tpu.vector_load %arg6[%get3A_647, %get3A_648] {strides = array<i32>} : memref<100x256xf32, #tpu.memory_space<vmem>>, vector<16xf32>,
        %exp3A_650 = math.exp %get3A_649 : vector<16xf32>
        %add3A_651 = arith.addf %add3A_645, %exp3A_650 : vector<16xf32>
        %get3A_652 = arith.constant 97 : i32
        %get3A_653 = arith.index_cast %get3A_652 : i32 to index
        %get3A_654 = arith.index_cast %mul3A_70 : i32 to index
        %get3A_655 = tpu.vector_load %arg6[%get3A_653, %get3A_654] {strides = array<i32>} : memref<100x256xf32, #tpu.memory_space<vmem>>, vector<16xf32>,
        %exp3A_656 = math.exp %get3A_655 : vector<16xf32>
        %add3A_657 = arith.addf %add3A_651, %exp3A_656 : vector<16xf32>
        %get3A_658 = arith.constant 98 : i32
        %get3A_659 = arith.index_cast %get3A_658 : i32 to index
        %get3A_660 = arith.index_cast %mul3A_70 : i32 to index
        %get3A_661 = tpu.vector_load %arg6[%get3A_659, %get3A_660] {strides = array<i32>} : memref<100x256xf32, #tpu.memory_space<vmem>>, vector<16xf32>,
        %exp3A_662 = math.exp %get3A_661 : vector<16xf32>
        %add3A_663 = arith.addf %add3A_657, %exp3A_662 : vector<16xf32>
        %get3A_664 = arith.constant 99 : i32
        %get3A_665 = arith.index_cast %get3A_664 : i32 to index
        %get3A_666 = arith.index_cast %mul3A_70 : i32 to index
        %get3A_667 = tpu.vector_load %arg6[%get3A_665, %get3A_666] {strides = array<i32>} : memref<100x256xf32, #tpu.memory_space<vmem>>, vector<16xf32>,
        %exp3A_668 = math.exp %get3A_667 : vector<16xf32>
        %add3A_669 = arith.addf %add3A_663, %exp3A_668 : vector<16xf32>
        %mul3A_670 = arith.constant 256 : i32
        %mul3A_671 = arith.muli %add3A_46, %mul3A_670 : i32
        %add3A_672 = arith.addi %mul3A_671, %mul3A_70 : i32
        %get3A_673 = arith.index_cast %add3A_672 : i32 to index
        %get3A_674 = tpu.vector_load %arg7[%get3A_673] {strides = array<i32>} : memref<4096xi32, #tpu.memory_space<vmem>>, vector<16xi32>,
        %jit3A = arith.constant 10 : i32
        %div3A = vector.broadcast %jit3A : i32 to vector<16xi32>
        %div3A_675 = arith.divsi %get3A_674, %div3A : vector<16xi32>
        %sign3A = arith.constant 0 : i32
        %sign3A_676 = vector.broadcast %sign3A : i32 to vector<16xi32>
        %sign3A_677 = arith.cmpi sgt, %get3A_674, %sign3A_676 : vector<16xi32>
        %sign3A_678 = arith.extui %sign3A_677 : vector<16xi1> to vector<16xi32>
        %sign3A_679 = arith.constant 0 : i32
        %sign3A_680 = vector.broadcast %sign3A_679 : i32 to vector<16xi32>
        %sign3A_681 = arith.cmpi slt, %get3A_674, %sign3A_680 : vector<16xi32>
        %sign3A_682 = arith.extui %sign3A_681 : vector<16xi1> to vector<16xi32>
        %sign3A_683 = arith.subi %sign3A_678, %sign3A_682 : vector<16xi32>
        %sign3A_684 = arith.constant 0 : i32
        %sign3A_685 = arith.cmpi sgt, %jit3A, %sign3A_684 : i32
        %sign3A_686 = arith.extui %sign3A_685 : i1 to i32
        %sign3A_687 = arith.constant 0 : i32
        %sign3A_688 = arith.cmpi slt, %jit3A, %sign3A_687 : i32
        %sign3A_689 = arith.extui %sign3A_688 : i1 to i32
        %sign3A_690 = arith.subi %sign3A_686, %sign3A_689 : i32
        %ne3A = vector.broadcast %sign3A_690 : i32 to vector<16xi32>
        %ne3A_691 = arith.cmpi ne, %sign3A_683, %ne3A : vector<16xi32>
        %rem3A = vector.broadcast %jit3A : i32 to vector<16xi32>
        %rem3A_692 = arith.remsi %get3A_674, %rem3A : vector<16xi32>
        %ne3A_693 = arith.constant 0 : i32
        %ne3A_694 = vector.broadcast %ne3A_693 : i32 to vector<16xi32>
        %ne3A_695 = arith.cmpi ne, %rem3A_692, %ne3A_694 : vector<16xi32>
        %and3A = arith.andi %ne3A_691, %ne3A_695 : vector<16xi1>
        %sub3A = arith.constant 1 : i32
        %sub3A_696 = vector.broadcast %sub3A : i32 to vector<16xi32>
        %sub3A_697 = arith.subi %div3A_675, %sub3A_696 : vector<16xi32>
        %select_n3A = arith.select %and3A, %sub3A_697, %div3A_675 : vector<16xi1>, vector<16xi32>
        %mul3A_698 = arith.constant 10 : i32
        %mul3A_699 = vector.broadcast %mul3A_698 : i32 to vector<16xi32>
        %mul3A_700 = arith.muli %select_n3A, %mul3A_699 : vector<16xi32>
        %gather3A = tpu.vector_load_idx %arg6[%mul3A_700, %add3A_72] : memref<100x256xf32, #tpu.memory_space<vmem>>[vector<16xi32>, vector<16xi32>], vector<16xf32>,
        %exp3A_701 = math.exp %gather3A : vector<16xf32>
        %add3A_702 = arith.constant 1 : i32
        %add3A_703 = vector.broadcast %add3A_702 : i32 to vector<16xi32>
        %add3A_704 = arith.addi %mul3A_700, %add3A_703 : vector<16xi32>
        %gather3A_705 = tpu.vector_load_idx %arg6[%add3A_704, %add3A_72] : memref<100x256xf32, #tpu.memory_space<vmem>>[vector<16xi32>, vector<16xi32>], vector<16xf32>,
        %exp3A_706 = math.exp %gather3A_705 : vector<16xf32>
        %add3A_707 = arith.addf %exp3A_701, %exp3A_706 : vector<16xf32>
        %add3A_708 = arith.constant 2 : i32
        %add3A_709 = vector.broadcast %add3A_708 : i32 to vector<16xi32>
        %add3A_710 = arith.addi %mul3A_700, %add3A_709 : vector<16xi32>
        %gather3A_711 = tpu.vector_load_idx %arg6[%add3A_710, %add3A_72] : memref<100x256xf32, #tpu.memory_space<vmem>>[vector<16xi32>, vector<16xi32>], vector<16xf32>,
        %exp3A_712 = math.exp %gather3A_711 : vector<16xf32>
        %add3A_713 = arith.addf %add3A_707, %exp3A_712 : vector<16xf32>
        %add3A_714 = arith.constant 3 : i32
        %add3A_715 = vector.broadcast %add3A_714 : i32 to vector<16xi32>
        %add3A_716 = arith.addi %mul3A_700, %add3A_715 : vector<16xi32>
        %gather3A_717 = tpu.vector_load_idx %arg6[%add3A_716, %add3A_72] : memref<100x256xf32, #tpu.memory_space<vmem>>[vector<16xi32>, vector<16xi32>], vector<16xf32>,
        %exp3A_718 = math.exp %gather3A_717 : vector<16xf32>
        %add3A_719 = arith.addf %add3A_713, %exp3A_718 : vector<16xf32>
        %add3A_720 = arith.constant 4 : i32
        %add3A_721 = vector.broadcast %add3A_720 : i32 to vector<16xi32>
        %add3A_722 = arith.addi %mul3A_700, %add3A_721 : vector<16xi32>
        %gather3A_723 = tpu.vector_load_idx %arg6[%add3A_722, %add3A_72] : memref<100x256xf32, #tpu.memory_space<vmem>>[vector<16xi32>, vector<16xi32>], vector<16xf32>,
        %exp3A_724 = math.exp %gather3A_723 : vector<16xf32>
        %add3A_725 = arith.addf %add3A_719, %exp3A_724 : vector<16xf32>
        %add3A_726 = arith.constant 5 : i32
        %add3A_727 = vector.broadcast %add3A_726 : i32 to vector<16xi32>
        %add3A_728 = arith.addi %mul3A_700, %add3A_727 : vector<16xi32>
        %gather3A_729 = tpu.vector_load_idx %arg6[%add3A_728, %add3A_72] : memref<100x256xf32, #tpu.memory_space<vmem>>[vector<16xi32>, vector<16xi32>], vector<16xf32>,
        %exp3A_730 = math.exp %gather3A_729 : vector<16xf32>
        %add3A_731 = arith.addf %add3A_725, %exp3A_730 : vector<16xf32>
        %add3A_732 = arith.constant 6 : i32
        %add3A_733 = vector.broadcast %add3A_732 : i32 to vector<16xi32>
        %add3A_734 = arith.addi %mul3A_700, %add3A_733 : vector<16xi32>
        %gather3A_735 = tpu.vector_load_idx %arg6[%add3A_734, %add3A_72] : memref<100x256xf32, #tpu.memory_space<vmem>>[vector<16xi32>, vector<16xi32>], vector<16xf32>,
        %exp3A_736 = math.exp %gather3A_735 : vector<16xf32>
        %add3A_737 = arith.addf %add3A_731, %exp3A_736 : vector<16xf32>
        %add3A_738 = arith.constant 7 : i32
        %add3A_739 = vector.broadcast %add3A_738 : i32 to vector<16xi32>
        %add3A_740 = arith.addi %mul3A_700, %add3A_739 : vector<16xi32>
        %gather3A_741 = tpu.vector_load_idx %arg6[%add3A_740, %add3A_72] : memref<100x256xf32, #tpu.memory_space<vmem>>[vector<16xi32>, vector<16xi32>], vector<16xf32>,
        %exp3A_742 = math.exp %gather3A_741 : vector<16xf32>
        %add3A_743 = arith.addf %add3A_737, %exp3A_742 : vector<16xf32>
        %add3A_744 = arith.constant 8 : i32
        %add3A_745 = vector.broadcast %add3A_744 : i32 to vector<16xi32>
        %add3A_746 = arith.addi %mul3A_700, %add3A_745 : vector<16xi32>
        %gather3A_747 = tpu.vector_load_idx %arg6[%add3A_746, %add3A_72] : memref<100x256xf32, #tpu.memory_space<vmem>>[vector<16xi32>, vector<16xi32>], vector<16xf32>,
        %exp3A_748 = math.exp %gather3A_747 : vector<16xf32>
        %add3A_749 = arith.addf %add3A_743, %exp3A_748 : vector<16xf32>
        %add3A_750 = arith.constant 9 : i32
        %add3A_751 = vector.broadcast %add3A_750 : i32 to vector<16xi32>
        %add3A_752 = arith.addi %mul3A_700, %add3A_751 : vector<16xi32>
        %gather3A_753 = tpu.vector_load_idx %arg6[%add3A_752, %add3A_72] : memref<100x256xf32, #tpu.memory_space<vmem>>[vector<16xi32>, vector<16xi32>], vector<16xf32>,
        %exp3A_754 = math.exp %gather3A_753 : vector<16xf32>
        %add3A_755 = arith.addf %add3A_749, %exp3A_754 : vector<16xf32>
        %gather3A_756 = tpu.vector_load_idx %arg6[%get3A_674, %add3A_72] : memref<100x256xf32, #tpu.memory_space<vmem>>[vector<16xi32>, vector<16xi32>], vector<16xf32>,
        %exp3A_757 = math.exp %gather3A_756 : vector<16xf32>
        %div3A_758 = arith.constant 1.000000e+00 : f32
        %div3A_759 = vector.broadcast %div3A_758 : f32 to vector<16xf32>
        %div3A_760 = arith.divf %div3A_759, %add3A_669 : vector<16xf32>
        %mul3A_761 = arith.mulf %add3A_755, %div3A_760 : vector<16xf32>
        %add3A_762 = arith.constant 1.000000e+00 : f32
        %add3A_763 = vector.broadcast %add3A_762 : f32 to vector<16xf32>
        %add3A_764 = arith.addf %add3A_763, %mul3A_761 : vector<16xf32>
        %mul3A_765 = arith.mulf %exp3A_757, %div3A_760 : vector<16xf32>
        %add3A_766 = arith.constant 9.99999997E-7 : f32
        %add3A_767 = vector.broadcast %add3A_766 : f32 to vector<16xf32>
        %add3A_768 = arith.addf %add3A_764, %add3A_767 : vector<16xf32>
        %bitcast3A = vector.bitcast %add3A_768 : vector<16xf32> to vector<16xi32>
        %shift_right_arithmetic3A = arith.constant 23 : i32
        %shift_right_arithmetic3A_769 = vector.broadcast %shift_right_arithmetic3A : i32 to vector<16xi32>
        %shift_right_arithmetic3A_770 = arith.shrsi %bitcast3A, %shift_right_arithmetic3A_769 : vector<16xi32>
        %and3A_771 = arith.constant 255 : i32
        %and3A_772 = vector.broadcast %and3A_771 : i32 to vector<16xi32>
        %and3A_773 = arith.andi %shift_right_arithmetic3A_770, %and3A_772 : vector<16xi32>
        %sub3A_774 = arith.constant 126 : i32
        %sub3A_775 = vector.broadcast %sub3A_774 : i32 to vector<16xi32>
        %sub3A_776 = arith.subi %and3A_773, %sub3A_775 : vector<16xi32>
        %and3A_777 = arith.constant 8388607 : i32
        %and3A_778 = vector.broadcast %and3A_777 : i32 to vector<16xi32>
        %and3A_779 = arith.andi %bitcast3A, %and3A_778 : vector<16xi32>
        %or3A = arith.constant 1056964608 : i32
        %or3A_780 = vector.broadcast %or3A : i32 to vector<16xi32>
        %or3A_781 = arith.ori %and3A_779, %or3A_780 : vector<16xi32>
        %bitcast3A_782 = vector.bitcast %or3A_781 : vector<16xi32> to vector<16xf32>
        %lt3A_783 = arith.constant 0.707106769 : f32
        %lt3A_784 = vector.broadcast %lt3A_783 : f32 to vector<16xf32>
        %lt3A_785 = arith.cmpf olt, %bitcast3A_782, %lt3A_784 : vector<16xf32>
        %mul3A_786 = arith.constant 2.000000e+00 : f32
        %mul3A_787 = vector.broadcast %mul3A_786 : f32 to vector<16xf32>
        %mul3A_788 = arith.mulf %bitcast3A_782, %mul3A_787 : vector<16xf32>
        %select_n3A_789 = arith.select %lt3A_785, %mul3A_788, %bitcast3A_782 : vector<16xi1>, vector<16xf32>
        %convert_element_type3A_790 = arith.extui %lt3A_785 : vector<16xi1> to vector<16xi32>
        %sub3A_791 = arith.subi %sub3A_776, %convert_element_type3A_790 : vector<16xi32>
        %convert_element_type3A_792 = arith.sitofp %sub3A_791 : vector<16xi32> to vector<16xf32>
        %sub3A_793 = arith.constant 1.000000e+00 : f32
        %sub3A_794 = vector.broadcast %sub3A_793 : f32 to vector<16xf32>
        %sub3A_795 = arith.subf %select_n3A_789, %sub3A_794 : vector<16xf32>
        %mul3A_796 = arith.mulf %sub3A_795, %sub3A_795 : vector<16xf32>
        %mul3A_797 = arith.constant 0.0703768358 : f32
        %mul3A_798 = vector.broadcast %mul3A_797 : f32 to vector<16xf32>
        %mul3A_799 = arith.mulf %mul3A_798, %sub3A_795 : vector<16xf32>
        %add3A_800 = arith.constant -0.115146101 : f32
        %add3A_801 = vector.broadcast %add3A_800 : f32 to vector<16xf32>
        %add3A_802 = arith.addf %mul3A_799, %add3A_801 : vector<16xf32>
        %mul3A_803 = arith.mulf %add3A_802, %sub3A_795 : vector<16xf32>
        %add3A_804 = arith.constant 0.116769984 : f32
        %add3A_805 = vector.broadcast %add3A_804 : f32 to vector<16xf32>
        %add3A_806 = arith.addf %mul3A_803, %add3A_805 : vector<16xf32>
        %mul3A_807 = arith.mulf %add3A_806, %sub3A_795 : vector<16xf32>
        %add3A_808 = arith.constant -0.12420141 : f32
        %add3A_809 = vector.broadcast %add3A_808 : f32 to vector<16xf32>
        %add3A_810 = arith.addf %mul3A_807, %add3A_809 : vector<16xf32>
        %mul3A_811 = arith.mulf %add3A_810, %sub3A_795 : vector<16xf32>
        %add3A_812 = arith.constant 0.142493233 : f32
        %add3A_813 = vector.broadcast %add3A_812 : f32 to vector<16xf32>
        %add3A_814 = arith.addf %mul3A_811, %add3A_813 : vector<16xf32>
        %mul3A_815 = arith.mulf %add3A_814, %sub3A_795 : vector<16xf32>
        %add3A_816 = arith.constant -0.166680574 : f32
        %add3A_817 = vector.broadcast %add3A_816 : f32 to vector<16xf32>
        %add3A_818 = arith.addf %mul3A_815, %add3A_817 : vector<16xf32>
        %mul3A_819 = arith.mulf %add3A_818, %sub3A_795 : vector<16xf32>
        %add3A_820 = arith.constant 0.200007141 : f32
        %add3A_821 = vector.broadcast %add3A_820 : f32 to vector<16xf32>
        %add3A_822 = arith.addf %mul3A_819, %add3A_821 : vector<16xf32>
        %mul3A_823 = arith.mulf %add3A_822, %sub3A_795 : vector<16xf32>
        %add3A_824 = arith.constant -0.24999994 : f32
        %add3A_825 = vector.broadcast %add3A_824 : f32 to vector<16xf32>
        %add3A_826 = arith.addf %mul3A_823, %add3A_825 : vector<16xf32>
        %mul3A_827 = arith.mulf %add3A_826, %sub3A_795 : vector<16xf32>
        %add3A_828 = arith.constant 0.333333313 : f32
        %add3A_829 = vector.broadcast %add3A_828 : f32 to vector<16xf32>
        %add3A_830 = arith.addf %mul3A_827, %add3A_829 : vector<16xf32>
        %mul3A_831 = arith.mulf %sub3A_795, %mul3A_796 : vector<16xf32>
        %mul3A_832 = arith.mulf %mul3A_831, %add3A_830 : vector<16xf32>
        %add3A_833 = arith.addf %sub3A_795, %mul3A_832 : vector<16xf32>
        %mul3A_834 = arith.constant 5.000000e-01 : f32
        %mul3A_835 = vector.broadcast %mul3A_834 : f32 to vector<16xf32>
        %mul3A_836 = arith.mulf %mul3A_835, %mul3A_796 : vector<16xf32>
        %sub3A_837 = arith.subf %add3A_833, %mul3A_836 : vector<16xf32>
        %mul3A_838 = arith.constant 0.693147182 : f32
        %mul3A_839 = vector.broadcast %mul3A_838 : f32 to vector<16xf32>
        %mul3A_840 = arith.mulf %convert_element_type3A_792, %mul3A_839 : vector<16xf32>
        %add3A_841 = arith.addf %sub3A_837, %mul3A_840 : vector<16xf32>
        %add3A_842 = arith.constant 9.99999997E-7 : f32
        %add3A_843 = vector.broadcast %add3A_842 : f32 to vector<16xf32>
        %add3A_844 = arith.addf %mul3A_765, %add3A_843 : vector<16xf32>
        %bitcast3A_845 = vector.bitcast %add3A_844 : vector<16xf32> to vector<16xi32>
        %shift_right_arithmetic3A_846 = arith.constant 23 : i32
        %shift_right_arithmetic3A_847 = vector.broadcast %shift_right_arithmetic3A_846 : i32 to vector<16xi32>
        %shift_right_arithmetic3A_848 = arith.shrsi %bitcast3A_845, %shift_right_arithmetic3A_847 : vector<16xi32>
        %and3A_849 = arith.constant 255 : i32
        %and3A_850 = vector.broadcast %and3A_849 : i32 to vector<16xi32>
        %and3A_851 = arith.andi %shift_right_arithmetic3A_848, %and3A_850 : vector<16xi32>
        %sub3A_852 = arith.constant 126 : i32
        %sub3A_853 = vector.broadcast %sub3A_852 : i32 to vector<16xi32>
        %sub3A_854 = arith.subi %and3A_851, %sub3A_853 : vector<16xi32>
        %and3A_855 = arith.constant 8388607 : i32
        %and3A_856 = vector.broadcast %and3A_855 : i32 to vector<16xi32>
        %and3A_857 = arith.andi %bitcast3A_845, %and3A_856 : vector<16xi32>
        %or3A_858 = arith.constant 1056964608 : i32
        %or3A_859 = vector.broadcast %or3A_858 : i32 to vector<16xi32>
        %or3A_860 = arith.ori %and3A_857, %or3A_859 : vector<16xi32>
        %bitcast3A_861 = vector.bitcast %or3A_860 : vector<16xi32> to vector<16xf32>
        %lt3A_862 = arith.constant 0.707106769 : f32
        %lt3A_863 = vector.broadcast %lt3A_862 : f32 to vector<16xf32>
        %lt3A_864 = arith.cmpf olt, %bitcast3A_861, %lt3A_863 : vector<16xf32>
        %mul3A_865 = arith.constant 2.000000e+00 : f32
        %mul3A_866 = vector.broadcast %mul3A_865 : f32 to vector<16xf32>
        %mul3A_867 = arith.mulf %bitcast3A_861, %mul3A_866 : vector<16xf32>
        %select_n3A_868 = arith.select %lt3A_864, %mul3A_867, %bitcast3A_861 : vector<16xi1>, vector<16xf32>
        %convert_element_type3A_869 = arith.extui %lt3A_864 : vector<16xi1> to vector<16xi32>
        %sub3A_870 = arith.subi %sub3A_854, %convert_element_type3A_869 : vector<16xi32>
        %convert_element_type3A_871 = arith.sitofp %sub3A_870 : vector<16xi32> to vector<16xf32>
        %sub3A_872 = arith.constant 1.000000e+00 : f32
        %sub3A_873 = vector.broadcast %sub3A_872 : f32 to vector<16xf32>
        %sub3A_874 = arith.subf %select_n3A_868, %sub3A_873 : vector<16xf32>
        %mul3A_875 = arith.mulf %sub3A_874, %sub3A_874 : vector<16xf32>
        %mul3A_876 = arith.constant 0.0703768358 : f32
        %mul3A_877 = vector.broadcast %mul3A_876 : f32 to vector<16xf32>
        %mul3A_878 = arith.mulf %mul3A_877, %sub3A_874 : vector<16xf32>
        %add3A_879 = arith.constant -0.115146101 : f32
        %add3A_880 = vector.broadcast %add3A_879 : f32 to vector<16xf32>
        %add3A_881 = arith.addf %mul3A_878, %add3A_880 : vector<16xf32>
        %mul3A_882 = arith.mulf %add3A_881, %sub3A_874 : vector<16xf32>
        %add3A_883 = arith.constant 0.116769984 : f32
        %add3A_884 = vector.broadcast %add3A_883 : f32 to vector<16xf32>
        %add3A_885 = arith.addf %mul3A_882, %add3A_884 : vector<16xf32>
        %mul3A_886 = arith.mulf %add3A_885, %sub3A_874 : vector<16xf32>
        %add3A_887 = arith.constant -0.12420141 : f32
        %add3A_888 = vector.broadcast %add3A_887 : f32 to vector<16xf32>
        %add3A_889 = arith.addf %mul3A_886, %add3A_888 : vector<16xf32>
        %mul3A_890 = arith.mulf %add3A_889, %sub3A_874 : vector<16xf32>
        %add3A_891 = arith.constant 0.142493233 : f32
        %add3A_892 = vector.broadcast %add3A_891 : f32 to vector<16xf32>
        %add3A_893 = arith.addf %mul3A_890, %add3A_892 : vector<16xf32>
        %mul3A_894 = arith.mulf %add3A_893, %sub3A_874 : vector<16xf32>
        %add3A_895 = arith.constant -0.166680574 : f32
        %add3A_896 = vector.broadcast %add3A_895 : f32 to vector<16xf32>
        %add3A_897 = arith.addf %mul3A_894, %add3A_896 : vector<16xf32>
        %mul3A_898 = arith.mulf %add3A_897, %sub3A_874 : vector<16xf32>
        %add3A_899 = arith.constant 0.200007141 : f32
        %add3A_900 = vector.broadcast %add3A_899 : f32 to vector<16xf32>
        %add3A_901 = arith.addf %mul3A_898, %add3A_900 : vector<16xf32>
        %mul3A_902 = arith.mulf %add3A_901, %sub3A_874 : vector<16xf32>
        %add3A_903 = arith.constant -0.24999994 : f32
        %add3A_904 = vector.broadcast %add3A_903 : f32 to vector<16xf32>
        %add3A_905 = arith.addf %mul3A_902, %add3A_904 : vector<16xf32>
        %mul3A_906 = arith.mulf %add3A_905, %sub3A_874 : vector<16xf32>
        %add3A_907 = arith.constant 0.333333313 : f32
        %add3A_908 = vector.broadcast %add3A_907 : f32 to vector<16xf32>
        %add3A_909 = arith.addf %mul3A_906, %add3A_908 : vector<16xf32>
        %mul3A_910 = arith.mulf %sub3A_874, %mul3A_875 : vector<16xf32>
        %mul3A_911 = arith.mulf %mul3A_910, %add3A_909 : vector<16xf32>
        %add3A_912 = arith.addf %sub3A_874, %mul3A_911 : vector<16xf32>
        %mul3A_913 = arith.constant 5.000000e-01 : f32
        %mul3A_914 = vector.broadcast %mul3A_913 : f32 to vector<16xf32>
        %mul3A_915 = arith.mulf %mul3A_914, %mul3A_875 : vector<16xf32>
        %sub3A_916 = arith.subf %add3A_912, %mul3A_915 : vector<16xf32>
        %mul3A_917 = arith.constant 0.693147182 : f32
        %mul3A_918 = vector.broadcast %mul3A_917 : f32 to vector<16xf32>
        %mul3A_919 = arith.mulf %convert_element_type3A_871, %mul3A_918 : vector<16xf32>
        %add3A_920 = arith.addf %sub3A_916, %mul3A_919 : vector<16xf32>
        %mul3A_921 = arith.constant -0.232544154 : f32
        %mul3A_922 = vector.broadcast %mul3A_921 : f32 to vector<16xf32>
        %mul3A_923 = arith.mulf %mul3A_922, %add3A_841 : vector<16xf32>
        %mul3A_924 = arith.constant 0.36787945 : f32
        %mul3A_925 = vector.broadcast %mul3A_924 : f32 to vector<16xf32>
        %mul3A_926 = arith.mulf %mul3A_925, %add3A_920 : vector<16xf32>
        %add3A_927 = arith.addf %mul3A_923, %mul3A_926 : vector<16xf32>
        %add3A_928 = arith.addf %scan3A_68, %add3A_927 : vector<16xf32>
        scf.yield %add3A_928 : vector<16xf32>
      }
      %scan3A_66 = arith.constant 16 : i32
      scf.yield %scan3A_65 : vector<16xf32>
    }
    %scan3A_16 = arith.constant 8 : i32
    %swap3A = arith.constant 0 : index
    %swap3A_17 = tpu.vector_load %arg11[%swap3A] {strides = array<i32>} : memref<16xf32, #tpu.memory_space<vmem>>, vector<16xf32>,
    tpu.vector_store %arg11[%swap3A], %scan3A_15 {strides = array<i32>} : memref<16xf32, #tpu.memory_space<vmem>>, vector<16xf32>,
    %mul3A_18 = arith.constant 16 : i32
    %mul3A_19 = arith.muli %add3A, %mul3A_18 : i32
    "tpu.region"() ({
      %run_scoped3A = tpu.sem_alloc : memref<!tpu.dma_semaphore, #tpu.memory_space<semaphore_mem>>
      %dma_start3A_20 = tpu.memref_slice %arg4[%mul3A_19] : memref<512xf32, #tpu.memory_space<hbm>> -> memref<16xf32, #tpu.memory_space<hbm>>
      %dma_start3A_21 = tpu.memref_slice %arg4[%mul3A_19] : memref<512xf32, #tpu.memory_space<hbm>> -> memref<16xf32, #tpu.memory_space<hbm>>
      tpu.enqueue_dma source(%arg11 : memref<16xf32, #tpu.memory_space<vmem>>) target(%dma_start3A_21 : memref<16xf32, #tpu.memory_space<hbm>>) target_semaphore(%run_scoped3A : memref<!tpu.dma_semaphore, #tpu.memory_space<semaphore_mem>>)
      %dma_wait3A_22 = tpu.memref_slice %arg4[%mul3A_19] : memref<512xf32, #tpu.memory_space<hbm>> -> memref<16xf32, #tpu.memory_space<hbm>>
      %dma_wait3A_23 = tpu.memref_slice %arg4[%mul3A_19] : memref<512xf32, #tpu.memory_space<hbm>> -> memref<16xf32, #tpu.memory_space<hbm>>
      tpu.wait_dma2 semaphore(%run_scoped3A : memref<!tpu.dma_semaphore, #tpu.memory_space<semaphore_mem>>) src(%arg11 : memref<16xf32, #tpu.memory_space<vmem>>) dst(%dma_wait3A_23 : memref<16xf32, #tpu.memory_space<hbm>>)
      tpu.yield
    }) : () -> ()
    return
  }
}

#map = affine_map<(d0, d1) -> (0)>
module attributes {stable_mosaic.version = 14 : i64} {
  func.func @_sc_reduce(%arg0: i32, %arg1: i32, %arg2: memref<512xf32, #tpu.memory_space<hbm>>, %arg3: memref<16xf32, #tpu.memory_space<hbm>>, %arg4: memref<512xf32, #tpu.memory_space<vmem>>, %arg5: memref<16xf32, #tpu.memory_space<vmem>>, %arg6: memref<!tpu.dma_semaphore, #tpu.memory_space<semaphore_mem>>) attributes {dimension_semantics = [#tpu.dimension_semantics<core_parallel>, #tpu.dimension_semantics<subcore_parallel>], iteration_bounds = array<i64: 2, 16>, scalar_prefetch = 0 : i64, scratch_operands = 3 : i64, tpu.core_type = #tpu.core_type<sc_vector_subcore>, window_params = [{transform_indices = #map}, {transform_indices = #map}]} {
    %eq3A = arith.constant 0 : i32
    %eq3A_0 = arith.cmpi eq, %arg0, %eq3A : i32
    %eq3A_1 = arith.constant 0 : i32
    %eq3A_2 = arith.cmpi eq, %arg1, %eq3A_1 : i32
    %and3A = arith.andi %eq3A_0, %eq3A_2 : i1
    %convert_element_type3A = arith.extui %and3A : i1 to i32
    %cond3A = arith.constant 0 : i32
    %cond3A_3 = arith.cmpi ne, %convert_element_type3A, %cond3A : i32
    scf.if %cond3A_3 {
      tpu.enqueue_dma source(%arg2 : memref<512xf32, #tpu.memory_space<hbm>>) target(%arg4 : memref<512xf32, #tpu.memory_space<vmem>>) target_semaphore(%arg6 : memref<!tpu.dma_semaphore, #tpu.memory_space<semaphore_mem>>)
      tpu.wait_dma2 semaphore(%arg6 : memref<!tpu.dma_semaphore, #tpu.memory_space<semaphore_mem>>) src(%arg2 : memref<512xf32, #tpu.memory_space<hbm>>) dst(%arg4 : memref<512xf32, #tpu.memory_space<vmem>>)
      %get3A = arith.constant 0 : index
      %get3A_4 = tpu.vector_load %arg4[%get3A] {strides = array<i32>} : memref<512xf32, #tpu.memory_space<vmem>>, vector<16xf32>,
      %get3A_5 = arith.constant 16 : index
      %get3A_6 = tpu.vector_load %arg4[%get3A_5] {strides = array<i32>} : memref<512xf32, #tpu.memory_space<vmem>>, vector<16xf32>,
      %add3A = arith.addf %get3A_4, %get3A_6 : vector<16xf32>
      %get3A_7 = arith.constant 32 : index
      %get3A_8 = tpu.vector_load %arg4[%get3A_7] {strides = array<i32>} : memref<512xf32, #tpu.memory_space<vmem>>, vector<16xf32>,
      %add3A_9 = arith.addf %add3A, %get3A_8 : vector<16xf32>
      %get3A_10 = arith.constant 48 : index
      %get3A_11 = tpu.vector_load %arg4[%get3A_10] {strides = array<i32>} : memref<512xf32, #tpu.memory_space<vmem>>, vector<16xf32>,
      %add3A_12 = arith.addf %add3A_9, %get3A_11 : vector<16xf32>
      %get3A_13 = arith.constant 64 : index
      %get3A_14 = tpu.vector_load %arg4[%get3A_13] {strides = array<i32>} : memref<512xf32, #tpu.memory_space<vmem>>, vector<16xf32>,
      %add3A_15 = arith.addf %add3A_12, %get3A_14 : vector<16xf32>
      %get3A_16 = arith.constant 80 : index
      %get3A_17 = tpu.vector_load %arg4[%get3A_16] {strides = array<i32>} : memref<512xf32, #tpu.memory_space<vmem>>, vector<16xf32>,
      %add3A_18 = arith.addf %add3A_15, %get3A_17 : vector<16xf32>
      %get3A_19 = arith.constant 96 : index
      %get3A_20 = tpu.vector_load %arg4[%get3A_19] {strides = array<i32>} : memref<512xf32, #tpu.memory_space<vmem>>, vector<16xf32>,
      %add3A_21 = arith.addf %add3A_18, %get3A_20 : vector<16xf32>
      %get3A_22 = arith.constant 112 : index
      %get3A_23 = tpu.vector_load %arg4[%get3A_22] {strides = array<i32>} : memref<512xf32, #tpu.memory_space<vmem>>, vector<16xf32>,
      %add3A_24 = arith.addf %add3A_21, %get3A_23 : vector<16xf32>
      %get3A_25 = arith.constant 128 : index
      %get3A_26 = tpu.vector_load %arg4[%get3A_25] {strides = array<i32>} : memref<512xf32, #tpu.memory_space<vmem>>, vector<16xf32>,
      %add3A_27 = arith.addf %add3A_24, %get3A_26 : vector<16xf32>
      %get3A_28 = arith.constant 144 : index
      %get3A_29 = tpu.vector_load %arg4[%get3A_28] {strides = array<i32>} : memref<512xf32, #tpu.memory_space<vmem>>, vector<16xf32>,
      %add3A_30 = arith.addf %add3A_27, %get3A_29 : vector<16xf32>
      %get3A_31 = arith.constant 160 : index
      %get3A_32 = tpu.vector_load %arg4[%get3A_31] {strides = array<i32>} : memref<512xf32, #tpu.memory_space<vmem>>, vector<16xf32>,
      %add3A_33 = arith.addf %add3A_30, %get3A_32 : vector<16xf32>
      %get3A_34 = arith.constant 176 : index
      %get3A_35 = tpu.vector_load %arg4[%get3A_34] {strides = array<i32>} : memref<512xf32, #tpu.memory_space<vmem>>, vector<16xf32>,
      %add3A_36 = arith.addf %add3A_33, %get3A_35 : vector<16xf32>
      %get3A_37 = arith.constant 192 : index
      %get3A_38 = tpu.vector_load %arg4[%get3A_37] {strides = array<i32>} : memref<512xf32, #tpu.memory_space<vmem>>, vector<16xf32>,
      %add3A_39 = arith.addf %add3A_36, %get3A_38 : vector<16xf32>
      %get3A_40 = arith.constant 208 : index
      %get3A_41 = tpu.vector_load %arg4[%get3A_40] {strides = array<i32>} : memref<512xf32, #tpu.memory_space<vmem>>, vector<16xf32>,
      %add3A_42 = arith.addf %add3A_39, %get3A_41 : vector<16xf32>
      %get3A_43 = arith.constant 224 : index
      %get3A_44 = tpu.vector_load %arg4[%get3A_43] {strides = array<i32>} : memref<512xf32, #tpu.memory_space<vmem>>, vector<16xf32>,
      %add3A_45 = arith.addf %add3A_42, %get3A_44 : vector<16xf32>
      %get3A_46 = arith.constant 240 : index
      %get3A_47 = tpu.vector_load %arg4[%get3A_46] {strides = array<i32>} : memref<512xf32, #tpu.memory_space<vmem>>, vector<16xf32>,
      %add3A_48 = arith.addf %add3A_45, %get3A_47 : vector<16xf32>
      %get3A_49 = arith.constant 256 : index
      %get3A_50 = tpu.vector_load %arg4[%get3A_49] {strides = array<i32>} : memref<512xf32, #tpu.memory_space<vmem>>, vector<16xf32>,
      %add3A_51 = arith.addf %add3A_48, %get3A_50 : vector<16xf32>
      %get3A_52 = arith.constant 272 : index
      %get3A_53 = tpu.vector_load %arg4[%get3A_52] {strides = array<i32>} : memref<512xf32, #tpu.memory_space<vmem>>, vector<16xf32>,
      %add3A_54 = arith.addf %add3A_51, %get3A_53 : vector<16xf32>
      %get3A_55 = arith.constant 288 : index
      %get3A_56 = tpu.vector_load %arg4[%get3A_55] {strides = array<i32>} : memref<512xf32, #tpu.memory_space<vmem>>, vector<16xf32>,
      %add3A_57 = arith.addf %add3A_54, %get3A_56 : vector<16xf32>
      %get3A_58 = arith.constant 304 : index
      %get3A_59 = tpu.vector_load %arg4[%get3A_58] {strides = array<i32>} : memref<512xf32, #tpu.memory_space<vmem>>, vector<16xf32>,
      %add3A_60 = arith.addf %add3A_57, %get3A_59 : vector<16xf32>
      %get3A_61 = arith.constant 320 : index
      %get3A_62 = tpu.vector_load %arg4[%get3A_61] {strides = array<i32>} : memref<512xf32, #tpu.memory_space<vmem>>, vector<16xf32>,
      %add3A_63 = arith.addf %add3A_60, %get3A_62 : vector<16xf32>
      %get3A_64 = arith.constant 336 : index
      %get3A_65 = tpu.vector_load %arg4[%get3A_64] {strides = array<i32>} : memref<512xf32, #tpu.memory_space<vmem>>, vector<16xf32>,
      %add3A_66 = arith.addf %add3A_63, %get3A_65 : vector<16xf32>
      %get3A_67 = arith.constant 352 : index
      %get3A_68 = tpu.vector_load %arg4[%get3A_67] {strides = array<i32>} : memref<512xf32, #tpu.memory_space<vmem>>, vector<16xf32>,
      %add3A_69 = arith.addf %add3A_66, %get3A_68 : vector<16xf32>
      %get3A_70 = arith.constant 368 : index
      %get3A_71 = tpu.vector_load %arg4[%get3A_70] {strides = array<i32>} : memref<512xf32, #tpu.memory_space<vmem>>, vector<16xf32>,
      %add3A_72 = arith.addf %add3A_69, %get3A_71 : vector<16xf32>
      %get3A_73 = arith.constant 384 : index
      %get3A_74 = tpu.vector_load %arg4[%get3A_73] {strides = array<i32>} : memref<512xf32, #tpu.memory_space<vmem>>, vector<16xf32>,
      %add3A_75 = arith.addf %add3A_72, %get3A_74 : vector<16xf32>
      %get3A_76 = arith.constant 400 : index
      %get3A_77 = tpu.vector_load %arg4[%get3A_76] {strides = array<i32>} : memref<512xf32, #tpu.memory_space<vmem>>, vector<16xf32>,
      %add3A_78 = arith.addf %add3A_75, %get3A_77 : vector<16xf32>
      %get3A_79 = arith.constant 416 : index
      %get3A_80 = tpu.vector_load %arg4[%get3A_79] {strides = array<i32>} : memref<512xf32, #tpu.memory_space<vmem>>, vector<16xf32>,
      %add3A_81 = arith.addf %add3A_78, %get3A_80 : vector<16xf32>
      %get3A_82 = arith.constant 432 : index
      %get3A_83 = tpu.vector_load %arg4[%get3A_82] {strides = array<i32>} : memref<512xf32, #tpu.memory_space<vmem>>, vector<16xf32>,
      %add3A_84 = arith.addf %add3A_81, %get3A_83 : vector<16xf32>
      %get3A_85 = arith.constant 448 : index
      %get3A_86 = tpu.vector_load %arg4[%get3A_85] {strides = array<i32>} : memref<512xf32, #tpu.memory_space<vmem>>, vector<16xf32>,
      %add3A_87 = arith.addf %add3A_84, %get3A_86 : vector<16xf32>
      %get3A_88 = arith.constant 464 : index
      %get3A_89 = tpu.vector_load %arg4[%get3A_88] {strides = array<i32>} : memref<512xf32, #tpu.memory_space<vmem>>, vector<16xf32>,
      %add3A_90 = arith.addf %add3A_87, %get3A_89 : vector<16xf32>
      %get3A_91 = arith.constant 480 : index
      %get3A_92 = tpu.vector_load %arg4[%get3A_91] {strides = array<i32>} : memref<512xf32, #tpu.memory_space<vmem>>, vector<16xf32>,
      %add3A_93 = arith.addf %add3A_90, %get3A_92 : vector<16xf32>
      %get3A_94 = arith.constant 496 : index
      %get3A_95 = tpu.vector_load %arg4[%get3A_94] {strides = array<i32>} : memref<512xf32, #tpu.memory_space<vmem>>, vector<16xf32>,
      %add3A_96 = arith.addf %add3A_93, %get3A_95 : vector<16xf32>
      %reduce_sum3A = arith.constant true
      %reduce_sum3A_97 = vector.broadcast %reduce_sum3A : i1 to vector<16xi1>
      %reduce_sum3A_98 = tpu.scan <sum>, %add3A_96 masked %reduce_sum3A_97 : vector<16xf32>, vector<16xi1> -> vector<16xf32>
      %reduce_sum3A_99 = vector.extract %reduce_sum3A_98[15] : f32 from vector<16xf32>
      %neg3A = arith.constant 0.000000e+00 : f32
      %neg3A_100 = arith.subf %neg3A, %reduce_sum3A_99 : f32
      %mul3A = arith.constant 7.62939453E-6 : f32
      %mul3A_101 = arith.mulf %neg3A_100, %mul3A : f32
      %add3A_102 = arith.constant 1.35335213E-7 : f32
      %add3A_103 = arith.addf %mul3A_101, %add3A_102 : f32
      %broadcast_in_dim3A = vector.broadcast %add3A_103 : f32 to vector<16xf32>
      %swap3A = arith.constant 0 : index
      %swap3A_104 = tpu.vector_load %arg5[%swap3A] {strides = array<i32>} : memref<16xf32, #tpu.memory_space<vmem>>, vector<16xf32>,
      tpu.vector_store %arg5[%swap3A], %broadcast_in_dim3A {strides = array<i32>} : memref<16xf32, #tpu.memory_space<vmem>>, vector<16xf32>,
      "tpu.region"() ({
        %run_scoped3A = tpu.sem_alloc : memref<!tpu.dma_semaphore, #tpu.memory_space<semaphore_mem>>
        tpu.enqueue_dma source(%arg5 : memref<16xf32, #tpu.memory_space<vmem>>) target(%arg3 : memref<16xf32, #tpu.memory_space<hbm>>) target_semaphore(%run_scoped3A : memref<!tpu.dma_semaphore, #tpu.memory_space<semaphore_mem>>)
        tpu.wait_dma2 semaphore(%run_scoped3A : memref<!tpu.dma_semaphore, #tpu.memory_space<semaphore_mem>>) src(%arg5 : memref<16xf32, #tpu.memory_space<vmem>>) dst(%arg3 : memref<16xf32, #tpu.memory_space<hbm>>)
        tpu.yield
      }) : () -> ()
    } else {
    }
    return
  }
}

</mosaic_0001>

<sc_bundles>
// kernel: _run.4.cloned.1.call-start
scs
__scs_entry_jumppad:
0x0: {  	(pc) =	sbr.rel $0x88, $3  }
0x1: {  	(tag) =	ssettag $0x0;
	lr =	simm.s32 $0x1  }
0x2: {  	[smem:$0x3F9F] =	sst lr;
	_ =	strace $0xD0000000  }
0x3: {  	_ = 	snop  }
0x4: {  	_ = 	snop  }
0x5: {  	_ = 	snop  }
0x6: {  	_ = 	snop  }
0x7: {  	_ = 	snop  }
__scs_overlays_trampoline_lowered:
0x8: {  	[smem:$0x3FAE] =	sst s0  }
0x9: {  	[smem:$0x3FAF] =	sst s1  }
0xa: {  	[smem:$0x3FB0] =	sst s2  }
0xb: {  	[smem:$0x3FB1] =	sst s3  }
0xc: {  	[smem:$0x3FB2] =	sst s4  }
0xd: {  	[smem:$0x3FB3] =	sst s5  }
0xe: {  	[smem:$0x3FB4] =	sst s6  }
0xf: {  	[smem:$0x3FB5] =	sst s7  }
0x10: {  	[smem:$0x3FB6] =	sst s8  }
0x11: {  	[smem:$0x3FB7] =	sst s9;
	s0 =	simm.s32 @!p0 $0x0  }
0x12: {  	s1 =	sld [smem:$0x3F9D];
	s0 =	simm.s32 @p0 $0x1  }
0x13: {  	[smem:$0x3FB8] =	sst s0;
	s0 =	simm.s32 @!p1 $0x0  }
0x14: {  	s2 =	sld [smem:$0x3F9C];
	s0 =	simm.s32 @p1 $0x1  }
0x15: {  	[smem:$0x3FB9] =	sst s0;
	s0 =	simm.s32 @!p2 $0x0  }
0x16: {  	s3 =	sld [smem:$0x3FDB];
	s0 =	simm.s32 @p2 $0x1  }
0x17: {  	s4 =	simm.s32 $0x1BF5;
	[smem:$0x3FBB] =	sst s0  }
0x18: {  	s0 =	sld [smem:$0x3F9E];
	_ =	swait.ge [sflag:s4], $0x0  }
0x19: {  	s7 =	sld [smem:$0x3F9F]  }
0x1a: {  	s8 =	sadd.s32 $0xFFFFE003, lr  }
0x1b: {  	s9 =	sadd.s32 $0xFFFFFEF7, lr;
	s5 =	simm.s32 $0xFFFFFFFF;
	p2 =	slt.u32 s8, $0xFFFFF086  }
0x1c: {  	p1 =	slt.u32 s9, $0xF7A;
	s5 =	simm.s32 @!p2 $0x0  }
0x1d: {  	s5 =	simm.s32 @p1 $0x1;
	p0 =	seq.s32 s7, s2  }
0x1e: {  	s7 =	smul.u32 @!p0 $0xF7A, s2;
	p2 =	seq.s32 @!p0 s5, $0x0  }
0x1f: {  	s9 =	smul.u32 $0xF7A, s1;
	s8 =	simm.s32 @!p0 $0x1BF5;
	p2 =	por !p2, p0  }
0x20: {  	[sflag:s8] =	ssyncset.s32 @!p0 $0xFFFFF086;
	s6 =	sadd.s32 @!p0 s3, s7;
	s7 =	simm.s32 @!p0 $0x108  }
0x21: {  	s3 =	sadd.s32 s3, s9;
	s6 =	sadd.s32 @!p0 $0x88, s6;
	s7 =	simm.s32 @p2 $0x1082  }
0x22: {  	[simem:s7], [sflag:s8] =	dma.local @!p0 [hbm:s6], $0xF7A  }
0x23: {  	s9 =	sor.u32 $0xD0000000, s2;
	s6 =	simm.s32 $0x108;
	_ =	swait.ge @!p0 [sflag:s8], $0x0  }
0x24: {  	s3 =	sadd.s32 $0x88, s3;
	s6 =	simm.s32 @!p1 $0x1082;
	[sflag:s4] =	ssyncset.s32 $0xFFFFF086  }
0x25: {  	[simem:s6], [sflag:s4] =	dma.local [hbm:s3], $0xF7A  }
0x26: {  	[smem:$0x3F9F] =	sst s1;
	(tag) =	ssettag s2;
	_ =	strace s9  }
0x27: {  	s1 =	sld [smem:$0x3FAF]  }
0x28: {  	s2 =	sld [smem:$0x3FB0]  }
0x29: {  	s4 =	sld [smem:$0x3FB2]  }
0x2a: {  	p0 =	seq.s32 s5, $0x0;
	s5 =	sld [smem:$0x3FB3]  }
0x2b: {  	s6 =	sld [smem:$0x3FB4]  }
0x2c: {  	s7 =	sld [smem:$0x3FB5]  }
0x2d: {  	s3 =	simm.s32 $0x108;
	s8 =	sld [smem:$0x3FB6]  }
0x2e: {  	s3 =	simm.s32 @!p0 $0x1082;
	s9 =	sld [smem:$0x3FB7]  }
0x2f: {  	lr =	sadd.s32 s0, s3;
	s0 =	sld [smem:$0x3FAE]  }
0x30: {  	s3 =	sld [smem:$0x3FB1]  }
0x31: {  	[smem:$0x3FBA] =	sst s10  }
0x32: {  	s10 =	sld [smem:$0x3FB8];
	_ =	sdelay $0x3  }
0x33: {  	p0 =	seq.s32 s10, $0x1;
	s10 =	sld [smem:$0x3FBA];
	_ =	sdelay $0x3  }
0x34: {  	[smem:$0x3FBA] =	sst s10  }
0x35: {  	s10 =	sld [smem:$0x3FB9];
	_ =	sdelay $0x3  }
0x36: {  	p1 =	seq.s32 s10, $0x1;
	s10 =	sld [smem:$0x3FBA];
	_ =	sdelay $0x3  }
0x37: {  	[smem:$0x3FBA] =	sst s10  }
0x38: {  	s10 =	sld [smem:$0x3FBB]  }
0x39: {  	_ = 	snop;
	(pc) =	sbr.ind lr, $3  }
0x3a: {  	_ = 	snop  }
0x3b: {  	_ = 	snop  }
0x3c: {  	p2 =	seq.s32 s10, $0x1;
	s10 =	sld [smem:$0x3FBA]  }
0x3d: {  	_ =	shalt  }
0x3e: {  	_ =	shalt  }
0x3f: {  	_ =	shalt  }
0x40: {  	_ =	shalt  }
0x41: {  	_ =	shalt  }
0x42: {  	_ =	shalt  }
0x43: {  	_ =	shalt  }
0x44: {  	_ =	shalt  }
0x45: {  	_ =	shalt  }
0x46: {  	_ =	shalt  }
0x47: {  	_ =	shalt  }
0x48: {  	_ =	shalt  }
0x49: {  	_ =	shalt  }
0x4a: {  	_ =	shalt  }
0x4b: {  	_ =	shalt  }
0x4c: {  	_ =	shalt  }
0x4d: {  	_ =	shalt  }
0x4e: {  	_ =	shalt  }
0x4f: {  	_ =	shalt  }
0x50: {  	_ =	shalt  }
0x51: {  	_ =	shalt  }
0x52: {  	_ =	shalt  }
0x53: {  	_ =	shalt  }
0x54: {  	_ =	shalt  }
0x55: {  	_ =	shalt  }
0x56: {  	_ =	shalt  }
0x57: {  	_ =	shalt  }
0x58: {  	_ =	shalt  }
0x59: {  	_ =	shalt  }
0x5a: {  	_ =	shalt  }
0x5b: {  	_ =	shalt  }
0x5c: {  	_ =	shalt  }
0x5d: {  	_ =	shalt  }
0x5e: {  	_ =	shalt  }
0x5f: {  	_ =	shalt  }
0x60: {  	_ =	shalt  }
0x61: {  	_ =	shalt  }
0x62: {  	_ =	shalt  }
0x63: {  	_ =	shalt  }
0x64: {  	_ =	shalt  }
0x65: {  	_ =	shalt  }
0x66: {  	_ =	shalt  }
0x67: {  	_ =	shalt  }
0x68: {  	_ =	shalt  }
0x69: {  	_ =	shalt  }
0x6a: {  	_ =	shalt  }
0x6b: {  	_ =	shalt  }
0x6c: {  	_ =	shalt  }
0x6d: {  	_ =	shalt  }
0x6e: {  	_ =	shalt  }
0x6f: {  	_ =	shalt  }
0x70: {  	_ =	shalt  }
0x71: {  	_ =	shalt  }
0x72: {  	_ =	shalt  }
0x73: {  	_ =	shalt  }
0x74: {  	_ =	shalt  }
0x75: {  	_ =	shalt  }
0x76: {  	_ =	shalt  }
0x77: {  	_ =	shalt  }
0x78: {  	_ =	shalt  }
0x79: {  	_ =	shalt  }
0x7a: {  	_ =	shalt  }
0x7b: {  	_ =	shalt  }
0x7c: {  	_ =	shalt  }
0x7d: {  	_ =	shalt  }
0x7e: {  	_ =	shalt  }
0x7f: {  	_ =	shalt  }
0x80: {  	_ =	shalt  }
0x81: {  	_ =	shalt  }
0x82: {  	_ =	shalt  }
0x83: {  	_ =	shalt  }
0x84: {  	_ =	shalt  }
0x85: {  	_ =	shalt  }
0x86: {  	_ =	shalt  }
0x87: {  	_ =	shalt  }
.Lfunc_end0:
.L_simem_size_0:
called_computation_lowered:
.L_overlay_start_0:
0x88: {  	s2 =	sld [smem:$0x3FD9]  }
0x89: {  	s3 =	sld [smem:$0x3FFE];
	_ =	sdelay $0x1  }
0x8a: {  	s1 =	srdreg.scid  }
0x8b: {  	s0 =	sand.u32 $0x1, s1  }
0x8c: {  	s17 =	sshll.u32 s0, $0xA;
	s2 =	sadd.s32 s3, s2  }
0x8d: {  	s2 =	sadd.s32 s2, s17  }
0x8e: {  	[smem:$0x3FC6] =	sst s2  }
0x8f: {  	_ = 	snop  }
0x90: {  	s2 =	sld [smem:$0x3FC9]  }
0x91: {  	s18 =	sld [smem:$0x3FC8];
	(tm) =	ssettm $0x1  }
0x92: {  	s4 =	sld [smem:$0x3FFB];
	_ =	sdelay $0x3  }
0x93: {  	_ =	strace s4  }
0x94: {  	s4 =	sld [smem:$0x3FFC];
	_ =	sdelay $0x3  }
0x95: {  	_ =	strace s4  }
0x96: {  	s4 =	sld [smem:$0x3FFD];
	_ =	sdelay $0x3  }
0x97: {  	_ =	strace s4  }
0x98: {  	_ =	strace $0x8FFFFFFF  }
0x99: {  	s19 =	sld [smem:$0x3FDB];
	_ =	sdelay $0x1  }
0x9a: {  	s5 =	simm.s32 $_scs_section_size  }
0x9b: {  	s6 =	simm.s32 $_size__tile_overlayer_lowered;
	s7 =	simm.s32 $_tile_overlayer_lowered  }
0x9c: {  	s22 =	simm.s32 $0x1BFF;
	s21 =	sshll.u32 s7, $0x1;
	s4 =	sadd.s32 s5, s19  }
0x9d: {  	s8 =	simm.s32 $0x0;
	s20 =	sshll.u32 s6, $0x1;
	s6 =	sadd.s32 s21, s4  }
0x9e: {  	[timem:s8], [sflag:s22] =	dma.local [hbm:s6], s20  }
0x9f: {  	_ =	swait.ge [sflag:s22], s20  }
0xa0: {  	s5 =	ssub.s32 $0x0, s20;
	[sflag:s22] =	ssyncset.done $0x0  }
0xa1: {  	[sflag:s22] =	ssyncadd.s32 s5;
	_ =	sdelay $0x1  }
0xa2: {  	s23 =	simm.s32 $0x1B8B  }
0xa3: {  	_ =	swait.ge [sflag:s23], $0x1  }
0xa4: {  	[sflag:s23] =	ssyncset.done $0x0  }
0xa5: {  	s25 =	simm.s32 $0x1B8E;
	s24 =	sld [smem:$0x3FFE];
	[sflag:s23] =	ssyncadd.s32 $0xFFFFFFFF  }
0xa6: {  	s26 =	simm.s32 $execute0_lowered;
	[smem:$0x3FD2] =	sst s25  }
0xa7: {  	s6 =	sshll.u32 s26, $0x1;
	_ =	strace $0x80000046;
	[dreg:$0x1] =	wrdreg $0xFFFFFFFF  }
0xa8: {  	s28 =	simm.s32 $_size_execute0_lowered;
	s4 =	sadd.s32 s4, s6;
	[dreg:$0x0] =	wrdreg $0x0  }
0xa9: {  	s6 =	sshll.u32 s28, $0x1;
	[dreg:$0x2] =	wrdreg s4  }
0xaa: {  	[dreg:$0x3] =	wrdreg s6  }
0xab: {  	[dreg:$0x4] =	wrdreg $0xC0  }
0xac: {  	_ =	task [dreg:s8], $0x5FFFF  }
0xad: {  	[dreg:$0x1] =	wrdreg $0xFFFFFFFF  }
0xae: {  	[dreg:$0x0] =	wrdreg $0x60  }
0xaf: {  	[dreg:$0x2] =	wrdreg s2  }
0xb0: {  	[dreg:$0x3] =	wrdreg s18  }
0xb1: {  	[dreg:$0x4] =	wrdreg s24  }
0xb2: {  	[dreg:$0x5] =	wrdreg $0x9  }
0xb3: {  	_ =	task.clear_ibuf [dreg:s8], $0x6FFFF;
	_ =	strace $0x90000046  }
0xb4: {  	s29 =	simm.s32 $0x9;
	_ =	strace $0x80000048  }
0xb5: {  	_ =	swait.ge [sflag:s29], $0x1  }
0xb6: {  	[sflag:s29] =	ssyncadd.s32 $0xFFFFFFFF  }
0xb7: {  	_ =	strace $0x90000048  }
0xb8: {  	_ =	sfence  }
0xb9: {  	s30 =	sld [smem:$0x0];
	_ =	sdelay $0x2  }
0xba: {  	s31 =	sshll.u32 s1, $0xD;
	s1 =	sshrl.u32 s1, $0x2  }
0xbb: {  	s3 =	sand.u32 $0x4000, s31;
	s1 =	sadd.s32 s1, s30  }
0xbc: {  	s0 =	sor.u32 s3, s0;
	s1 =	sshll.u32 s1, $0x11  }
0xbd: {  	s0 =	sor.u32 s1, s0  }
0xbe: {  	s0 =	sadd.s32 $0x8F2B, s0  }
0xbf: {  	[sflag:s0] =	ssyncadd.remote.s32 $0x1  }
0xc0: {  	_ =	sfence.sel $0xFFFF  }
0xc1: {  	[dreg:$0x0] =	wrdreg $0xFFFFFFFF;
	(pc) =	sbr.abs _section_cstart, $3  }
0xc2: {  	[dreg:$0x1] =	wrdreg $0xFFFFFFFF  }
0xc3: {  	_ =	task.clear_ibuf [dreg:s8], $0x2FFFF;
	_ =	strace $0x9FFFFFFF  }
0xc4: {  	(tm) =	ssettm $0x7FFFFFFF  }
0xc5: {  	_ =	shalt  }
tec
execute0_lowered:
.L_overlay_start_1:
0x0: {  	(tag) =	ssettag $0x1  }
0x1: {  	s0 =	rddreg [dreg:$0x0]  }
0x2: {  	s1 =	rddreg [dreg:$0x1];
	s3 =	srdreg.scid  }
0x3: {  	s2 =	rddreg [dreg:$0x2];
	s30 =	simm.s32 $0x0;
	s3 =	sand.u32 $0x1, s3  }
0x4: {  	s5 =	stileid.u32;
	s4 =	sshll.u32 s3, $0x4;
	s3 =	ssub.s32 $0x2, s3  }
0x5: {  	v0 =	vimm.s32 $0xECA86420;
	[smem:$0x7FF] =	sst s30;
	s4 =	sor.u32 s5, s4;
	s6 =	sshrl.u32 s3, $0x1  }
0x6: {  	vm0 =	vcmask $0xB08;
	vm1 =	vcmask $0x1310;
	vm2 =	vcmask $0x1B18;
	s5 =	sshll.u32 s4, $0x1;
	s25 =	sshll.u32 s4, $0xC;
	s4 =	sshll.u32 s4, $0x9  }
0x7: {  	vm4 =	vcmask $0x300;
	vm5 =	vcmask $0x2320;
	vm6 =	vcmask $0x2B28;
	_ =	strace $0x80000047;
	s26 =	ssub.s32 s3, s6;
	s1 =	sadd.s32 s1, s4  }
0x8: {  	vm7 =	vcmask $0x3330;
	vm8 =	vcmask $0x3B38;
	vm3 =	vmmov $0xff;
	s2 =	sadd.s32 s5, s2;
	s5 =	sadd.s32 s0, s25;
	[dreg:$0x1c] =	wrdreg s1  }
0x9: {  	vm14 =	vcmask $0x704;
	vm10 =	vcmask $0xF0C;
	vm13 =	vcmask $0x1714;
	s0 =	smax.u32 s26, $0x1;
	[dreg:$0x1b] =	wrdreg s5  }
0xa: {  	vm15 =	vcmask $0x1F1C;
	vm12 =	vcmask $0x2724;
	v1 =	vunpack.c.l.s4.s8 v0;
	s28 =	sadd.s32 $0x200, s5;
	[dreg:$0x1f] =	wrdreg s0  }
0xb: {  	vm9 =	vcmask $0x2F2C;
	vm11 =	vcmask $0x3734;
	v0 =	vlaneseq.u32;
	s29 =	sadd.s32 $0x800, s2;
	[dreg:$0x1d] =	wrdreg s28  }
0xc: {  	s31 =	simm.s32 $0x6800;
	v3 =	vimm.s32 $0x0;
	v2 =	vmul.u32 $0x2, v0;
	v1 =	vunpack.c.0.s8.s32 v1;
	s2 =	simm.s32 $0x0;
	[dreg:$0x1e] =	wrdreg s29  }
.LBB2_1:
0xd: {  	[smem:$0x7FD] =	sst s2  }
0xe: {  	s0 =	rddreg [dreg:$0x1c]  }
0xf: {  	s1 =	simm.s32 $0xD000;
	s25 =	rddreg [dreg:$0x1b]  }
0x10: {  	[tilespmem:s1], [sflag:$0x3] =	stream.linear.gather [hbm4b:s0+s30], $0x1000, $0x38;
	[tilespmem:$0xE080] =	vst v63  }
0x11: {  	s26 =	simm.s32 $0x800;
	s28 =	simm.s32 $0x100000;
	s29 =	simm.s32 $0x3  }
0x12: {  	[tilespmem:s30], [sflag:$0x1] =	stream.strided.gather [hbm4b:s25+s26], $0x6800, s28, s26, $0x38;
	[tilespmem:$0xE080] =	vst v63  }
0x13: {  	_ =	swait.ge [sflag:s29], $0x1000  }
0x14: {  	[sflag:s29] =	ssyncset.done $0x0  }
0x15: {  	v4 =	vimm.f32 $0.0e+00;
	s3 =	simm.s32 $0x0;
	[sflag:s29] =	ssyncadd.s32 $0xFFFFF000  }
.LBB2_2:
0x16: {  	s0 =	sshllo.u32 s3, $0x1;
	s15 =	rddreg [dreg:$0x1b]  }
0x17: {  	s16 =	simm.s32 $0x800;
	s2 =	simm.s32 $0x100000;
	s1 =	sshll.u32 s0, $0x8  }
0x18: {  	s17 =	simm.s32 $0x1;
	[smem:$0x7FB] =	sst s1;
	s0 =	sadd.s32 s1, s15  }
0x19: {  	[tilespmem:s31], [sflag:$0x2] =	stream.strided.gather [hbm4b:s0+s16], $0x6800, s2, s16, $0x38;
	[tilespmem:$0xE080] =	vst v63  }
0x1a: {  	s24 =	simm.s32 $0x0;
	_ =	swait.ge [sflag:s17], $0x6800  }
0x1b: {  	s18 =	sand.u32 $0x70, s24;
	s19 =	sand.u32 $0x400, s24;
	[sflag:s17] =	ssyncset.done $0x0  }
0x1c: {  	s21 =	sor.u32 s18, s19;
	[sflag:s17] =	ssyncadd.s32 $0xFFFF9800  }
0x1d: {  	v5 =	vld [tilespmem:s21+$0x0]  }
0x1e: {  	v6 =	vld [tilespmem:s21+$0x80];
	_ =	sdelay $0x1  }
0x1f: {  	v7 =	vld [tilespmem:s21+$0x100];
	_ =	sdelay $0x1  }
0x20: {  	v8 =	vld [tilespmem:s21+$0x180];
	v5 =	vmul.f32 $1.442695020e+00, v5  }
0x21: {  	v6 =	vmul.f32 $1.442695020e+00, v6  }
0x22: {  	(erf) = vpow2.f32 v5;
	v5 =	vld [tilespmem:s21+$0x200]  }
0x23: {  	v7 =	vmul.f32 $1.442695020e+00, v7;
	(erf) = vpow2.f32 v6;
	v6 =	vld [tilespmem:s21+$0x280];
	_ =	sdelay $0x1  }
0x24: {  	v8 =	vmul.f32 $1.442695020e+00, v8;
	(erf) = vpow2.f32 v7  }
0x25: {  	s20 =	sor.u32 s24, s24;
	v7 =	vld [tilespmem:s21+$0x300]  }
0x26: {  	s1 =	sor.u32 $0x380, s20;
	(erf) = vpow2.f32 v8;
	v5 =	vmul.f32 $1.442695020e+00, v5  }
0x27: {  	v8 =	vld [tilespmem:s1+$0x0];
	v6 =	vmul.f32 $1.442695020e+00, v6  }
0x28: {  	(erf) = vpow2.f32 v5  }
0x29: {  	v5 =	vld [tilespmem:s21+$0x800]  }
0x2a: {  	v7 =	vmul.f32 $1.442695020e+00, v7;
	(erf) = vpow2.f32 v6;
	v9 =	vpop (erf)  }
0x2b: {  	v10 =	vld [tilespmem:s21+$0x880];
	v6 =	vpop (erf)  }
0x2c: {  	v8 =	vmul.f32 $1.442695020e+00, v8;
	(erf) = vpow2.f32 v7;
	v7 =	vld [tilespmem:s21+$0x900];
	v6 =	vadd.f32 v6, v9  }
0x2d: {  	v9 =	vpop (erf)  }
0x2e: {  	(erf) = vpow2.f32 v8;
	v8 =	vld [tilespmem:s21+$0x980];
	v5 =	vmul.f32 $1.442695020e+00, v5;
	v6 =	vadd.f32 v9, v6  }
0x2f: {  	v9 =	vpop (erf)  }
0x30: {  	(erf) = vpow2.f32 v5;
	v6 =	vadd.f32 v9, v6;
	v9 =	vmul.f32 $1.442695020e+00, v10  }
0x31: {  	v5 =	vld [tilespmem:s21+$0xA00];
	v7 =	vmul.f32 $1.442695020e+00, v7;
	v10 =	vpop (erf)  }
0x32: {  	v6 =	vadd.f32 v10, v6;
	(erf) = vpow2.f32 v9  }
0x33: {  	v8 =	vmul.f32 $1.442695020e+00, v8;
	v9 =	vld [tilespmem:s21+$0xA80];
	v10 =	vpop (erf)  }
0x34: {  	(erf) = vpow2.f32 v7;
	v6 =	vadd.f32 v10, v6  }
0x35: {  	v7 =	vpop (erf);
	v10 =	vld [tilespmem:s21+$0xB00]  }
0x36: {  	v5 =	vmul.f32 $1.442695020e+00, v5;
	(erf) = vpow2.f32 v8;
	v6 =	vadd.f32 v7, v6  }
0x37: {  	v8 =	vpop (erf);
	v7 =	vld [tilespmem:s21+$0xB80]  }
0x38: {  	(erf) = vpow2.f32 v5;
	v6 =	vadd.f32 v8, v6;
	v8 =	vmul.f32 $1.442695020e+00, v9  }
0x39: {  	v5 =	vld [tilespmem:s21+$0x1000];
	v9 =	vpop (erf)  }
0x3a: {  	v6 =	vadd.f32 v9, v6;
	(erf) = vpow2.f32 v8;
	v8 =	vmul.f32 $1.442695020e+00, v10;
	v9 =	vld [tilespmem:s21+$0x1080]  }
0x3b: {  	v10 =	vpop (erf)  }
0x3c: {  	v7 =	vmul.f32 $1.442695020e+00, v7;
	v6 =	vadd.f32 v10, v6;
	(erf) = vpow2.f32 v8  }
0x3d: {  	v8 =	vld [tilespmem:s21+$0x1100];
	v10 =	vpop (erf)  }
0x3e: {  	v5 =	vmul.f32 $1.442695020e+00, v5;
	(erf) = vpow2.f32 v7;
	v6 =	vadd.f32 v10, v6  }
0x3f: {  	v7 =	vld [tilespmem:s21+$0x1180];
	v10 =	vpop (erf);
	v9 =	vmul.f32 $1.442695020e+00, v9  }
0x40: {  	(erf) = vpow2.f32 v5;
	v6 =	vadd.f32 v10, v6  }
0x41: {  	v5 =	vld [tilespmem:s21+$0x1200];
	v10 =	vpop (erf)  }
0x42: {  	v8 =	vmul.f32 $1.442695020e+00, v8;
	(erf) = vpow2.f32 v9;
	v6 =	vadd.f32 v10, v6  }
0x43: {  	v10 =	vld [tilespmem:s21+$0x1280];
	v9 =	vpop (erf)  }
0x44: {  	v7 =	vmul.f32 $1.442695020e+00, v7;
	(erf) = vpow2.f32 v8;
	v6 =	vadd.f32 v9, v6  }
0x45: {  	v8 =	vld [tilespmem:s21+$0x1300];
	v9 =	vpop (erf)  }
0x46: {  	v5 =	vmul.f32 $1.442695020e+00, v5;
	(erf) = vpow2.f32 v7;
	v7 =	vld [tilespmem:s21+$0x1380];
	v6 =	vadd.f32 v9, v6  }
0x47: {  	v9 =	vpop (erf)  }
0x48: {  	(erf) = vpow2.f32 v5;
	v6 =	vadd.f32 v9, v6;
	v9 =	vmul.f32 $1.442695020e+00, v10  }
0x49: {  	v5 =	vld [tilespmem:s21+$0x1800];
	v10 =	vpop (erf)  }
0x4a: {  	v11 =	vld [tilespmem:s21+$0x1980];
	v8 =	vmul.f32 $1.442695020e+00, v8;
	v6 =	vadd.f32 v10, v6;
	(erf) = vpow2.f32 v9  }
0x4b: {  	v7 =	vmul.f32 $1.442695020e+00, v7;
	v9 =	vld [tilespmem:s21+$0x1880];
	v10 =	vpop (erf)  }
0x4c: {  	(erf) = vpow2.f32 v8;
	v8 =	vld [tilespmem:s21+$0x1900];
	v6 =	vadd.f32 v10, v6  }
0x4d: {  	v12 =	vld [tilespmem:s21+$0x2180];
	v10 =	vpop (erf)  }
0x4e: {  	v5 =	vmul.f32 $1.442695020e+00, v5;
	(erf) = vpow2.f32 v7;
	v6 =	vadd.f32 v10, v6;
	v10 =	vld [tilespmem:s21+$0x1A00]  }
0x4f: {  	v7 =	vpop (erf)  }
0x50: {  	v13 =	vld [tilespmem:s21+$0x2100];
	(erf) = vpow2.f32 v5;
	v6 =	vadd.f32 v7, v6;
	v7 =	vmul.f32 $1.442695020e+00, v9  }
0x51: {  	v9 =	vpop (erf);
	v8 =	vmul.f32 $1.442695020e+00, v8  }
0x52: {  	v5 =	vld [tilespmem:s21+$0x2080];
	v6 =	vadd.f32 v9, v6;
	(erf) = vpow2.f32 v7;
	v9 =	vmul.f32 $1.442695020e+00, v11  }
0x53: {  	v7 =	vld [tilespmem:s21+$0x2000];
	v11 =	vmul.f32 $1.442695020e+00, v12;
	v12 =	vpop (erf);
	v10 =	vmul.f32 $1.442695020e+00, v10  }
0x54: {  	(erf) = vpow2.f32 v8;
	v8 =	vld [tilespmem:s21+$0x1A80];
	v6 =	vadd.f32 v12, v6  }
0x55: {  	v12 =	vld [tilespmem:s21+$0x1B80];
	(erf) = vpow2.f32 v9;
	v9 =	vmul.f32 $1.442695020e+00, v13;
	v13 =	vpop (erf)  }
0x56: {  	(erf) = vpow2.f32 v11;
	v11 =	vld [tilespmem:s21+$0x1B00];
	v6 =	vadd.f32 v13, v6  }
0x57: {  	v5 =	vmul.f32 $1.442695020e+00, v5;
	(erf) = vpow2.f32 v10;
	v10 =	vpop (erf)  }
0x58: {  	v7 =	vmul.f32 $1.442695020e+00, v7;
	(erf) = vpow2.f32 v9;
	v6 =	vadd.f32 v10, v6  }
0x59: {  	(erf) = vpow2.f32 v5;
	v5 =	vmul.f32 $1.442695020e+00, v8;
	v8 =	vpop (erf)  }
0x5a: {  	v9 =	vmul.f32 $1.442695020e+00, v12;
	v6 =	vadd.f32 v8, v6  }
0x5b: {  	(erf) = vpow2.f32 v7;
	v7 =	vmul.f32 $1.442695020e+00, v11  }
0x5c: {  	(erf) = vpow2.f32 v5  }
0x5d: {  	v5 =	vpop (erf);
	(erf) = vpow2.f32 v9  }
0x5e: {  	v5 =	vadd.f32 v5, v6;
	v6 =	vpop (erf);
	(erf) = vpow2.f32 v7  }
0x5f: {  	v7 =	vpop (erf)  }
0x60: {  	v5 =	vadd.f32 v6, v5;
	v6 =	vpop (erf)  }
0x61: {  	v8 =	vpop (erf)  }
0x62: {  	v5 =	vadd.f32 v7, v5;
	v7 =	vpop (erf)  }
0x63: {  	v9 =	vld [tilespmem:s21+$0x2200];
	v10 =	vpop (erf)  }
0x64: {  	v5 =	vadd.f32 v8, v5;
	v8 =	vpop (erf)  }
0x65: {  	v11 =	vld [tilespmem:s21+$0x2280];
	v12 =	vpop (erf)  }
0x66: {  	v5 =	vadd.f32 v12, v5;
	v12 =	vpop (erf)  }
0x67: {  	s22 =	sshll.u32 s3, $0x9;
	v15 =	vld [tilespmem:s21+$0x2300];
	v14 =	vpop (erf)  }
0x68: {  	s1 =	sand.u32 $0x3FFFFE00, s22;
	v9 =	vmul.f32 $1.442695020e+00, v9;
	v5 =	vadd.f32 v14, v5  }
0x69: {  	v16 =	vld [tilespmem:s21+$0x2380];
	s1 =	sadd.s32 $0xD000, s1  }
0x6a: {  	[dreg:$0x4] =	wrdreg s1;
	v11 =	vmul.f32 $1.442695020e+00, v11;
	(erf) = vpow2.f32 v9;
	v5 =	vadd.f32 v12, v5;
	v12 =	vld [tilespmem:s21+$0x2800]  }
0x6b: {  	s23 =	sand.u32 $0x80, s24;
	s1 =	rddreg [dreg:$0x4]  }
0x6c: {  	s1 =	sadd.s32 s23, s1;
	(erf) = vpow2.f32 v11;
	v11 =	vld [tilespmem:s21+$0x2880];
	v5 =	vadd.f32 v8, v5;
	v8 =	vmul.f32 $1.442695020e+00, v15  }
0x6d: {  	s0 =	sadd.s32 s18, s1  }
0x6e: {  	v19 =	vld [tilespmem:s0+$0x0];
	v15 =	vmul.f32 $1.442695020e+00, v16;
	v5 =	vadd.f32 v10, v5;
	(erf) = vpow2.f32 v8  }
0x6f: {  	v8 =	vld [tilespmem:s21+$0x2900];
	v12 =	vmul.f32 $1.442695020e+00, v12  }
0x70: {  	(erf) = vpow2.f32 v15;
	v5 =	vadd.f32 v7, v5  }
0x71: {  	v11 =	vmul.f32 $1.442695020e+00, v11;
	v15 =	vld [tilespmem:s21+$0x2980]  }
0x72: {  	v10 =	vld [tilespmem:s21+$0x6000];
	(erf) = vpow2.f32 v12;
	v5 =	vadd.f32 v6, v5  }
0x73: {  	(v2sf) =	vpush v19, $0xF;
	v12 =	vpop (erf)  }
0x74: {  	v16 =	vld [tilespmem:s21+$0x5B00];
	(erf) = vpow2.f32 v11;
	v8 =	vmul.f32 $1.442695020e+00, v8;
	v5 =	vadd.f32 v12, v5  }
0x75: {  	(v2sf) =	vpush v19, $0xB;
	v6 =	vld [tilespmem:s21+$0x2A00];
	v11 =	vpop (erf)  }
0x76: {  	v13 =	vld [tilespmem:s21+$0x6180];
	(erf) = vpow2.f32 v8;
	v5 =	vadd.f32 v11, v5;
	v11 =	vmul.f32 $1.442695020e+00, v15  }
0x77: {  	(v2sf) =	vpush v19, $0x6;
	v12 =	vld [tilespmem:s21+$0x2A80];
	v8 =	vmul.f32 $1.442695020e+00, v10;
	v10 =	vpop (erf)  }
0x78: {  	(v2sf) =	vpush v19, $0xE;
	v14 =	vld [tilespmem:s21+$0x6100];
	v5 =	vadd.f32 v10, v5;
	(erf) = vpow2.f32 v11  }
0x79: {  	(v2sf) =	vpush v19, $0xA;
	v15 =	vld [tilespmem:s21+$0x2B00];
	v11 =	vmul.f32 $1.442695020e+00, v16;
	v16 =	vpop (erf)  }
0x7a: {  	(v2sf) =	vpush v19, $0xD;
	v9 =	vld [tilespmem:s21+$0x6080];
	v6 =	vmul.f32 $1.442695020e+00, v6;
	v5 =	vadd.f32 v16, v5  }
0x7b: {  	(v2sf) =	vpush v19, $0x9;
	v13 =	vmul.f32 $1.442695020e+00, v13;
	v10 =	vld [tilespmem:s21+$0x2B80];
	v17 =	vpop (erf)  }
0x7c: {  	v12 =	vmul.f32 $1.442695020e+00, v12;
	(erf) = vpow2.f32 v6;
	v16 =	vld [tilespmem:s21+$0x3000];
	v5 =	vadd.f32 v17, v5  }
0x7d: {  	(v2sf) =	vpush v19, $0x5;
	v14 =	vmul.f32 $1.442695020e+00, v14;
	v7 =	vld [tilespmem:s21+$0x5B80];
	(erf) = vpow2.f32 v13;
	v17 =	vpop (erf)  }
0x7e: {  	v6 =	vld [tilespmem:s21+$0x5A80];
	v15 =	vmul.f32 $1.442695020e+00, v15;
	(erf) = vpow2.f32 v12;
	v5 =	vadd.f32 v17, v5  }
0x7f: {  	(v2sf) =	vpush v19, $0xC;
	v9 =	vmul.f32 $1.442695020e+00, v9;
	v12 =	vld [tilespmem:s21+$0x3080];
	(erf) = vpow2.f32 v14;
	v17 =	vpop (erf)  }
0x80: {  	v10 =	vmul.f32 $1.442695020e+00, v10;
	(erf) = vpow2.f32 v15;
	v15 =	vld [tilespmem:s21+$0x3100];
	v5 =	vadd.f32 v17, v5  }
0x81: {  	(v2sf) =	vpush v19, $0x8;
	v13 =	vld [tilespmem:s21+$0x5A00];
	(erf) = vpow2.f32 v9;
	v16 =	vmul.f32 $1.442695020e+00, v16;
	v17 =	vpop (erf)  }
0x82: {  	v18 =	vld [tilespmem:s21+$0x5880];
	v7 =	vmul.f32 $1.442695020e+00, v7;
	(erf) = vpow2.f32 v10;
	v5 =	vadd.f32 v17, v5  }
0x83: {  	(v2sf) =	vpush v19, $0x4;
	v10 =	vmul.f32 $1.442695020e+00, v6;
	v6 =	vld [tilespmem:s21+$0x3180];
	(erf) = vpow2.f32 v8  }
0x84: {  	(v2sf) =	vpush v19, $0x3;
	v9 =	vld [tilespmem:s21+$0x5900];
	v8 =	vmul.f32 $1.442695020e+00, v12;
	(erf) = vpow2.f32 v16  }
0x85: {  	(v2sf) =	vpush v19, $0x2;
	v14 =	vld [tilespmem:s21+$0x5980];
	(erf) = vpow2.f32 v7;
	v7 =	vmul.f32 $1.442695020e+00, v15;
	v16 =	vpop (erf)  }
0x86: {  	v12 =	vmul.f32 $1.442695020e+00, v13;
	v13 =	vld [tilespmem:s21+$0x3200];
	(erf) = vpow2.f32 v8;
	v15 =	vadd.f32 v16, v5;
	v5 =	vpop (erf)  }
0x87: {  	(v2sf) =	vpush v19, $0x1;
	v8 =	vld [tilespmem:s21+$0x3280];
	v16 =	vpop (erf)  }
0x88: {  	v23 =	vld [tilespmem:s21+$0x4980];
	(erf) = vpow2.f32 v11;
	v20 =	vmul.f32 $1.442695020e+00, v6;
	v15 =	vadd.f32 v16, v15;
	v6 =	vpop (erf)  }
0x89: {  	(v2sf) =	vpush v19, $0x0;
	(erf) = vpow2.f32 v7;
	v16 =	vmul.f32 $1.442695020e+00, v9;
	v9 =	vld [tilespmem:s21+$0x3300];
	v7 =	vpop (erf)  }
0x8a: {  	s22 =	spop (v2sf);
	v14 =	vmul.f32 $1.442695020e+00, v14;
	(erf) = vpow2.f32 v10;
	v10 =	vld [tilespmem:s21+$0x5300];
	v15 =	vadd.f32 v7, v15;
	v7 =	vpop (erf)  }
0x8b: {  	(v2sf) =	vpush v19, $0x7;
	s0 =	spop (v2sf);
	v11 =	vld [tilespmem:s21+$0x5380];
	v13 =	vmul.f32 $1.442695020e+00, v13;
	(erf) = vpow2.f32 v20;
	v21 =	vpop (erf)  }
0x8c: {  	s20 =	spop (v2sf);
	v20 =	vld [tilespmem:s21+$0x3380];
	(erf) = vpow2.f32 v12;
	v12 =	vadd.f32 v21, v15;
	v15 =	vmul.f32 $1.442695020e+00, v8;
	v8 =	vpop (erf)  }
0x8d: {  	[smem:$0x7FC] =	sst s3;
	v18 =	vmul.f32 $1.442695020e+00, v18;
	s3 =	spop (v2sf);
	v17 =	vld [tilespmem:s21+$0x5800];
	(erf) = vpow2.f32 v13;
	v21 =	vpop (erf)  }
0x8e: {  	s9 =	spop (v2sf);
	v13 =	vld [tilespmem:s21+$0x3800];
	(erf) = vpow2.f32 v14;
	v14 =	vmul.f32 $1.442695020e+00, v9;
	v12 =	vadd.f32 v21, v12;
	v9 =	vpop (erf)  }
0x8f: {  	v26 =	vld [tilespmem:s21+$0x4800];
	s15 =	smulhi.u32 $0x66666667, s22;
	s12 =	spop (v2sf);
	(erf) = vpow2.f32 v15;
	v15 =	vmul.f32 $1.442695020e+00, v10;
	v10 =	vpop (erf)  }
0x90: {  	v30 =	vld [tilespmem:s21+$0x3B00];
	s8 =	smulhi.u32 $0x66666667, s0;
	s7 =	spop (v2sf);
	(erf) = vpow2.f32 v16;
	v16 =	vmul.f32 $1.442695020e+00, v11;
	v11 =	vadd.f32 v10, v12  }
0x91: {  	v22 =	vld [tilespmem:s21+$0x3880];
	v23 =	vmul.f32 $1.442695020e+00, v23;
	s16 =	smulhi.u32 $0x66666667, s12;
	s1 =	spop (v2sf);
	v12 =	vmul.f32 $1.442695020e+00, v20  }
0x92: {  	v24 =	vld [tilespmem:s21+$0x3980];
	s12 =	sshra.s32 s12, $0x1F;
	s11 =	smulhi.u32 $0x66666667, s7;
	s13 =	spop (v2sf);
	v17 =	vmul.f32 $1.442695020e+00, v17;
	(erf) = vpow2.f32 v14;
	v10 =	vpop (erf)  }
0x93: {  	s12 =	smul.u32 $0x66666667, s12;
	s7 =	sshra.s32 s7, $0x1F;
	s14 =	spop (v2sf);
	v14 =	vld [tilespmem:s21+$0x3900];
	v13 =	vmul.f32 $1.442695020e+00, v13;
	v20 =	vpop (erf);
	(erf) = vpow2.f32 v18  }
0x94: {  	v26 =	vmul.f32 $1.442695020e+00, v26;
	s7 =	smul.u32 $0x66666667, s7;
	s4 =	spop (v2sf);
	v18 =	vadd.f32 v20, v11;
	v20 =	vld [tilespmem:s21+$0x4900];
	v11 =	vpop (erf);
	(erf) = vpow2.f32 v12  }
0x95: {  	v30 =	vmul.f32 $1.442695020e+00, v30;
	s17 =	smulhi.u32 $0x66666667, s13;
	s6 =	spop (v2sf);
	v21 =	vld [tilespmem:s21+$0x4A00];
	v12 =	vpop (erf);
	(erf) = vpow2.f32 v17  }
0x96: {  	s13 =	sshra.s32 s13, $0x1F;
	s18 =	smulhi.u32 $0x66666667, s14;
	s10 =	spop (v2sf);
	v17 =	vadd.f32 v12, v18;
	v18 =	vmul.f32 $1.442695020e+00, v22;
	v12 =	vpop (erf);
	(erf) = vpow2.f32 v13  }
0x97: {  	s13 =	smul.u32 $0x66666667, s13;
	s14 =	sshra.s32 s14, $0x1F;
	s5 =	spop (v2sf);
	v22 =	vld [tilespmem:s21+$0x4880];
	v13 =	vpop (erf);
	(erf) = vpow2.f32 v16  }
0x98: {  	v25 =	vld [tilespmem:s21+$0x3A00];
	s14 =	smul.u32 $0x66666667, s14;
	s19 =	spop (v2sf);
	v16 =	vadd.f32 v13, v17;
	v17 =	vmul.f32 $1.442695020e+00, v14;
	(erf) = vpow2.f32 v18  }
0x99: {  	v27 =	vld [tilespmem:s21+$0x3A80];
	s13 =	sadd.s32 s13, s17;
	s23 =	smulhi.u32 $0x66666667, s19;
	s25 =	sshra.s32 s19, $0x1F;
	v13 =	vpop (erf);
	v18 =	vmul.f32 $1.442695020e+00, v20;
	v20 =	vmul.f32 $1.442695020e+00, v24  }
0x9a: {  	s26 =	sshrl.u32 s13, $0x1F;
	s28 =	spop (v2sf);
	s17 =	smul.u32 $0x66666667, s25;
	v21 =	vmul.f32 $1.442695020e+00, v21;
	v14 =	vpop (erf);
	(erf) = vpow2.f32 v15  }
0x9b: {  	s25 =	smulhi.u32 $0x66666667, s28;
	v15 =	vadd.f32 v14, v16;
	v14 =	vpop (erf);
	v16 =	vmov s26;
	(erf) = vpow2.f32 v17;
	s26 =	sshra.s32 s28, $0x1F  }
0x9c: {  	v33 =	vld [tilespmem:s21+$0x3B80];
	s12 =	sadd.s32 s12, s16;
	v29 =	vmul.f32 $1.442695020e+00, v22;
	(erf) = vpow2.f32 v21;
	s16 =	smul.u32 $0x66666667, s26;
	v17 =	vpop (erf)  }
0x9d: {  	v28 =	vld [tilespmem:s21+$0x4380];
	s11 =	sadd.s32 s7, s11;
	s14 =	sadd.s32 s14, s18;
	s18 =	smulhi.u32 $0x66666667, s9;
	(erf) = vpow2.f32 v20;
	v15 =	vadd.f32 v17, v15;
	v17 =	vmul.f32 $1.442695020e+00, v25;
	v20 =	vpop (erf)  }
0x9e: {  	s19 =	sshrl.u32 s14, $0x1F;
	s17 =	sadd.s32 s17, s23;
	v22 =	vmul.f32 $1.442695020e+00, v27;
	s7 =	sadd.s32 s16, s25;
	v21 =	vpop (erf);
	(erf) = vpow2.f32 v23  }
0x9f: {  	s23 =	sshrl.u32 s11, $0x1F;
	v24 =	vmov s19;
	s28 =	sshrl.u32 s17, $0x1F;
	s26 =	sshra.s32 s7, $0x1F;
	v15 =	vadd.f32 v21, v15;
	(erf) = vpow2.f32 v17;
	v21 =	vpop (erf)  }
0xa0: {  	s19 =	sshra.s32 s9, $0x1F;
	v31 =	vmov s28;
	s28 =	smulhi.u32 $0x66666667, s5;
	s16 =	sshrl.u32 s12, $0x1F;
	v23 =	vmov s26;
	v27 =	vpop (erf);
	(erf) = vpow2.f32 v18;
	v18 =	vld [tilespmem:s21+$0x4000]  }
0xa1: {  	v33 =	vmul.f32 $1.442695020e+00, v33;
	s25 =	smul.u32 $0x66666667, s19;
	v16 =	vsel vm0, s16, v16;
	v17 =	vsel vm0, s23, v24  }
0xa2: {  	s5 =	sshra.s32 s5, $0x1F;
	s19 =	sshra.s32 s17, $0x2;
	s16 =	sshra.s32 s12, $0x2;
	v24 =	vmul.f32 $1.442695020e+00, v28;
	v28 =	vld [tilespmem:s21+$0x4300];
	v15 =	vadd.f32 v27, v15;
	(erf) = vpow2.f32 v22;
	v22 =	vpop (erf)  }
0xa3: {  	s12 =	sadd.s32 s25, s18;
	s18 =	smul.u32 $0x66666667, s5;
	s23 =	sshra.s32 s17, $0x1F;
	v27 =	vsel vm4, s19, v23;
	v23 =	vpop (erf);
	(erf) = vpow2.f32 v29;
	v29 =	vld [tilespmem:s21+$0x4080]  }
0xa4: {  	s2 =	smulhi.u32 $0x66666667, s3;
	s3 =	sshra.s32 s3, $0x1F;
	s13 =	sshra.s32 s13, $0x2;
	v27 =	vsel vm14, s23, v27;
	v15 =	vadd.f32 v23, v15;
	v23 =	vpop (erf);
	(erf) = vpow2.f32 v30  }
0xa5: {  	v34 =	vld [tilespmem:s21+$0x4280];
	s0 =	sshra.s32 s0, $0x1F;
	s3 =	smul.u32 $0x66666667, s3;
	v25 =	vmov s13;
	s5 =	sadd.s32 s18, s28;
	v30 =	vpop (erf);
	(erf) = vpow2.f32 v26;
	v18 =	vmul.f32 $1.442695020e+00, v18  }
0xa6: {  	v53 =	vld [tilespmem:s21+$0x4100];
	s0 =	smul.u32 $0x66666667, s0;
	v25 =	vsel vm0, s16, v25;
	s28 =	sshra.s32 s5, $0x2;
	v15 =	vadd.f32 v30, v15;
	v26 =	vpop (erf);
	(erf) = vpow2.f32 v33  }
0xa7: {  	v35 =	vld [tilespmem:s21+$0x4200];
	s9 =	sadd.s32 s3, s2;
	s3 =	smulhi.u32 $0x66666667, s20;
	v28 =	vmul.f32 $1.442695020e+00, v28;
	v30 =	vsel vm0, s28, v27;
	v27 =	vpop (erf);
	(erf) = vpow2.f32 v24  }
0xa8: {  	s2 =	smulhi.u32 $0x66666667, s1;
	s25 =	sshrl.u32 s9, $0x1F;
	s9 =	sshra.s32 s9, $0x2;
	v24 =	vld [tilespmem:s21+$0x4180];
	v15 =	vadd.f32 v27, v15;
	v29 =	vmul.f32 $1.442695020e+00, v29;
	(erf) = vpow2.f32 v18;
	v27 =	vpop (erf)  }
0xa9: {  	v61 =	vld [tilespmem:s21+$0x5200];
	s0 =	sadd.s32 s0, s8;
	s26 =	smulhi.u32 $0x66666667, s10;
	v36 =	vsel vm1, s9, v25;
	(erf) = vpow2.f32 v28;
	v18 =	vpop (erf)  }
0xaa: {  	s8 =	sshrl.u32 s0, $0x1F;
	s10 =	sshra.s32 s10, $0x1F;
	s16 =	smulhi.u32 $0x66666667, s4;
	(erf) = vpow2.f32 v29;
	v29 =	vmul.f32 $1.442695020e+00, v34;
	v15 =	vadd.f32 v18, v15;
	v25 =	vpop (erf)  }
0xab: {  	s0 =	sshra.s32 s0, $0x2;
	s4 =	sshra.s32 s4, $0x1F;
	s10 =	smul.u32 $0x66666667, s10;
	v33 =	vmul.f32 $1.442695020e+00, v53;
	v18 =	vpop (erf)  }
0xac: {  	v54 =	vmul.f32 $1.442695020e+00, v35;
	s14 =	sshra.s32 s14, $0x2;
	s17 =	sshra.s32 s22, $0x1F;
	s4 =	smul.u32 $0x66666667, s4;
	v15 =	vadd.f32 v18, v15;
	v18 =	vpop (erf);
	(erf) = vpow2.f32 v29  }
0xad: {  	v32 =	vmov s14;
	s11 =	sshra.s32 s11, $0x2;
	s1 =	sshra.s32 s1, $0x1F;
	s18 =	smul.u32 $0x66666667, s17;
	v24 =	vmul.f32 $1.442695020e+00, v24;
	(erf) = vpow2.f32 v33  }
0xae: {  	v46 =	vmul.f32 $1.442695020e+00, v61;
	v32 =	vsel vm0, s11, v32;
	s14 =	sshrl.u32 s12, $0x1F;
	s23 =	smulhi.u32 $0x66666667, s6;
	s6 =	sshra.s32 s6, $0x1F;
	v29 =	vpop (erf);
	(erf) = vpow2.f32 v54  }
0xaf: {  	v31 =	vnsel vm4, $0x0, v31;
	s10 =	sadd.s32 s10, s26;
	s19 =	sshra.s32 s5, $0x1F;
	s6 =	smul.u32 $0x66666667, s6;
	v15 =	vadd.f32 v29, v15;
	v29 =	vpop (erf);
	(erf) = vpow2.f32 v24  }
0xb0: {  	v16 =	vsel vm1, s25, v16;
	v17 =	vsel vm1, s14, v17;
	s5 =	sshrl.u32 s5, $0x1F;
	s13 =	sadd.s32 s18, s15;
	s22 =	sshra.s32 s10, $0x2;
	v28 =	vsel vm10, s19, v30;
	v55 =	vpop (erf)  }
0xb1: {  	v17 =	vsel vm2, s8, v17;
	s26 =	sshra.s32 s10, $0x1F;
	s25 =	sshrl.u32 s13, $0x1F;
	s6 =	sadd.s32 s6, s23;
	v28 =	vsel vm1, s22, v28;
	v15 =	vadd.f32 v55, v15;
	v24 =	vpop (erf)  }
0xb2: {  	s1 =	smul.u32 $0x66666667, s1;
	s12 =	sshra.s32 s12, $0x2;
	v31 =	vsel vm0, s5, v31;
	v16 =	vsel vm2, s25, v16;
	s28 =	sshra.s32 s6, $0x2;
	v28 =	vsel vm13, s26, v28;
	v57 =	vpop (erf)  }
0xb3: {  	s4 =	sadd.s32 s4, s16;
	s9 =	sshra.s32 s13, $0x2;
	s11 =	sshra.s32 s6, $0x1F;
	v16 =	vcombine.low v17, v16;
	v28 =	vsel vm2, s28, v28;
	v15 =	vadd.f32 v57, v15;
	v58 =	vpop (erf)  }
0xb4: {  	s1 =	sadd.s32 s1, s2;
	s14 =	sshra.s32 s4, $0x2;
	s13 =	sshra.s32 s20, $0x1F;
	v56 =	vsel vm2, s9, v36;
	v30 =	vsel vm1, s12, v32;
	v28 =	vsel vm15, s11, v28;
	v59 =	vpop (erf)  }
0xb5: {  	s15 =	sshra.s32 s4, $0x1F;
	s5 =	smul.u32 $0x66666667, s13;
	s12 =	sshrl.u32 s10, $0x1F;
	v16 =	vperm.xlane v16, v1;
	v28 =	vsel vm5, s14, v28;
	v15 =	vadd.f32 v59, v15;
	v60 =	vpop (erf)  }
0xb6: {  	s16 =	sshra.s32 s1, $0x2;
	s6 =	sshrl.u32 s6, $0x1F;
	v31 =	vsel vm1, s12, v31;
	v30 =	vsel vm2, s0, v30;
	v28 =	vsel vm12, s15, v28;
	v62 =	vpop (erf)  }
0xb7: {  	v63 =	vld [tilespmem:s21+$0x5180];
	s4 =	sshrl.u32 s4, $0x1F;
	s18 =	sshra.s32 s1, $0x1F;
	s17 =	sadd.s32 s5, s3;
	v31 =	vsel vm2, s6, v31;
	v28 =	vsel vm6, s16, v28;
	v15 =	vadd.f32 v62, v15;
	v43 =	vpop (erf)  }
0xb8: {  	v37 =	vld [tilespmem:s21+$0x5100];
	s1 =	sshrl.u32 s1, $0x1F;
	s19 =	sshra.s32 s17, $0x2;
	v31 =	vsel vm5, s4, v31;
	v17 =	vsel vm9, s18, v28;
	v28 =	vcombine.low v30, v56;
	v38 =	vpop (erf)  }
0xb9: {  	v39 =	vld [tilespmem:s21+$0x5080];
	s20 =	sshrl.u32 s17, $0x1F;
	s0 =	sshra.s32 s17, $0x1F;
	v30 =	vsel vm6, s1, v31;
	v17 =	vsel vm7, s19, v17;
	v15 =	vadd.f32 v38, v15  }
0xba: {  	v44 =	vld [tilespmem:s21+$0x4A80];
	s23 =	sshra.s32 s7, $0x2;
	s22 =	sshrl.u32 s7, $0x1F;
	v30 =	vsel vm7, s20, v30;
	v17 =	vsel vm11, s0, v17;
	v28 =	vperm.xlane v28, v1  }
0xbb: {  	v31 =	vld [tilespmem:s21+$0x5280];
	v30 =	vsel vm8, s22, v30;
	v17 =	vsel vm8, s23, v17;
	v15 =	vadd.f32 v43, v15  }
0xbc: {  	v52 =	vmov s24;
	v30 =	vperm.xlane v30, v2;
	v17 =	vperm.xlane v17, v2  }
0xbd: {  	v40 =	vld [tilespmem:s21+$0x4B00];
	v47 =	vmul.f32 $1.442695020e+00, v63;
	v37 =	vmul.f32 $1.442695020e+00, v37;
	v15 =	vadd.f32 v60, v15  }
0xbe: {  	s31 =	simm.s32 $0x10;
	v39 =	vmul.f32 $1.442695020e+00, v39;
	s11 =	simm.s32 $0x80;
	v16 =	vsel vm3, v30, v16;
	v17 =	vsel vm3, v17, v28;
	v28 =	vld [tilespmem:s21+$0x5000]  }
0xbf: {  	s29 =	sand.u32 $0x70, s31;
	v35 =	vmul.f32 $1.442695020e+00, v44;
	s26 =	sor.u32 s11, s31;
	v30 =	vadd.s32 v16, v17;
	v16 =	vld [tilespmem:s21+$0x4B80];
	v15 =	vadd.f32 v58, v15  }
0xc0: {  	v45 =	vsub.s32 $0x0, v19;
	s25 =	sand.u32 $0x400, s11;
	s28 =	sor.u32 $0x380, s26;
	v31 =	vmul.f32 $1.442695020e+00, v31;
	v17 =	vmul.u32 $0xFFFFFFF6, v30  }
0xc1: {  	v49 =	vld [tilespmem:s28+$0x0];
	vm9 =	vlt.s32 v19, $0x1;
	(erf) = vpow2.f32 v35;
	s21 =	sor.u32 s29, s25;
	v15 =	vadd.f32 v24, v15  }
0xc2: {  	vm11 =	vmmov vm10;
	(erf) = vpow2.f32 v31;
	v53 =	vld [tilespmem:s21+$0x0];
	vm10 =	vne.s32 v17, v45  }
0xc3: {  	v48 =	vld [tilespmem:s21+$0x800];
	vm9 =	vmand vm9, vm10;
	v24 =	vmul.f32 $1.442695020e+00, v40;
	v29 =	vadd.f32 v29, v15  }
0xc4: {  	v28 =	vmul.f32 $1.442695020e+00, v28;
	v50 =	vsel vm9, $0xFFFFFFFF, v3;
	v42 =	vmul.f32 $1.442695020e+00, v16  }
0xc5: {  	v41 =	vld [tilespmem:s21+$0x300];
	v16 =	vor.u32 s24, v0;
	(erf) = vpow2.f32 v24;
	v29 =	vadd.f32 v18, v29  }
0xc6: {  	v51 =	vld [tilespmem:s21+$0x100];
	v17 =	vand.u32 $0x7F, v16;
	v16 =	vmul.f32 $1.442695020e+00, v49;
	(erf) = vpow2.f32 v46  }
0xc7: {  	v31 =	vld [tilespmem:s21+$0x80];
	v55 =	vmul.f32 $1.442695020e+00, v53;
	(erf) = vpow2.f32 v42;
	v29 =	vadd.f32 v25, v29  }
0xc8: {  	v15 =	vmul.f32 $1.442695020e+00, v48;
	v24 =	vshll.u32 v52, $0x3;
	(erf) = vpow2.f32 v47  }
0xc9: {  	v24 =	vand.u32 $0x400, v24;
	(erf) = vpow2.f32 v28;
	v27 =	vadd.f32 v27, v29  }
0xca: {  	v18 =	vmul.f32 $1.442695020e+00, v41;
	v54 =	vor.u32 v24, v17;
	(erf) = vpow2.f32 v37  }
0xcb: {  	v25 =	vmul.f32 $1.442695020e+00, v51;
	(erf) = vpow2.f32 v39;
	v26 =	vadd.f32 v26, v27  }
0xcc: {  	v28 =	vshll.u32 v19, $0x8;
	v19 =	vshll.u32 v19, $0x7;
	v29 =	vmul.f32 $1.442695020e+00, v31;
	v31 =	vpop (erf)  }
0xcd: {  	(erf) = vpow2.f32 v55;
	v27 =	vadd.s32 v50, v30;
	v26 =	vadd.f32 v31, v26;
	v31 =	vpop (erf)  }
0xce: {  	(erf) = vpow2.f32 v29;
	v30 =	vmul.u32 $0xA, v27;
	v29 =	vshll.u32 v27, $0x8;
	v57 =	vpop (erf)  }
0xcf: {  	v27 =	vmul.u32 $0xA00, v27;
	v29 =	vand.u32 $0x300, v29;
	v26 =	vadd.f32 v57, v26;
	v60 =	vpop (erf)  }
0xd0: {  	v56 =	vadd.s32 $0x9, v30;
	v58 =	vadd.s32 $0x6, v30;
	v59 =	vadd.s32 $0x7, v30;
	v47 =	vpop (erf)  }
0xd1: {  	v61 =	vadd.s32 $0x3, v30;
	v62 =	vadd.s32 $0x4, v30;
	v26 =	vadd.f32 v47, v26;
	v48 =	vpop (erf)  }
0xd2: {  	v63 =	vadd.s32 $0x5, v30;
	v27 =	vand.u32 $0xFFFFF800, v27;
	v32 =	vor.u32 v29, v54;
	v50 =	vpop (erf)  }
0xd3: {  	v30 =	vadd.s32 $0x2, v30;
	v49 =	vshll.u32 v56, $0x8;
	v26 =	vadd.f32 v50, v26;
	v43 =	vpop (erf)  }
0xd4: {  	v33 =	vshll.u32 v56, $0x7;
	v51 =	vshll.u32 v59, $0x8;
	v29 =	vor.u32 v29, v27;
	v45 =	vpop (erf)  }
0xd5: {  	v44 =	vshll.u32 v58, $0x8;
	v34 =	vshll.u32 v58, $0x7;
	v26 =	vadd.f32 v45, v26  }
0xd6: {  	v35 =	vshll.u32 v59, $0x7;
	v52 =	vshll.u32 v63, $0x8;
	v39 =	vshll.u32 v63, $0x7  }
0xd7: {  	v46 =	vshll.u32 v61, $0x8;
	v38 =	vshll.u32 v62, $0x7;
	v26 =	vadd.f32 v43, v26  }
0xd8: {  	v27 =	vor.u32 v27, v32;
	v53 =	vshll.u32 v61, $0x7;
	v54 =	vshll.u32 v30, $0x8  }
0xd9: {  	v30 =	vshll.u32 v30, $0x7;
	v41 =	vand.u32 $0xFFFFF800, v49;
	v26 =	vadd.f32 v48, v26  }
0xda: {  	v55 =	vor.u32 v24, v29;
	v29 =	vand.u32 $0x380, v33;
	v57 =	vand.u32 $0xFFFFF800, v54  }
0xdb: {  	v30 =	vand.u32 $0x300, v30;
	v58 =	vor.u32 $0x80, v27;
	v26 =	vadd.f32 v60, v26  }
0xdc: {  	v59 =	vand.u32 $0xFFFFF800, v46;
	v47 =	vshll.u32 v62, $0x8;
	v30 =	vor.u32 v57, v30  }
0xdd: {  	v30 =	vor.u32 v24, v30;
	v26 =	vadd.f32 v31, v26;
	v31 =	vand.u32 $0x380, v53  }
0xde: {  	v60 =	vor.u32 v17, v30;
	v30 =	vor.u32 v59, v31;
	v31 =	vand.u32 $0xFFFFF800, v47  }
0xdf: {  	v23 =	vadd.f32 v23, v26;
	v26 =	vor.u32 v24, v30;
	v30 =	vand.u32 $0x300, v38  }
0xe0: {  	v61 =	vor.u32 v17, v26;
	v26 =	vor.u32 v31, v30;
	v31 =	vand.u32 $0xFFFFF800, v52  }
0xe1: {  	v22 =	vadd.f32 v22, v23;
	v23 =	vor.u32 v24, v26;
	v26 =	vand.u32 $0x380, v39  }
0xe2: {  	v56 =	vand.u32 $0xFFFFF800, v44;
	v27 =	vld.idx.msk [tilespmem:v27+s30+$0x0], $0xffff;
	v30 =	vor.u32 v17, v23;
	v23 =	vor.u32 v31, v26  }
0xe3: {  	v34 =	vand.u32 $0x300, v34;
	v22 =	vadd.f32 v21, v22;
	v21 =	vor.u32 v24, v23  }
0xe4: {  	v42 =	vand.u32 $0xFFFFF800, v51;
	v35 =	vand.u32 $0x380, v35;
	v31 =	vld.idx.msk [tilespmem:v58+s30+$0x0], $0xffff;
	v23 =	vor.u32 v56, v34  }
0xe5: {  	v32 =	vor.u32 v41, v29;
	v33 =	vor.u32 v17, v55;
	v63 =	vor.u32 v42, v35;
	v26 =	vld.idx.msk [tilespmem:v60+s30+$0x0], $0xffff  }
0xe6: {  	v29 =	vor.u32 v17, v21;
	v62 =	vor.u32 v24, v23;
	v34 =	vadd.f32 v20, v22;
	v20 =	vld.idx.msk [tilespmem:v61+s30+$0x0], $0xffff;
	v21 =	vpop (erf)  }
0xe7: {  	s0 =	simm.s32 $0x20;
	v36 =	vor.u32 v24, v63;
	v35 =	vmul.f32 $1.442695020e+00, v27;
	v22 =	vld [tilespmem:s21+$0x180];
	v27 =	vor.u32 v17, v62;
	v23 =	vpop (erf)  }
.LBB2_3:
0xe8: {  	_ = 	snop  }
0xe9: {  	v14 =	vadd.f32 v14, v34  }
0xea: {  	v30 =	vld.idx.msk [tilespmem:v30+s30+$0x0], $0xffff;
	v54 =	vor.u32 v17, v36;
	v33 =	vadd.s32 $0x800, v33;
	v31 =	vmul.f32 $1.442695020e+00, v31  }
0xeb: {  	v55 =	vld [tilespmem:s21+$0x200];
	v28 =	vand.u32 $0xFFFFF800, v28;
	(erf) = vpow2.f32 v35;
	v13 =	vadd.f32 v13, v14  }
0xec: {  	v19 =	vand.u32 $0x380, v19;
	v40 =	vld [tilespmem:s21+$0x3980];
	v14 =	vmul.f32 $1.442695020e+00, v26;
	(erf) = vpow2.f32 v31  }
0xed: {  	v32 =	vor.u32 v24, v32;
	v19 =	vor.u32 v28, v19;
	v26 =	vld.idx.msk [tilespmem:v29+s30+$0x0], $0xffff;
	v12 =	vadd.f32 v12, v13  }
0xee: {  	v29 =	vld [tilespmem:s21+$0x280];
	v13 =	vmul.f32 $1.442695020e+00, v20;
	v31 =	vor.u32 v17, v32;
	(erf) = vpow2.f32 v14  }
0xef: {  	v20 =	vld.idx.msk [tilespmem:v27+s30+$0x0], $0xffff;
	v11 =	vadd.f32 v11, v12;
	v14 =	vmul.f32 $1.442695020e+00, v22;
	(erf) = vpow2.f32 v25  }
0xf0: {  	v19 =	vor.u32 v24, v19;
	v12 =	vmul.f32 $1.442695020e+00, v30;
	v22 =	vld.idx.msk [tilespmem:v54+s30+$0x0], $0xffff;
	(erf) = vpow2.f32 v13  }
0xf1: {  	v24 =	vld [tilespmem:s21+$0x6180];
	v10 =	vadd.f32 v10, v11;
	v13 =	vmul.f32 $1.442695020e+00, v55;
	(erf) = vpow2.f32 v14  }
0xf2: {  	v17 =	vor.u32 v17, v19;
	v19 =	vld [tilespmem:s21+$0x6100];
	v11 =	vmul.f32 $1.442695020e+00, v26;
	(erf) = vpow2.f32 v12  }
0xf3: {  	v14 =	vld.idx.msk [tilespmem:v33+s30+$0x0], $0xffff;
	v9 =	vadd.f32 v9, v10;
	v12 =	vmul.f32 $1.442695020e+00, v29;
	(erf) = vpow2.f32 v13  }
0xf4: {  	v10 =	vmul.f32 $1.442695020e+00, v20;
	v20 =	vpop (erf);
	v13 =	vld.idx.msk [tilespmem:v31+s30+$0x0], $0xffff;
	(erf) = vpow2.f32 v11  }
0xf5: {  	v25 =	vld [tilespmem:s21+$0x880];
	v8 =	vadd.f32 v8, v9;
	(erf) = vpow2.f32 v12;
	v12 =	vmul.f32 $1.442695020e+00, v22;
	v22 =	vpop (erf)  }
0xf6: {  	v44 =	vmul.f32 $1.442695020e+00, v40;
	v11 =	vld [tilespmem:s21+$0x6080];
	(erf) = vpow2.f32 v10;
	v9 =	vadd.f32 v22, v20  }
0xf7: {  	v7 =	vadd.f32 v7, v8;
	v10 =	vadd.f32 v23, v21;
	v20 =	vld [tilespmem:s21+$0x900];
	(erf) = vpow2.f32 v18;
	v18 =	vpop (erf)  }
0xf8: {  	v14 =	vmul.f32 $1.442695020e+00, v14;
	v21 =	vpop (erf);
	(erf) = vpow2.f32 v12;
	v8 =	vadd.f32 v18, v9;
	v9 =	vld.idx.msk [tilespmem:v17+s30+$0x0], $0xffff  }
0xf9: {  	v12 =	vmul.f32 $1.442695020e+00, v13;
	v10 =	vadd.f32 v21, v10;
	v17 =	vld [tilespmem:s21+$0x6000];
	(erf) = vpow2.f32 v16;
	v13 =	vpop (erf)  }
0xfa: {  	v6 =	vadd.f32 v6, v7;
	v16 =	vld [tilespmem:s21+$0x980];
	v18 =	vpop (erf);
	(erf) = vpow2.f32 v14;
	v7 =	vadd.f32 v13, v8  }
0xfb: {  	v21 =	vmul.f32 $1.442695020e+00, v25;
	v14 =	vld [tilespmem:s21+$0x5B80];
	v8 =	vadd.f32 v18, v10;
	(erf) = vpow2.f32 v15;
	v13 =	vpop (erf)  }
0xfc: {  	v5 =	vadd.f32 v5, v6;
	v15 =	vld [tilespmem:s21+$0xA00];
	v18 =	vpop (erf);
	(erf) = vpow2.f32 v12;
	v6 =	vadd.f32 v13, v7  }
0xfd: {  	v7 =	vadd.f32 v18, v8;
	v13 =	vmul.f32 $1.442695020e+00, v20;
	v18 =	vld [tilespmem:s21+$0x5B00];
	(erf) = vpow2.f32 v21;
	v10 =	vpop (erf)  }
0xfe: {  	v20 =	vld [tilespmem:s21+$0xA80];
	v12 =	vpop (erf);
	v9 =	vmul.f32 $1.442695020e+00, v9;
	(erf) = vrcp.f32 v5;
	v6 =	vadd.f32 v10, v6  }
0xff: {  	v21 =	vld [tilespmem:s21+$0x5A00];
	v22 =	vmul.f32 $1.442695020e+00, v16;
	v5 =	vadd.f32 v12, v7;
	(erf) = vpow2.f32 v13;
	v8 =	vpop (erf)  }
0x100: {  	v16 =	vld [tilespmem:s21+$0x5A80];
	v12 =	vmul.f32 $1.442695020e+00, v24;
	v10 =	vpop (erf);
	(erf) = vpow2.f32 v9;
	v6 =	vadd.f32 v8, v6  }
0x101: {  	v23 =	vmul.f32 $1.442695020e+00, v15;
	v9 =	vld [tilespmem:s21+$0xB00];
	v5 =	vadd.f32 v10, v5;
	(erf) = vpow2.f32 v22;
	v7 =	vpop (erf)  }
0x102: {  	v13 =	vmul.f32 $1.442695020e+00, v19;
	v15 =	vld [tilespmem:s21+$0xB80];
	v10 =	vmul.f32 $1.442695020e+00, v11;
	v11 =	vpop (erf);
	v6 =	vadd.f32 v7, v6  }
0x103: {  	v22 =	vld [tilespmem:s21+$0x1000];
	v19 =	vmul.f32 $1.442695020e+00, v20;
	(erf) = vpow2.f32 v23;
	v7 =	vadd.f32 v11, v5;
	v8 =	vpop (erf)  }
0x104: {  	v20 =	vld [tilespmem:s21+$0x5980];
	v5 =	vmul.f32 $1.442695020e+00, v14;
	v11 =	vmul.f32 $1.442695020e+00, v17;
	v14 =	vpop (erf);
	v8 =	vadd.f32 v8, v6  }
0x105: {  	v17 =	vld [tilespmem:s21+$0x1200];
	(erf) = vpow2.f32 v19;
	v14 =	vadd.f32 v14, v7;
	v6 =	vmul.f32 $1.442695020e+00, v18;
	v18 =	vpop (erf)  }
0x106: {  	v19 =	vld [tilespmem:s21+$0x1080];
	v9 =	vmul.f32 $1.442695020e+00, v9;
	v7 =	vmul.f32 $1.442695020e+00, v16;
	v16 =	vpop (erf);
	v18 =	vadd.f32 v18, v8  }
0x107: {  	v23 =	vld [tilespmem:s21+$0x1100];
	v15 =	vmul.f32 $1.442695020e+00, v15;
	v14 =	vadd.f32 v16, v14;
	v8 =	vmul.f32 $1.442695020e+00, v21;
	v21 =	vpop (erf)  }
0x108: {  	v16 =	vld [tilespmem:s21+$0x1180];
	v24 =	vpop (erf);
	(erf) = vpow2.f32 v9;
	v18 =	vmul.f32 v18, v21  }
0x109: {  	v22 =	vmul.f32 $1.442695020e+00, v22;
	v9 =	vmul.f32 $1.442695020e+00, v20;
	v14 =	vadd.f32 v24, v14;
	v20 =	vpop (erf)  }
0x10a: {  	v24 =	vpop (erf);
	(erf) = vpow2.f32 v15;
	v15 =	vadd.f32 $1.000000000e+00, v18;
	v18 =	vmul.f32 v20, v21  }
0x10b: {  	v19 =	vmul.f32 $1.442695020e+00, v19;
	v14 =	vadd.f32 v24, v14;
	v20 =	vmul.f32 $1.442695020e+00, v17  }
0x10c: {  	v21 =	vpop (erf);
	(erf) = vpow2.f32 v22;
	v17 =	vadd.f32 $9.999999970e-07, v15;
	v18 =	vadd.f32 $9.999999970e-07, v18  }
0x10d: {  	v16 =	vmul.f32 $1.442695020e+00, v16;
	v14 =	vadd.f32 v21, v14;
	v15 =	vmul.f32 $1.442695020e+00, v23  }
0x10e: {  	v21 =	vld [tilespmem:s21+$0x2280];
	v22 =	vpop (erf);
	(erf) = vpow2.f32 v19;
	v19 =	vand.u32 $0x7FFFFF, v17;
	v23 =	vand.u32 $0x7FFFFF, v18  }
0x10f: {  	v14 =	vadd.f32 v22, v14;
	v22 =	vld [tilespmem:s21+$0x1280];
	v19 =	vor.u32 $0x3F000000, v19;
	v23 =	vor.u32 $0x3F000000, v23  }
0x110: {  	(erf) = vpow2.f32 v15;
	v15 =	vadd.f32 v19, v19;
	v24 =	vadd.f32 v23, v23  }
0x111: {  	v25 =	vld [tilespmem:s21+$0x1300];
	v26 =	vpop (erf);
	(erf) = vpow2.f32 v16;
	vm9 =	vlt.f32 v19, $7.071067690e-01;
	vm10 =	vlt.f32 v23, $7.071067690e-01  }
0x112: {  	v27 =	vld [tilespmem:s21+$0x2180];
	v26 =	vadd.f32 v26, v14;
	v15 =	vsel vm9, v15, v19;
	v19 =	vsel vm10, v24, v23  }
0x113: {  	v14 =	vmul.f32 $1.442695020e+00, v21;
	v23 =	vld [tilespmem:s21+$0x1380];
	v21 =	vpop (erf);
	v16 =	vadd.f32 $-1.000000000e+00, v15;
	v15 =	vadd.f32 $-1.000000000e+00, v19  }
0x114: {  	(erf) = vpow2.f32 v20;
	v20 =	vld [tilespmem:s21+$0x1800];
	v19 =	vadd.f32 v21, v26;
	v21 =	vmul.f32 $1.442695020e+00, v22  }
0x115: {  	v40 =	vld [tilespmem:s21+$0x4200];
	v22 =	vpop (erf);
	v24 =	vmul.f32 $7.037683580e-02, v16;
	v26 =	vmul.f32 $7.037683580e-02, v15  }
0x116: {  	v19 =	vadd.f32 v22, v19;
	v22 =	vmul.f32 $1.442695020e+00, v25;
	(erf) = vpow2.f32 v21;
	v21 =	vld [tilespmem:s21+$0x1880]  }
0x117: {  	v27 =	vmul.f32 $1.442695020e+00, v27;
	v28 =	vpop (erf);
	v24 =	vadd.f32 $-1.151461010e-01, v24;
	v26 =	vadd.f32 $-1.151461010e-01, v26  }
0x118: {  	v19 =	vadd.f32 v28, v19;
	v23 =	vmul.f32 $1.442695020e+00, v23;
	(erf) = vpow2.f32 v22;
	v22 =	vld [tilespmem:s21+$0x1900]  }
0x119: {  	v25 =	vld [tilespmem:s21+$0x2100];
	v28 =	vpop (erf);
	v20 =	vmul.f32 $1.442695020e+00, v20;
	v24 =	vmul.f32 v24, v16  }
0x11a: {  	v26 =	vmul.f32 v26, v15;
	v19 =	vadd.f32 v28, v19;
	v29 =	vpop (erf);
	(erf) = vpow2.f32 v23;
	v23 =	vld [tilespmem:s21+$0x1980]  }
0x11b: {  	v40 =	vmul.f32 $1.442695020e+00, v40;
	v21 =	vmul.f32 $1.442695020e+00, v21;
	v24 =	vadd.f32 $1.167699840e-01, v24  }
0x11c: {  	v28 =	vld [tilespmem:s21+$0x2080];
	(erf) = vpow2.f32 v20;
	v26 =	vadd.f32 $1.167699840e-01, v26;
	v19 =	vadd.f32 v29, v19  }
0x11d: {  	v20 =	vld [tilespmem:s21+$0x1A00];
	v29 =	vpop (erf);
	v22 =	vmul.f32 $1.442695020e+00, v22;
	v24 =	vmul.f32 v24, v16  }
0x11e: {  	(erf) = vpow2.f32 v21;
	v21 =	vld [tilespmem:s21+$0x2000];
	v26 =	vmul.f32 v26, v15;
	v19 =	vadd.f32 v29, v19  }
0x11f: {  	v25 =	vmul.f32 $1.442695020e+00, v25;
	v29 =	vpop (erf);
	v23 =	vmul.f32 $1.442695020e+00, v23;
	v24 =	vadd.f32 $-1.242014100e-01, v24  }
0x120: {  	(erf) = vpow2.f32 v22;
	v26 =	vadd.f32 $-1.242014100e-01, v26;
	v19 =	vadd.f32 v29, v19  }
0x121: {  	v28 =	vmul.f32 $1.442695020e+00, v28;
	v29 =	vpop (erf);
	v24 =	vmul.f32 v24, v16  }
0x122: {  	(erf) = vpow2.f32 v23;
	v23 =	vld [tilespmem:s21+$0x1A80];
	v26 =	vmul.f32 v26, v15;
	v19 =	vadd.f32 v29, v19  }
0x123: {  	v22 =	vld [tilespmem:s21+$0x1B80];
	v20 =	vmul.f32 $1.442695020e+00, v20;
	v21 =	vmul.f32 $1.442695020e+00, v21;
	v29 =	vpop (erf);
	v24 =	vadd.f32 $1.424932330e-01, v24  }
0x124: {  	(erf) = vpow2.f32 v27;
	v26 =	vadd.f32 $1.424932330e-01, v26;
	v19 =	vadd.f32 v29, v19  }
0x125: {  	v17 =	vshrl.u32 v17, $0x17;
	(erf) = vpow2.f32 v20;
	v20 =	vld [tilespmem:s21+$0x1B00];
	v27 =	vpop (erf);
	v24 =	vmul.f32 v24, v16  }
0x126: {  	(erf) = vpow2.f32 v25;
	v26 =	vmul.f32 v26, v15;
	v19 =	vadd.f32 v27, v19  }
0x127: {  	v27 =	vpop (erf);
	(erf) = vpow2.f32 v28;
	v23 =	vmul.f32 $1.442695020e+00, v23;
	v24 =	vadd.f32 $-1.666805740e-01, v24  }
0x128: {  	v22 =	vmul.f32 $1.442695020e+00, v22;
	(erf) = vpow2.f32 v21;
	v26 =	vadd.f32 $-1.666805740e-01, v26  }
0x129: {  	v19 =	vadd.f32 v27, v19;
	v21 =	vpop (erf);
	(erf) = vpow2.f32 v23;
	v24 =	vmul.f32 v24, v16  }
0x12a: {  	v17 =	vand.u32 $0xFF, v17;
	v27 =	vmul.f32 $1.442695020e+00, v20;
	v26 =	vmul.f32 v26, v15  }
0x12b: {  	v25 =	vld [tilespmem:s21+$0x2200];
	v19 =	vadd.f32 v21, v19;
	v21 =	vpop (erf);
	(erf) = vpow2.f32 v22;
	v22 =	vadd.f32 $2.000071410e-01, v24  }
0x12c: {  	v31 =	vsel vm9, $0xFFFFFFFF, v3;
	(erf) = vpow2.f32 v27;
	v23 =	vadd.f32 $2.000071410e-01, v26  }
0x12d: {  	v18 =	vshrl.u32 v18, $0x17;
	v17 =	vadd.s32 v31, v17;
	v22 =	vmul.f32 v22, v16  }
0x12e: {  	v17 =	vadd.s32 $0xFFFFFF82, v17;
	v19 =	vadd.f32 v21, v19;
	v20 =	vpop (erf);
	v23 =	vmul.f32 v23, v15  }
0x12f: {  	v17 =	vcvt.s32.f32 v17;
	v28 =	vmul.f32 v15, v15;
	v24 =	vpop (erf);
	v22 =	vadd.f32 $-2.499999400e-01, v22  }
0x130: {  	v21 =	vmul.f32 $1.442695020e+00, v25;
	v19 =	vadd.f32 v24, v19;
	v24 =	vpop (erf);
	v23 =	vadd.f32 $-2.499999400e-01, v23  }
0x131: {  	v18 =	vand.u32 $0xFF, v18;
	v26 =	vmul.f32 v16, v16;
	v25 =	vpop (erf);
	v22 =	vmul.f32 v22, v16  }
0x132: {  	v56 =	vmul.f32 v28, v15;
	v27 =	vsel vm10, $0xFFFFFFFF, v3;
	v30 =	vpop (erf);
	v23 =	vmul.f32 v23, v15  }
0x133: {  	v18 =	vadd.s32 v27, v18;
	v59 =	vmul.f32 v26, v16;
	v58 =	vpop (erf);
	v22 =	vadd.f32 $3.333333130e-01, v22  }
0x134: {  	v31 =	vld [tilespmem:s21+$0x2300];
	v18 =	vadd.s32 $0xFFFFFF82, v18;
	v19 =	vadd.f32 v58, v19;
	v61 =	vpop (erf);
	v23 =	vadd.f32 $3.333333130e-01, v23  }
0x135: {  	v62 =	vld [tilespmem:s21+$0x5300];
	v18 =	vcvt.s32.f32 v18;
	v37 =	vpop (erf);
	v22 =	vmul.f32 v22, v59  }
0x136: {  	(erf) = vpow2.f32 v21;
	v21 =	vld [tilespmem:s21+$0x2800];
	v19 =	vadd.f32 v37, v19;
	v23 =	vmul.f32 v23, v56  }
0x137: {  	v63 =	vld [tilespmem:s21+$0x2380];
	v28 =	vmul.f32 $5.000000000e-01, v28;
	v16 =	vadd.f32 v22, v16;
	v22 =	vmul.f32 $5.000000000e-01, v26  }
0x138: {  	v29 =	vld [tilespmem:s21+$0x5900];
	v18 =	vmul.f32 $6.931471820e-01, v18;
	v19 =	vadd.f32 v61, v19;
	v15 =	vadd.f32 v23, v15  }
0x139: {  	v27 =	vld [tilespmem:s21+$0x5880];
	v26 =	vmul.f32 $1.442695020e+00, v31;
	v16 =	vsub.f32 v16, v22;
	v22 =	vmul.f32 $6.931471820e-01, v17  }
0x13a: {  	(erf) = vpow2.f32 v14;
	v14 =	vld [tilespmem:s21+$0x2880];
	v19 =	vadd.f32 v30, v19;
	v15 =	vsub.f32 v15, v28  }
0x13b: {  	s17 =	rddreg [dreg:$0x4];
	s1 =	sand.u32 $0x80, s31;
	v31 =	vmul.f32 $1.442695020e+00, v21;
	v30 =	vld [tilespmem:s21+$0x2980];
	(erf) = vpow2.f32 v26;
	v16 =	vadd.f32 v16, v22  }
0x13c: {  	[dreg:$0x6] =	wrdreg s0;
	p0 =	sne.s32 s0, $0xF0;
	s0 =	sadd.s32 s1, s17;
	v28 =	vld [tilespmem:s21+$0x5200];
	v15 =	vadd.f32 v15, v18;
	v18 =	vadd.f32 v25, v19;
	v19 =	vmul.f32 $1.442695020e+00, v63  }
0x13d: {  	s0 =	sadd.s32 s29, s0;
	v17 =	vmul.f32 $1.442695020e+00, v29;
	v25 =	vld [tilespmem:s21+$0x2900];
	v26 =	vmul.f32 $-2.325441540e-01, v16  }
0x13e: {  	v15 =	vmul.f32 $3.678794500e-01, v15;
	v24 =	vadd.f32 v24, v18;
	(erf) = vpow2.f32 v19;
	v19 =	vld [tilespmem:s0+$0x0]  }
0x13f: {  	v29 =	vld [tilespmem:s21+$0x2A00];
	v37 =	vmul.f32 $1.442695020e+00, v14;
	v14 =	vmul.f32 $1.442695020e+00, v62  }
0x140: {  	v22 =	vld [tilespmem:s21+$0x5180];
	(erf) = vpow2.f32 v31;
	v26 =	vadd.f32 v26, v15;
	v20 =	vadd.f32 v20, v24  }
0x141: {  	v23 =	vld [tilespmem:s21+$0x5280];
	v21 =	vpop (erf);
	v18 =	vmul.f32 $1.442695020e+00, v27;
	(erf) = vpow2.f32 v37  }
0x142: {  	v27 =	vld [tilespmem:s21+$0x5100];
	v25 =	vmul.f32 $1.442695020e+00, v25;
	v4 =	vadd.f32 v26, v4;
	v21 =	vadd.f32 v21, v20  }
0x143: {  	v26 =	vld [tilespmem:s21+$0x2A80];
	v20 =	vmul.f32 $1.442695020e+00, v28;
	v24 =	vpop (erf);
	v28 =	vmul.f32 $1.442695020e+00, v30;
	(v2sf) =	vpush v19, $0xF  }
0x144: {  	v57 =	vld [tilespmem:s21+$0x5800];
	(erf) = vpow2.f32 v25;
	v24 =	vadd.f32 v24, v21;
	(v2sf) =	vpush v19, $0xB  }
0x145: {  	v30 =	vld [tilespmem:s21+$0x2B00];
	v25 =	vmul.f32 $1.442695020e+00, v29;
	v21 =	vmul.f32 $1.442695020e+00, v22;
	v22 =	vpop (erf)  }
0x146: {  	v29 =	vld [tilespmem:s21+$0x2B80];
	(erf) = vpow2.f32 v28;
	(v2sf) =	vpush v19, $0x6;
	v24 =	vadd.f32 v22, v24  }
0x147: {  	v23 =	vmul.f32 $1.442695020e+00, v23;
	v22 =	vmul.f32 $1.442695020e+00, v27;
	(v2sf) =	vpush v19, $0xE;
	v27 =	vpop (erf)  }
0x148: {  	v26 =	vmul.f32 $1.442695020e+00, v26;
	(erf) = vpow2.f32 v25;
	v24 =	vadd.f32 v27, v24;
	v27 =	vld [tilespmem:s21+$0x3000]  }
0x149: {  	v16 =	vmul.f32 $1.442695020e+00, v57;
	(v2sf) =	vpush v19, $0xA;
	v28 =	vpop (erf);
	(erf) = vpow2.f32 v12  }
0x14a: {  	v52 =	vld [tilespmem:s21+$0x4100];
	v25 =	vmul.f32 $1.442695020e+00, v30;
	(erf) = vpow2.f32 v26;
	v12 =	vadd.f32 v28, v24  }
0x14b: {  	(v2sf) =	vpush v19, $0xD;
	v26 =	vmul.f32 $1.442695020e+00, v29;
	v24 =	vld [tilespmem:s21+$0x3080];
	v28 =	vpop (erf);
	(erf) = vpow2.f32 v13  }
0x14c: {  	v60 =	vld [tilespmem:s21+$0x5380];
	(v2sf) =	vpush v19, $0x9;
	(erf) = vpow2.f32 v25;
	v12 =	vadd.f32 v28, v12  }
0x14d: {  	v13 =	vld [tilespmem:s21+$0x3100];
	v25 =	vmul.f32 $1.442695020e+00, v27;
	v27 =	vpop (erf);
	(erf) = vpow2.f32 v10  }
0x14e: {  	v29 =	vld [tilespmem:s21+$0x4B80];
	(v2sf) =	vpush v19, $0x5;
	v10 =	vadd.f32 v27, v12;
	(erf) = vpow2.f32 v26  }
0x14f: {  	v57 =	vmul.f32 $1.442695020e+00, v52;
	(v2sf) =	vpush v19, $0xC;
	v12 =	vld [tilespmem:s21+$0x3180];
	v26 =	vpop (erf);
	(erf) = vpow2.f32 v11  }
0x150: {  	v24 =	vmul.f32 $1.442695020e+00, v24;
	v11 =	vld [tilespmem:s21+$0x5080];
	v10 =	vadd.f32 v26, v10;
	(erf) = vpow2.f32 v25  }
0x151: {  	v15 =	vmul.f32 $1.442695020e+00, v60;
	(v2sf) =	vpush v19, $0x8;
	v25 =	vld [tilespmem:s21+$0x3200];
	v26 =	vpop (erf);
	(erf) = vpow2.f32 v5  }
0x152: {  	v27 =	vld [tilespmem:s21+$0x5000];
	v13 =	vmul.f32 $1.442695020e+00, v13;
	v5 =	vpop (erf);
	v10 =	vadd.f32 v26, v10;
	(erf) = vpow2.f32 v24;
	s3 =	spop (v2sf)  }
0x153: {  	(v2sf) =	vpush v19, $0x4;
	v30 =	vmul.f32 $1.442695020e+00, v29;
	v24 =	vld [tilespmem:s21+$0x3280];
	v26 =	vpop (erf);
	(erf) = vpow2.f32 v6;
	s18 =	smulhi.u32 $0x66666667, s3;
	s5 =	spop (v2sf)  }
0x154: {  	s25 =	rddreg [dreg:$0x6];
	v12 =	vmul.f32 $1.442695020e+00, v12;
	v6 =	vpop (erf);
	v10 =	vadd.f32 v26, v10;
	(erf) = vpow2.f32 v13;
	s19 =	smulhi.u32 $0x66666667, s5  }
0x155: {  	(v2sf) =	vpush v19, $0x3;
	v13 =	vld [tilespmem:s21+$0x3300];
	v26 =	vmul.f32 $1.442695020e+00, v11;
	v11 =	vpop (erf);
	s20 =	spop (v2sf);
	s5 =	sshra.s32 s5, $0x1F;
	[dreg:$0x11] =	wrdreg s18;
	(erf) = vpow2.f32 v7  }
0x156: {  	[dreg:$0x9] =	wrdreg s20;
	s0 =	smulhi.u32 $0x66666667, s20;
	v10 =	vadd.f32 v11, v10;
	v11 =	vmul.f32 $1.442695020e+00, v25;
	v25 =	vld [tilespmem:s21+$0x4B00];
	(erf) = vpow2.f32 v12;
	v7 =	vpop (erf)  }
0x157: {  	(v2sf) =	vpush v19, $0x2;
	v28 =	vmul.f32 $1.442695020e+00, v27;
	s18 =	spop (v2sf);
	s30 =	smul.u32 $0x66666667, s5;
	v12 =	vld [tilespmem:s21+$0x3380];
	v27 =	vpop (erf);
	(erf) = vpow2.f32 v8  }
0x158: {  	s8 =	smulhi.u32 $0x66666667, s18;
	s20 =	spop (v2sf);
	v24 =	vmul.f32 $1.442695020e+00, v24;
	v10 =	vadd.f32 v27, v10;
	v27 =	vld [tilespmem:s21+$0x4A80];
	(erf) = vpow2.f32 v11;
	v8 =	vpop (erf)  }
0x159: {  	(v2sf) =	vpush v19, $0x1;
	[dreg:$0x15] =	wrdreg s19;
	s18 =	sshra.s32 s18, $0x1F;
	s22 =	smulhi.u32 $0x66666667, s20;
	v11 =	vld [tilespmem:s21+$0x3800];
	v29 =	vpop (erf);
	(erf) = vpow2.f32 v9  }
0x15a: {  	v42 =	vld [tilespmem:s21+$0x4800];
	s17 =	spop (v2sf);
	s18 =	smul.u32 $0x66666667, s18;
	v13 =	vmul.f32 $1.442695020e+00, v13;
	v38 =	vadd.f32 v29, v10;
	(erf) = vpow2.f32 v24;
	v9 =	vpop (erf)  }
0x15b: {  	(v2sf) =	vpush v19, $0x0;
	s4 =	smulhi.u32 $0x66666667, s17;
	s19 =	spop (v2sf);
	v24 =	vld [tilespmem:s21+$0x3880];
	v31 =	vmul.f32 $1.442695020e+00, v25;
	v25 =	vpop (erf);
	(erf) = vpow2.f32 v17  }
0x15c: {  	s5 =	sshra.s32 s20, $0x1F;
	s17 =	sshra.s32 s17, $0x1F;
	s6 =	smulhi.u32 $0x66666667, s19;
	v29 =	vld [tilespmem:s21+$0x4A00];
	v39 =	vmul.f32 $1.442695020e+00, v12;
	v17 =	vadd.f32 v25, v38;
	(erf) = vpow2.f32 v13;
	v10 =	vpop (erf)  }
0x15d: {  	(v2sf) =	vpush v19, $0x7;
	s14 =	spop (v2sf);
	s20 =	smul.u32 $0x66666667, s17;
	s19 =	sshra.s32 s19, $0x1F;
	v13 =	vld [tilespmem:s21+$0x3900];
	v33 =	vmul.f32 $1.442695020e+00, v27;
	v27 =	vpop (erf);
	(erf) = vpow2.f32 v18  }
0x15e: {  	s11 =	sadd.s32 $0x80, s11;
	s28 =	rddreg [dreg:$0x6];
	s23 =	smulhi.u32 $0x66666667, s14;
	v18 =	vmul.f32 $1.442695020e+00, v11;
	v17 =	vadd.f32 v27, v17;
	v27 =	vld [tilespmem:s21+$0x4900];
	(erf) = vpow2.f32 v39;
	v11 =	vpop (erf)  }
0x15f: {  	s29 =	sand.u32 $0x70, s25;
	s19 =	smul.u32 $0x66666667, s19;
	s17 =	sshra.s32 s14, $0x1F;
	v38 =	vmul.f32 $1.442695020e+00, v42;
	v12 =	vpop (erf);
	(erf) = vpow2.f32 v16  }
0x160: {  	s1 =	sor.u32 s11, s28;
	[dreg:$0x7] =	wrdreg s0;
	s17 =	smul.u32 $0x66666667, s17;
	v25 =	vld [tilespmem:s21+$0x4980];
	v16 =	vadd.f32 v12, v17;
	v17 =	vmul.f32 $1.442695020e+00, v24;
	(erf) = vpow2.f32 v18;
	v12 =	vpop (erf)  }
0x161: {  	s28 =	sor.u32 $0x380, s1;
	[dreg:$0xb] =	wrdreg s23;
	s23 =	spop (v2sf);
	v29 =	vmul.f32 $1.442695020e+00, v29;
	v18 =	vld [tilespmem:s21+$0x3A00];
	v41 =	vpop (erf);
	(erf) = vpow2.f32 v15  }
0x162: {  	v47 =	vld [tilespmem:s21+$0x4300];
	s3 =	sshra.s32 s3, $0x1F;
	s7 =	smulhi.u32 $0x66666667, s23;
	s2 =	spop (v2sf);
	v15 =	vadd.f32 v41, v16;
	v16 =	vmul.f32 $1.442695020e+00, v13;
	(erf) = vpow2.f32 v17;
	v13 =	vpop (erf)  }
0x163: {  	[dreg:$0xf] =	wrdreg s22;
	s23 =	sshra.s32 s23, $0x1F;
	s16 =	smulhi.u32 $0x66666667, s2;
	v17 =	vld [tilespmem:s21+$0x3A80];
	v43 =	vmul.f32 $1.442695020e+00, v27;
	v27 =	vpop (erf);
	(erf) = vpow2.f32 v14  }
0x164: {  	s13 =	spop (v2sf);
	s14 =	smul.u32 $0x66666667, s23;
	s2 =	sshra.s32 s2, $0x1F;
	v24 =	vld [tilespmem:s21+$0x4880];
	v15 =	vadd.f32 v27, v15;
	(erf) = vpow2.f32 v16;
	v14 =	vpop (erf)  }
0x165: {  	s20 =	sadd.s32 s20, s4;
	s4 =	sadd.s32 s18, s8;
	s24 =	smulhi.u32 $0x66666667, s13;
	v25 =	vmul.f32 $1.442695020e+00, v25;
	v16 =	vld [tilespmem:s21+$0x3B00];
	v46 =	vpop (erf);
	(erf) = vpow2.f32 v29  }
0x166: {  	s6 =	sadd.s32 s19, s6;
	s12 =	spop (v2sf);
	s23 =	smul.u32 $0x66666667, s2;
	v18 =	vmul.f32 $1.442695020e+00, v18;
	v15 =	vadd.f32 v46, v15;
	(erf) = vpow2.f32 v44;
	v27 =	vpop (erf)  }
0x167: {  	v48 =	vld [tilespmem:s21+$0x3B80];
	v42 =	vmul.f32 $1.442695020e+00, v47;
	s18 =	sshrl.u32 s20, $0x1F;
	s26 =	smulhi.u32 $0x66666667, s12;
	s0 =	spop (v2sf);
	v29 =	vpop (erf);
	(erf) = vpow2.f32 v25  }
0x168: {  	v45 =	vld [tilespmem:s21+$0x4380];
	s19 =	sshrl.u32 s6, $0x1F;
	s12 =	sshra.s32 s12, $0x1F;
	s10 =	smulhi.u32 $0x66666667, s0;
	v49 =	vmul.f32 $1.442695020e+00, v17;
	v15 =	vadd.f32 v29, v15;
	(erf) = vpow2.f32 v18;
	v29 =	vpop (erf)  }
0x169: {  	[dreg:$0xd] =	wrdreg s24;
	s24 =	smul.u32 $0x66666667, s3;
	v24 =	vmul.f32 $1.442695020e+00, v24;
	v18 =	vld [tilespmem:s21+$0x4000];
	v50 =	vpop (erf);
	(erf) = vpow2.f32 v43  }
0x16a: {  	s7 =	sadd.s32 s14, s7;
	s22 =	spop (v2sf);
	s3 =	smul.u32 $0x66666667, s5;
	v25 =	vld [tilespmem:s21+$0x4280];
	v16 =	vmul.f32 $1.442695020e+00, v16;
	v15 =	vadd.f32 v50, v15;
	(erf) = vpow2.f32 v49;
	v32 =	vpop (erf)  }
0x16b: {  	v51 =	vor.u32 s31, v0;
	s5 =	sshra.s32 s13, $0x1F;
	s13 =	sshra.s32 s0, $0x1F;
	s0 =	smul.u32 $0x66666667, s12;
	v41 =	vld [tilespmem:s21+$0x4080];
	v17 =	vpop (erf);
	(erf) = vpow2.f32 v24  }
0x16c: {  	s12 =	rddreg [dreg:$0x11];
	s14 =	sshrl.u32 s7, $0x1F;
	s25 =	spop (v2sf);
	v24 =	vld [tilespmem:s21+$0x4180];
	v15 =	vadd.f32 v17, v15;
	v17 =	vmul.f32 $1.442695020e+00, v48;
	(erf) = vpow2.f32 v16;
	v34 =	vpop (erf)  }
0x16d: {  	vm9 =	vcmask $0x2F2C;
	v39 =	vmul.f32 $1.442695020e+00, v45;
	s7 =	sshra.s32 s7, $0x2;
	s15 =	smulhi.u32 $0x66666667, s22;
	s1 =	spop (v2sf);
	v53 =	vpop (erf);
	(erf) = vpow2.f32 v38  }
0x16e: {  	[dreg:$0x13] =	wrdreg s26;
	s9 =	smulhi.u32 $0x66666667, s1;
	s1 =	sshra.s32 s1, $0x1F;
	v18 =	vmul.f32 $1.442695020e+00, v18;
	v15 =	vadd.f32 v53, v15;
	(erf) = vpow2.f32 v17;
	v35 =	vpop (erf)  }
0x16f: {  	s26 =	sand.u32 $0x400, s11;
	v61 =	vmov s14;
	[dreg:$0x18] =	wrdreg s10;
	s1 =	smul.u32 $0x66666667, s1;
	v25 =	vmul.f32 $1.442695020e+00, v25;
	v16 =	vpop (erf);
	(erf) = vpow2.f32 v39  }
0x170: {  	s10 =	smulhi.u32 $0x66666667, s25;
	s21 =	sor.u32 s29, s26;
	s26 =	sshra.s32 s25, $0x1F;
	v15 =	vadd.f32 v16, v15;
	v16 =	vmul.f32 $1.442695020e+00, v41;
	(erf) = vpow2.f32 v18;
	v36 =	vpop (erf)  }
0x171: {  	s22 =	sshra.s32 s22, $0x1F;
	v63 =	vmov s7;
	s1 =	sadd.s32 s1, s9;
	s25 =	smul.u32 $0x66666667, s26;
	v44 =	vmul.f32 $1.442695020e+00, v24;
	v24 =	vpop (erf);
	(erf) = vpow2.f32 v42  }
0x172: {  	s22 =	smul.u32 $0x66666667, s22;
	v46 =	vmov s31;
	v43 =	vld [tilespmem:s28+$0x0];
	s26 =	sadd.s32 s23, s16;
	s23 =	sshra.s32 s1, $0x1F;
	v24 =	vadd.f32 v24, v15;
	(erf) = vpow2.f32 v16;
	v37 =	vpop (erf)  }
0x173: {  	s2 =	sadd.s32 s24, s12;
	v45 =	vshll.u32 v46, $0x3;
	s28 =	rddreg [dreg:$0x6];
	v55 =	vld [tilespmem:s21+$0x300];
	v47 =	vmov s23;
	s10 =	sadd.s32 s25, s10;
	v18 =	vpop (erf);
	(erf) = vpow2.f32 v25  }
0x174: {  	s31 =	smov.u32 s28;
	v54 =	vld [tilespmem:s21+$0x800];
	s16 =	sshrl.u32 s26, $0x1F;
	v17 =	vand.u32 $0x7F, v51;
	s28 =	sshrl.u32 s10, $0x1F;
	v58 =	vadd.f32 v18, v24;
	(erf) = vpow2.f32 v57;
	v38 =	vpop (erf)  }
0x175: {  	s24 =	rddreg [dreg:$0x15];
	v56 =	vld [tilespmem:s21+$0x100];
	v62 =	vmov s16;
	s16 =	sshra.s32 s26, $0x2;
	s26 =	sshra.s32 s10, $0x2;
	v53 =	vmov s28;
	v59 =	vpop (erf);
	(erf) = vpow2.f32 v40  }
0x176: {  	s5 =	smul.u32 $0x66666667, s5;
	s12 =	sadd.s32 s30, s24;
	s14 =	sshra.s32 s10, $0x1F;
	v47 =	vsel vm4, s26, v47;
	v60 =	vadd.f32 v59, v58;
	(erf) = vpow2.f32 v44;
	v39 =	vpop (erf)  }
0x177: {  	s24 =	rddreg [dreg:$0xf];
	v41 =	vsel vm0, s18, v61;
	s28 =	sadd.s32 s22, s15;
	s15 =	sshrl.u32 s4, $0x1F;
	v42 =	vsel vm0, s19, v62;
	v47 =	vsel vm14, s14, v47;
	v52 =	vpop (erf)  }
0x178: {  	s6 =	sshra.s32 s6, $0x2;
	s13 =	smul.u32 $0x66666667, s13;
	s3 =	sadd.s32 s3, s24;
	v41 =	vsel vm1, s15, v41;
	v18 =	vmul.f32 $1.442695020e+00, v55;
	v40 =	vadd.f32 v52, v60;
	v55 =	vpop (erf)  }
0x179: {  	s24 =	sshrl.u32 s2, $0x1F;
	s2 =	sshra.s32 s2, $0x2;
	s25 =	sshra.s32 s20, $0x2;
	v15 =	vmul.f32 $1.442695020e+00, v54;
	v16 =	vmul.f32 $1.442695020e+00, v43;
	v54 =	vmov s16;
	v48 =	vpop (erf)  }
0x17a: {  	s8 =	sshra.s32 s12, $0x2;
	s18 =	sshra.s32 s28, $0x2;
	s19 =	sshrl.u32 s3, $0x1F;
	v43 =	vsel vm0, s25, v63;
	v25 =	vmul.f32 $1.442695020e+00, v56;
	v40 =	vadd.f32 v48, v40;
	v56 =	vpop (erf)  }
0x17b: {  	s4 =	sshra.s32 s4, $0x2;
	s20 =	sshra.s32 s28, $0x1F;
	s16 =	rddreg [dreg:$0x18];
	v47 =	vsel vm0, s18, v47;
	v42 =	vsel vm1, s19, v42;
	v41 =	vsel vm2, s24, v41;
	v49 =	vpop (erf)  }
0x17c: {  	s22 =	rddreg [dreg:$0x13];
	s26 =	sshrl.u32 s12, $0x1F;
	s10 =	sadd.s32 s13, s16;
	v43 =	vsel vm1, s4, v43;
	v47 =	vsel vm11, s20, v47;
	v40 =	vadd.f32 v49, v40;
	v57 =	vpop (erf)  }
0x17d: {  	s12 =	rddreg [dreg:$0x9];
	s0 =	sadd.s32 s0, s22;
	v42 =	vsel vm2, s26, v42;
	v24 =	vand.u32 $0x400, v45;
	v45 =	vsel vm0, s6, v54;
	s23 =	sshra.s32 s10, $0x2;
	v50 =	vpop (erf)  }
0x17e: {  	s7 =	sshrl.u32 s28, $0x1F;
	s28 =	rddreg [dreg:$0xd];
	s25 =	sshra.s32 s10, $0x1F;
	v47 =	vsel vm1, s23, v47;
	v44 =	vnsel vm4, $0x0, v53;
	v40 =	vadd.f32 v50, v40;
	v58 =	vpop (erf)  }
0x17f: {  	s3 =	sshra.s32 s3, $0x2;
	s5 =	sadd.s32 s5, s28;
	v43 =	vsel vm2, s2, v43;
	v47 =	vsel vm13, s25, v47;
	v44 =	vsel vm0, s7, v44;
	s7 =	sshra.s32 s0, $0x2;
	v51 =	vpop (erf)  }
0x180: {  	s14 =	rddreg [dreg:$0xb];
	s9 =	sshra.s32 s0, $0x1F;
	s13 =	sshra.s32 s5, $0x2;
	v45 =	vsel vm1, s3, v45;
	v47 =	vsel vm2, s7, v47;
	v40 =	vadd.f32 v51, v40  }
0x181: {  	s16 =	sshra.s32 s5, $0x1F;
	s10 =	sshrl.u32 s10, $0x1F;
	v41 =	vcombine.low v42, v41;
	v45 =	vsel vm2, s8, v45;
	s7 =	sshra.s32 s12, $0x1F;
	v47 =	vsel vm15, s9, v47  }
0x182: {  	s3 =	sadd.s32 s17, s14;
	s0 =	sshrl.u32 s0, $0x1F;
	v44 =	vsel vm1, s10, v44;
	s15 =	smul.u32 $0x66666667, s7;
	v47 =	vsel vm5, s13, v47;
	v40 =	vadd.f32 v58, v40  }
0x183: {  	s19 =	rddreg [dreg:$0x7];
	s18 =	sshrl.u32 s5, $0x1F;
	s17 =	sshra.s32 s3, $0x2;
	v59 =	vcombine.low v45, v43;
	v44 =	vsel vm2, s0, v44;
	v60 =	vsel vm12, s16, v47  }
0x184: {  	s20 =	sshra.s32 s3, $0x1F;
	s22 =	sshrl.u32 s3, $0x1F;
	v44 =	vsel vm5, s18, v44;
	s4 =	sadd.s32 s15, s19;
	v43 =	vsel vm6, s17, v60;
	v40 =	vadd.f32 v57, v40  }
0x185: {  	v61 =	vld [tilespmem:s21+$0x0];
	v41 =	vperm.xlane v41, v1;
	v44 =	vsel vm6, s22, v44;
	s23 =	sshra.s32 s4, $0x2;
	v43 =	vsel vm9, s20, v43  }
0x186: {  	s24 =	sshrl.u32 s4, $0x1F;
	s25 =	sshra.s32 s4, $0x1F;
	vm9 =	vcmask $0x3734;
	v43 =	vsel vm7, s23, v43;
	v40 =	vadd.f32 v56, v40  }
0x187: {  	s26 =	sshrl.u32 s1, $0x1F;
	s1 =	sshra.s32 s1, $0x2;
	v42 =	vperm.xlane v59, v1;
	v44 =	vsel vm7, s24, v44;
	v43 =	vsel vm9, s25, v43  }
0x188: {  	v44 =	vsel vm8, s26, v44;
	v43 =	vsel vm8, s1, v43;
	v40 =	vadd.f32 v55, v40  }
0x189: {  	v63 =	vor.u32 v24, v17;
	v44 =	vperm.xlane v44, v2;
	v43 =	vperm.xlane v43, v2  }
0x18a: {  	v62 =	vld [tilespmem:s21+$0x80];
	v45 =	vmul.f32 $1.442695020e+00, v61;
	(erf) = vpow2.f32 v33;
	v39 =	vadd.f32 v39, v40  }
0x18b: {  	(erf) = vpow2.f32 v23;
	v48 =	vsel vm3, v44, v41;
	v49 =	vsel vm3, v43, v42  }
0x18c: {  	(erf) = vpow2.f32 v31;
	v33 =	vadd.s32 v48, v49;
	v23 =	vadd.f32 v38, v39  }
0x18d: {  	vm9 =	vlt.s32 v19, $0x1;
	(erf) = vpow2.f32 v20;
	v50 =	vmul.u32 $0xFFFFFFF6, v33  }
0x18e: {  	(erf) = vpow2.f32 v30;
	v20 =	vadd.f32 v37, v23;
	v23 =	vsub.s32 $0x0, v19  }
0x18f: {  	v31 =	vmul.f32 $1.442695020e+00, v62;
	(erf) = vpow2.f32 v21;
	vm10 =	vne.s32 v50, v23  }
0x190: {  	(erf) = vpow2.f32 v28;
	v20 =	vadd.f32 v36, v20;
	vm9 =	vmand vm9, vm10  }
0x191: {  	v28 =	vshll.u32 v19, $0x8;
	(erf) = vpow2.f32 v22;
	v21 =	vsel vm9, $0xFFFFFFFF, v3  }
0x192: {  	(erf) = vpow2.f32 v26;
	v20 =	vadd.f32 v35, v20;
	v21 =	vadd.s32 v21, v33  }
0x193: {  	(erf) = vpow2.f32 v45;
	v19 =	vshll.u32 v19, $0x7;
	v23 =	vpop (erf);
	v22 =	vmul.u32 $0xA, v21  }
0x194: {  	(erf) = vpow2.f32 v31;
	v26 =	vpop (erf);
	v20 =	vadd.f32 v23, v20;
	v23 =	vshll.u32 v21, $0x8  }
0x195: {  	v31 =	vpop (erf);
	v21 =	vmul.u32 $0xA00, v21;
	v23 =	vand.u32 $0x300, v23;
	v30 =	vadd.s32 $0x9, v22  }
0x196: {  	v35 =	vpop (erf);
	v51 =	vadd.s32 $0x7, v22;
	v36 =	vadd.s32 $0x3, v22;
	v20 =	vadd.f32 v31, v20  }
0x197: {  	v37 =	vadd.s32 $0x4, v22;
	v52 =	vadd.s32 $0x5, v22;
	v53 =	vpop (erf);
	v31 =	vadd.s32 $0x6, v22  }
0x198: {  	v54 =	vand.u32 $0xFFFFF800, v21;
	v55 =	vor.u32 v23, v63;
	v56 =	vpop (erf);
	v20 =	vadd.f32 v53, v20  }
0x199: {  	v22 =	vadd.s32 $0x2, v22;
	v57 =	vshll.u32 v30, $0x8;
	v30 =	vshll.u32 v30, $0x7;
	v21 =	vpop (erf)  }
0x19a: {  	v58 =	vshll.u32 v51, $0x8;
	v62 =	vshll.u32 v52, $0x8;
	v60 =	vpop (erf);
	v20 =	vadd.f32 v21, v20  }
0x19b: {  	v38 =	vshll.u32 v52, $0x7;
	v63 =	vshll.u32 v36, $0x8;
	v59 =	vor.u32 v23, v54;
	v23 =	vpop (erf)  }
0x19c: {  	v52 =	vshll.u32 v37, $0x8;
	v37 =	vshll.u32 v37, $0x7;
	v20 =	vadd.f32 v23, v20  }
0x19d: {  	v36 =	vshll.u32 v36, $0x7;
	v61 =	vshll.u32 v31, $0x8;
	v47 =	vshll.u32 v31, $0x7  }
0x19e: {  	v31 =	vshll.u32 v51, $0x7;
	v39 =	vor.u32 v54, v55;
	v20 =	vadd.f32 v60, v20  }
0x19f: {  	v42 =	vand.u32 $0xFFFFF800, v57;
	v55 =	vand.u32 $0x380, v30;
	v43 =	vand.u32 $0xFFFFF800, v58  }
0x1a0: {  	v58 =	vand.u32 $0x300, v37;
	v33 =	vand.u32 $0xFFFFF800, v62;
	v20 =	vadd.f32 v56, v20  }
0x1a1: {  	v53 =	vshll.u32 v22, $0x8;
	v22 =	vshll.u32 v22, $0x7;
	v54 =	vor.u32 v24, v59  }
0x1a2: {  	v30 =	vand.u32 $0xFFFFF800, v53;
	v22 =	vand.u32 $0x300, v22;
	v20 =	vadd.f32 v35, v20  }
0x1a3: {  	v57 =	vand.u32 $0x380, v31;
	v22 =	vor.u32 v30, v22;
	v30 =	vand.u32 $0xFFFFF800, v63  }
0x1a4: {  	v22 =	vor.u32 v24, v22;
	v20 =	vadd.f32 v26, v20;
	v26 =	vand.u32 $0x380, v36  }
0x1a5: {  	s30 =	simm.s32 $0x0;
	v31 =	vor.u32 $0x80, v39;
	v22 =	vor.u32 v17, v22;
	v26 =	vor.u32 v30, v26  }
0x1a6: {  	v62 =	vand.u32 $0x300, v47;
	v59 =	vld.idx.msk [tilespmem:v39+s30+$0x0], $0xffff;
	v20 =	vadd.f32 v34, v20;
	v26 =	vor.u32 v24, v26  }
0x1a7: {  	v56 =	vand.u32 $0xFFFFF800, v61;
	v30 =	vand.u32 $0xFFFFF800, v52;
	v60 =	vor.u32 v17, v26  }
0x1a8: {  	v61 =	vand.u32 $0x380, v38;
	v26 =	vor.u32 v30, v58;
	v20 =	vadd.f32 v32, v20  }
.Ltmp0:
0x1a9: {  	v63 =	vor.u32 v43, v57;
	v26 =	vor.u32 v24, v26;
	v32 =	vor.u32 v33, v61;
	(pc) =	sbr.rel @p0 .LBB2_3-.Ltmp0, $4  }
0x1aa: {  	v30 =	vor.u32 v17, v26;
	v26 =	vld.idx.msk [tilespmem:v22+s30+$0x0], $0xffff;
	v22 =	vor.u32 v24, v32;
	v20 =	vadd.f32 v29, v20  }
0x1ab: {  	v31 =	vld.idx.msk [tilespmem:v31+s30+$0x0], $0xffff;
	v35 =	vmul.f32 $1.442695020e+00, v59;
	v29 =	vor.u32 v17, v22;
	v22 =	vor.u32 v56, v62  }
0x1ac: {  	s28 =	rddreg [dreg:$0x6];
	v21 =	vpop (erf);
	v36 =	vor.u32 v24, v63;
	v34 =	vadd.f32 v27, v20;
	v20 =	vld.idx.msk [tilespmem:v60+s30+$0x0], $0xffff;
	v27 =	vor.u32 v24, v22  }
0x1ad: {  	s0 =	sadd.s32 $0x10, s28;
	v23 =	vpop (erf);
	v33 =	vor.u32 v17, v54;
	v32 =	vor.u32 v42, v55;
	v22 =	vld [tilespmem:s21+$0x180];
	v27 =	vor.u32 v17, v27  }
0x1ae: {  	_ =	sdelay $0x2  }
0x1af: {  	v14 =	vadd.f32 v14, v34  }
0x1b0: {  	v58 =	vor.u32 v17, v36;
	v30 =	vld.idx.msk [tilespmem:v30+s30+$0x0], $0xffff;
	v31 =	vmul.f32 $1.442695020e+00, v31  }
0x1b1: {  	(erf) = vpow2.f32 v35;
	v59 =	vld [tilespmem:s21+$0x200];
	v13 =	vadd.f32 v13, v14;
	v14 =	vmul.f32 $1.442695020e+00, v26  }
0x1b2: {  	v33 =	vadd.s32 $0x800, v33;
	v32 =	vor.u32 v24, v32;
	(erf) = vpow2.f32 v31  }
0x1b3: {  	v26 =	vld.idx.msk [tilespmem:v29+s30+$0x0], $0xffff;
	v12 =	vadd.f32 v12, v13;
	v13 =	vmul.f32 $1.442695020e+00, v20;
	(erf) = vpow2.f32 v14  }
0x1b4: {  	v28 =	vand.u32 $0xFFFFF800, v28;
	v31 =	vld [tilespmem:s21+$0x280];
	v20 =	vmul.f32 $1.442695020e+00, v22;
	(erf) = vpow2.f32 v25  }
0x1b5: {  	v14 =	vld.idx.msk [tilespmem:v27+s30+$0x0], $0xffff;
	v11 =	vadd.f32 v11, v12;
	v12 =	vmul.f32 $1.442695020e+00, v30;
	(erf) = vpow2.f32 v13  }
0x1b6: {  	v19 =	vand.u32 $0x380, v19;
	v22 =	vmul.f32 $1.442695020e+00, v59;
	(erf) = vpow2.f32 v20  }
0x1b7: {  	v29 =	vor.u32 v17, v32;
	v13 =	vld.idx.msk [tilespmem:v58+s30+$0x0], $0xffff;
	v10 =	vadd.f32 v10, v11;
	(erf) = vpow2.f32 v12  }
0x1b8: {  	v19 =	vor.u32 v28, v19;
	v11 =	vmul.f32 $1.442695020e+00, v26;
	(erf) = vpow2.f32 v22  }
0x1b9: {  	v19 =	vor.u32 v24, v19;
	v12 =	vld.idx.msk [tilespmem:v33+s30+$0x0], $0xffff;
	v24 =	vmul.f32 $1.442695020e+00, v31;
	v9 =	vadd.f32 v9, v10  }
0x1ba: {  	v17 =	vor.u32 v17, v19;
	v20 =	vpop (erf);
	v10 =	vmul.f32 $1.442695020e+00, v14;
	(erf) = vpow2.f32 v11  }
0x1bb: {  	v14 =	vld [tilespmem:s21+$0x880];
	(erf) = vpow2.f32 v24;
	v8 =	vadd.f32 v8, v9;
	v22 =	vpop (erf)  }
0x1bc: {  	v11 =	vld.idx.msk [tilespmem:v29+s30+$0x0], $0xffff;
	v13 =	vmul.f32 $1.442695020e+00, v13;
	v9 =	vadd.f32 v23, v21;
	(erf) = vpow2.f32 v10;
	v19 =	vpop (erf)  }
0x1bd: {  	v10 =	vld [tilespmem:s21+$0x900];
	(erf) = vpow2.f32 v18;
	v7 =	vadd.f32 v7, v8;
	v18 =	vpop (erf)  }
0x1be: {  	v12 =	vmul.f32 $1.442695020e+00, v12;
	(erf) = vpow2.f32 v13;
	v9 =	vadd.f32 v18, v9;
	v18 =	vpop (erf)  }
0x1bf: {  	v8 =	vld.idx.msk [tilespmem:v17+s30+$0x0], $0xffff;
	(erf) = vpow2.f32 v16;
	v6 =	vadd.f32 v6, v7;
	v16 =	vpop (erf)  }
0x1c0: {  	v13 =	vld [tilespmem:s21+$0x980];
	(erf) = vpow2.f32 v12;
	v7 =	vadd.f32 v16, v9;
	v9 =	vmul.f32 $1.442695020e+00, v14;
	v16 =	vpop (erf)  }
0x1c1: {  	v11 =	vmul.f32 $1.442695020e+00, v11;
	(erf) = vpow2.f32 v15;
	v14 =	vpop (erf)  }
0x1c2: {  	v12 =	vld [tilespmem:s21+$0xA00];
	v5 =	vadd.f32 v5, v6;
	v6 =	vadd.f32 v14, v7;
	v7 =	vmul.f32 $1.442695020e+00, v10  }
0x1c3: {  	(erf) = vpow2.f32 v11;
	v14 =	vpop (erf)  }
0x1c4: {  	v8 =	vmul.f32 $1.442695020e+00, v8;
	(erf) = vpow2.f32 v9;
	v9 =	vpop (erf)  }
0x1c5: {  	(erf) = vrcp.f32 v5;
	v5 =	vadd.f32 v9, v6;
	v6 =	vmul.f32 $1.442695020e+00, v13;
	v13 =	vpop (erf)  }
0x1c6: {  	(erf) = vpow2.f32 v7;
	v7 =	vpop (erf)  }
0x1c7: {  	v5 =	vadd.f32 v7, v5;
	v7 =	vmul.f32 $1.442695020e+00, v12  }
0x1c8: {  	v10 =	vld [tilespmem:s21+$0xA80];
	v9 =	vpop (erf)  }
0x1c9: {  	(erf) = vpow2.f32 v8;
	v8 =	vpop (erf)  }
0x1ca: {  	v11 =	vld [tilespmem:s21+$0xB00];
	(erf) = vpow2.f32 v6;
	v5 =	vadd.f32 v8, v5;
	v8 =	vpop (erf)  }
0x1cb: {  	(erf) = vpow2.f32 v7;
	v7 =	vpop (erf)  }
0x1cc: {  	v6 =	vld [tilespmem:s21+$0xB80];
	v5 =	vadd.f32 v7, v5  }
0x1cd: {  	v10 =	vmul.f32 $1.442695020e+00, v10  }
0x1ce: {  	v12 =	vld [tilespmem:s21+$0x1000];
	v7 =	vpop (erf)  }
0x1cf: {  	(erf) = vpow2.f32 v10;
	v10 =	vmul.f32 $1.442695020e+00, v11;
	v11 =	vld [tilespmem:s21+$0x1080];
	v15 =	vpop (erf)  }
0x1d0: {  	v15 =	vadd.f32 v15, v5;
	v5 =	vpop (erf)  }
0x1d1: {  	v17 =	vmul.f32 $1.442695020e+00, v6;
	(erf) = vpow2.f32 v10;
	v6 =	vpop (erf)  }
0x1d2: {  	v10 =	vld [tilespmem:s21+$0x1100];
	v15 =	vadd.f32 v6, v15;
	v6 =	vpop (erf)  }
0x1d3: {  	v12 =	vmul.f32 $1.442695020e+00, v12;
	(erf) = vpow2.f32 v17;
	v17 =	vld [tilespmem:s21+$0x1180];
	v21 =	vpop (erf)  }
0x1d4: {  	v11 =	vmul.f32 $1.442695020e+00, v11;
	v15 =	vadd.f32 v21, v15  }
0x1d5: {  	(erf) = vpow2.f32 v12;
	v21 =	vpop (erf)  }
0x1d6: {  	v12 =	vld [tilespmem:s21+$0x1200];
	v15 =	vadd.f32 v21, v15  }
0x1d7: {  	(erf) = vpow2.f32 v11;
	v10 =	vmul.f32 $1.442695020e+00, v10  }
0x1d8: {  	v11 =	vpop (erf);
	v21 =	vld [tilespmem:s21+$0x1280];
	v17 =	vmul.f32 $1.442695020e+00, v17  }
0x1d9: {  	(erf) = vpow2.f32 v10;
	v11 =	vadd.f32 v11, v15  }
0x1da: {  	v10 =	vld [tilespmem:s21+$0x1300];
	v15 =	vpop (erf)  }
0x1db: {  	v12 =	vmul.f32 $1.442695020e+00, v12;
	(erf) = vpow2.f32 v17;
	v11 =	vadd.f32 v15, v11;
	v15 =	vld [tilespmem:s21+$0x1380]  }
0x1dc: {  	v17 =	vpop (erf)  }
0x1dd: {  	(erf) = vpow2.f32 v12;
	v12 =	vld [tilespmem:s21+$0x1800];
	v11 =	vadd.f32 v17, v11;
	v17 =	vmul.f32 $1.442695020e+00, v21  }
0x1de: {  	v21 =	vpop (erf)  }
0x1df: {  	v23 =	vld [tilespmem:s21+$0x1980];
	v10 =	vmul.f32 $1.442695020e+00, v10;
	v11 =	vadd.f32 v21, v11;
	(erf) = vpow2.f32 v17  }
0x1e0: {  	v17 =	vld [tilespmem:s21+$0x1880];
	v21 =	vpop (erf);
	v15 =	vmul.f32 $1.442695020e+00, v15  }
0x1e1: {  	(erf) = vpow2.f32 v10;
	v10 =	vld [tilespmem:s21+$0x1900];
	v11 =	vadd.f32 v21, v11  }
0x1e2: {  	v24 =	vld [tilespmem:s21+$0x2180];
	v12 =	vmul.f32 $1.442695020e+00, v12;
	v21 =	vpop (erf)  }
0x1e3: {  	(erf) = vpow2.f32 v15;
	v11 =	vadd.f32 v21, v11;
	v21 =	vld [tilespmem:s21+$0x1A00]  }
0x1e4: {  	(erf) = vpow2.f32 v12;
	v12 =	vld [tilespmem:s21+$0x2080];
	v15 =	vpop (erf)  }
0x1e5: {  	v25 =	vld [tilespmem:s21+$0x2100];
	v11 =	vadd.f32 v15, v11;
	v15 =	vmul.f32 $1.442695020e+00, v17  }
0x1e6: {  	v17 =	vpop (erf);
	v10 =	vmul.f32 $1.442695020e+00, v10  }
0x1e7: {  	v11 =	vadd.f32 v17, v11;
	(erf) = vpow2.f32 v15;
	v17 =	vmul.f32 $1.442695020e+00, v23  }
0x1e8: {  	v15 =	vld [tilespmem:s21+$0x2000];
	v23 =	vmul.f32 $1.442695020e+00, v24;
	v24 =	vpop (erf);
	v21 =	vmul.f32 $1.442695020e+00, v21  }
0x1e9: {  	(erf) = vpow2.f32 v10;
	v10 =	vld [tilespmem:s21+$0x1A80];
	v12 =	vmul.f32 $1.442695020e+00, v12;
	v11 =	vadd.f32 v24, v11  }
0x1ea: {  	(erf) = vpow2.f32 v17;
	v17 =	vmul.f32 $1.442695020e+00, v25;
	v25 =	vpop (erf)  }
0x1eb: {  	v24 =	vld [tilespmem:s21+$0x1B80];
	(erf) = vpow2.f32 v23;
	v11 =	vadd.f32 v25, v11  }
0x1ec: {  	v23 =	vld [tilespmem:s21+$0x1B00];
	(erf) = vpow2.f32 v21;
	v21 =	vpop (erf)  }
0x1ed: {  	v15 =	vmul.f32 $1.442695020e+00, v15;
	(erf) = vpow2.f32 v17;
	v11 =	vadd.f32 v21, v11  }
0x1ee: {  	(erf) = vpow2.f32 v12;
	v10 =	vmul.f32 $1.442695020e+00, v10;
	v12 =	vpop (erf)  }
0x1ef: {  	v11 =	vadd.f32 v12, v11  }
0x1f0: {  	v17 =	vmul.f32 $1.442695020e+00, v24;
	(erf) = vpow2.f32 v15  }
0x1f1: {  	v12 =	vmul.f32 $1.442695020e+00, v23;
	(erf) = vpow2.f32 v10  }
0x1f2: {  	v10 =	vpop (erf);
	(erf) = vpow2.f32 v17  }
0x1f3: {  	v10 =	vadd.f32 v10, v11;
	v11 =	vpop (erf);
	(erf) = vpow2.f32 v12  }
0x1f4: {  	v17 =	vpop (erf)  }
0x1f5: {  	v10 =	vadd.f32 v11, v10;
	v11 =	vpop (erf)  }
0x1f6: {  	v21 =	vpop (erf)  }
0x1f7: {  	v60 =	vld [tilespmem:s21+$0x2300];
	v10 =	vadd.f32 v17, v10;
	v17 =	vpop (erf)  }
0x1f8: {  	v23 =	vld [tilespmem:s21+$0x2200];
	v27 =	vpop (erf)  }
0x1f9: {  	v62 =	vld [tilespmem:s21+$0x5A00];
	v10 =	vadd.f32 v21, v10;
	v29 =	vpop (erf)  }
0x1fa: {  	v21 =	vld [tilespmem:s21+$0x2280];
	v30 =	vpop (erf)  }
0x1fb: {  	v63 =	vld [tilespmem:s21+$0x2380];
	v10 =	vadd.f32 v30, v10;
	v30 =	vpop (erf)  }
0x1fc: {  	v37 =	vld [tilespmem:s21+$0x5980];
	v61 =	vpop (erf)  }
0x1fd: {  	v41 =	vld [tilespmem:s21+$0x2880];
	v23 =	vmul.f32 $1.442695020e+00, v23;
	v10 =	vadd.f32 v61, v10  }
0x1fe: {  	v42 =	vld [tilespmem:s21+$0x2A00]  }
0x1ff: {  	v44 =	vld [tilespmem:s21+$0x2A80];
	(erf) = vpow2.f32 v23;
	v40 =	vmul.f32 $1.442695020e+00, v21;
	v10 =	vadd.f32 v30, v10  }
0x200: {  	v30 =	vld [tilespmem:s21+$0x2800]  }
0x201: {  	v28 =	vld [tilespmem:s21+$0x5B00];
	(erf) = vpow2.f32 v40;
	v10 =	vadd.f32 v29, v10;
	v29 =	vmul.f32 $1.442695020e+00, v60  }
0x202: {  	v26 =	vld [tilespmem:s21+$0x5B80]  }
0x203: {  	v15 =	vld [tilespmem:s21+$0x6180];
	v10 =	vadd.f32 v27, v10;
	v27 =	vmul.f32 $1.442695020e+00, v63;
	(erf) = vpow2.f32 v29  }
0x204: {  	v29 =	vld [tilespmem:s21+$0x2900]  }
0x205: {  	v24 =	vld [tilespmem:s21+$0x6080];
	v30 =	vmul.f32 $1.442695020e+00, v30;
	v10 =	vadd.f32 v17, v10;
	(erf) = vpow2.f32 v27  }
0x206: {  	s0 =	rddreg [dreg:$0x4];
	s1 =	sand.u32 $0x80, s31;
	v27 =	vld [tilespmem:s21+$0x2980]  }
0x207: {  	s0 =	sadd.s32 s1, s0;
	v12 =	vld [tilespmem:s21+$0x6100];
	(erf) = vpow2.f32 v30;
	v10 =	vadd.f32 v11, v10;
	v11 =	vmul.f32 $1.442695020e+00, v41  }
0x208: {  	s0 =	sadd.s32 s29, s0;
	v28 =	vmul.f32 $1.442695020e+00, v28;
	v33 =	vmul.f32 $1.442695020e+00, v42;
	v25 =	vld [tilespmem:s21+$0x6000];
	v43 =	vpop (erf)  }
0x209: {  	v17 =	vld [tilespmem:s0+$0x0];
	v29 =	vmul.f32 $1.442695020e+00, v29;
	v10 =	vadd.f32 v43, v10;
	(erf) = vpow2.f32 v11  }
0x20a: {  	v46 =	vld [tilespmem:s21+$0x2B00];
	v15 =	vmul.f32 $1.442695020e+00, v15;
	v24 =	vmul.f32 $1.442695020e+00, v24;
	v45 =	vpop (erf)  }
0x20b: {  	v38 =	vld [tilespmem:s21+$0x2B80];
	v27 =	vmul.f32 $1.442695020e+00, v27;
	(erf) = vpow2.f32 v29;
	v10 =	vadd.f32 v45, v10  }
0x20c: {  	v39 =	vld [tilespmem:s21+$0x3000];
	v12 =	vmul.f32 $1.442695020e+00, v12;
	v11 =	vmul.f32 $1.442695020e+00, v26;
	v47 =	vpop (erf)  }
0x20d: {  	v31 =	vld [tilespmem:s21+$0x5A80];
	v26 =	vmul.f32 $1.442695020e+00, v25;
	(erf) = vpow2.f32 v27;
	v10 =	vadd.f32 v47, v10  }
0x20e: {  	v34 =	vld [tilespmem:s21+$0x5180];
	(v2sf) =	vpush v17, $0xF;
	v27 =	vmul.f32 $1.442695020e+00, v44;
	(erf) = vpow2.f32 v33;
	v48 =	vpop (erf)  }
0x20f: {  	v35 =	vld [tilespmem:s21+$0x5100];
	(v2sf) =	vpush v17, $0xB;
	(erf) = vpow2.f32 v15;
	v10 =	vadd.f32 v48, v10  }
0x210: {  	v36 =	vld [tilespmem:s21+$0x5080];
	(v2sf) =	vpush v17, $0x6;
	v15 =	vmul.f32 $1.442695020e+00, v46;
	v49 =	vpop (erf);
	(erf) = vpow2.f32 v27  }
0x211: {  	v27 =	vld [tilespmem:s21+$0x3080];
	(erf) = vpow2.f32 v12;
	v12 =	vmul.f32 $1.442695020e+00, v38;
	v10 =	vadd.f32 v49, v10  }
0x212: {  	(v2sf) =	vpush v17, $0xE;
	(erf) = vpow2.f32 v15;
	v15 =	vmul.f32 $1.442695020e+00, v31;
	v31 =	vld [tilespmem:s21+$0x3100];
	v50 =	vpop (erf)  }
0x213: {  	v52 =	vld [tilespmem:s21+$0x3200];
	(v2sf) =	vpush v17, $0xA;
	(erf) = vpow2.f32 v24;
	v10 =	vadd.f32 v50, v10  }
0x214: {  	(v2sf) =	vpush v17, $0xD;
	v24 =	vmul.f32 $1.442695020e+00, v39;
	v51 =	vpop (erf);
	(erf) = vpow2.f32 v12;
	v12 =	vld [tilespmem:s21+$0x3180]  }
0x215: {  	v54 =	vld [tilespmem:s21+$0x3800];
	(v2sf) =	vpush v17, $0x9;
	(erf) = vpow2.f32 v26;
	v10 =	vadd.f32 v51, v10  }
0x216: {  	v55 =	vld [tilespmem:s21+$0x3880];
	v26 =	vmul.f32 $1.442695020e+00, v27;
	v27 =	vpop (erf);
	(erf) = vpow2.f32 v24  }
0x217: {  	v32 =	vld [tilespmem:s21+$0x5280];
	(erf) = vpow2.f32 v11;
	v11 =	vmul.f32 $1.442695020e+00, v31;
	v27 =	vadd.f32 v27, v10  }
0x218: {  	v23 =	vld [tilespmem:s21+$0x5880];
	(v2sf) =	vpush v17, $0x5;
	v53 =	vpop (erf);
	(erf) = vpow2.f32 v26  }
0x219: {  	v21 =	vld [tilespmem:s21+$0x5900];
	(erf) = vpow2.f32 v28;
	v12 =	vmul.f32 $1.442695020e+00, v12;
	v10 =	vpop (erf);
	v26 =	vadd.f32 v53, v27  }
0x21a: {  	(v2sf) =	vpush v17, $0xC;
	v27 =	vld [tilespmem:s21+$0x3280];
	(erf) = vpow2.f32 v11;
	v31 =	vpop (erf)  }
0x21b: {  	v28 =	vld [tilespmem:s21+$0x3300];
	(erf) = vpow2.f32 v15;
	v15 =	vmul.f32 $1.442695020e+00, v52;
	v11 =	vpop (erf);
	v26 =	vadd.f32 v31, v26  }
0x21c: {  	v40 =	vmul.f32 $1.442695020e+00, v62;
	v30 =	vld [tilespmem:s21+$0x5800];
	(v2sf) =	vpush v17, $0x8;
	v31 =	vpop (erf)  }
0x21d: {  	v25 =	vld [tilespmem:s21+$0x5380];
	(v2sf) =	vpush v17, $0x4;
	(erf) = vpow2.f32 v12;
	v12 =	vpop (erf);
	v26 =	vadd.f32 v31, v26  }
0x21e: {  	v43 =	vld [tilespmem:s21+$0x4A00];
	v24 =	vmul.f32 $1.442695020e+00, v37;
	(v2sf) =	vpush v17, $0x3;
	s9 =	spop (v2sf);
	(erf) = vpow2.f32 v40;
	v41 =	vpop (erf)  }
0x21f: {  	v29 =	vld [tilespmem:s21+$0x5300];
	s7 =	spop (v2sf);
	(erf) = vpow2.f32 v15;
	v27 =	vmul.f32 $1.442695020e+00, v27;
	v15 =	vpop (erf);
	v26 =	vadd.f32 v41, v26  }
0x220: {  	(v2sf) =	vpush v17, $0x2;
	s22 =	spop (v2sf);
	v31 =	vld [tilespmem:s21+$0x3380];
	v28 =	vmul.f32 $1.442695020e+00, v28;
	(erf) = vpow2.f32 v24;
	v42 =	vpop (erf)  }
0x221: {  	v33 =	vld [tilespmem:s21+$0x5200];
	s11 =	spop (v2sf);
	v24 =	vmul.f32 $1.442695020e+00, v21;
	(erf) = vpow2.f32 v27;
	v21 =	vpop (erf);
	v26 =	vadd.f32 v42, v26  }
0x222: {  	v38 =	vld [tilespmem:s21+$0x4B80];
	(v2sf) =	vpush v17, $0x1;
	s4 =	spop (v2sf);
	v27 =	vmul.f32 $1.442695020e+00, v30;
	v30 =	vmul.f32 $1.442695020e+00, v23;
	v23 =	vpop (erf)  }
0x223: {  	v39 =	vld [tilespmem:s21+$0x4B00];
	(v2sf) =	vpush v17, $0x0;
	s12 =	spop (v2sf);
	(erf) = vpow2.f32 v24;
	v24 =	vadd.f32 v23, v26  }
0x224: {  	v37 =	vld [tilespmem:s21+$0x5000];
	(v2sf) =	vpush v17, $0x7;
	s6 =	spop (v2sf);
	(erf) = vpow2.f32 v28  }
0x225: {  	v40 =	vld [tilespmem:s21+$0x4A80];
	v26 =	vmul.f32 $1.442695020e+00, v31;
	v23 =	vpop (erf)  }
0x226: {  	v28 =	vmul.f32 $1.442695020e+00, v29;
	v31 =	vpop (erf);
	(erf) = vpow2.f32 v30  }
0x227: {  	v29 =	vld [tilespmem:s21+$0x3900];
	v31 =	vadd.f32 v31, v24;
	(erf) = vpow2.f32 v26;
	v26 =	vmul.f32 $1.442695020e+00, v25;
	v24 =	vpop (erf)  }
0x228: {  	v41 =	vmul.f32 $1.442695020e+00, v54;
	v25 =	vpop (erf)  }
0x229: {  	(erf) = vpow2.f32 v27;
	v27 =	vadd.f32 v25, v31;
	v25 =	vpop (erf)  }
0x22a: {  	(erf) = vpow2.f32 v41;
	v31 =	vmul.f32 $1.442695020e+00, v55;
	v58 =	vpop (erf)  }
0x22b: {  	v44 =	vld [tilespmem:s21+$0x3980];
	(erf) = vpow2.f32 v26;
	v27 =	vadd.f32 v58, v27;
	v26 =	vpop (erf)  }
0x22c: {  	v30 =	vld [tilespmem:s21+$0x4980];
	v29 =	vmul.f32 $1.442695020e+00, v29;
	(erf) = vpow2.f32 v31;
	v59 =	vpop (erf)  }
0x22d: {  	v45 =	vld [tilespmem:s21+$0x4900];
	(erf) = vpow2.f32 v28;
	v28 =	vadd.f32 v59, v27  }
0x22e: {  	v56 =	vmul.f32 $1.442695020e+00, v43;
	s2 =	smulhi.u32 $0x66666667, s9;
	v57 =	vld [tilespmem:s21+$0x3A00]  }
0x22f: {  	s9 =	sshra.s32 s9, $0x1F;
	s8 =	smulhi.u32 $0x66666667, s7;
	v31 =	vld [tilespmem:s21+$0x3A80];
	v27 =	vpop (erf)  }
0x230: {  	s20 =	smul.u32 $0x66666667, s9;
	s7 =	sshra.s32 s7, $0x1F;
	v46 =	vld [tilespmem:s21+$0x4880];
	v60 =	vmul.f32 $1.442695020e+00, v44;
	(erf) = vpow2.f32 v29;
	v29 =	vpop (erf)  }
0x231: {  	s24 =	smul.u32 $0x66666667, s7;
	v47 =	vld [tilespmem:s21+$0x4800];
	v30 =	vmul.f32 $1.442695020e+00, v30;
	(erf) = vpow2.f32 v56;
	v29 =	vadd.f32 v29, v28;
	v28 =	vpop (erf)  }
0x232: {  	s3 =	smulhi.u32 $0x66666667, s11;
	v62 =	vld [tilespmem:s21+$0x3B00];
	(erf) = vpow2.f32 v60;
	v54 =	vpop (erf)  }
0x233: {  	s11 =	sshra.s32 s11, $0x1F;
	s1 =	smulhi.u32 $0x66666667, s4;
	v63 =	vmul.f32 $1.442695020e+00, v57;
	(erf) = vpow2.f32 v30;
	v30 =	vadd.f32 v54, v29  }
0x234: {  	s25 =	smul.u32 $0x66666667, s11;
	v61 =	vmul.f32 $1.442695020e+00, v45;
	v31 =	vmul.f32 $1.442695020e+00, v31  }
0x235: {  	s15 =	smulhi.u32 $0x66666667, s12;
	v52 =	vmul.f32 $1.442695020e+00, v46;
	(erf) = vpow2.f32 v63;
	v29 =	vpop (erf)  }
0x236: {  	s12 =	sshra.s32 s12, $0x1F;
	s5 =	smulhi.u32 $0x66666667, s6;
	v53 =	vld [tilespmem:s21+$0x3B80];
	v55 =	vmul.f32 $1.442695020e+00, v47;
	(erf) = vpow2.f32 v61;
	v57 =	vpop (erf)  }
0x237: {  	s12 =	smul.u32 $0x66666667, s12;
	s6 =	sshra.s32 s6, $0x1F;
	v48 =	vld [tilespmem:s21+$0x4380];
	v45 =	vmul.f32 $1.442695020e+00, v62;
	(erf) = vpow2.f32 v31;
	v47 =	vadd.f32 v57, v30;
	v30 =	vpop (erf)  }
0x238: {  	s6 =	smul.u32 $0x66666667, s6;
	s10 =	spop (v2sf);
	v56 =	vld [tilespmem:s21+$0x4000];
	(erf) = vpow2.f32 v52;
	v31 =	vpop (erf)  }
0x239: {  	s0 =	smulhi.u32 $0x66666667, s10;
	s16 =	spop (v2sf);
	v58 =	vld [tilespmem:s21+$0x4300];
	(erf) = vpow2.f32 v45;
	v47 =	vadd.f32 v31, v47;
	v31 =	vpop (erf)  }
0x23a: {  	v22 =	vadd.f32 v22, v20;
	v49 =	vld [tilespmem:s21+$0x4080];
	s18 =	smulhi.u32 $0x66666667, s16;
	v50 =	vpop (erf)  }
0x23b: {  	s4 =	sshra.s32 s4, $0x1F;
	s17 =	spop (v2sf);
	s16 =	sshra.s32 s16, $0x1F;
	v43 =	vmul.f32 $1.442695020e+00, v53;
	v59 =	vld [tilespmem:s21+$0x4280];
	v47 =	vadd.f32 v50, v47;
	v41 =	vpop (erf)  }
0x23c: {  	v22 =	vadd.f32 v19, v22;
	s7 =	sadd.s32 s20, s2;
	s8 =	sadd.s32 s24, s8;
	s19 =	smulhi.u32 $0x66666667, s17;
	v60 =	vmul.f32 $1.442695020e+00, v48;
	v61 =	vld [tilespmem:s21+$0x4100];
	(erf) = vpow2.f32 v55;
	v20 =	vpop (erf)  }
0x23d: {  	v51 =	vld [tilespmem:s21+$0x4200];
	s13 =	spop (v2sf);
	s26 =	smul.u32 $0x66666667, s16;
	s17 =	sshra.s32 s17, $0x1F;
	v46 =	vmul.f32 $1.442695020e+00, v56;
	(erf) = vpow2.f32 v43;
	v63 =	vadd.f32 v20, v47;
	v20 =	vpop (erf)  }
0x23e: {  	v22 =	vadd.f32 v18, v22;
	s6 =	sadd.s32 s6, s5;
	s14 =	spop (v2sf);
	s28 =	smul.u32 $0x66666667, s17;
	v62 =	vld [tilespmem:s21+$0x4180];
	v44 =	vmul.f32 $1.442695020e+00, v58;
	(erf) = vpow2.f32 v60;
	v19 =	vpop (erf)  }
0x23f: {  	s5 =	sshra.s32 s10, $0x1F;
	s9 =	smulhi.u32 $0x66666667, s13;
	s11 =	spop (v2sf);
	v50 =	vmul.f32 $1.442695020e+00, v49;
	(erf) = vpow2.f32 v46;
	v52 =	vadd.f32 v19, v63;
	v19 =	vpop (erf)  }
0x240: {  	s17 =	sadd.s32 s12, s15;
	s2 =	smulhi.u32 $0x66666667, s14;
	s16 =	spop (v2sf);
	v42 =	vmul.f32 $1.442695020e+00, v59;
	(erf) = vpow2.f32 v44;
	v18 =	vpop (erf)  }
0x241: {  	s12 =	sadd.s32 s25, s3;
	s15 =	smulhi.u32 $0x66666667, s11;
	s29 =	spop (v2sf);
	v53 =	vmul.f32 $1.442695020e+00, v61;
	(erf) = vpow2.f32 v50;
	v56 =	vadd.f32 v18, v52;
	v18 =	vpop (erf)  }
0x242: {  	v16 =	vadd.f32 v16, v22;
	s10 =	sshra.s32 s13, $0x1F;
	s20 =	smulhi.u32 $0x66666667, s29;
	s24 =	sshra.s32 s29, $0x1F;
	v54 =	vmul.f32 $1.442695020e+00, v51;
	(erf) = vpow2.f32 v42;
	v22 =	vpop (erf)  }
0x243: {  	s19 =	sadd.s32 s28, s19;
	s28 =	spop (v2sf);
	s25 =	smul.u32 $0x66666667, s24;
	v55 =	vmul.f32 $1.442695020e+00, v62;
	(erf) = vpow2.f32 v53;
	v22 =	vadd.f32 v22, v56  }
0x244: {  	v34 =	vmul.f32 $1.442695020e+00, v34;
	s13 =	sshra.s32 s14, $0x1F;
	s3 =	smulhi.u32 $0x66666667, s28;
	s29 =	sshra.s32 s28, $0x1F;
	(erf) = vpow2.f32 v54  }
0x245: {  	vm9 =	vcmask $0x2F2C;
	v32 =	vmul.f32 $1.442695020e+00, v32;
	s21 =	sadd.s32 s26, s18;
	s18 =	sadd.s32 s25, s20;
	s20 =	smul.u32 $0x66666667, s29;
	(erf) = vpow2.f32 v55;
	v42 =	vpop (erf)  }
0x246: {  	v14 =	vadd.f32 v14, v16;
	v33 =	vmul.f32 $1.442695020e+00, v33;
	v38 =	vmul.f32 $1.442695020e+00, v38;
	s11 =	sshra.s32 s11, $0x1F;
	s14 =	sshra.s32 s19, $0x2;
	s29 =	smul.u32 $0x66666667, s4;
	v16 =	vpop (erf)  }
0x247: {  	v39 =	vmul.f32 $1.442695020e+00, v39;
	v37 =	vmul.f32 $1.442695020e+00, v37;
	s26 =	sshrl.u32 s19, $0x1F;
	s25 =	sshrl.u32 s21, $0x1F;
	s21 =	sshra.s32 s21, $0x2;
	v16 =	vadd.f32 v16, v22;
	v22 =	vpop (erf)  }
0x248: {  	v40 =	vmul.f32 $1.442695020e+00, v40;
	v58 =	vmov s26;
	v59 =	vmov s21;
	s3 =	sadd.s32 s20, s3;
	s20 =	sshrl.u32 s6, $0x1F;
	s1 =	sadd.s32 s29, s1;
	v61 =	vpop (erf)  }
0x249: {  	s11 =	smul.u32 $0x66666667, s11;
	s26 =	sshra.s32 s17, $0x2;
	s21 =	sshrl.u32 s1, $0x1F;
	v57 =	vmov s25;
	v45 =	vsel vm0, s20, v58;
	v16 =	vadd.f32 v61, v16;
	v63 =	vpop (erf)  }
0x24a: {  	s24 =	smulhi.u32 $0x66666667, s16;
	s28 =	sshrl.u32 s18, $0x1F;
	v45 =	vsel vm1, s21, v45;
	v62 =	vmov s14;
	v43 =	vsel vm0, s26, v59;
	v54 =	vpop (erf)  }
0x24b: {  	s16 =	sshra.s32 s16, $0x1F;
	s11 =	sadd.s32 s11, s15;
	s19 =	sshrl.u32 s17, $0x1F;
	v60 =	vmov s28;
	v47 =	vadd.f32 v13, v14;
	v16 =	vadd.f32 v54, v16;
	v55 =	vpop (erf)  }
0x24c: {  	s4 =	smul.u32 $0x66666667, s5;
	s6 =	sshra.s32 s6, $0x2;
	s1 =	sshra.s32 s1, $0x2;
	v13 =	vmul.f32 $1.442695020e+00, v35;
	v14 =	vmul.f32 $1.442695020e+00, v36;
	v44 =	vsel vm0, s19, v57;
	v57 =	vpop (erf)  }
0x24d: {  	s25 =	sshra.s32 s3, $0x1F;
	s14 =	smul.u32 $0x66666667, s16;
	v46 =	vnsel vm4, $0x0, v60;
	v36 =	vsel vm0, s6, v62;
	s19 =	sshrl.u32 s12, $0x1F;
	v16 =	vadd.f32 v57, v16;
	v58 =	vpop (erf)  }
0x24e: {  	s16 =	sshra.s32 s8, $0x2;
	s28 =	sshra.s32 s18, $0x2;
	s12 =	sshra.s32 s12, $0x2;
	v36 =	vsel vm1, s1, v36;
	v44 =	vsel vm1, s19, v44;
	v56 =	vmov s25;
	v59 =	vpop (erf)  }
0x24f: {  	s26 =	sshrl.u32 s7, $0x1F;
	s29 =	sadd.s32 s14, s24;
	s18 =	sshra.s32 s18, $0x1F;
	v43 =	vsel vm1, s12, v43;
	v49 =	vsel vm4, s28, v56;
	v16 =	vadd.f32 v59, v16  }
0x250: {  	s5 =	smul.u32 $0x66666667, s10;
	s20 =	sshra.s32 s29, $0x2;
	s12 =	sshrl.u32 s8, $0x1F;
	v36 =	vsel vm2, s16, v36;
	v44 =	vsel vm2, s26, v44;
	v49 =	vsel vm14, s18, v49  }
0x251: {  	s15 =	sshra.s32 s7, $0x2;
	s10 =	smul.u32 $0x66666667, s13;
	s24 =	sshra.s32 s29, $0x1F;
	v45 =	vsel vm2, s12, v45;
	v49 =	vsel vm0, s20, v49;
	v16 =	vadd.f32 v58, v16  }
0x252: {  	v43 =	vsel vm2, s15, v43;
	v44 =	vcombine.low v45, v44;
	s25 =	sshra.s32 s11, $0x2;
	s28 =	sshrl.u32 s29, $0x1F;
	v49 =	vsel vm11, s24, v49  }
0x253: {  	s2 =	sadd.s32 s10, s2;
	s29 =	sshra.s32 s11, $0x1F;
	v46 =	vsel vm0, s28, v46;
	v49 =	vsel vm1, s25, v49;
	v16 =	vadd.f32 v55, v16  }
0x254: {  	s23 =	smulhi.u32 $0x66666667, s22;
	s14 =	sshra.s32 s2, $0x2;
	(erf) = vpow2.f32 v40;
	v49 =	vsel vm13, s29, v49;
	v61 =	vcombine.low v36, v43  }
0x255: {  	s13 =	sadd.s32 s5, s9;
	s17 =	sshra.s32 s2, $0x1F;
	s18 =	sshrl.u32 s11, $0x1F;
	(erf) = vpow2.f32 v32;
	v49 =	vsel vm2, s14, v49;
	v16 =	vadd.f32 v63, v16  }
0x256: {  	s0 =	sadd.s32 s4, s0;
	s19 =	sshra.s32 s22, $0x1F;
	s20 =	sshra.s32 s13, $0x2;
	v46 =	vsel vm1, s18, v46;
	(erf) = vpow2.f32 v39;
	v60 =	vsel vm15, s17, v49  }
0x257: {  	s2 =	sshrl.u32 s2, $0x1F;
	s22 =	sshra.s32 s13, $0x1F;
	s21 =	smul.u32 $0x66666667, s19;
	v35 =	vperm.xlane v61, v1;
	v48 =	vsel vm5, s20, v60;
	v16 =	vadd.f32 v22, v16  }
0x258: {  	s1 =	sshrl.u32 s13, $0x1F;
	s24 =	sshra.s32 s0, $0x2;
	(erf) = vpow2.f32 v33;
	v62 =	vsel vm12, s22, v48;
	v63 =	vsel vm2, s2, v46  }
0x259: {  	s26 =	sshra.s32 s0, $0x1F;
	s0 =	sshrl.u32 s0, $0x1F;
	s25 =	sadd.s32 s21, s23;
	v36 =	vsel vm6, s24, v62;
	v43 =	vsel vm5, s1, v63;
	v16 =	vadd.f32 v42, v16  }
0x25a: {  	s28 =	sshra.s32 s25, $0x2;
	s29 =	sshrl.u32 s25, $0x1F;
	v36 =	vsel vm9, s26, v36;
	vm9 =	vcmask $0x3734;
	v43 =	vsel vm6, s0, v43  }
0x25b: {  	s4 =	sshrl.u32 s3, $0x1F;
	v36 =	vsel vm7, s28, v36;
	s2 =	sshra.s32 s25, $0x1F;
	v45 =	vsel vm7, s29, v43;
	v16 =	vadd.f32 v18, v16  }
0x25c: {  	s5 =	sshra.s32 s3, $0x2;
	v46 =	vsel vm9, s2, v36;
	v22 =	vperm.xlane v44, v1;
	v18 =	vsel vm8, s4, v45  }
0x25d: {  	v32 =	vsel vm8, s5, v46;
	v18 =	vperm.xlane v18, v2;
	v16 =	vadd.f32 v19, v16  }
0x25e: {  	(erf) = vpow2.f32 v38;
	v19 =	vperm.xlane v32, v2  }
0x25f: {  	(erf) = vpow2.f32 v34;
	v18 =	vsel vm3, v18, v22;
	v16 =	vadd.f32 v20, v16  }
0x260: {  	v9 =	vadd.f32 v9, v47;
	(erf) = vpow2.f32 v37;
	v19 =	vsel vm3, v19, v35  }
0x261: {  	(erf) = vpow2.f32 v13;
	v13 =	vadd.s32 v18, v19;
	v16 =	vadd.f32 v41, v16  }
0x262: {  	v8 =	vadd.f32 v8, v9;
	(erf) = vpow2.f32 v14;
	v14 =	vmul.u32 $0xFFFFFFF6, v13;
	v18 =	vpop (erf)  }
0x263: {  	v20 =	vsub.s32 $0x0, v17;
	v16 =	vadd.f32 v18, v16  }
0x264: {  	v7 =	vadd.f32 v7, v8;
	vm9 =	vlt.s32 v17, $0x1;
	vm10 =	vne.s32 v14, v20  }
0x265: {  	v47 =	vor.u32 s31, v0;
	v18 =	vpop (erf);
	vm9 =	vmand vm9, vm10  }
0x266: {  	v9 =	vand.u32 $0x7F, v47;
	v7 =	vmul.f32 v7, v5;
	v14 =	vpop (erf);
	v20 =	vsel vm9, $0xFFFFFFFF, v3  }
0x267: {  	v32 =	vshll.u32 v17, $0x8;
	v19 =	vmov s31;
	v14 =	vadd.f32 v14, v16;
	v16 =	vpop (erf)  }
0x268: {  	v17 =	vshll.u32 v17, $0x7;
	v19 =	vshll.u32 v19, $0x3;
	v13 =	vadd.s32 v20, v13;
	v22 =	vpop (erf)  }
0x269: {  	v19 =	vand.u32 $0x400, v19;
	v48 =	vshll.u32 v13, $0x8;
	v14 =	vadd.f32 v22, v14;
	v20 =	vpop (erf)  }
0x26a: {  	v8 =	vor.u32 v19, v9;
	v33 =	vand.u32 $0x300, v48;
	v22 =	vmul.u32 $0xA, v13;
	v49 =	vpop (erf)  }
0x26b: {  	v13 =	vmul.u32 $0xA00, v13;
	v8 =	vor.u32 v33, v8;
	v14 =	vadd.f32 v49, v14;
	v50 =	vpop (erf)  }
0x26c: {  	v51 =	vadd.s32 $0x9, v22;
	v52 =	vadd.s32 $0x6, v22;
	v53 =	vadd.s32 $0x7, v22;
	v54 =	vpop (erf)  }
0x26d: {  	v55 =	vadd.s32 $0x3, v22;
	v56 =	vadd.s32 $0x4, v22;
	v14 =	vadd.f32 v54, v14  }
0x26e: {  	v57 =	vadd.s32 $0x5, v22;
	v13 =	vand.u32 $0xFFFFF800, v13;
	v22 =	vadd.s32 $0x2, v22  }
0x26f: {  	v58 =	vshll.u32 v51, $0x8;
	v59 =	vshll.u32 v51, $0x7;
	v14 =	vadd.f32 v50, v14  }
0x270: {  	v60 =	vshll.u32 v53, $0x8;
	v33 =	vor.u32 v33, v13;
	v61 =	vshll.u32 v52, $0x8  }
0x271: {  	v36 =	vshll.u32 v52, $0x7;
	v62 =	vshll.u32 v57, $0x8;
	v14 =	vadd.f32 v20, v14  }
0x272: {  	v38 =	vshll.u32 v57, $0x7;
	v63 =	vshll.u32 v55, $0x8;
	v48 =	vshll.u32 v56, $0x8  }
0x273: {  	v8 =	vor.u32 v13, v8;
	v13 =	vshll.u32 v55, $0x7;
	v14 =	vadd.f32 v16, v14  }
0x274: {  	v49 =	vshll.u32 v22, $0x8;
	v22 =	vshll.u32 v22, $0x7;
	v33 =	vor.u32 v19, v33  }
0x275: {  	v34 =	vand.u32 $0x380, v59;
	v35 =	vand.u32 $0xFFFFF800, v60;
	v14 =	vadd.f32 v18, v14  }
0x276: {  	v22 =	vand.u32 $0x300, v22;
	v51 =	vor.u32 $0x80, v8;
	v20 =	vshll.u32 v53, $0x7  }
0x277: {  	v13 =	vand.u32 $0x380, v13;
	v20 =	vand.u32 $0x380, v20;
	v14 =	vadd.f32 v31, v14  }
0x278: {  	v50 =	vand.u32 $0xFFFFF800, v61;
	v16 =	vshll.u32 v56, $0x7;
	v20 =	vor.u32 v35, v20  }
0x279: {  	v16 =	vand.u32 $0x300, v16;
	v31 =	vand.u32 $0xFFFFF800, v49;
	v14 =	vadd.f32 v30, v14  }
0x27a: {  	v20 =	vor.u32 v19, v20;
	v22 =	vor.u32 v31, v22;
	v30 =	vand.u32 $0xFFFFF800, v63  }
0x27b: {  	v22 =	vor.u32 v19, v22;
	v13 =	vor.u32 v30, v13;
	v14 =	vadd.f32 v29, v14  }
0x27c: {  	v22 =	vor.u32 v9, v22;
	v29 =	vand.u32 $0xFFFFF800, v48;
	v13 =	vor.u32 v19, v13  }
0x27d: {  	v13 =	vor.u32 v9, v13;
	v16 =	vor.u32 v29, v16;
	v14 =	vadd.f32 v28, v14  }
0x27e: {  	v29 =	vand.u32 $0x380, v38;
	v28 =	vand.u32 $0xFFFFF800, v62;
	v16 =	vor.u32 v19, v16  }
0x27f: {  	v28 =	vor.u32 v28, v29;
	v14 =	vadd.f32 v27, v14;
	v27 =	vand.u32 $0x300, v36  }
0x280: {  	v16 =	vor.u32 v9, v16;
	v28 =	vor.u32 v19, v28;
	v27 =	vor.u32 v50, v27  }
0x281: {  	v8 =	vld.idx.msk [tilespmem:v8+s30+$0x0], $0xffff;
	v28 =	vor.u32 v9, v28;
	v14 =	vadd.f32 v26, v14;
	v27 =	vor.u32 v19, v27  }
0x282: {  	v18 =	vand.u32 $0xFFFFF800, v58;
	v20 =	vor.u32 v9, v20;
	v29 =	vld.idx.msk [tilespmem:v51+s30+$0x0], $0xffff;
	v27 =	vor.u32 v9, v27  }
0x283: {  	v18 =	vor.u32 v18, v34;
	v22 =	vld.idx.msk [tilespmem:v22+s30+$0x0], $0xffff;
	v26 =	vor.u32 v9, v33;
	v14 =	vadd.f32 v25, v14  }
0x284: {  	v17 =	vand.u32 $0x380, v17;
	v18 =	vor.u32 v19, v18;
	v13 =	vld.idx.msk [tilespmem:v13+s30+$0x0], $0xffff;
	v25 =	vadd.s32 $0x800, v26  }
0x285: {  	v18 =	vor.u32 v9, v18;
	v26 =	vand.u32 $0xFFFFF800, v32;
	v16 =	vld.idx.msk [tilespmem:v16+s30+$0x0], $0xffff;
	v14 =	vadd.f32 v24, v14  }
0x286: {  	v5 =	vmul.f32 v6, v5;
	v8 =	vmul.f32 $1.442695020e+00, v8;
	v17 =	vor.u32 v26, v17;
	v24 =	vld.idx.msk [tilespmem:v28+s30+$0x0], $0xffff  }
0x287: {  	v6 =	vmul.f32 $1.442695020e+00, v29;
	v17 =	vor.u32 v19, v17;
	v14 =	vadd.f32 v23, v14;
	v19 =	vld.idx.msk [tilespmem:v27+s30+$0x0], $0xffff  }
0x288: {  	(erf) = vpow2.f32 v8;
	v8 =	vmul.f32 $1.442695020e+00, v22;
	v9 =	vor.u32 v9, v17;
	v17 =	vld.idx.msk [tilespmem:v20+s30+$0x0], $0xffff  }
0x289: {  	(erf) = vpow2.f32 v6;
	v6 =	vmul.f32 $1.442695020e+00, v13;
	v13 =	vld.idx.msk [tilespmem:v25+s30+$0x0], $0xffff;
	v14 =	vadd.f32 v21, v14  }
0x28a: {  	(erf) = vpow2.f32 v8;
	v8 =	vmul.f32 $1.442695020e+00, v16;
	v16 =	vld.idx.msk [tilespmem:v18+s30+$0x0], $0xffff  }
0x28b: {  	(erf) = vpow2.f32 v6;
	v6 =	vmul.f32 $1.442695020e+00, v24;
	v14 =	vadd.f32 v15, v14  }
0x28c: {  	(erf) = vpow2.f32 v8;
	v8 =	vmul.f32 $1.442695020e+00, v19  }
0x28d: {  	v9 =	vld.idx.msk [tilespmem:v9+s30+$0x0], $0xffff;
	(erf) = vpow2.f32 v6;
	v6 =	vmul.f32 $1.442695020e+00, v17;
	v12 =	vadd.f32 v12, v14  }
0x28e: {  	v7 =	vadd.f32 $1.000000000e+00, v7;
	(erf) = vpow2.f32 v8;
	v8 =	vmul.f32 $1.442695020e+00, v13  }
0x28f: {  	v11 =	vadd.f32 v11, v12;
	(erf) = vpow2.f32 v6;
	v6 =	vmul.f32 $1.442695020e+00, v16  }
0x290: {  	v7 =	vadd.f32 $9.999999970e-07, v7;
	(erf) = vpow2.f32 v8  }
0x291: {  	v8 =	vadd.f32 v10, v11;
	(erf) = vpow2.f32 v6  }
0x292: {  	v6 =	vmul.f32 $1.442695020e+00, v9;
	v9 =	vadd.f32 $9.999999970e-07, v5;
	v5 =	vand.u32 $0x7FFFFF, v7  }
0x293: {  	v10 =	vpop (erf);
	v5 =	vor.u32 $0x3F000000, v5  }
0x294: {  	v11 =	vpop (erf);
	(erf) = vrcp.f32 v8;
	v12 =	vadd.f32 v5, v5  }
0x295: {  	(erf) = vpow2.f32 v6;
	v8 =	vpop (erf)  }
0x296: {  	v6 =	vand.u32 $0x7FFFFF, v9;
	v13 =	vpop (erf)  }
0x297: {  	vm9 =	vlt.f32 v5, $7.071067690e-01;
	v14 =	vor.u32 $0x3F000000, v6;
	v15 =	vpop (erf)  }
0x298: {  	s0 =	sld [smem:$0x7FC];
	v5 =	vsel vm9, v12, v5;
	v16 =	vadd.f32 v14, v14;
	v12 =	vpop (erf)  }
0x299: {  	vm10 =	vlt.f32 v14, $7.071067690e-01;
	v6 =	vadd.f32 $-1.000000000e+00, v5;
	v17 =	vpop (erf)  }
0x29a: {  	v5 =	vsel vm10, v16, v14;
	v14 =	vpop (erf)  }
0x29b: {  	s6 =	simm.s32 $0x2;
	p0 =	seq.s32 s0, $0x7;
	v16 =	vmul.f32 $7.037683580e-02, v6;
	v5 =	vadd.f32 $-1.000000000e+00, v5;
	v18 =	vpop (erf)  }
0x29c: {  	s1 =	rddreg [dreg:$0x1d];
	s0 =	sshll.u32 @!p0 s0, $0x9;
	s2 =	simm.s32 @!p0 $0x100000;
	v19 =	vpop (erf)  }
0x29d: {  	s3 =	simm.s32 @!p0 $0x0;
	s0 =	sadd.s32 @!p0 s0, s1;
	s1 =	simm.s32 @!p0 $0x800;
	v16 =	vadd.f32 $-1.151461010e-01, v16;
	v20 =	vmul.f32 $7.037683580e-02, v5;
	v21 =	vpop (erf)  }
0x29e: {  	[tilespmem:s3], [sflag:$0x1] =	stream.strided.gather @!p0 [hbm4b:s0+s1], $0x6800, s2, s1, $0x38;
	v22 =	vpop (erf);
	[tilespmem:$0xE080] =	vst v63  }
0x29f: {  	s23 =	simm.s32 $0x0;
	v16 =	vmul.f32 v16, v6;
	v20 =	vadd.f32 $-1.151461010e-01, v20;
	_ =	swait.ge [sflag:s6], $0x6800  }
0x2a0: {  	s7 =	sand.u32 $0x70, s23;
	s8 =	sand.u32 $0x400, s23;
	[sflag:s6] =	ssyncset.done $0x0  }
0x2a1: {  	s20 =	sor.u32 s7, s8;
	v16 =	vadd.f32 $1.167699840e-01, v16;
	v20 =	vmul.f32 v20, v5;
	[sflag:s6] =	ssyncadd.s32 $0xFFFF9800  }
0x2a2: {  	v23 =	vld [tilespmem:s20+$0x6800]  }
0x2a3: {  	v16 =	vmul.f32 v16, v6;
	v20 =	vadd.f32 $1.167699840e-01, v20;
	v24 =	vld [tilespmem:s20+$0x6880];
	_ =	sdelay $0x1  }
0x2a4: {  	v16 =	vadd.f32 $-1.242014100e-01, v16;
	v25 =	vld [tilespmem:s20+$0x6900];
	v20 =	vmul.f32 v20, v5  }
0x2a5: {  	v10 =	vadd.f32 v11, v10  }
0x2a6: {  	v26 =	vld [tilespmem:s20+$0x6980];
	v16 =	vmul.f32 v16, v6;
	v20 =	vadd.f32 $-1.242014100e-01, v20;
	v23 =	vmul.f32 $1.442695020e+00, v23  }
0x2a7: {  	v8 =	vadd.f32 v8, v10;
	v24 =	vmul.f32 $1.442695020e+00, v24  }
0x2a8: {  	v16 =	vadd.f32 $1.424932330e-01, v16;
	v20 =	vmul.f32 v20, v5;
	(erf) = vpow2.f32 v23;
	v23 =	vld [tilespmem:s20+$0x6A00]  }
0x2a9: {  	v25 =	vmul.f32 $1.442695020e+00, v25;
	(erf) = vpow2.f32 v24  }
0x2aa: {  	v8 =	vadd.f32 v13, v8;
	v11 =	vld [tilespmem:s20+$0x6A80];
	v16 =	vmul.f32 v16, v6;
	v20 =	vadd.f32 $1.424932330e-01, v20  }
0x2ab: {  	s9 =	sor.u32 s23, s23;
	v24 =	vmul.f32 $1.442695020e+00, v26;
	(erf) = vpow2.f32 v25  }
0x2ac: {  	s1 =	sor.u32 $0x380, s9;
	v8 =	vadd.f32 v15, v8;
	v10 =	vld [tilespmem:s20+$0x6B00];
	v20 =	vmul.f32 v20, v5  }
0x2ad: {  	v13 =	vld [tilespmem:s1+$0x6800];
	v16 =	vadd.f32 $-1.666805740e-01, v16;
	(erf) = vpow2.f32 v24;
	v23 =	vmul.f32 $1.442695020e+00, v23  }
0x2ae: {  	v15 =	vld [tilespmem:s20+$0x7000];
	v20 =	vadd.f32 $-1.666805740e-01, v20  }
0x2af: {  	v8 =	vadd.f32 v12, v8;
	v11 =	vmul.f32 $1.442695020e+00, v11;
	v16 =	vmul.f32 v16, v6  }
0x2b0: {  	v20 =	vmul.f32 v20, v5;
	(erf) = vpow2.f32 v23  }
0x2b1: {  	v8 =	vadd.f32 v17, v8;
	v10 =	vmul.f32 $1.442695020e+00, v10;
	v16 =	vadd.f32 $2.000071410e-01, v16;
	v23 =	vpop (erf)  }
0x2b2: {  	v13 =	vmul.f32 $1.442695020e+00, v13;
	(erf) = vpow2.f32 v11;
	v11 =	vadd.f32 $2.000071410e-01, v20;
	v20 =	vld [tilespmem:s20+$0x7080];
	v12 =	vpop (erf)  }
0x2b3: {  	v15 =	vmul.f32 $1.442695020e+00, v15;
	v16 =	vmul.f32 v16, v6;
	v12 =	vadd.f32 v12, v23  }
0x2b4: {  	(erf) = vpow2.f32 v10;
	v10 =	vmul.f32 v11, v5;
	v11 =	vld [tilespmem:s20+$0x7100];
	v17 =	vpop (erf)  }
0x2b5: {  	v8 =	vadd.f32 v14, v8;
	(erf) = vpow2.f32 v13;
	v13 =	vld [tilespmem:s20+$0x7180];
	v12 =	vadd.f32 v17, v12  }
0x2b6: {  	v7 =	vshrl.u32 v7, $0x17;
	(erf) = vpow2.f32 v15;
	v15 =	vadd.f32 $-2.499999400e-01, v16;
	v16 =	vld [tilespmem:s20+$0x7200];
	v14 =	vpop (erf)  }
0x2b7: {  	v8 =	vadd.f32 v18, v8;
	v12 =	vadd.f32 v14, v12;
	v14 =	vmul.f32 $1.442695020e+00, v20  }
0x2b8: {  	v9 =	vshrl.u32 v9, $0x17  }
0x2b9: {  	v20 =	vand.u32 $0xFF, v7;
	v7 =	vpop (erf);
	(erf) = vpow2.f32 v14;
	v14 =	vadd.f32 v19, v8  }
0x2ba: {  	v17 =	vld [tilespmem:s20+$0x7280];
	v11 =	vmul.f32 $1.442695020e+00, v11;
	v13 =	vmul.f32 $1.442695020e+00, v13;
	v12 =	vadd.f32 v7, v12  }
0x2bb: {  	v9 =	vand.u32 $0xFF, v9;
	v16 =	vmul.f32 $1.442695020e+00, v16;
	v8 =	vpop (erf);
	v14 =	vmul.f32 v14, v21  }
0x2bc: {  	v19 =	vld [tilespmem:s20+$0x7300];
	(erf) = vpow2.f32 v11;
	v11 =	vsel vm10, $0xFFFFFFFF, v3;
	v12 =	vadd.f32 v8, v12  }
0x2bd: {  	v18 =	vpop (erf);
	(erf) = vpow2.f32 v13;
	v9 =	vadd.s32 v11, v9;
	v11 =	vadd.f32 $1.000000000e+00, v14  }
0x2be: {  	(erf) = vpow2.f32 v16;
	v16 =	vmul.f32 v22, v21;
	v21 =	vld [tilespmem:s20+$0x7880];
	v12 =	vadd.f32 v18, v12  }
0x2bf: {  	v17 =	vmul.f32 $1.442695020e+00, v17;
	v13 =	vmul.f32 v15, v6;
	v15 =	vpop (erf);
	v14 =	vld [tilespmem:s20+$0x7380]  }
0x2c0: {  	v18 =	vld [tilespmem:s20+$0x7800];
	v15 =	vadd.f32 v15, v12  }
0x2c1: {  	(erf) = vpow2.f32 v17;
	v17 =	vmul.f32 $1.442695020e+00, v19;
	v12 =	vadd.f32 $9.999999970e-07, v11;
	v11 =	vpop (erf)  }
0x2c2: {  	v15 =	vadd.f32 v11, v15  }
0x2c3: {  	v19 =	vsel vm9, $0xFFFFFFFF, v3;
	(erf) = vpow2.f32 v17;
	v22 =	vpop (erf)  }
0x2c4: {  	v21 =	vmul.f32 $1.442695020e+00, v21;
	v11 =	vadd.f32 $9.999999970e-07, v16;
	v15 =	vadd.f32 v22, v15  }
0x2c5: {  	v16 =	vand.u32 $0x7FFFFF, v12;
	v14 =	vmul.f32 $1.442695020e+00, v14;
	v18 =	vmul.f32 $1.442695020e+00, v18;
	v24 =	vpop (erf)  }
0x2c6: {  	v23 =	vld [tilespmem:s20+$0x7900];
	v16 =	vor.u32 $0x3F000000, v16;
	v17 =	vand.u32 $0x7FFFFF, v11;
	v15 =	vadd.f32 v24, v15  }
0x2c7: {  	(erf) = vpow2.f32 v14;
	v25 =	vpop (erf);
	v14 =	vor.u32 $0x3F000000, v17;
	v17 =	vadd.f32 v16, v16;
	v24 =	vld [tilespmem:s20+$0x7980]  }
0x2c8: {  	vm10 =	vlt.f32 v16, $7.071067690e-01;
	(erf) = vpow2.f32 v18;
	v15 =	vadd.f32 v25, v15  }
0x2c9: {  	v26 =	vpop (erf);
	v18 =	vadd.f32 v14, v14;
	vm9 =	vlt.f32 v14, $7.071067690e-01;
	v25 =	vimm.s32 $0x0  }
0x2ca: {  	v16 =	vsel vm10, v17, v16;
	v25 =	vsel vm9, $0xFFFFFFFF, v25;
	v15 =	vadd.f32 v26, v15  }
0x2cb: {  	v23 =	vmul.f32 $1.442695020e+00, v23;
	(erf) = vpow2.f32 v21;
	v14 =	vsel vm9, v18, v14;
	v17 =	vpop (erf);
	[tilespmem:$0x1FFF0] =	vst v25;
	v25 =	vld [tilespmem:s20+$0x7A00]  }
0x2cc: {  	v21 =	vmul.f32 $1.442695020e+00, v24;
	v24 =	vadd.f32 v17, v15;
	v15 =	vadd.f32 $-1.000000000e+00, v14  }
0x2cd: {  	v7 =	vmul.f32 v6, v6;
	(erf) = vpow2.f32 v23;
	v18 =	vld [tilespmem:s20+$0x7A80];
	v17 =	vadd.f32 $-1.000000000e+00, v16;
	v16 =	vpop (erf)  }
0x2ce: {  	v14 =	vld [tilespmem:s20+$0x7B00];
	v16 =	vadd.f32 v16, v24;
	v24 =	vmul.f32 $7.037683580e-02, v15  }
0x2cf: {  	v13 =	vadd.f32 $3.333333130e-01, v13;
	v23 =	vmul.f32 v7, v6;
	(erf) = vpow2.f32 v21  }
0x2d0: {  	v27 =	vpop (erf);
	v25 =	vmul.f32 $1.442695020e+00, v25;
	v24 =	vadd.f32 $-1.151461010e-01, v24  }
0x2d1: {  	v13 =	vmul.f32 v13, v23;
	v21 =	vmul.f32 $7.037683580e-02, v17;
	v16 =	vadd.f32 v27, v16  }
0x2d2: {  	s10 =	sld [smem:$0x7FB];
	v10 =	vadd.f32 $-2.499999400e-01, v10;
	v18 =	vmul.f32 $1.442695020e+00, v18;
	v27 =	vpop (erf);
	(erf) = vpow2.f32 v25  }
0x2d3: {  	v26 =	vld [tilespmem:s20+$0x7B80];
	v21 =	vadd.f32 $-1.151461010e-01, v21;
	v14 =	vmul.f32 $1.442695020e+00, v14;
	v16 =	vadd.f32 v27, v16  }
0x2d4: {  	(erf) = vpow2.f32 v18;
	v18 =	vadd.s32 v19, v20;
	v20 =	vmul.f32 v24, v15;
	v24 =	vpop (erf)  }
0x2d5: {  	v28 =	vld [tilespmem:s20+$0x8980];
	s1 =	sand.u32 $0x3FFFFF00, s10;
	v10 =	vmul.f32 v10, v5;
	v8 =	vmul.f32 v5, v5;
	v16 =	vadd.f32 v24, v16  }
0x2d6: {  	s1 =	sadd.s32 $0xD000, s1;
	v6 =	vadd.f32 v13, v6;
	v13 =	vld [tilespmem:s20+$0x8180];
	v19 =	vmul.f32 v21, v17;
	(erf) = vpow2.f32 v14;
	v23 =	vpop (erf)  }
0x2d7: {  	[dreg:$0x5] =	wrdreg s1;
	v10 =	vadd.f32 $3.333333130e-01, v10;
	v22 =	vmul.f32 v8, v5;
	v25 =	vld [tilespmem:s20+$0x8000];
	v23 =	vadd.f32 v23, v16  }
0x2d8: {  	s11 =	sand.u32 $0x80, s23;
	s1 =	rddreg [dreg:$0x5];
	v9 =	vadd.s32 $0xFFFFFF82, v9;
	v27 =	vld [tilespmem:s20+$0x8080];
	v14 =	vadd.f32 $1.167699840e-01, v19;
	v24 =	vmul.f32 $1.442695020e+00, v26;
	v26 =	vpop (erf)  }
0x2d9: {  	s1 =	sadd.s32 s11, s1;
	v9 =	vcvt.s32.f32 v9;
	v19 =	vadd.f32 $1.167699840e-01, v20;
	v20 =	vld [tilespmem:s20+$0x8100];
	v23 =	vadd.f32 v26, v23  }
0x2da: {  	s0 =	sadd.s32 s7, s1;
	v10 =	vmul.f32 v10, v22;
	(erf) = vpow2.f32 v24;
	v24 =	vld [tilespmem:s20+$0x8880]  }
0x2db: {  	v7 =	vmul.f32 $5.000000000e-01, v7;
	v13 =	vmul.f32 $1.442695020e+00, v13;
	v16 =	vld [tilespmem:s0+$0x0];
	v22 =	vpop (erf)  }
0x2dc: {  	v21 =	vld [tilespmem:s20+$0x8900];
	v25 =	vmul.f32 $1.442695020e+00, v25;
	v14 =	vmul.f32 v14, v17;
	v22 =	vadd.f32 v22, v23  }
0x2dd: {  	v5 =	vadd.f32 v10, v5;
	v19 =	vmul.f32 v19, v15;
	v26 =	vmul.f32 $1.442695020e+00, v27;
	v27 =	vld [tilespmem:s20+$0x8200];
	v23 =	vpop (erf)  }
0x2de: {  	(erf) = vpow2.f32 v25;
	v20 =	vmul.f32 $1.442695020e+00, v20;
	v22 =	vadd.f32 v23, v22  }
0x2df: {  	v18 =	vadd.s32 $0xFFFFFF82, v18;
	(erf) = vpow2.f32 v26;
	v23 =	vmul.f32 $1.442695020e+00, v24;
	v24 =	vpop (erf)  }
0x2e0: {  	(v2sf) =	vpush v16, $0xF;
	(erf) = vpow2.f32 v20;
	v20 =	vadd.f32 v24, v22;
	v22 =	vld [tilespmem:s20+$0x8280]  }
0x2e1: {  	v21 =	vmul.f32 $1.442695020e+00, v21;
	v25 =	vmul.f32 $1.442695020e+00, v28;
	v26 =	vld [tilespmem:s20+$0x8800];
	(v2sf) =	vpush v16, $0xB  }
0x2e2: {  	(erf) = vpow2.f32 v13;
	(v2sf) =	vpush v16, $0x6;
	v27 =	vmul.f32 $1.442695020e+00, v27  }
0x2e3: {  	v14 =	vadd.f32 $-1.242014100e-01, v14;
	(erf) = vpow2.f32 v25;
	(v2sf) =	vpush v16, $0xE;
	v24 =	vld [tilespmem:s20+$0x8380];
	v13 =	vpop (erf)  }
0x2e4: {  	(v2sf) =	vpush v16, $0xA;
	(erf) = vpow2.f32 v27;
	v13 =	vadd.f32 v13, v20;
	v20 =	vld [tilespmem:s20+$0x8300]  }
0x2e5: {  	(v2sf) =	vpush v16, $0xD;
	(erf) = vpow2.f32 v21;
	v21 =	vmul.f32 $1.442695020e+00, v22  }
0x2e6: {  	v19 =	vadd.f32 $-1.242014100e-01, v19;
	v25 =	vmul.f32 $1.442695020e+00, v26;
	(v2sf) =	vpush v16, $0x9  }
0x2e7: {  	v14 =	vmul.f32 v14, v17;
	v26 =	vpop (erf);
	(erf) = vpow2.f32 v23;
	(v2sf) =	vpush v16, $0x5  }
0x2e8: {  	(erf) = vpow2.f32 v25;
	v13 =	vadd.f32 v26, v13;
	v22 =	vmul.f32 $1.442695020e+00, v24  }
0x2e9: {  	(v2sf) =	vpush v16, $0xC;
	v20 =	vmul.f32 $1.442695020e+00, v20;
	(erf) = vpow2.f32 v21;
	v21 =	vpop (erf)  }
0x2ea: {  	v19 =	vmul.f32 v19, v15;
	(v2sf) =	vpush v16, $0x8;
	v13 =	vadd.f32 v21, v13  }
0x2eb: {  	v14 =	vadd.f32 $1.424932330e-01, v14;
	(v2sf) =	vpush v16, $0x4;
	(erf) = vpow2.f32 v22;
	v21 =	vpop (erf)  }
0x2ec: {  	(v2sf) =	vpush v16, $0x3;
	(erf) = vpow2.f32 v20;
	v13 =	vadd.f32 v21, v13  }
0x2ed: {  	v18 =	vcvt.s32.f32 v18;
	v19 =	vadd.f32 $1.424932330e-01, v19;
	(v2sf) =	vpush v16, $0x2;
	v20 =	vpop (erf)  }
0x2ee: {  	v55 =	vld [tilespmem:s20+$0xC180];
	v8 =	vmul.f32 $5.000000000e-01, v8;
	(v2sf) =	vpush v16, $0x1;
	v22 =	vpop (erf);
	v10 =	vadd.f32 v20, v13  }
0x2ef: {  	v6 =	vsub.f32 v6, v7;
	v18 =	vmul.f32 $6.931471820e-01, v18;
	(v2sf) =	vpush v16, $0x0;
	s0 =	spop (v2sf);
	v21 =	vpop (erf)  }
0x2f0: {  	v7 =	vmul.f32 v14, v17;
	v14 =	vmul.f32 v19, v15;
	v19 =	vld [tilespmem:s20+$0x8A00];
	s25 =	spop (v2sf);
	v13 =	vpop (erf)  }
0x2f1: {  	v9 =	vmul.f32 $6.931471820e-01, v9;
	v5 =	vsub.f32 v5, v8;
	v6 =	vadd.f32 v6, v18;
	s19 =	spop (v2sf);
	v20 =	vpop (erf)  }
0x2f2: {  	v7 =	vadd.f32 $-1.666805740e-01, v7;
	s6 =	spop (v2sf);
	v8 =	vadd.f32 v21, v10;
	v10 =	vpop (erf)  }
0x2f3: {  	v59 =	vmul.f32 $1.442695020e+00, v55;
	v5 =	vadd.f32 v5, v9;
	v28 =	vld [tilespmem:s20+$0xC300];
	v14 =	vadd.f32 $-1.666805740e-01, v14;
	s4 =	spop (v2sf);
	v23 =	vpop (erf)  }
0x2f4: {  	v18 =	vmul.f32 $-2.325441540e-01, v6;
	v7 =	vmul.f32 v7, v17;
	v21 =	vld [tilespmem:s20+$0x8A80];
	s12 =	spop (v2sf);
	v8 =	vadd.f32 v23, v8;
	v23 =	vpop (erf)  }
0x2f5: {  	v6 =	vld [tilespmem:s20+$0xC900];
	v9 =	vmul.f32 v14, v15;
	v26 =	vmul.f32 $1.442695020e+00, v19;
	(v2sf) =	vpush v16, $0x7;
	s7 =	smulhi.u32 $0x66666667, s12;
	v25 =	vpop (erf)  }
0x2f6: {  	v14 =	vld [tilespmem:s20+$0x8B00];
	v19 =	vmul.f32 $3.678794500e-01, v5;
	s13 =	spop (v2sf);
	s8 =	sshra.s32 s12, $0x1F;
	s12 =	smulhi.u32 $0x66666667, s0;
	v8 =	vadd.f32 v25, v8  }
0x2f7: {  	v5 =	vadd.f32 $2.000071410e-01, v7;
	v7 =	vadd.f32 $2.000071410e-01, v9;
	v9 =	vld [tilespmem:s20+$0x8B80];
	s21 =	spop (v2sf);
	s3 =	smulhi.u32 $0x66666667, s13  }
0x2f8: {  	v24 =	vld [tilespmem:s20+$0xC980];
	s0 =	sshra.s32 s0, $0x1F;
	s8 =	smul.u32 $0x66666667, s8;
	s14 =	spop (v2sf);
	v8 =	vadd.f32 v23, v8  }
0x2f9: {  	v27 =	vld [tilespmem:s20+$0xC800];
	(erf) = vpow2.f32 v26;
	s0 =	smul.u32 $0x66666667, s0;
	s16 =	spop (v2sf);
	v21 =	vmul.f32 $1.442695020e+00, v21  }
0x2fa: {  	v5 =	vmul.f32 v5, v17;
	v7 =	vmul.f32 v7, v15;
	v26 =	vld [tilespmem:s20+$0x9000];
	s18 =	smulhi.u32 $0x66666667, s14;
	s24 =	spop (v2sf);
	v8 =	vadd.f32 v10, v8  }
0x2fb: {  	s22 =	smulhi.u32 $0x66666667, s16;
	s1 =	spop (v2sf);
	(erf) = vpow2.f32 v21;
	v23 =	vld [tilespmem:s20+$0xC380];
	v10 =	vmul.f32 $1.442695020e+00, v14  }
0x2fc: {  	v25 =	vld [tilespmem:s20+$0xC880];
	s5 =	spop (v2sf);
	v14 =	vadd.f32 $-2.499999400e-01, v5;
	v5 =	vadd.f32 v20, v8;
	v8 =	vmul.f32 $1.442695020e+00, v9  }
0x2fd: {  	s11 =	sshra.s32 s16, $0x1F;
	s2 =	spop (v2sf);
	(erf) = vpow2.f32 v10;
	v9 =	vmul.f32 $1.442695020e+00, v24;
	v24 =	vld [tilespmem:s20+$0x9080]  }
0x2fe: {  	v29 =	vld [tilespmem:s20+$0xC280];
	v30 =	vmul.f32 $1.442695020e+00, v6;
	v27 =	vmul.f32 $1.442695020e+00, v27;
	s11 =	smul.u32 $0x66666667, s11;
	s26 =	spop (v2sf)  }
0x2ff: {  	v7 =	vadd.f32 $-2.499999400e-01, v7;
	s15 =	smulhi.u32 $0x66666667, s26;
	v6 =	vadd.f32 v13, v5;
	(erf) = vpow2.f32 v8;
	v8 =	vld [tilespmem:s20+$0x9100]  }
0x300: {  	s10 =	sshra.s32 s14, $0x1F;
	s14 =	sshra.s32 s26, $0x1F;
	v5 =	vmul.f32 $1.442695020e+00, v23;
	v13 =	vmul.f32 $1.442695020e+00, v26;
	v23 =	vld [tilespmem:s20+$0x9180]  }
0x301: {  	s9 =	sshra.s32 s13, $0x1F;
	s29 =	smul.u32 $0x66666667, s14;
	v10 =	vmul.f32 $1.442695020e+00, v25;
	v26 =	vld [tilespmem:s20+$0xC200];
	v22 =	vadd.f32 v22, v6;
	v6 =	vmul.f32 $1.442695020e+00, v28  }
0x302: {  	vm9 =	vcmask $0x704;
	s9 =	smul.u32 $0x66666667, s9;
	s8 =	sadd.s32 s8, s7;
	s11 =	sadd.s32 s11, s22;
	v25 =	vpop (erf);
	v28 =	vld [tilespmem:s20+$0x9200];
	(erf) = vpow2.f32 v13;
	v31 =	vmul.f32 $1.442695020e+00, v24  }
0x303: {  	s26 =	sshrl.u32 s11, $0x1F;
	s11 =	sshra.s32 s11, $0x2;
	s7 =	sadd.s32 s29, s15;
	v24 =	vmul.f32 v7, v15;
	v13 =	vadd.f32 v25, v22;
	v25 =	vmul.f32 v14, v17  }
0x304: {  	s10 =	smul.u32 $0x66666667, s10;
	s28 =	spop (v2sf);
	v54 =	vmov s11;
	s29 =	sshrl.u32 s7, $0x1F;
	v7 =	vpop (erf);
	v14 =	vld [tilespmem:s20+$0x9280];
	v8 =	vmul.f32 $1.442695020e+00, v8;
	(erf) = vpow2.f32 v31  }
0x305: {  	s17 =	smulhi.u32 $0x66666667, s28;
	v53 =	vmov s29;
	v22 =	vmul.f32 $1.442695020e+00, v23;
	v13 =	vadd.f32 v7, v13  }
0x306: {  	s9 =	sadd.s32 s9, s3;
	s10 =	sadd.s32 s10, s18;
	s18 =	sshra.s32 s28, $0x1F;
	v31 =	vmov s26;
	v7 =	vmul.f32 $1.442695020e+00, v29;
	v29 =	vld [tilespmem:s20+$0x9300];
	v23 =	vpop (erf);
	(erf) = vpow2.f32 v8  }
0x307: {  	s22 =	sshrl.u32 s10, $0x1F;
	s28 =	sshra.s32 s10, $0x2;
	s14 =	smul.u32 $0x66666667, s18;
	v8 =	vmul.f32 $1.442695020e+00, v26;
	v26 =	vmul.f32 $1.442695020e+00, v28;
	v13 =	vadd.f32 v23, v13  }
0x308: {  	v52 =	vld [tilespmem:s20+$0x9380];
	s13 =	sshrl.u32 s8, $0x1F;
	s15 =	smulhi.u32 $0x66666667, s6;
	s6 =	sshra.s32 s6, $0x1F;
	v23 =	vmov s22;
	(erf) = vpow2.f32 v22;
	v22 =	vmov s28  }
0x309: {  	s6 =	smul.u32 $0x66666667, s6;
	s22 =	sadd.s32 s14, s17;
	s14 =	sshrl.u32 s9, $0x1F;
	v28 =	vpop (erf);
	v14 =	vmul.f32 $1.442695020e+00, v14;
	(erf) = vpow2.f32 v26;
	v23 =	vsel vm0, s13, v23  }
0x30a: {  	s8 =	sshra.s32 s8, $0x2;
	v26 =	vsel vm0, s14, v31;
	v13 =	vadd.f32 v28, v13;
	(erf) = vpow2.f32 v9  }
0x30b: {  	s3 =	sadd.s32 s0, s12;
	s6 =	sadd.s32 s6, s15;
	s16 =	sshra.s32 s22, $0x1F;
	v31 =	vld [tilespmem:s20+$0x9800];
	v22 =	vsel vm0, s8, v22;
	v29 =	vmul.f32 $1.442695020e+00, v29;
	v56 =	vpop (erf);
	(erf) = vpow2.f32 v14  }
0x30c: {  	s29 =	sshrl.u32 s6, $0x1F;
	s17 =	smulhi.u32 $0x66666667, s2;
	s2 =	sshra.s32 s2, $0x1F;
	v9 =	vmov s16;
	v13 =	vadd.f32 v56, v13;
	(erf) = vpow2.f32 v30  }
0x30d: {  	v57 =	vld [tilespmem:s20+$0x9880];
	s18 =	sshra.s32 s7, $0x2;
	s7 =	sshra.s32 s7, $0x1F;
	s2 =	smul.u32 $0x66666667, s2;
	v23 =	vsel vm1, s29, v23;
	v14 =	vmul.f32 $1.442695020e+00, v52;
	(erf) = vpow2.f32 v29;
	v58 =	vpop (erf)  }
0x30e: {  	s12 =	sshra.s32 s6, $0x2;
	s26 =	smulhi.u32 $0x66666667, s4;
	s4 =	sshra.s32 s4, $0x1F;
	v9 =	vsel vm4, s18, v9;
	v30 =	vld [tilespmem:s20+$0x9900];
	(erf) = vpow2.f32 v10;
	v13 =	vadd.f32 v58, v13  }
0x30f: {  	s4 =	smul.u32 $0x66666667, s4;
	v22 =	vsel vm1, s12, v22;
	s2 =	sadd.s32 s2, s17;
	v9 =	vsel vm9, s7, v9;
	(erf) = vpow2.f32 v14;
	v29 =	vpop (erf)  }
0x310: {  	s9 =	sshra.s32 s9, $0x2;
	s8 =	sshra.s32 s2, $0x2;
	v31 =	vmul.f32 $1.442695020e+00, v31;
	(erf) = vpow2.f32 v27;
	v27 =	vld [tilespmem:s20+$0x9980];
	v13 =	vadd.f32 v29, v13  }
0x311: {  	s28 =	smulhi.u32 $0x66666667, s5;
	s4 =	sadd.s32 s4, s26;
	vm9 =	vcmask $0xF0C;
	v9 =	vsel vm0, s8, v9;
	v10 =	vsel vm0, s9, v54;
	v29 =	vpop (erf)  }
0x312: {  	s5 =	sshra.s32 s5, $0x1F;
	s10 =	sshrl.u32 s4, $0x1F;
	s4 =	sshra.s32 s4, $0x2;
	v14 =	vmul.f32 $1.442695020e+00, v57;
	(erf) = vpow2.f32 v31;
	v13 =	vadd.f32 v29, v13  }
0x313: {  	s5 =	smul.u32 $0x66666667, s5;
	v61 =	vsel vm1, s4, v10;
	v10 =	vld [tilespmem:s20+$0xC100];
	v30 =	vmul.f32 $1.442695020e+00, v30;
	(erf) = vpow2.f32 v5;
	v29 =	vpop (erf)  }
0x314: {  	s18 =	sshrl.u32 s3, $0x1F;
	v31 =	vld [tilespmem:s20+$0x9A00];
	(erf) = vpow2.f32 v14;
	v14 =	vsel vm1, s10, v26;
	v5 =	vpop (erf);
	v13 =	vadd.f32 v29, v13  }
0x315: {  	v60 =	vld [tilespmem:s20+$0x9A80];
	s11 =	sadd.s32 s5, s28;
	s13 =	sshra.s32 s2, $0x1F;
	(erf) = vpow2.f32 v6;
	v26 =	vpop (erf);
	v29 =	vsel vm2, s18, v23;
	v23 =	vmul.f32 $1.442695020e+00, v27  }
0x316: {  	v62 =	vld [tilespmem:s20+$0xC080];
	s16 =	smulhi.u32 $0x66666667, s1;
	s1 =	sshra.s32 s1, $0x1F;
	s15 =	sshra.s32 s11, $0x2;
	v9 =	vsel vm9, s13, v9;
	(erf) = vpow2.f32 v30;
	v6 =	vpop (erf);
	v13 =	vadd.f32 v26, v13  }
0x317: {  	v43 =	vld [tilespmem:s20+$0xBB80];
	s1 =	smul.u32 $0x66666667, s1;
	s29 =	sshra.s32 s11, $0x1F;
	vm9 =	vcmask $0x1714;
	v9 =	vsel vm1, s15, v9;
	(erf) = vpow2.f32 v7;
	v26 =	vpop (erf)  }
0x318: {  	s14 =	smulhi.u32 $0x66666667, s25;
	s17 =	sshra.s32 s25, $0x1F;
	v9 =	vsel vm9, s29, v9;
	v27 =	vld [tilespmem:s20+$0x9B00];
	(erf) = vpow2.f32 v23;
	v7 =	vpop (erf);
	v13 =	vadd.f32 v26, v13  }
0x319: {  	v45 =	vld [tilespmem:s20+$0xBB00];
	s25 =	smul.u32 $0x66666667, s17;
	s26 =	sshrl.u32 s2, $0x1F;
	s1 =	sadd.s32 s1, s16;
	v10 =	vmul.f32 $1.442695020e+00, v10;
	v30 =	vmul.f32 $1.442695020e+00, v31;
	v26 =	vnsel vm4, $0x0, v53;
	v23 =	vpop (erf)  }
0x31a: {  	s7 =	sshra.s32 s1, $0x2;
	(erf) = vpow2.f32 v8;
	v33 =	vsel vm0, s26, v26;
	v26 =	vld [tilespmem:s20+$0x9B80];
	v8 =	vpop (erf);
	v13 =	vadd.f32 v23, v13  }
0x31b: {  	s3 =	sshra.s32 s3, $0x2;
	s28 =	sadd.s32 s25, s14;
	v63 =	vsel vm2, s7, v9;
	v31 =	vmul.f32 $1.442695020e+00, v60;
	(erf) = vpow2.f32 v30;
	v23 =	vld [tilespmem:s20+$0xC000];
	v9 =	vpop (erf)  }
0x31c: {  	v46 =	vld [tilespmem:s20+$0xA100];
	v32 =	vsel vm2, s3, v22;
	s6 =	sshrl.u32 s28, $0x1F;
	(erf) = vpow2.f32 v59;
	v13 =	vadd.f32 v9, v13;
	v9 =	vpop (erf)  }
0x31d: {  	v30 =	vsel vm2, s6, v14;
	v14 =	vld [tilespmem:s20+$0xA000];
	v27 =	vmul.f32 $1.442695020e+00, v27;
	(erf) = vpow2.f32 v31;
	v44 =	vpop (erf)  }
0x31e: {  	v22 =	vmul.f32 $1.442695020e+00, v62;
	v31 =	vld [tilespmem:s20+$0xA080];
	(erf) = vpow2.f32 v10;
	v13 =	vadd.f32 v44, v13;
	v10 =	vpop (erf)  }
0x31f: {  	v47 =	vld [tilespmem:s20+$0xB180];
	(erf) = vpow2.f32 v27;
	v27 =	vshrl.u32 v11, $0x17;
	v26 =	vmul.f32 $1.442695020e+00, v26;
	v11 =	vpop (erf)  }
0x320: {  	v48 =	vld [tilespmem:s20+$0xB100];
	v23 =	vmul.f32 $1.442695020e+00, v23;
	(erf) = vpow2.f32 v22;
	v13 =	vadd.f32 v11, v13;
	v11 =	vpop (erf)  }
0x321: {  	v37 =	vmul.f32 $1.442695020e+00, v43;
	v22 =	vld [tilespmem:s20+$0xB200];
	(erf) = vpow2.f32 v26;
	v26 =	vshrl.u32 v12, $0x17;
	v12 =	vpop (erf)  }
0x322: {  	v14 =	vmul.f32 $1.442695020e+00, v14;
	(erf) = vpow2.f32 v23;
	v23 =	vld [tilespmem:s20+$0xA180];
	v13 =	vadd.f32 v12, v13  }
0x323: {  	v36 =	vmul.f32 $1.442695020e+00, v46;
	v18 =	vadd.f32 v18, v19;
	v19 =	vld [tilespmem:s20+$0xB280];
	v31 =	vmul.f32 $1.442695020e+00, v31  }
0x324: {  	v52 =	vld [tilespmem:$0x1FFF0];
	(erf) = vpow2.f32 v14;
	v12 =	vpop (erf);
	v14 =	vmul.f32 $1.442695020e+00, v45  }
0x325: {  	v39 =	vmul.f32 $1.442695020e+00, v47;
	v38 =	vmul.f32 $1.442695020e+00, v48;
	v49 =	vpop (erf)  }
0x326: {  	v50 =	vld [tilespmem:s20+$0xA200];
	(erf) = vpow2.f32 v37;
	v40 =	vadd.f32 v49, v13;
	v22 =	vmul.f32 $1.442695020e+00, v22;
	v13 =	vpop (erf)  }
0x327: {  	v41 =	vand.u32 $0xFF, v26;
	v26 =	vld [tilespmem:s20+$0xB080];
	(erf) = vpow2.f32 v31;
	v23 =	vmul.f32 $1.442695020e+00, v23;
	v31 =	vpop (erf)  }
0x328: {  	v51 =	vld [tilespmem:s20+$0xA280];
	v19 =	vmul.f32 $1.442695020e+00, v19;
	(erf) = vpow2.f32 v14;
	v31 =	vadd.f32 v31, v40;
	v14 =	vpop (erf)  }
0x329: {  	v21 =	vmul.f32 v17, v17;
	vm9 =	vnez.u8 v52;
	(erf) = vpow2.f32 v36;
	v53 =	vpop (erf)  }
0x32a: {  	v27 =	vand.u32 $0xFF, v27;
	(erf) = vpow2.f32 v22;
	v31 =	vadd.f32 v53, v31;
	v22 =	vpop (erf)  }
0x32b: {  	v37 =	vmul.f32 $1.442695020e+00, v50;
	v36 =	vsel vm9, $0xFFFFFFFF, v3;
	(erf) = vpow2.f32 v23;
	v23 =	vpop (erf)  }
0x32c: {  	v54 =	vld [tilespmem:s20+$0xA300];
	v56 =	vmul.f32 $1.442695020e+00, v26;
	v27 =	vadd.s32 v36, v27;
	v26 =	vadd.f32 v23, v31  }
0x32d: {  	v55 =	vld [tilespmem:s20+$0xB000];
	v58 =	vadd.s32 $0xFFFFFF82, v27;
	v27 =	vmul.f32 $1.442695020e+00, v51;
	(erf) = vpow2.f32 v39  }
0x32e: {  	v42 =	vmul.f32 v21, v17;
	v25 =	vadd.f32 $3.333333130e-01, v25;
	v57 =	vld [tilespmem:s20+$0xA380];
	v23 =	vpop (erf);
	(erf) = vpow2.f32 v37  }
0x32f: {  	v21 =	vmul.f32 $5.000000000e-01, v21;
	v20 =	vmul.f32 v15, v15;
	v31 =	vld [tilespmem:s20+$0xAB80];
	v59 =	vpop (erf)  }
0x330: {  	v42 =	vmul.f32 v25, v42;
	s2 =	sshra.s32 s28, $0x2;
	(erf) = vpow2.f32 v38;
	v37 =	vadd.f32 v59, v26;
	v26 =	vpop (erf)  }
0x331: {  	v35 =	vsel vm2, s2, v61;
	v61 =	vmul.f32 $1.442695020e+00, v54;
	(erf) = vpow2.f32 v27;
	v27 =	vpop (erf)  }
0x332: {  	s8 =	sshra.s32 s1, $0x1F;
	vm9 =	vcmask $0x1F1C;
	v36 =	vmul.f32 $1.442695020e+00, v55;
	v37 =	vadd.f32 v27, v37;
	v27 =	vpop (erf)  }
0x333: {  	v60 =	vld [tilespmem:s20+$0xA800];
	v34 =	vsel vm9, s8, v63;
	v63 =	vmul.f32 $1.442695020e+00, v57;
	(erf) = vpow2.f32 v56;
	v48 =	vpop (erf)  }
0x334: {  	v62 =	vld [tilespmem:s20+$0xAB00];
	(erf) = vpow2.f32 v61;
	v50 =	vmul.f32 $1.442695020e+00, v31;
	v51 =	vadd.f32 v48, v37;
	v31 =	vpop (erf)  }
0x335: {  	v28 =	vmul.f32 v20, v15;
	s0 =	sshrl.u32 s11, $0x1F;
	v52 =	vld [tilespmem:s20+$0xA880];
	(erf) = vpow2.f32 v36;
	v55 =	vpop (erf)  }
0x336: {  	v54 =	vsel vm1, s0, v33;
	v49 =	vld [tilespmem:s20+$0xAA80];
	(erf) = vpow2.f32 v63;
	v36 =	vadd.f32 v55, v51;
	v33 =	vpop (erf)  }
0x337: {  	v24 =	vadd.f32 $3.333333130e-01, v24;
	v20 =	vmul.f32 $5.000000000e-01, v20;
	v56 =	vld [tilespmem:s20+$0xA900];
	(erf) = vpow2.f32 v50;
	v25 =	vpop (erf)  }
0x338: {  	v53 =	vmul.f32 $1.442695020e+00, v60;
	v39 =	vcvt.s32.f32 v58;
	v58 =	vld [tilespmem:s20+$0xAA00];
	v36 =	vadd.f32 v25, v36  }
0x339: {  	v17 =	vadd.f32 v42, v17;
	v24 =	vmul.f32 v24, v28;
	v28 =	vmul.f32 $1.442695020e+00, v62;
	v59 =	vld [tilespmem:s20+$0xA980]  }
0x33a: {  	(erf) = vpow2.f32 v53;
	v37 =	vmul.f32 $1.442695020e+00, v52;
	v25 =	vpop (erf)  }
0x33b: {  	v17 =	vsub.f32 v17, v21;
	v21 =	vld [tilespmem:s20+$0xBA00];
	v60 =	vmul.f32 $1.442695020e+00, v49;
	(erf) = vpow2.f32 v28;
	v61 =	vpop (erf)  }
0x33c: {  	v44 =	vmul.f32 $1.442695020e+00, v56;
	(erf) = vpow2.f32 v37;
	v28 =	vadd.f32 v61, v36;
	v36 =	vpop (erf)  }
0x33d: {  	s9 =	smulhi.u32 $0x66666667, s24;
	s10 =	sshra.s32 s24, $0x1F;
	v63 =	vmul.f32 $1.442695020e+00, v58;
	(erf) = vpow2.f32 v60;
	v62 =	vpop (erf)  }
0x33e: {  	s3 =	smul.u32 $0x66666667, s10;
	v40 =	vmul.f32 $1.442695020e+00, v59;
	v37 =	vpop (erf);
	(erf) = vpow2.f32 v44  }
0x33f: {  	s13 =	smulhi.u32 $0x66666667, s21;
	s14 =	sshra.s32 s21, $0x1F;
	v15 =	vadd.f32 v24, v15;
	v32 =	vcombine.low v35, v32;
	v48 =	vpop (erf);
	(erf) = vpow2.f32 v63  }
0x340: {  	v21 =	vmul.f32 $1.442695020e+00, v21;
	s2 =	sadd.s32 s3, s9;
	s3 =	smul.u32 $0x66666667, s14;
	v28 =	vadd.f32 v62, v28;
	v49 =	vpop (erf);
	(erf) = vpow2.f32 v40  }
0x341: {  	s17 =	sshra.s32 s19, $0x1F;
	s16 =	smulhi.u32 $0x66666667, s19;
	v15 =	vsub.f32 v15, v20;
	v32 =	vperm.xlane v32, v1;
	s11 =	sshra.s32 s2, $0x2;
	v29 =	vcombine.low v30, v29  }
0x342: {  	s1 =	sshrl.u32 s1, $0x1F;
	s12 =	sshra.s32 s2, $0x1F;
	s0 =	sadd.s32 s3, s13;
	vm9 =	vcmask $0x2724;
	v34 =	vsel vm5, s11, v34;
	v28 =	vadd.f32 v48, v28  }
0x343: {  	s3 =	smul.u32 $0x66666667, s17;
	v43 =	vsel vm2, s1, v54;
	s15 =	sshra.s32 s0, $0x2;
	v29 =	vperm.xlane v29, v1;
	v34 =	vsel vm9, s12, v34;
	v50 =	vpop (erf)  }
0x344: {  	s2 =	sshrl.u32 s2, $0x1F;
	s18 =	sshra.s32 s0, $0x1F;
	vm9 =	vcmask $0x2F2C;
	v34 =	vsel vm6, s15, v34;
	v28 =	vadd.f32 v50, v28;
	v52 =	vpop (erf)  }
0x345: {  	s1 =	sadd.s32 s3, s16;
	v43 =	vsel vm5, s2, v43;
	v57 =	vsel vm10, $0xFFFFFFFF, v3;
	v30 =	vsel vm9, s18, v34;
	v53 =	vpop (erf)  }
0x346: {  	v24 =	vld [tilespmem:s20+$0xBA80];
	s0 =	sshrl.u32 s0, $0x1F;
	s19 =	sshra.s32 s1, $0x2;
	vm9 =	vcmask $0x3734;
	v38 =	vadd.s32 v57, v41;
	v28 =	vadd.f32 v53, v28;
	v54 =	vpop (erf)  }
0x347: {  	s21 =	sshrl.u32 s1, $0x1F;
	s1 =	sshra.s32 s1, $0x1F;
	v30 =	vsel vm7, s19, v30;
	v38 =	vadd.s32 $0xFFFFFF82, v38;
	v51 =	vsel vm6, s0, v43;
	v55 =	vpop (erf)  }
0x348: {  	s25 =	sshra.s32 s22, $0x2;
	v20 =	vld [tilespmem:s20+$0xB900];
	s24 =	sshrl.u32 s22, $0x1F;
	v30 =	vsel vm9, s1, v30;
	v34 =	vsel vm7, s21, v51;
	v28 =	vadd.f32 v55, v28;
	v58 =	vpop (erf)  }
0x349: {  	v38 =	vcvt.s32.f32 v38;
	v30 =	vsel vm8, s25, v30;
	v34 =	vsel vm8, s24, v34;
	v59 =	vpop (erf)  }
0x34a: {  	v30 =	vperm.xlane v30, v2;
	v34 =	vperm.xlane v34, v2;
	v28 =	vadd.f32 v59, v28  }
0x34b: {  	v4 =	vadd.f32 v18, v4;
	v18 =	vmul.f32 $1.442695020e+00, v24;
	v57 =	vld [tilespmem:s20+$0xB980];
	v56 =	vmul.f32 $6.931471820e-01, v38  }
0x34c: {  	v30 =	vsel vm3, v30, v32;
	v61 =	vld [tilespmem:s20+$0xB880];
	v29 =	vsel vm3, v34, v29;
	v28 =	vadd.f32 v58, v28  }
0x34d: {  	v46 =	vld [tilespmem:s20+$0xB300];
	v47 =	vmul.f32 $1.442695020e+00, v20;
	v17 =	vadd.f32 v17, v56;
	v29 =	vadd.s32 v29, v30  }
0x34e: {  	v30 =	vmul.f32 $6.931471820e-01, v39;
	v60 =	vmul.u32 $0xFFFFFFF6, v29;
	v28 =	vadd.f32 v54, v28  }
0x34f: {  	vm9 =	vlt.s32 v16, $0x1;
	v17 =	vmul.f32 $-2.325441540e-01, v17;
	v62 =	vsub.s32 $0x0, v16  }
0x350: {  	s30 =	simm.s32 $0x10;
	s8 =	simm.s32 $0x80;
	v15 =	vadd.f32 v15, v30;
	vm10 =	vne.s32 v60, v62;
	v63 =	vld [tilespmem:s20+$0xB380];
	v24 =	vadd.f32 v52, v28  }
0x351: {  	s26 =	sand.u32 $0x400, s8;
	s28 =	sor.u32 s8, s30;
	v34 =	vmul.f32 $1.442695020e+00, v57;
	v30 =	vld [tilespmem:s20+$0xB800];
	v32 =	vmul.f32 $1.442695020e+00, v61;
	vm9 =	vmand vm9, vm10  }
0x352: {  	s29 =	sor.u32 $0x380, s28;
	s25 =	sand.u32 $0x70, s30;
	v15 =	vmul.f32 $3.678794500e-01, v15;
	v48 =	vmul.f32 $1.442695020e+00, v46;
	v24 =	vadd.f32 v49, v24  }
0x353: {  	s20 =	sor.u32 s25, s26;
	v45 =	vsel vm9, $0xFFFFFFFF, v3;
	(erf) = vpow2.f32 v19;
	v19 =	vmov s23;
	v28 =	vld [tilespmem:s29+$0x6800]  }
0x354: {  	v15 =	vadd.f32 v17, v15;
	v17 =	vld [tilespmem:s20+$0x7000];
	(erf) = vpow2.f32 v18;
	v24 =	vadd.f32 v37, v24  }
0x355: {  	v50 =	vld [tilespmem:s20+$0x6800];
	v29 =	vadd.s32 v45, v29;
	(erf) = vpow2.f32 v48;
	v39 =	vmul.f32 $1.442695020e+00, v63  }
0x356: {  	v20 =	vmul.f32 $1.442695020e+00, v30;
	(erf) = vpow2.f32 v21;
	v36 =	vadd.f32 v36, v24  }
0x357: {  	v30 =	vld [tilespmem:s20+$0x6B00];
	v4 =	vadd.f32 v15, v4;
	v15 =	vor.u32 s23, v0;
	(erf) = vpow2.f32 v39  }
0x358: {  	(erf) = vpow2.f32 v34;
	v18 =	vmul.f32 $1.442695020e+00, v28;
	v28 =	vld [tilespmem:s20+$0x6880];
	v21 =	vadd.f32 v25, v36  }
0x359: {  	v15 =	vand.u32 $0x7F, v15;
	v17 =	vmul.f32 $1.442695020e+00, v17;
	(erf) = vpow2.f32 v20;
	v49 =	vld [tilespmem:s20+$0x6900]  }
0x35a: {  	v51 =	vmul.f32 $1.442695020e+00, v50;
	(erf) = vpow2.f32 v47;
	v21 =	vadd.f32 v33, v21  }
0x35b: {  	v20 =	vshll.u32 v16, $0x8;
	v16 =	vshll.u32 v16, $0x7;
	(erf) = vpow2.f32 v32  }
0x35c: {  	(erf) = vpow2.f32 v51;
	v24 =	vshll.u32 v19, $0x3;
	v21 =	vadd.f32 v31, v21  }
0x35d: {  	v52 =	vpop (erf);
	v19 =	vmul.f32 $1.442695020e+00, v30;
	v24 =	vand.u32 $0x400, v24;
	v28 =	vmul.f32 $1.442695020e+00, v28  }
0x35e: {  	v32 =	vpop (erf);
	v25 =	vmul.f32 $1.442695020e+00, v49;
	v30 =	vor.u32 v24, v15;
	v21 =	vadd.f32 v52, v21  }
0x35f: {  	v54 =	vpop (erf);
	v31 =	vmul.u32 $0xA, v29;
	(erf) = vpow2.f32 v28;
	v28 =	vshll.u32 v29, $0x8  }
0x360: {  	v57 =	vpop (erf);
	v29 =	vmul.u32 $0xA00, v29;
	v28 =	vand.u32 $0x300, v28;
	v21 =	vadd.f32 v54, v21  }
0x361: {  	v61 =	vpop (erf);
	v53 =	vadd.s32 $0x9, v31;
	v55 =	vadd.s32 $0x6, v31;
	v56 =	vadd.s32 $0x7, v31  }
0x362: {  	v62 =	vpop (erf);
	v58 =	vadd.s32 $0x3, v31;
	v59 =	vadd.s32 $0x4, v31;
	v21 =	vadd.f32 v61, v21  }
0x363: {  	v47 =	vpop (erf);
	v60 =	vadd.s32 $0x5, v31;
	v29 =	vand.u32 $0xFFFFF800, v29;
	v30 =	vor.u32 v28, v30  }
0x364: {  	v49 =	vpop (erf);
	v31 =	vadd.s32 $0x2, v31;
	v63 =	vshll.u32 v53, $0x8;
	v21 =	vadd.f32 v47, v21  }
0x365: {  	v51 =	vpop (erf);
	v33 =	vshll.u32 v53, $0x7;
	v48 =	vshll.u32 v56, $0x8;
	v28 =	vor.u32 v28, v29  }
0x366: {  	v50 =	vshll.u32 v55, $0x8;
	v34 =	vshll.u32 v55, $0x7;
	v21 =	vadd.f32 v51, v21  }
0x367: {  	v35 =	vshll.u32 v56, $0x7;
	v52 =	vshll.u32 v60, $0x8;
	v39 =	vshll.u32 v60, $0x7  }
0x368: {  	v53 =	vshll.u32 v58, $0x8;
	v38 =	vshll.u32 v59, $0x7;
	v21 =	vadd.f32 v49, v21  }
0x369: {  	v29 =	vor.u32 v29, v30;
	v30 =	vshll.u32 v58, $0x7;
	v55 =	vshll.u32 v31, $0x8  }
0x36a: {  	v31 =	vshll.u32 v31, $0x7;
	v54 =	vshll.u32 v59, $0x8;
	v21 =	vadd.f32 v62, v21  }
0x36b: {  	v41 =	vand.u32 $0xFFFFF800, v63;
	v28 =	vor.u32 v24, v28;
	v33 =	vand.u32 $0x380, v33  }
0x36c: {  	v31 =	vand.u32 $0x300, v31;
	v21 =	vadd.f32 v57, v21;
	v57 =	vand.u32 $0xFFFFF800, v55  }
0x36d: {  	v58 =	vor.u32 $0x80, v29;
	v59 =	vand.u32 $0xFFFFF800, v53;
	v31 =	vor.u32 v57, v31  }
0x36e: {  	v30 =	vand.u32 $0x380, v30;
	v21 =	vadd.f32 v32, v21;
	v31 =	vor.u32 v24, v31  }
0x36f: {  	v30 =	vor.u32 v59, v30;
	v60 =	vor.u32 v15, v31;
	v31 =	vand.u32 $0xFFFFF800, v54  }
0x370: {  	v21 =	vadd.f32 v27, v21;
	v27 =	vor.u32 v24, v30;
	v30 =	vand.u32 $0x300, v38  }
0x371: {  	v61 =	vor.u32 v15, v27;
	v27 =	vor.u32 v31, v30;
	v30 =	vand.u32 $0xFFFFF800, v52  }
0x372: {  	s31 =	simm.s32 $0x6800;
	v21 =	vadd.f32 v26, v21;
	v26 =	vor.u32 v24, v27;
	v27 =	vand.u32 $0x380, v39  }
0x373: {  	v42 =	vand.u32 $0xFFFFF800, v48;
	v62 =	vld.idx.msk [tilespmem:v29+s31+$0x0], $0xffff;
	v31 =	vor.u32 v15, v26;
	v26 =	vor.u32 v30, v27  }
0x374: {  	v35 =	vand.u32 $0x380, v35;
	v23 =	vadd.f32 v23, v21;
	v21 =	vor.u32 v24, v26  }
0x375: {  	v56 =	vand.u32 $0xFFFFF800, v50;
	v34 =	vand.u32 $0x300, v34;
	v63 =	vor.u32 v42, v35;
	v32 =	vld.idx.msk [tilespmem:v58+s31+$0x0], $0xffff  }
0x376: {  	v30 =	vor.u32 v41, v33;
	v33 =	vor.u32 v15, v28;
	v27 =	vld.idx.msk [tilespmem:v60+s31+$0x0], $0xffff;
	v26 =	vor.u32 v56, v34  }
0x377: {  	v29 =	vor.u32 v15, v21;
	v28 =	vor.u32 v24, v26;
	v26 =	vld [tilespmem:s20+$0x6980];
	v34 =	vadd.f32 v22, v23;
	v21 =	vpop (erf)  }
0x378: {  	s15 =	simm.s32 $0x20;
	v36 =	vor.u32 v24, v63;
	v35 =	vmul.f32 $1.442695020e+00, v62;
	v23 =	vld.idx.msk [tilespmem:v61+s31+$0x0], $0xffff;
	v28 =	vor.u32 v15, v28;
	v22 =	vpop (erf)  }
.LBB2_5:
0x379: {  	v14 =	vadd.f32 v14, v34  }
0x37a: {  	v58 =	vor.u32 v15, v36;
	v33 =	vadd.s32 $0x800, v33;
	v32 =	vmul.f32 $1.442695020e+00, v32  }
0x37b: {  	v31 =	vld.idx.msk [tilespmem:v31+s31+$0x0], $0xffff;
	v30 =	vor.u32 v24, v30;
	(erf) = vpow2.f32 v35;
	v13 =	vadd.f32 v13, v14  }
0x37c: {  	v59 =	vld [tilespmem:s20+$0x6A00];
	v20 =	vand.u32 $0xFFFFF800, v20;
	v14 =	vmul.f32 $1.442695020e+00, v27;
	(erf) = vpow2.f32 v32  }
0x37d: {  	v16 =	vand.u32 $0x380, v16;
	v30 =	vor.u32 v15, v30;
	v27 =	vld.idx.msk [tilespmem:v29+s31+$0x0], $0xffff;
	v12 =	vadd.f32 v12, v13  }
0x37e: {  	v16 =	vor.u32 v20, v16;
	v29 =	vld [tilespmem:s20+$0x6A80];
	v13 =	vmul.f32 $1.442695020e+00, v23;
	(erf) = vpow2.f32 v14  }
0x37f: {  	v23 =	vld.idx.msk [tilespmem:v28+s31+$0x0], $0xffff;
	v11 =	vadd.f32 v11, v12;
	v14 =	vmul.f32 $1.442695020e+00, v26;
	(erf) = vpow2.f32 v25  }
0x380: {  	v20 =	vld [tilespmem:s20+$0xC980];
	v16 =	vor.u32 v24, v16;
	v12 =	vmul.f32 $1.442695020e+00, v31;
	(erf) = vpow2.f32 v13  }
0x381: {  	v25 =	vld.idx.msk [tilespmem:v58+s31+$0x0], $0xffff;
	v10 =	vadd.f32 v10, v11;
	v13 =	vmul.f32 $1.442695020e+00, v59;
	(erf) = vpow2.f32 v14  }
0x382: {  	v15 =	vor.u32 v15, v16;
	v16 =	vld [tilespmem:s20+$0xC900];
	v11 =	vmul.f32 $1.442695020e+00, v27;
	(erf) = vpow2.f32 v12  }
0x383: {  	v14 =	vld.idx.msk [tilespmem:v33+s31+$0x0], $0xffff;
	v9 =	vadd.f32 v9, v10;
	v12 =	vmul.f32 $1.442695020e+00, v29;
	(erf) = vpow2.f32 v13  }
0x384: {  	v10 =	vmul.f32 $1.442695020e+00, v23;
	v23 =	vpop (erf);
	v13 =	vld.idx.msk [tilespmem:v30+s31+$0x0], $0xffff;
	(erf) = vpow2.f32 v11  }
0x385: {  	v8 =	vadd.f32 v8, v9;
	v11 =	vld [tilespmem:s20+$0xC880];
	(erf) = vpow2.f32 v12;
	v24 =	vpop (erf)  }
0x386: {  	v12 =	vmul.f32 $1.442695020e+00, v25;
	v25 =	vld [tilespmem:s20+$0x7080];
	(erf) = vpow2.f32 v10;
	v9 =	vadd.f32 v24, v23  }
0x387: {  	v7 =	vadd.f32 v7, v8;
	v10 =	vadd.f32 v22, v21;
	v21 =	vld [tilespmem:s20+$0x7100];
	(erf) = vpow2.f32 v19;
	v19 =	vpop (erf)  }
0x388: {  	v14 =	vmul.f32 $1.442695020e+00, v14;
	v22 =	vpop (erf);
	(erf) = vpow2.f32 v12;
	v8 =	vadd.f32 v19, v9;
	v9 =	vld.idx.msk [tilespmem:v15+s31+$0x0], $0xffff  }
0x389: {  	v12 =	vmul.f32 $1.442695020e+00, v13;
	v10 =	vadd.f32 v22, v10;
	v15 =	vld [tilespmem:s20+$0xC800];
	(erf) = vpow2.f32 v18;
	v13 =	vpop (erf)  }
0x38a: {  	v6 =	vadd.f32 v6, v7;
	v18 =	vld [tilespmem:s20+$0x7180];
	v19 =	vpop (erf);
	(erf) = vpow2.f32 v14;
	v7 =	vadd.f32 v13, v8  }
0x38b: {  	v22 =	vmul.f32 $1.442695020e+00, v25;
	v14 =	vld [tilespmem:s20+$0xC380];
	v8 =	vadd.f32 v19, v10;
	(erf) = vpow2.f32 v17;
	v13 =	vpop (erf)  }
0x38c: {  	v5 =	vadd.f32 v5, v6;
	v17 =	vld [tilespmem:s20+$0x7200];
	v19 =	vpop (erf);
	(erf) = vpow2.f32 v12;
	v6 =	vadd.f32 v13, v7  }
0x38d: {  	v7 =	vadd.f32 v19, v8;
	v13 =	vmul.f32 $1.442695020e+00, v21;
	v19 =	vld [tilespmem:s20+$0xC300];
	(erf) = vpow2.f32 v22;
	v10 =	vpop (erf)  }
0x38e: {  	v21 =	vld [tilespmem:s20+$0x7280];
	v12 =	vpop (erf);
	v9 =	vmul.f32 $1.442695020e+00, v9;
	(erf) = vrcp.f32 v5;
	v6 =	vadd.f32 v10, v6  }
0x38f: {  	v22 =	vld [tilespmem:s20+$0xC200];
	v23 =	vmul.f32 $1.442695020e+00, v18;
	v5 =	vadd.f32 v12, v7;
	(erf) = vpow2.f32 v13;
	v8 =	vpop (erf)  }
0x390: {  	v18 =	vld [tilespmem:s20+$0xC280];
	v12 =	vmul.f32 $1.442695020e+00, v20;
	v10 =	vpop (erf);
	(erf) = vpow2.f32 v9;
	v6 =	vadd.f32 v8, v6  }
0x391: {  	v24 =	vmul.f32 $1.442695020e+00, v17;
	v9 =	vld [tilespmem:s20+$0x7300];
	v5 =	vadd.f32 v10, v5;
	(erf) = vpow2.f32 v23;
	v7 =	vpop (erf)  }
0x392: {  	v13 =	vmul.f32 $1.442695020e+00, v16;
	v17 =	vld [tilespmem:s20+$0x7380];
	v10 =	vmul.f32 $1.442695020e+00, v11;
	v11 =	vpop (erf);
	v6 =	vadd.f32 v7, v6  }
0x393: {  	v20 =	vld [tilespmem:s20+$0xC180];
	v23 =	vmul.f32 $1.442695020e+00, v21;
	(erf) = vpow2.f32 v24;
	v7 =	vadd.f32 v11, v5;
	v8 =	vpop (erf)  }
0x394: {  	v21 =	vld [tilespmem:s20+$0x7800];
	v5 =	vmul.f32 $1.442695020e+00, v14;
	v11 =	vmul.f32 $1.442695020e+00, v15;
	v14 =	vpop (erf);
	v8 =	vadd.f32 v8, v6  }
0x395: {  	v15 =	vld [tilespmem:s20+$0x7A00];
	(erf) = vpow2.f32 v23;
	v14 =	vadd.f32 v14, v7;
	v6 =	vmul.f32 $1.442695020e+00, v19;
	v16 =	vpop (erf)  }
0x396: {  	v9 =	vmul.f32 $1.442695020e+00, v9;
	v19 =	vld [tilespmem:s20+$0x7880];
	v7 =	vmul.f32 $1.442695020e+00, v18;
	v18 =	vpop (erf);
	v16 =	vadd.f32 v16, v8  }
0x397: {  	v23 =	vld [tilespmem:s20+$0x7980];
	v17 =	vmul.f32 $1.442695020e+00, v17;
	v14 =	vadd.f32 v18, v14;
	v8 =	vmul.f32 $1.442695020e+00, v22;
	v18 =	vpop (erf)  }
0x398: {  	v22 =	vld [tilespmem:s20+$0x7900];
	v24 =	vpop (erf);
	(erf) = vpow2.f32 v9;
	v16 =	vmul.f32 v16, v18  }
0x399: {  	v21 =	vmul.f32 $1.442695020e+00, v21;
	v9 =	vmul.f32 $1.442695020e+00, v20;
	v14 =	vadd.f32 v24, v14;
	v20 =	vpop (erf)  }
0x39a: {  	v24 =	vpop (erf);
	(erf) = vpow2.f32 v17;
	v18 =	vmul.f32 v20, v18;
	v16 =	vadd.f32 $1.000000000e+00, v16  }
0x39b: {  	v19 =	vmul.f32 $1.442695020e+00, v19;
	v20 =	vmul.f32 $1.442695020e+00, v15;
	v14 =	vadd.f32 v24, v14  }
0x39c: {  	v15 =	vpop (erf);
	(erf) = vpow2.f32 v21;
	v18 =	vadd.f32 $9.999999970e-07, v18;
	v17 =	vadd.f32 $9.999999970e-07, v16  }
0x39d: {  	v14 =	vadd.f32 v15, v14;
	v15 =	vmul.f32 $1.442695020e+00, v22;
	v16 =	vmul.f32 $1.442695020e+00, v23  }
0x39e: {  	v21 =	vld [tilespmem:s20+$0x8A80];
	v22 =	vpop (erf);
	(erf) = vpow2.f32 v19;
	v23 =	vand.u32 $0x7FFFFF, v18;
	v19 =	vand.u32 $0x7FFFFF, v17  }
0x39f: {  	v14 =	vadd.f32 v22, v14;
	v22 =	vld [tilespmem:s20+$0x7A80];
	v23 =	vor.u32 $0x3F000000, v23;
	v19 =	vor.u32 $0x3F000000, v19  }
0x3a0: {  	(erf) = vpow2.f32 v15;
	v24 =	vadd.f32 v23, v23;
	v15 =	vadd.f32 v19, v19  }
0x3a1: {  	v25 =	vld [tilespmem:s20+$0x7B00];
	vm10 =	vlt.f32 v23, $7.071067690e-01;
	v26 =	vpop (erf);
	(erf) = vpow2.f32 v16;
	vm9 =	vlt.f32 v19, $7.071067690e-01  }
0x3a2: {  	v27 =	vld [tilespmem:s20+$0x8980];
	v26 =	vadd.f32 v26, v14;
	v15 =	vsel vm9, v15, v19;
	v19 =	vsel vm10, v24, v23  }
0x3a3: {  	v14 =	vmul.f32 $1.442695020e+00, v21;
	v23 =	vld [tilespmem:s20+$0x7B80];
	v21 =	vpop (erf);
	v16 =	vadd.f32 $-1.000000000e+00, v15;
	v15 =	vadd.f32 $-1.000000000e+00, v19  }
0x3a4: {  	(erf) = vpow2.f32 v20;
	v19 =	vadd.f32 v21, v26;
	v21 =	vmul.f32 $1.442695020e+00, v22  }
0x3a5: {  	v20 =	vld [tilespmem:s20+$0x8000];
	v22 =	vpop (erf);
	v24 =	vmul.f32 $7.037683580e-02, v16;
	v26 =	vmul.f32 $7.037683580e-02, v15  }
0x3a6: {  	v19 =	vadd.f32 v22, v19;
	v22 =	vmul.f32 $1.442695020e+00, v25;
	v25 =	vld [tilespmem:s20+$0x8900];
	(erf) = vpow2.f32 v21  }
0x3a7: {  	v27 =	vmul.f32 $1.442695020e+00, v27;
	v21 =	vld [tilespmem:s20+$0x8080];
	v28 =	vpop (erf);
	v24 =	vadd.f32 $-1.151461010e-01, v24;
	v26 =	vadd.f32 $-1.151461010e-01, v26  }
0x3a8: {  	v19 =	vadd.f32 v28, v19;
	v23 =	vmul.f32 $1.442695020e+00, v23;
	(erf) = vpow2.f32 v22  }
0x3a9: {  	v22 =	vld [tilespmem:s20+$0x8100];
	v28 =	vpop (erf);
	v24 =	vmul.f32 v24, v16;
	v26 =	vmul.f32 v26, v15  }
0x3aa: {  	v20 =	vmul.f32 $1.442695020e+00, v20;
	v19 =	vadd.f32 v28, v19;
	v28 =	vld [tilespmem:s20+$0x8880];
	v29 =	vpop (erf);
	(erf) = vpow2.f32 v23  }
0x3ab: {  	v23 =	vld [tilespmem:s20+$0x8180];
	v25 =	vmul.f32 $1.442695020e+00, v25;
	v24 =	vadd.f32 $1.167699840e-01, v24;
	v26 =	vadd.f32 $1.167699840e-01, v26  }
0x3ac: {  	v21 =	vmul.f32 $1.442695020e+00, v21;
	(erf) = vpow2.f32 v20;
	v19 =	vadd.f32 v29, v19  }
0x3ad: {  	v20 =	vld [tilespmem:s20+$0x8200];
	v29 =	vpop (erf);
	v24 =	vmul.f32 v24, v16;
	v26 =	vmul.f32 v26, v15  }
0x3ae: {  	v22 =	vmul.f32 $1.442695020e+00, v22;
	(erf) = vpow2.f32 v21;
	v19 =	vadd.f32 v29, v19  }
0x3af: {  	v21 =	vld [tilespmem:s20+$0x8800];
	v28 =	vmul.f32 $1.442695020e+00, v28;
	v29 =	vpop (erf);
	v24 =	vadd.f32 $-1.242014100e-01, v24;
	v26 =	vadd.f32 $-1.242014100e-01, v26  }
0x3b0: {  	v23 =	vmul.f32 $1.442695020e+00, v23;
	(erf) = vpow2.f32 v22;
	v19 =	vadd.f32 v29, v19  }
0x3b1: {  	v22 =	vld [tilespmem:s20+$0x8380];
	v29 =	vpop (erf);
	v24 =	vmul.f32 v24, v16;
	v26 =	vmul.f32 v26, v15  }
0x3b2: {  	v20 =	vmul.f32 $1.442695020e+00, v20;
	(erf) = vpow2.f32 v23;
	v19 =	vadd.f32 v29, v19  }
0x3b3: {  	v23 =	vld [tilespmem:s20+$0x8280];
	v29 =	vpop (erf);
	(erf) = vpow2.f32 v27;
	v24 =	vadd.f32 $1.424932330e-01, v24;
	v26 =	vadd.f32 $1.424932330e-01, v26  }
0x3b4: {  	v21 =	vmul.f32 $1.442695020e+00, v21;
	v19 =	vadd.f32 v29, v19;
	(erf) = vpow2.f32 v20  }
0x3b5: {  	v20 =	vld [tilespmem:s20+$0x8300];
	v27 =	vpop (erf);
	v24 =	vmul.f32 v24, v16;
	v26 =	vmul.f32 v26, v15  }
0x3b6: {  	v22 =	vmul.f32 $1.442695020e+00, v22;
	(erf) = vpow2.f32 v25;
	v19 =	vadd.f32 v27, v19  }
0x3b7: {  	v27 =	vpop (erf);
	(erf) = vpow2.f32 v28;
	v24 =	vadd.f32 $-1.666805740e-01, v24;
	v26 =	vadd.f32 $-1.666805740e-01, v26  }
0x3b8: {  	v23 =	vmul.f32 $1.442695020e+00, v23;
	(erf) = vpow2.f32 v21;
	v19 =	vadd.f32 v27, v19  }
0x3b9: {  	v21 =	vpop (erf);
	v24 =	vmul.f32 v24, v16;
	v26 =	vmul.f32 v26, v15  }
0x3ba: {  	(erf) = vpow2.f32 v23;
	v27 =	vmul.f32 $1.442695020e+00, v20;
	v19 =	vadd.f32 v21, v19  }
0x3bb: {  	v25 =	vld [tilespmem:s20+$0x8A00];
	v21 =	vpop (erf);
	(erf) = vpow2.f32 v22;
	v22 =	vadd.f32 $2.000071410e-01, v24;
	v23 =	vadd.f32 $2.000071410e-01, v26  }
0x3bc: {  	v18 =	vshrl.u32 v18, $0x17;
	v17 =	vshrl.u32 v17, $0x17;
	(erf) = vpow2.f32 v27  }
0x3bd: {  	v18 =	vand.u32 $0xFF, v18;
	v22 =	vmul.f32 v22, v16;
	v23 =	vmul.f32 v23, v15  }
0x3be: {  	v17 =	vand.u32 $0xFF, v17;
	v31 =	vsel vm9, $0xFFFFFFFF, v3;
	v19 =	vadd.f32 v21, v19;
	v20 =	vpop (erf)  }
0x3bf: {  	v28 =	vmul.f32 v15, v15;
	v24 =	vpop (erf);
	v22 =	vadd.f32 $-2.499999400e-01, v22;
	v23 =	vadd.f32 $-2.499999400e-01, v23  }
0x3c0: {  	v21 =	vmul.f32 $1.442695020e+00, v25;
	v26 =	vmul.f32 v16, v16;
	v19 =	vadd.f32 v24, v19;
	v24 =	vpop (erf)  }
0x3c1: {  	v17 =	vadd.s32 v31, v17;
	v25 =	vpop (erf);
	v22 =	vmul.f32 v22, v16;
	v23 =	vmul.f32 v23, v15  }
0x3c2: {  	v17 =	vadd.s32 $0xFFFFFF82, v17;
	v60 =	vmul.f32 v28, v15;
	v27 =	vsel vm10, $0xFFFFFFFF, v3;
	v30 =	vpop (erf)  }
0x3c3: {  	v63 =	vmul.f32 v26, v16;
	v62 =	vpop (erf);
	v22 =	vadd.f32 $3.333333130e-01, v22;
	v23 =	vadd.f32 $3.333333130e-01, v23  }
0x3c4: {  	v17 =	vcvt.s32.f32 v17;
	v18 =	vadd.s32 v27, v18;
	v19 =	vadd.f32 v62, v19;
	v41 =	vpop (erf)  }
0x3c5: {  	v18 =	vadd.s32 $0xFFFFFF82, v18;
	v37 =	vpop (erf);
	v22 =	vmul.f32 v22, v63;
	v23 =	vmul.f32 v23, v60  }
0x3c6: {  	v28 =	vmul.f32 $5.000000000e-01, v28;
	v18 =	vcvt.s32.f32 v18;
	v19 =	vadd.f32 v37, v19  }
0x3c7: {  	v16 =	vadd.f32 v22, v16;
	v22 =	vmul.f32 $5.000000000e-01, v26;
	v15 =	vadd.f32 v23, v15  }
0x3c8: {  	v17 =	vmul.f32 $6.931471820e-01, v17;
	(erf) = vpow2.f32 v21;
	v19 =	vadd.f32 v41, v19  }
0x3c9: {  	v42 =	vld [tilespmem:s20+$0xBB00];
	v21 =	vmul.f32 $6.931471820e-01, v18;
	v16 =	vsub.f32 v16, v22;
	v15 =	vsub.f32 v15, v28  }
0x3ca: {  	v43 =	vld [tilespmem:s20+$0x8B80];
	v19 =	vadd.f32 v30, v19  }
0x3cb: {  	v31 =	vld [tilespmem:s20+$0x8B00];
	v16 =	vadd.f32 v16, v17;
	v15 =	vadd.f32 v15, v21  }
0x3cc: {  	s0 =	rddreg [dreg:$0x5];
	s1 =	sand.u32 $0x80, s30;
	v49 =	vld [tilespmem:s20+$0xB080]  }
0x3cd: {  	s0 =	sadd.s32 s1, s0;
	v29 =	vld [tilespmem:s20+$0xC100];
	v17 =	vadd.f32 v25, v19;
	v16 =	vmul.f32 $-2.325441540e-01, v16;
	v25 =	vmul.f32 $3.678794500e-01, v15  }
0x3ce: {  	s0 =	sadd.s32 s25, s0;
	v26 =	vld [tilespmem:s20+$0x9000]  }
0x3cf: {  	v25 =	vadd.f32 v16, v25;
	v16 =	vld [tilespmem:s0+$0x0]  }
0x3d0: {  	(erf) = vpow2.f32 v14;
	v14 =	vld [tilespmem:s20+$0x9080];
	v22 =	vmul.f32 $1.442695020e+00, v31  }
0x3d1: {  	v27 =	vld [tilespmem:s20+$0xC080]  }
0x3d2: {  	v19 =	vmul.f32 $1.442695020e+00, v43;
	(erf) = vpow2.f32 v22;
	v22 =	vld [tilespmem:s20+$0x9100]  }
0x3d3: {  	v51 =	vld [tilespmem:s20+$0xB000];
	v35 =	vmul.f32 $1.442695020e+00, v49;
	v17 =	vadd.f32 v24, v17  }
0x3d4: {  	v28 =	vld [tilespmem:s20+$0xBA00];
	v24 =	vmul.f32 $1.442695020e+00, v26;
	(erf) = vpow2.f32 v19;
	(v2sf) =	vpush v16, $0xF  }
0x3d5: {  	v18 =	vmul.f32 $1.442695020e+00, v29;
	v29 =	vld [tilespmem:s20+$0x9180];
	v31 =	vmul.f32 $1.442695020e+00, v14  }
0x3d6: {  	v26 =	vld [tilespmem:s20+$0x9200];
	v20 =	vadd.f32 v20, v17;
	(erf) = vpow2.f32 v24;
	(v2sf) =	vpush v16, $0xB  }
0x3d7: {  	v53 =	vld [tilespmem:s20+$0xAB80];
	v30 =	vpop (erf);
	v19 =	vmul.f32 $1.442695020e+00, v27;
	v44 =	vmul.f32 $1.442695020e+00, v22;
	(v2sf) =	vpush v16, $0x6  }
0x3d8: {  	v24 =	vld [tilespmem:s20+$0xB900];
	(erf) = vpow2.f32 v31;
	v4 =	vadd.f32 v25, v4;
	v25 =	vadd.f32 v30, v20  }
0x3d9: {  	v27 =	vpop (erf);
	v30 =	vld [tilespmem:s20+$0x9280];
	v20 =	vmul.f32 $1.442695020e+00, v28;
	(erf) = vpow2.f32 v44;
	(v2sf) =	vpush v16, $0xE  }
0x3da: {  	v28 =	vld [tilespmem:s20+$0x9300];
	v25 =	vadd.f32 v27, v25;
	v27 =	vmul.f32 $1.442695020e+00, v29;
	(v2sf) =	vpush v16, $0xA  }
0x3db: {  	v55 =	vld [tilespmem:s20+$0xAB00];
	v39 =	vmul.f32 $1.442695020e+00, v51;
	v26 =	vmul.f32 $1.442695020e+00, v26;
	v22 =	vpop (erf)  }
0x3dc: {  	v58 =	vld [tilespmem:s20+$0xAA00];
	v25 =	vadd.f32 v22, v25;
	(erf) = vpow2.f32 v27;
	(v2sf) =	vpush v16, $0xD  }
0x3dd: {  	v38 =	vld [tilespmem:s20+$0xA380];
	v56 =	vmul.f32 $1.442695020e+00, v53;
	v22 =	vmul.f32 $1.442695020e+00, v24;
	v24 =	vpop (erf);
	(v2sf) =	vpush v16, $0x9  }
0x3de: {  	v29 =	vld [tilespmem:s20+$0x9380];
	v27 =	vmul.f32 $1.442695020e+00, v30;
	(erf) = vpow2.f32 v26;
	v24 =	vadd.f32 v24, v25  }
0x3df: {  	v23 =	vld [tilespmem:s20+$0xBA80];
	v26 =	vmul.f32 $1.442695020e+00, v28;
	v28 =	vpop (erf);
	(erf) = vpow2.f32 v12;
	(v2sf) =	vpush v16, $0x5  }
0x3e0: {  	v37 =	vmul.f32 $1.442695020e+00, v55;
	v25 =	vld [tilespmem:s20+$0x9800];
	v12 =	vadd.f32 v28, v24;
	(erf) = vpow2.f32 v27  }
0x3e1: {  	v63 =	vmul.f32 $1.442695020e+00, v58;
	v28 =	vpop (erf);
	(erf) = vpow2.f32 v13;
	(v2sf) =	vpush v16, $0xC  }
0x3e2: {  	v14 =	vmul.f32 $1.442695020e+00, v42;
	v24 =	vld [tilespmem:s20+$0x9880];
	v12 =	vadd.f32 v28, v12;
	(erf) = vpow2.f32 v26  }
0x3e3: {  	v61 =	vld [tilespmem:s20+$0xC000];
	v42 =	vmul.f32 $1.442695020e+00, v38;
	v27 =	vmul.f32 $1.442695020e+00, v29;
	v26 =	vpop (erf);
	(v2sf) =	vpush v16, $0x8;
	s3 =	spop (v2sf)  }
0x3e4: {  	v23 =	vmul.f32 $1.442695020e+00, v23;
	v13 =	vld [tilespmem:s20+$0x9900];
	(erf) = vpow2.f32 v10;
	v10 =	vadd.f32 v26, v12;
	s13 =	smulhi.u32 $0x66666667, s3  }
0x3e5: {  	v25 =	vmul.f32 $1.442695020e+00, v25;
	v12 =	vld [tilespmem:s20+$0x9980];
	(erf) = vpow2.f32 v27;
	v26 =	vpop (erf);
	(v2sf) =	vpush v16, $0x4;
	s5 =	spop (v2sf)  }
0x3e6: {  	s4 =	sadd.s32 $0x80, s8;
	(erf) = vpow2.f32 v11;
	v11 =	vld [tilespmem:s20+$0xB880];
	v10 =	vadd.f32 v26, v10;
	(v2sf) =	vpush v16, $0x3;
	s16 =	spop (v2sf);
	[dreg:$0x12] =	wrdreg s13  }
0x3e7: {  	s8 =	smov.u32 s30;
	v24 =	vmul.f32 $1.442695020e+00, v24;
	(erf) = vpow2.f32 v25;
	v25 =	vld [tilespmem:s20+$0x9A00];
	v26 =	vpop (erf);
	(v2sf) =	vpush v16, $0x2;
	s14 =	smulhi.u32 $0x66666667, s5;
	[dreg:$0xa] =	wrdreg s16  }
0x3e8: {  	s26 =	sor.u32 s4, s15;
	v15 =	vmul.f32 $1.442695020e+00, v61;
	(erf) = vpow2.f32 v5;
	v10 =	vadd.f32 v26, v10;
	v5 =	vpop (erf);
	s0 =	smulhi.u32 $0x66666667, s16;
	s18 =	spop (v2sf)  }
0x3e9: {  	v40 =	vld [tilespmem:s20+$0xBB80];
	v47 =	vor.u32 s30, v0;
	s30 =	sor.u32 $0x380, s26;
	v13 =	vmul.f32 $1.442695020e+00, v13;
	(erf) = vpow2.f32 v24;
	v26 =	vpop (erf);
	s17 =	smulhi.u32 $0x66666667, s18;
	s12 =	spop (v2sf)  }
0x3ea: {  	v24 =	vld [tilespmem:s20+$0x9A80];
	v12 =	vmul.f32 $1.442695020e+00, v12;
	(erf) = vpow2.f32 v6;
	v10 =	vadd.f32 v26, v10;
	v6 =	vpop (erf);
	[dreg:$0x16] =	wrdreg s14;
	s26 =	sshra.s32 s18, $0x1F;
	s19 =	smulhi.u32 $0x66666667, s12  }
0x3eb: {  	v28 =	vld [tilespmem:s20+$0xB380];
	(v2sf) =	vpush v16, $0x1;
	(erf) = vpow2.f32 v13;
	v26 =	vmul.f32 $1.442695020e+00, v11;
	v11 =	vpop (erf);
	s14 =	spop (v2sf);
	s18 =	smul.u32 $0x66666667, s26  }
0x3ec: {  	v13 =	vld [tilespmem:s20+$0x9B00];
	(erf) = vpow2.f32 v7;
	v10 =	vadd.f32 v11, v10;
	v11 =	vmul.f32 $1.442695020e+00, v25;
	s21 =	smulhi.u32 $0x66666667, s14;
	s2 =	spop (v2sf)  }
0x3ed: {  	v25 =	vld [tilespmem:s20+$0xB300];
	(erf) = vpow2.f32 v12;
	v7 =	vpop (erf);
	[dreg:$0x17] =	wrdreg s17;
	s14 =	sshra.s32 s14, $0x1F;
	s6 =	smulhi.u32 $0x66666667, s2  }
0x3ee: {  	v17 =	vmul.f32 $1.442695020e+00, v40;
	v12 =	vld [tilespmem:s20+$0x9B80];
	v29 =	vpop (erf);
	(erf) = vpow2.f32 v8;
	s17 =	spop (v2sf);
	s14 =	smul.u32 $0x66666667, s14  }
0x3ef: {  	v30 =	vld [tilespmem:s20+$0xB280];
	v24 =	vmul.f32 $1.442695020e+00, v24;
	v10 =	vadd.f32 v29, v10;
	(erf) = vpow2.f32 v11;
	v8 =	vpop (erf);
	[dreg:$0x10] =	wrdreg s19;
	s2 =	sshra.s32 s2, $0x1F;
	s22 =	smulhi.u32 $0x66666667, s17  }
0x3f0: {  	(v2sf) =	vpush v16, $0x0;
	v11 =	vld [tilespmem:s20+$0xA000];
	v29 =	vmul.f32 $1.442695020e+00, v28;
	v28 =	vpop (erf);
	(erf) = vpow2.f32 v9;
	s19 =	spop (v2sf);
	s26 =	smul.u32 $0x66666667, s2  }
0x3f1: {  	v48 =	vld [tilespmem:s20+$0xA180];
	v13 =	vmul.f32 $1.442695020e+00, v13;
	v45 =	vadd.f32 v28, v10;
	(erf) = vpow2.f32 v24;
	v9 =	vpop (erf);
	[dreg:$0x19] =	wrdreg s21;
	s17 =	sshra.s32 s17, $0x1F;
	s7 =	smulhi.u32 $0x66666667, s19  }
0x3f2: {  	(v2sf) =	vpush v16, $0x7;
	v24 =	vld [tilespmem:s20+$0xA080];
	v31 =	vmul.f32 $1.442695020e+00, v25;
	v25 =	vpop (erf);
	(erf) = vpow2.f32 v18;
	s31 =	spop (v2sf);
	s17 =	smul.u32 $0x66666667, s17  }
0x3f3: {  	v28 =	vld [tilespmem:s20+$0xB200];
	v46 =	vmul.f32 $1.442695020e+00, v12;
	v18 =	vadd.f32 v25, v45;
	(erf) = vpow2.f32 v13;
	v10 =	vpop (erf);
	s19 =	sshra.s32 s19, $0x1F;
	[dreg:$0xc] =	wrdreg s22;
	s16 =	smulhi.u32 $0x66666667, s31  }
0x3f4: {  	v33 =	vmul.f32 $1.442695020e+00, v30;
	v13 =	vld [tilespmem:s20+$0xA100];
	v30 =	vpop (erf);
	(erf) = vpow2.f32 v19;
	s13 =	spop (v2sf);
	s19 =	smul.u32 $0x66666667, s19  }
0x3f5: {  	v19 =	vmul.f32 $1.442695020e+00, v11;
	v18 =	vadd.f32 v30, v18;
	v30 =	vld [tilespmem:s20+$0xB100];
	(erf) = vpow2.f32 v46;
	v11 =	vpop (erf);
	s23 =	smulhi.u32 $0x66666667, s13;
	s21 =	spop (v2sf)  }
0x3f6: {  	v21 =	vld [tilespmem:s20+$0xB980];
	v40 =	vmul.f32 $1.442695020e+00, v48;
	v12 =	vpop (erf);
	(erf) = vpow2.f32 v15;
	s24 =	smulhi.u32 $0x66666667, s21;
	s22 =	spop (v2sf)  }
0x3f7: {  	s3 =	sshra.s32 s3, $0x1F;
	s12 =	sshra.s32 s12, $0x1F;
	v25 =	vld [tilespmem:s20+$0xB180];
	v24 =	vmul.f32 $1.442695020e+00, v24;
	v18 =	vadd.f32 v12, v18;
	(erf) = vpow2.f32 v19;
	v12 =	vpop (erf);
	s29 =	smulhi.u32 $0x66666667, s22  }
0x3f8: {  	v28 =	vmul.f32 $1.442695020e+00, v28;
	v19 =	vld [tilespmem:s20+$0xA200];
	[dreg:$0xe] =	wrdreg s23;
	v50 =	vpop (erf);
	(erf) = vpow2.f32 v17;
	s23 =	smul.u32 $0x66666667, s3  }
0x3f9: {  	v60 =	vld [tilespmem:s20+$0xA980];
	s21 =	sshra.s32 s21, $0x1F;
	s3 =	smul.u32 $0x66666667, s12;
	v17 =	vadd.f32 v50, v18;
	v18 =	vmul.f32 $1.442695020e+00, v13;
	(erf) = vpow2.f32 v24;
	v13 =	vpop (erf)  }
0x3fa: {  	s2 =	smul.u32 $0x66666667, s21;
	v24 =	vld [tilespmem:s20+$0xA280];
	v52 =	vmul.f32 $1.442695020e+00, v30;
	v30 =	vpop (erf);
	(erf) = vpow2.f32 v14  }
0x3fb: {  	v21 =	vmul.f32 $1.442695020e+00, v21;
	s5 =	sshra.s32 s5, $0x1F;
	[dreg:$0x14] =	wrdreg s24;
	s24 =	spop (v2sf);
	v17 =	vadd.f32 v30, v17;
	(erf) = vpow2.f32 v18;
	v14 =	vpop (erf)  }
0x3fc: {  	v25 =	vmul.f32 $1.442695020e+00, v25;
	s11 =	smulhi.u32 $0x66666667, s24;
	v18 =	vld [tilespmem:s20+$0xA300];
	v54 =	vpop (erf);
	(erf) = vpow2.f32 v28  }
0x3fd: {  	s13 =	sshra.s32 s13, $0x1F;
	[dreg:$0x1a] =	wrdreg s29;
	s29 =	smul.u32 $0x66666667, s5;
	v19 =	vmul.f32 $1.442695020e+00, v19;
	v17 =	vadd.f32 v54, v17;
	(erf) = vpow2.f32 v40;
	v28 =	vpop (erf)  }
0x3fe: {  	v44 =	vmul.f32 $1.442695020e+00, v60;
	[dreg:$0x8] =	wrdreg s0;
	s22 =	sshra.s32 s22, $0x1F;
	s5 =	smul.u32 $0x66666667, s13;
	v30 =	vpop (erf);
	(erf) = vpow2.f32 v25  }
0x3ff: {  	s28 =	sand.u32 $0x400, s4;
	s0 =	spop (v2sf);
	s13 =	smul.u32 $0x66666667, s22;
	v24 =	vmul.f32 $1.442695020e+00, v24;
	v17 =	vadd.f32 v30, v17;
	(erf) = vpow2.f32 v19;
	v30 =	vpop (erf)  }
0x400: {  	s25 =	sand.u32 $0x70, s15;
	v46 =	vmov s8;
	s24 =	sshra.s32 s24, $0x1F;
	s10 =	smulhi.u32 $0x66666667, s0;
	v19 =	vld [tilespmem:s20+$0xA800];
	v57 =	vpop (erf);
	(erf) = vpow2.f32 v52  }
0x401: {  	s8 =	smov.u32 s4;
	s1 =	spop (v2sf);
	s21 =	smul.u32 $0x66666667, s24;
	v18 =	vmul.f32 $1.442695020e+00, v18;
	v17 =	vadd.f32 v57, v17;
	(erf) = vpow2.f32 v24;
	v32 =	vpop (erf)  }
0x402: {  	s6 =	sadd.s32 s26, s6;
	s0 =	sshra.s32 s0, $0x1F;
	s9 =	smulhi.u32 $0x66666667, s1;
	v24 =	vld [tilespmem:s20+$0xA880];
	v59 =	vpop (erf);
	(erf) = vpow2.f32 v35  }
0x403: {  	s7 =	sadd.s32 s19, s7;
	s22 =	smul.u32 $0x66666667, s0;
	s1 =	sshra.s32 s1, $0x1F;
	v25 =	vld [tilespmem:s20+$0xAA80];
	v17 =	vadd.f32 v59, v17;
	(erf) = vpow2.f32 v18;
	v34 =	vpop (erf)  }
0x404: {  	vm9 =	vcmask $0x2F2C;
	s12 =	sshra.s32 s31, $0x1F;
	s24 =	rddreg [dreg:$0x19];
	s1 =	smul.u32 $0x66666667, s1;
	v18 =	vld [tilespmem:s20+$0xA900];
	v41 =	vpop (erf);
	(erf) = vpow2.f32 v39  }
0x405: {  	v27 =	vld [tilespmem:s20+$0xB800];
	s14 =	sadd.s32 s14, s24;
	s10 =	sadd.s32 s22, s10;
	s22 =	sshrl.u32 s7, $0x1F;
	v19 =	vmul.f32 $1.442695020e+00, v19;
	v17 =	vadd.f32 v41, v17;
	(erf) = vpow2.f32 v42;
	v35 =	vpop (erf)  }
0x406: {  	v15 =	vand.u32 $0x7F, v47;
	s7 =	sshra.s32 s7, $0x2;
	v53 =	vmov s22;
	s1 =	sadd.s32 s1, s9;
	s22 =	rddreg [dreg:$0x10];
	v48 =	vpop (erf);
	(erf) = vpow2.f32 v56  }
0x407: {  	s24 =	sshrl.u32 s10, $0x1F;
	s19 =	sshra.s32 s1, $0x1F;
	s3 =	sadd.s32 s3, s22;
	v24 =	vmul.f32 $1.442695020e+00, v24;
	v17 =	vadd.f32 v48, v17;
	(erf) = vpow2.f32 v19;
	v36 =	vpop (erf)  }
0x408: {  	v62 =	vld [tilespmem:s30+$0x6800];
	v57 =	vmov s24;
	s20 =	sor.u32 s25, s28;
	v25 =	vmul.f32 $1.442695020e+00, v25;
	s28 =	smul.u32 $0x66666667, s12;
	s12 =	rddreg [dreg:$0x12];
	v50 =	vpop (erf);
	(erf) = vpow2.f32 v37  }
0x409: {  	s24 =	sshra.s32 s10, $0x2;
	v61 =	vld [tilespmem:s20+$0x7000];
	s0 =	sadd.s32 s23, s12;
	s23 =	rddreg [dreg:$0x16];
	v45 =	vmul.f32 $1.442695020e+00, v18;
	v47 =	vadd.f32 v50, v17;
	(erf) = vpow2.f32 v24;
	v37 =	vpop (erf)  }
0x40a: {  	v27 =	vmul.f32 $1.442695020e+00, v27;
	v55 =	vmov s7;
	s12 =	sadd.s32 s29, s23;
	s29 =	rddreg [dreg:$0x17];
	s16 =	sadd.s32 s28, s16;
	v19 =	vpop (erf);
	(erf) = vpow2.f32 v25  }
0x40b: {  	v60 =	vmov s19;
	v43 =	vld [tilespmem:s20+$0x6900];
	s28 =	sshrl.u32 s14, $0x1F;
	s4 =	sadd.s32 s18, s29;
	s23 =	sshrl.u32 s16, $0x1F;
	v51 =	vadd.f32 v19, v47;
	(erf) = vpow2.f32 v45;
	v38 =	vpop (erf)  }
0x40c: {  	s26 =	sshra.s32 s16, $0x2;
	s29 =	sshrl.u32 s6, $0x1F;
	v41 =	vsel vm0, s28, v53;
	s6 =	sshra.s32 s6, $0x2;
	v54 =	vmov s23;
	v52 =	vpop (erf);
	(erf) = vpow2.f32 v63  }
0x40d: {  	v49 =	vld [tilespmem:s20+$0x6B00];
	s28 =	sshra.s32 s10, $0x1F;
	s18 =	sshrl.u32 s3, $0x1F;
	v58 =	vmov s26;
	s23 =	sshra.s32 s14, $0x2;
	v40 =	vadd.f32 v52, v51;
	(erf) = vpow2.f32 v44;
	v39 =	vpop (erf)  }
0x40e: {  	s26 =	sadd.s32 s21, s11;
	s14 =	rddreg [dreg:$0x1a];
	v18 =	vmul.f32 $1.442695020e+00, v62;
	v42 =	vsel vm0, s29, v54;
	s29 =	sshrl.u32 s4, $0x1F;
	v17 =	vmul.f32 $1.442695020e+00, v61;
	v56 =	vpop (erf)  }
0x40f: {  	s3 =	sshra.s32 s3, $0x2;
	s21 =	rddreg [dreg:$0x14];
	s16 =	sshra.s32 s26, $0x2;
	v24 =	vshll.u32 v46, $0x3;
	v41 =	vsel vm1, s29, v41;
	v40 =	vadd.f32 v56, v40;
	v59 =	vpop (erf)  }
0x410: {  	s19 =	sshra.s32 s26, $0x1F;
	s7 =	sshrl.u32 s26, $0x1F;
	s26 =	sshrl.u32 s12, $0x1F;
	v42 =	vsel vm1, s18, v42;
	v25 =	vmul.f32 $1.442695020e+00, v43;
	v43 =	vsel vm0, s23, v55;
	v48 =	vpop (erf)  }
0x411: {  	s11 =	sadd.s32 s13, s14;
	s4 =	sshra.s32 s4, $0x2;
	s2 =	sadd.s32 s2, s21;
	v42 =	vsel vm2, s26, v42;
	v47 =	vsel vm4, s24, v60;
	v40 =	vadd.f32 v48, v40;
	v61 =	vpop (erf)  }
0x412: {  	s13 =	rddreg [dreg:$0xc];
	s22 =	sshra.s32 s11, $0x2;
	s29 =	sshra.s32 s2, $0x2;
	v19 =	vmul.f32 $1.442695020e+00, v49;
	v45 =	vsel vm0, s6, v58;
	v47 =	vsel vm14, s28, v47;
	v49 =	vpop (erf)  }
0x413: {  	s9 =	sshra.s32 s2, $0x1F;
	s10 =	sshrl.u32 s11, $0x1F;
	s23 =	sshrl.u32 s0, $0x1F;
	v43 =	vsel vm1, s4, v43;
	v47 =	vsel vm0, s16, v47;
	v40 =	vadd.f32 v49, v40;
	v62 =	vpop (erf)  }
0x414: {  	s2 =	sshrl.u32 s2, $0x1F;
	s24 =	sshra.s32 s11, $0x1F;
	v41 =	vsel vm2, s23, v41;
	s11 =	rddreg [dreg:$0xa];
	v44 =	vnsel vm4, $0x0, v57;
	v47 =	vsel vm11, s19, v47;
	v50 =	vpop (erf)  }
0x415: {  	s0 =	sshra.s32 s0, $0x2;
	s28 =	rddreg [dreg:$0xe];
	v44 =	vsel vm0, s7, v44;
	s7 =	sshra.s32 s11, $0x1F;
	v47 =	vsel vm1, s22, v47;
	v40 =	vadd.f32 v50, v40;
	v63 =	vpop (erf)  }
0x416: {  	s6 =	sshra.s32 s12, $0x2;
	v45 =	vsel vm1, s3, v45;
	s5 =	sadd.s32 s5, s28;
	v44 =	vsel vm1, s10, v44;
	s14 =	smul.u32 $0x66666667, s7;
	v47 =	vsel vm13, s24, v47;
	v51 =	vpop (erf)  }
0x417: {  	s3 =	sadd.s32 s17, s13;
	s18 =	sshrl.u32 s5, $0x1F;
	s19 =	rddreg [dreg:$0x8];
	v44 =	vsel vm2, s2, v44;
	v47 =	vsel vm2, s29, v47;
	v40 =	vadd.f32 v51, v40  }
0x418: {  	v43 =	vsel vm2, s0, v43;
	s12 =	sshra.s32 s5, $0x2;
	s22 =	sshrl.u32 s3, $0x1F;
	s4 =	sadd.s32 s14, s19;
	v44 =	vsel vm5, s18, v44;
	v47 =	vsel vm15, s9, v47  }
0x419: {  	s16 =	sshra.s32 s5, $0x1F;
	v44 =	vsel vm6, s22, v44;
	s24 =	sshrl.u32 s4, $0x1F;
	v47 =	vsel vm5, s12, v47;
	v40 =	vadd.f32 v63, v40  }
0x41a: {  	v45 =	vsel vm2, s6, v45;
	s17 =	sshra.s32 s3, $0x2;
	v44 =	vsel vm7, s24, v44;
	v52 =	vsel vm12, s16, v47  }
0x41b: {  	s21 =	sshra.s32 s3, $0x1F;
	s28 =	sshrl.u32 s1, $0x1F;
	v51 =	vcombine.low v45, v43;
	v43 =	vsel vm6, s17, v52;
	v40 =	vadd.f32 v62, v40  }
0x41c: {  	v41 =	vcombine.low v42, v41;
	s23 =	sshra.s32 s4, $0x2;
	v44 =	vsel vm8, s28, v44;
	v43 =	vsel vm9, s21, v43  }
0x41d: {  	s26 =	sshra.s32 s4, $0x1F;
	vm9 =	vcmask $0x3734;
	v43 =	vsel vm7, s23, v43;
	v40 =	vadd.f32 v61, v40  }
0x41e: {  	v41 =	vperm.xlane v41, v1;
	s29 =	sshra.s32 s1, $0x2;
	v44 =	vperm.xlane v44, v2;
	v43 =	vsel vm9, s26, v43  }
0x41f: {  	v53 =	vld [tilespmem:s20+$0x6800];
	(erf) = vpow2.f32 v33;
	v43 =	vsel vm8, s29, v43;
	v40 =	vadd.f32 v59, v40  }
0x420: {  	v24 =	vand.u32 $0x400, v24;
	v42 =	vperm.xlane v51, v1;
	v43 =	vperm.xlane v43, v2  }
0x421: {  	v55 =	vor.u32 v24, v15;
	(erf) = vpow2.f32 v23;
	v39 =	vadd.f32 v39, v40  }
0x422: {  	v56 =	vsel vm3, v44, v41;
	(erf) = vpow2.f32 v31;
	v57 =	vsel vm3, v43, v42  }
0x423: {  	v54 =	vld [tilespmem:s20+$0x6880];
	(erf) = vpow2.f32 v20;
	v33 =	vadd.s32 v56, v57;
	v23 =	vadd.f32 v38, v39  }
0x424: {  	v45 =	vmul.f32 $1.442695020e+00, v53;
	(erf) = vpow2.f32 v29;
	v58 =	vmul.u32 $0xFFFFFFF6, v33  }
0x425: {  	(erf) = vpow2.f32 v21;
	v20 =	vadd.f32 v37, v23;
	v23 =	vsub.s32 $0x0, v16  }
0x426: {  	vm9 =	vlt.s32 v16, $0x1;
	(erf) = vpow2.f32 v27;
	vm10 =	vne.s32 v58, v23  }
0x427: {  	(erf) = vpow2.f32 v22;
	v21 =	vadd.f32 v36, v20;
	vm9 =	vmand vm9, vm10  }
0x428: {  	v31 =	vmul.f32 $1.442695020e+00, v54;
	(erf) = vpow2.f32 v26;
	v23 =	vsel vm9, $0xFFFFFFFF, v3  }
0x429: {  	(erf) = vpow2.f32 v45;
	v21 =	vadd.f32 v35, v21;
	v22 =	vadd.s32 v23, v33  }
0x42a: {  	v26 =	vpop (erf);
	(erf) = vpow2.f32 v31;
	v20 =	vshll.u32 v16, $0x8;
	v23 =	vmul.u32 $0xA, v22  }
0x42b: {  	v27 =	vpop (erf);
	v16 =	vshll.u32 v16, $0x7;
	v21 =	vadd.f32 v26, v21;
	v26 =	vshll.u32 v22, $0x8  }
0x42c: {  	v31 =	vpop (erf);
	v22 =	vmul.u32 $0xA00, v22;
	v26 =	vand.u32 $0x300, v26;
	v29 =	vadd.s32 $0x9, v23  }
0x42d: {  	v35 =	vpop (erf);
	v59 =	vadd.s32 $0x7, v23;
	v36 =	vadd.s32 $0x3, v23;
	v21 =	vadd.f32 v31, v21  }
0x42e: {  	v61 =	vpop (erf);
	v37 =	vadd.s32 $0x4, v23;
	v60 =	vadd.s32 $0x5, v23;
	v31 =	vadd.s32 $0x6, v23  }
0x42f: {  	v52 =	vpop (erf);
	v62 =	vand.u32 $0xFFFFF800, v22;
	v63 =	vor.u32 v26, v55;
	v21 =	vadd.f32 v61, v21  }
0x430: {  	v23 =	vadd.s32 $0x2, v23;
	v53 =	vshll.u32 v29, $0x8;
	v29 =	vshll.u32 v29, $0x7;
	v22 =	vpop (erf)  }
0x431: {  	v55 =	vshll.u32 v59, $0x8;
	v38 =	vshll.u32 v60, $0x7;
	v56 =	vpop (erf);
	v54 =	vadd.f32 v22, v21  }
0x432: {  	v26 =	vor.u32 v26, v62;
	v57 =	vshll.u32 v31, $0x8;
	v46 =	vshll.u32 v31, $0x7;
	v58 =	vpop (erf)  }
0x433: {  	v31 =	vshll.u32 v59, $0x7;
	v59 =	vshll.u32 v60, $0x8;
	v33 =	vadd.f32 v58, v54  }
0x434: {  	v60 =	vshll.u32 v36, $0x8;
	v39 =	vor.u32 v62, v63;
	v36 =	vshll.u32 v36, $0x7  }
0x435: {  	v62 =	vshll.u32 v23, $0x8;
	v23 =	vshll.u32 v23, $0x7;
	v33 =	vadd.f32 v56, v33  }
0x436: {  	v42 =	vand.u32 $0xFFFFF800, v53;
	v29 =	vand.u32 $0x380, v29;
	v43 =	vand.u32 $0xFFFFF800, v55  }
0x437: {  	v61 =	vshll.u32 v37, $0x8;
	v37 =	vshll.u32 v37, $0x7;
	v33 =	vadd.f32 v52, v33  }
0x438: {  	v26 =	vor.u32 v24, v26;
	v63 =	vand.u32 $0xFFFFF800, v57;
	v50 =	vand.u32 $0x380, v31  }
0x439: {  	v51 =	vand.u32 $0xFFFFF800, v62;
	v23 =	vand.u32 $0x300, v23;
	v31 =	vadd.f32 v35, v33  }
0x43a: {  	v53 =	vand.u32 $0xFFFFF800, v60;
	v60 =	vand.u32 $0x300, v46;
	v23 =	vor.u32 v51, v23  }
0x43b: {  	s31 =	simm.s32 $0x6800;
	v55 =	vand.u32 $0x300, v37;
	v62 =	vor.u32 v63, v60;
	v27 =	vadd.f32 v27, v31  }
0x43c: {  	v23 =	vor.u32 v24, v23;
	v56 =	vld.idx.msk [tilespmem:v39+s31+$0x0], $0xffff;
	v52 =	vor.u32 $0x80, v39;
	v31 =	vand.u32 $0x380, v36  }
0x43d: {  	v23 =	vor.u32 v15, v23;
	v31 =	vor.u32 v53, v31;
	v27 =	vadd.f32 v34, v27  }
0x43e: {  	v54 =	vand.u32 $0xFFFFF800, v61;
	v58 =	vand.u32 $0xFFFFF800, v59;
	v31 =	vor.u32 v24, v31  }
0x43f: {  	p0 =	sne.s32 s15, $0xF0;
	v59 =	vand.u32 $0x380, v38;
	v57 =	vor.u32 v15, v31;
	v27 =	vadd.f32 v32, v27  }
.Ltmp1:
0x440: {  	v63 =	vor.u32 v43, v50;
	v33 =	vor.u32 v58, v59;
	v31 =	vor.u32 v54, v55;
	(pc) =	sbr.rel @p0 .LBB2_5-.Ltmp1, $4  }
0x441: {  	v35 =	vmul.f32 $1.442695020e+00, v56;
	v32 =	vld.idx.msk [tilespmem:v52+s31+$0x0], $0xffff;
	v31 =	vor.u32 v24, v31;
	v61 =	vadd.f32 v30, v27  }
0x442: {  	v36 =	vor.u32 v24, v63;
	v31 =	vor.u32 v15, v31;
	v27 =	vld.idx.msk [tilespmem:v23+s31+$0x0], $0xffff;
	v23 =	vor.u32 v24, v33  }
0x443: {  	v21 =	vpop (erf);
	v33 =	vor.u32 v15, v26;
	v26 =	vld [tilespmem:s20+$0x6980];
	v34 =	vadd.f32 v28, v61;
	v28 =	vor.u32 v24, v62  }
0x444: {  	s30 =	smov.u32 s15;
	s15 =	sadd.s32 $0x10, s15;
	v22 =	vpop (erf);
	v30 =	vor.u32 v42, v29;
	v29 =	vor.u32 v15, v23;
	v23 =	vld.idx.msk [tilespmem:v57+s31+$0x0], $0xffff;
	v28 =	vor.u32 v15, v28  }
0x445: {  	_ =	sdelay $0x2  }
0x446: {  	v14 =	vadd.f32 v14, v34  }
0x447: {  	v38 =	vor.u32 v15, v36;
	v31 =	vld.idx.msk [tilespmem:v31+s31+$0x0], $0xffff;
	v33 =	vadd.s32 $0x800, v33;
	v32 =	vmul.f32 $1.442695020e+00, v32  }
0x448: {  	v30 =	vor.u32 v24, v30;
	(erf) = vpow2.f32 v35;
	v39 =	vld [tilespmem:s20+$0x6A00];
	v40 =	vmul.f32 $1.442695020e+00, v27  }
0x449: {  	v20 =	vand.u32 $0xFFFFF800, v20;
	v13 =	vadd.f32 v13, v14;
	(erf) = vpow2.f32 v32  }
0x44a: {  	v41 =	vld.idx.msk [tilespmem:v29+s31+$0x0], $0xffff;
	v16 =	vand.u32 $0x380, v16;
	v44 =	vmul.f32 $1.442695020e+00, v23;
	(erf) = vpow2.f32 v40  }
0x44b: {  	v43 =	vld [tilespmem:s20+$0x6A80];
	v46 =	vmul.f32 $1.442695020e+00, v26;
	v12 =	vadd.f32 v12, v13;
	(erf) = vpow2.f32 v25  }
0x44c: {  	v45 =	vld.idx.msk [tilespmem:v28+s31+$0x0], $0xffff;
	v16 =	vor.u32 v20, v16;
	v47 =	vmul.f32 $1.442695020e+00, v31;
	(erf) = vpow2.f32 v44  }
0x44d: {  	v48 =	vld.idx.msk [tilespmem:v38+s31+$0x0], $0xffff;
	v49 =	vmul.f32 $1.442695020e+00, v39;
	v11 =	vadd.f32 v11, v12;
	(erf) = vpow2.f32 v46  }
0x44e: {  	v42 =	vor.u32 v15, v30;
	v16 =	vor.u32 v24, v16;
	v51 =	vld.idx.msk [tilespmem:v33+s31+$0x0], $0xffff;
	(erf) = vpow2.f32 v47  }
0x44f: {  	v50 =	vmul.f32 $1.442695020e+00, v41;
	v10 =	vadd.f32 v10, v11;
	(erf) = vpow2.f32 v49  }
0x450: {  	v16 =	vor.u32 v15, v16;
	v52 =	vmul.f32 $1.442695020e+00, v43  }
0x451: {  	v55 =	vld [tilespmem:s20+$0x7080];
	v53 =	vmul.f32 $1.442695020e+00, v45;
	v13 =	vpop (erf);
	v9 =	vadd.f32 v9, v10;
	(erf) = vpow2.f32 v50  }
0x452: {  	v56 =	vadd.f32 v22, v21;
	v20 =	vmul.f32 $1.442695020e+00, v48;
	(erf) = vpow2.f32 v52;
	v14 =	vpop (erf)  }
0x453: {  	v54 =	vld.idx.msk [tilespmem:v42+s31+$0x0], $0xffff;
	v12 =	vmul.f32 $1.442695020e+00, v51;
	v8 =	vadd.f32 v8, v9;
	(erf) = vpow2.f32 v53;
	v15 =	vpop (erf)  }
0x454: {  	v57 =	vld [tilespmem:s20+$0x7100];
	(erf) = vpow2.f32 v19;
	v58 =	vpop (erf)  }
0x455: {  	v59 =	vld.idx.msk [tilespmem:v16+s31+$0x0], $0xffff;
	v7 =	vadd.f32 v7, v8;
	(erf) = vpow2.f32 v20;
	v60 =	vadd.f32 v58, v56;
	v16 =	vpop (erf)  }
0x456: {  	v21 =	vmul.f32 $1.442695020e+00, v55;
	(erf) = vpow2.f32 v18;
	v63 =	vpop (erf)  }
0x457: {  	v6 =	vadd.f32 v6, v7;
	(erf) = vpow2.f32 v12;
	v7 =	vadd.f32 v63, v60;
	v12 =	vpop (erf)  }
0x458: {  	v61 =	vmul.f32 $1.442695020e+00, v54;
	(erf) = vpow2.f32 v17;
	v23 =	vpop (erf)  }
0x459: {  	v22 =	vld [tilespmem:s20+$0x7200];
	v5 =	vadd.f32 v5, v6;
	v6 =	vadd.f32 v23, v7;
	v7 =	vmul.f32 $1.442695020e+00, v57  }
0x45a: {  	v62 =	vld [tilespmem:s20+$0x7180];
	(erf) = vpow2.f32 v61;
	v8 =	vpop (erf)  }
0x45b: {  	(erf) = vpow2.f32 v21;
	v25 =	vpop (erf)  }
0x45c: {  	(erf) = vrcp.f32 v5;
	v5 =	vadd.f32 v25, v6;
	v9 =	vpop (erf)  }
0x45d: {  	(erf) = vpow2.f32 v7;
	v7 =	vpop (erf)  }
0x45e: {  	v24 =	vld [tilespmem:s20+$0x7280];
	v26 =	vmul.f32 $1.442695020e+00, v59;
	v5 =	vadd.f32 v7, v5;
	v7 =	vmul.f32 $1.442695020e+00, v22  }
0x45f: {  	v6 =	vmul.f32 $1.442695020e+00, v62;
	v11 =	vpop (erf)  }
0x460: {  	v27 =	vld [tilespmem:s20+$0x7300];
	(erf) = vpow2.f32 v26;
	v28 =	vpop (erf)  }
0x461: {  	(erf) = vpow2.f32 v6;
	v5 =	vadd.f32 v28, v5;
	v10 =	vpop (erf)  }
0x462: {  	v6 =	vld [tilespmem:s20+$0x7380];
	(erf) = vpow2.f32 v7;
	v7 =	vpop (erf)  }
0x463: {  	v29 =	vmul.f32 $1.442695020e+00, v24;
	v5 =	vadd.f32 v7, v5  }
0x464: {  	v30 =	vld [tilespmem:s20+$0x7800]  }
0x465: {  	v31 =	vmul.f32 $1.442695020e+00, v27;
	(erf) = vpow2.f32 v29;
	v7 =	vpop (erf)  }
0x466: {  	v32 =	vld [tilespmem:s20+$0x7880];
	v33 =	vpop (erf)  }
0x467: {  	v34 =	vmul.f32 $1.442695020e+00, v6;
	v20 =	vadd.f32 v33, v5;
	v5 =	vpop (erf);
	(erf) = vpow2.f32 v31  }
0x468: {  	v35 =	vld [tilespmem:s20+$0x7900];
	v6 =	vpop (erf)  }
0x469: {  	v19 =	vmul.f32 $1.442695020e+00, v30;
	(erf) = vpow2.f32 v34;
	v20 =	vadd.f32 v6, v20;
	v6 =	vpop (erf)  }
0x46a: {  	v36 =	vld [tilespmem:s20+$0x7980];
	v37 =	vpop (erf)  }
0x46b: {  	v18 =	vmul.f32 $1.442695020e+00, v32;
	(erf) = vpow2.f32 v19;
	v20 =	vadd.f32 v37, v20  }
0x46c: {  	v38 =	vld [tilespmem:s20+$0x7A00];
	v39 =	vpop (erf)  }
0x46d: {  	v17 =	vmul.f32 $1.442695020e+00, v35;
	(erf) = vpow2.f32 v18;
	v20 =	vadd.f32 v39, v20  }
0x46e: {  	v41 =	vld [tilespmem:s20+$0x7A80];
	v40 =	vpop (erf)  }
0x46f: {  	v21 =	vmul.f32 $1.442695020e+00, v36;
	(erf) = vpow2.f32 v17;
	v18 =	vadd.f32 v40, v20  }
0x470: {  	v42 =	vld [tilespmem:s20+$0x7B00];
	v43 =	vpop (erf)  }
0x471: {  	v19 =	vmul.f32 $1.442695020e+00, v38;
	(erf) = vpow2.f32 v21;
	v18 =	vadd.f32 v43, v18  }
0x472: {  	v44 =	vld [tilespmem:s20+$0x7B80];
	v45 =	vpop (erf)  }
0x473: {  	v46 =	vmul.f32 $1.442695020e+00, v41;
	(erf) = vpow2.f32 v19;
	v18 =	vadd.f32 v45, v18  }
0x474: {  	v47 =	vld [tilespmem:s20+$0x8000];
	v48 =	vpop (erf)  }
0x475: {  	v17 =	vmul.f32 $1.442695020e+00, v42;
	(erf) = vpow2.f32 v46;
	v18 =	vadd.f32 v48, v18  }
0x476: {  	v49 =	vld [tilespmem:s20+$0x8080];
	v50 =	vpop (erf)  }
0x477: {  	v51 =	vld [tilespmem:s20+$0x8100];
	v20 =	vmul.f32 $1.442695020e+00, v44;
	(erf) = vpow2.f32 v17;
	v18 =	vadd.f32 v50, v18  }
0x478: {  	v53 =	vld [tilespmem:s20+$0x8180];
	v52 =	vpop (erf)  }
0x479: {  	v54 =	vld [tilespmem:s20+$0x8980];
	v19 =	vmul.f32 $1.442695020e+00, v47;
	(erf) = vpow2.f32 v20;
	v18 =	vadd.f32 v52, v18  }
0x47a: {  	v56 =	vld [tilespmem:s20+$0x8200];
	v55 =	vpop (erf)  }
0x47b: {  	v58 =	vmul.f32 $1.442695020e+00, v49;
	v57 =	vld [tilespmem:s20+$0x8900];
	(erf) = vpow2.f32 v19;
	v18 =	vadd.f32 v55, v18  }
0x47c: {  	v59 =	vld [tilespmem:s20+$0x8880];
	v17 =	vmul.f32 $1.442695020e+00, v51;
	v60 =	vpop (erf)  }
0x47d: {  	v61 =	vld [tilespmem:s20+$0x8800];
	v62 =	vmul.f32 $1.442695020e+00, v53;
	(erf) = vpow2.f32 v58;
	v18 =	vadd.f32 v60, v18  }
0x47e: {  	v63 =	vmul.f32 $1.442695020e+00, v54;
	v29 =	vld [tilespmem:s20+$0x8280];
	(erf) = vpow2.f32 v17;
	v28 =	vpop (erf)  }
0x47f: {  	v30 =	vld [tilespmem:s20+$0x8380];
	v22 =	vmul.f32 $1.442695020e+00, v56;
	(erf) = vpow2.f32 v62;
	v18 =	vadd.f32 v28, v18  }
0x480: {  	v33 =	vld [tilespmem:s20+$0x8300];
	v31 =	vmul.f32 $1.442695020e+00, v57;
	(erf) = vpow2.f32 v63;
	v32 =	vpop (erf)  }
0x481: {  	v19 =	vmul.f32 $1.442695020e+00, v59;
	(erf) = vpow2.f32 v22;
	v18 =	vadd.f32 v32, v18  }
0x482: {  	v20 =	vmul.f32 $1.442695020e+00, v61;
	(erf) = vpow2.f32 v31;
	v34 =	vpop (erf)  }
0x483: {  	v17 =	vmul.f32 $1.442695020e+00, v29;
	(erf) = vpow2.f32 v19;
	v18 =	vadd.f32 v34, v18  }
0x484: {  	v36 =	vmul.f32 $1.442695020e+00, v30;
	(erf) = vpow2.f32 v20;
	v35 =	vpop (erf)  }
0x485: {  	v37 =	vmul.f32 $1.442695020e+00, v33;
	(erf) = vpow2.f32 v17;
	v18 =	vadd.f32 v35, v18  }
0x486: {  	v38 =	vpop (erf);
	(erf) = vpow2.f32 v36  }
0x487: {  	v39 =	vpop (erf);
	(erf) = vpow2.f32 v37;
	v17 =	vadd.f32 v38, v18  }
0x488: {  	v40 =	vpop (erf)  }
0x489: {  	v41 =	vpop (erf);
	v17 =	vadd.f32 v39, v17  }
0x48a: {  	v43 =	vpop (erf)  }
0x48b: {  	v45 =	vpop (erf);
	v17 =	vadd.f32 v40, v17  }
0x48c: {  	v46 =	vld [tilespmem:s20+$0x8A00];
	v47 =	vpop (erf)  }
0x48d: {  	v49 =	vpop (erf);
	v17 =	vadd.f32 v43, v17  }
0x48e: {  	v50 =	vld [tilespmem:s20+$0x8A80];
	v51 =	vpop (erf)  }
0x48f: {  	v53 =	vpop (erf);
	v17 =	vadd.f32 v51, v17  }
0x490: {  	v56 =	vld [tilespmem:s20+$0x8B00];
	v55 =	vpop (erf)  }
0x491: {  	v23 =	vmul.f32 $1.442695020e+00, v46;
	v17 =	vadd.f32 v55, v17  }
0x492: {  	v58 =	vld [tilespmem:s20+$0x8B80]  }
0x493: {  	v26 =	vmul.f32 $1.442695020e+00, v50;
	(erf) = vpow2.f32 v23;
	v17 =	vadd.f32 v53, v17  }
0x494: {  	v60 =	vld [tilespmem:s20+$0x9000]  }
0x495: {  	v62 =	vmul.f32 $1.442695020e+00, v56;
	(erf) = vpow2.f32 v26;
	v17 =	vadd.f32 v49, v17  }
0x496: {  	v63 =	vld [tilespmem:s20+$0x9080]  }
0x497: {  	v42 =	vld [tilespmem:s20+$0xC980];
	v32 =	vmul.f32 $1.442695020e+00, v58;
	(erf) = vpow2.f32 v62;
	v17 =	vadd.f32 v47, v17  }
0x498: {  	v37 =	vld [tilespmem:s20+$0x9100]  }
0x499: {  	v44 =	vld [tilespmem:s20+$0xC900];
	(erf) = vpow2.f32 v32;
	v38 =	vmul.f32 $1.442695020e+00, v60;
	v17 =	vadd.f32 v45, v17  }
0x49a: {  	v39 =	vld [tilespmem:s20+$0x9180]  }
0x49b: {  	v31 =	vmul.f32 $1.442695020e+00, v63;
	(erf) = vpow2.f32 v38;
	v17 =	vadd.f32 v41, v17  }
0x49c: {  	v20 =	vmul.f32 $1.442695020e+00, v42;
	v41 =	vpop (erf)  }
0x49d: {  	v48 =	vld [tilespmem:s20+$0xC880];
	v42 =	vmul.f32 $1.442695020e+00, v37;
	(erf) = vpow2.f32 v31;
	v17 =	vadd.f32 v41, v17  }
0x49e: {  	v22 =	vmul.f32 $1.442695020e+00, v44;
	v40 =	vld [tilespmem:s20+$0x9200];
	v44 =	vpop (erf)  }
0x49f: {  	v52 =	vld [tilespmem:s20+$0xC800];
	(erf) = vpow2.f32 v42;
	v27 =	vmul.f32 $1.442695020e+00, v39;
	v17 =	vadd.f32 v44, v17  }
0x4a0: {  	v43 =	vld [tilespmem:s20+$0x9280];
	v46 =	vpop (erf)  }
0x4a1: {  	s0 =	rddreg [dreg:$0x5];
	s1 =	sand.u32 $0x80, s30;
	(erf) = vpow2.f32 v27;
	v17 =	vadd.f32 v46, v17  }
0x4a2: {  	s0 =	sadd.s32 s1, s0;
	v45 =	vld [tilespmem:s20+$0x9300];
	v49 =	vpop (erf)  }
0x4a3: {  	s0 =	sadd.s32 s25, s0;
	v57 =	vld [tilespmem:s20+$0xC300];
	v18 =	vmul.f32 $1.442695020e+00, v40;
	v17 =	vadd.f32 v49, v17  }
0x4a4: {  	v21 =	vld [tilespmem:s0+$0x0];
	v25 =	vmul.f32 $1.442695020e+00, v48;
	v28 =	vmul.f32 $1.442695020e+00, v52;
	v52 =	vpop (erf)  }
0x4a5: {  	v61 =	vld [tilespmem:s20+$0xC200];
	v48 =	vmul.f32 $1.442695020e+00, v43;
	(erf) = vpow2.f32 v18;
	v17 =	vadd.f32 v52, v17  }
0x4a6: {  	(erf) = vpow2.f32 v20;
	v47 =	vld [tilespmem:s20+$0x9380];
	v55 =	vpop (erf)  }
0x4a7: {  	v59 =	vld [tilespmem:s20+$0xC280];
	(erf) = vpow2.f32 v48;
	v51 =	vmul.f32 $1.442695020e+00, v45;
	v17 =	vadd.f32 v55, v17  }
0x4a8: {  	v50 =	vld [tilespmem:s20+$0x9800];
	(erf) = vpow2.f32 v22;
	v58 =	vpop (erf)  }
0x4a9: {  	v54 =	vld [tilespmem:s20+$0xC380];
	(erf) = vpow2.f32 v51;
	v17 =	vadd.f32 v58, v17  }
0x4aa: {  	v26 =	vmul.f32 $1.442695020e+00, v61;
	v53 =	vld [tilespmem:s20+$0x9880];
	v61 =	vpop (erf)  }
0x4ab: {  	v30 =	vmul.f32 $1.442695020e+00, v57;
	v56 =	vld [tilespmem:s20+$0x9900];
	v19 =	vmul.f32 $1.442695020e+00, v47;
	v17 =	vadd.f32 v61, v17  }
0x4ac: {  	(v2sf) =	vpush v21, $0xF;
	v23 =	vmul.f32 $1.442695020e+00, v59;
	v59 =	vld [tilespmem:s20+$0x9980];
	(erf) = vpow2.f32 v25  }
0x4ad: {  	(v2sf) =	vpush v21, $0xB;
	v18 =	vmul.f32 $1.442695020e+00, v50;
	(erf) = vpow2.f32 v19  }
0x4ae: {  	v29 =	vmul.f32 $1.442695020e+00, v54;
	(v2sf) =	vpush v21, $0x6;
	(erf) = vpow2.f32 v28;
	v35 =	vpop (erf)  }
0x4af: {  	v36 =	vld [tilespmem:s20+$0xC180];
	v27 =	vmul.f32 $1.442695020e+00, v53;
	(erf) = vpow2.f32 v18;
	v20 =	vadd.f32 v35, v17;
	v17 =	vpop (erf)  }
0x4b0: {  	(v2sf) =	vpush v21, $0xE;
	v63 =	vld [tilespmem:s20+$0x9A00];
	v34 =	vmul.f32 $1.442695020e+00, v56;
	(erf) = vpow2.f32 v29;
	v38 =	vpop (erf)  }
0x4b1: {  	v19 =	vmul.f32 $1.442695020e+00, v59;
	(erf) = vpow2.f32 v27;
	v20 =	vadd.f32 v38, v20;
	v18 =	vpop (erf)  }
0x4b2: {  	(v2sf) =	vpush v21, $0xA;
	(erf) = vpow2.f32 v30;
	v40 =	vpop (erf)  }
0x4b3: {  	(v2sf) =	vpush v21, $0xD;
	(erf) = vpow2.f32 v34;
	v20 =	vadd.f32 v40, v20  }
0x4b4: {  	v54 =	vld [tilespmem:s20+$0xC100];
	(v2sf) =	vpush v21, $0x9;
	v24 =	vmul.f32 $1.442695020e+00, v36;
	(erf) = vpow2.f32 v23  }
0x4b5: {  	(v2sf) =	vpush v21, $0x5;
	v36 =	vld [tilespmem:s20+$0x9A80];
	v22 =	vmul.f32 $1.442695020e+00, v63;
	(erf) = vpow2.f32 v19;
	v19 =	vpop (erf)  }
0x4b6: {  	(v2sf) =	vpush v21, $0xC;
	v39 =	vld [tilespmem:s20+$0x9B00];
	v42 =	vpop (erf)  }
0x4b7: {  	v57 =	vld [tilespmem:s20+$0xC000];
	(v2sf) =	vpush v21, $0x8;
	(erf) = vpow2.f32 v26;
	v44 =	vadd.f32 v42, v20;
	v20 =	vpop (erf)  }
0x4b8: {  	v60 =	vld [tilespmem:s20+$0xC080];
	(erf) = vpow2.f32 v22;
	v46 =	vpop (erf)  }
0x4b9: {  	(v2sf) =	vpush v21, $0x4;
	v41 =	vld [tilespmem:s20+$0x9B80];
	(erf) = vpow2.f32 v24;
	v24 =	vadd.f32 v46, v44;
	v22 =	vpop (erf)  }
0x4ba: {  	(v2sf) =	vpush v21, $0x3;
	v27 =	vmul.f32 $1.442695020e+00, v36;
	v48 =	vpop (erf)  }
0x4bb: {  	v62 =	vmul.f32 $1.442695020e+00, v54;
	v31 =	vmul.f32 $1.442695020e+00, v39;
	v24 =	vadd.f32 v48, v24  }
0x4bc: {  	v43 =	vld [tilespmem:s20+$0xA000];
	v25 =	vmul.f32 $1.442695020e+00, v57;
	(erf) = vpow2.f32 v27  }
0x4bd: {  	s3 =	spop (v2sf);
	v28 =	vmul.f32 $1.442695020e+00, v60;
	(erf) = vpow2.f32 v62;
	v23 =	vpop (erf)  }
0x4be: {  	s2 =	spop (v2sf);
	v49 =	vmul.f32 $1.442695020e+00, v41;
	(erf) = vpow2.f32 v31;
	v52 =	vpop (erf)  }
0x4bf: {  	v37 =	vld [tilespmem:s20+$0xBB80];
	s21 =	spop (v2sf);
	(erf) = vpow2.f32 v28;
	v28 =	vadd.f32 v52, v24;
	v24 =	vpop (erf)  }
0x4c0: {  	s5 =	spop (v2sf);
	v47 =	vld [tilespmem:s20+$0xA080];
	(erf) = vpow2.f32 v49;
	v58 =	vpop (erf)  }
0x4c1: {  	v33 =	vld [tilespmem:s20+$0xBB00];
	s11 =	smulhi.u32 $0x66666667, s3;
	s6 =	spop (v2sf);
	v53 =	vmul.f32 $1.442695020e+00, v43;
	(erf) = vpow2.f32 v25;
	v27 =	vadd.f32 v58, v28;
	v25 =	vpop (erf)  }
0x4c2: {  	s3 =	sshra.s32 s3, $0x1F;
	s7 =	smulhi.u32 $0x66666667, s2;
	s19 =	spop (v2sf);
	v51 =	vld [tilespmem:s20+$0xA100];
	v61 =	vpop (erf)  }
0x4c3: {  	s18 =	smul.u32 $0x66666667, s3;
	s13 =	spop (v2sf);
	v45 =	vld [tilespmem:s20+$0xB200];
	(erf) = vpow2.f32 v53;
	v27 =	vadd.f32 v61, v27  }
0x4c4: {  	(v2sf) =	vpush v21, $0x2;
	s2 =	sshra.s32 s2, $0x1F;
	s8 =	smulhi.u32 $0x66666667, s5;
	s14 =	spop (v2sf);
	v30 =	vmul.f32 $1.442695020e+00, v37  }
0x4c5: {  	(v2sf) =	vpush v21, $0x1;
	s23 =	sshra.s32 s5, $0x1F;
	s5 =	smul.u32 $0x66666667, s2;
	s24 =	spop (v2sf);
	v57 =	vmul.f32 $1.442695020e+00, v47;
	v26 =	vpop (erf)  }
0x4c6: {  	s1 =	smulhi.u32 $0x66666667, s6;
	s25 =	spop (v2sf);
	(v2sf) =	vpush v21, $0x0;
	v29 =	vmul.f32 $1.442695020e+00, v33;
	v55 =	vld [tilespmem:s20+$0xA180];
	(erf) = vpow2.f32 v30;
	v38 =	vpop (erf)  }
0x4c7: {  	s17 =	smul.u32 $0x66666667, s23;
	v50 =	vld [tilespmem:s20+$0xB180];
	v62 =	vmul.f32 $1.442695020e+00, v51;
	(erf) = vpow2.f32 v57;
	v46 =	vadd.f32 v38, v27;
	v27 =	vpop (erf)  }
0x4c8: {  	s28 =	sshra.s32 s6, $0x1F;
	s9 =	smulhi.u32 $0x66666667, s19;
	s26 =	spop (v2sf);
	v59 =	vld [tilespmem:s20+$0xA200];
	v56 =	vmul.f32 $1.442695020e+00, v45;
	(erf) = vpow2.f32 v29;
	v39 =	vpop (erf)  }
0x4c9: {  	s2 =	smul.u32 $0x66666667, s28;
	s12 =	spop (v2sf);
	(v2sf) =	vpush v21, $0x7;
	(erf) = vpow2.f32 v62;
	v34 =	vadd.f32 v39, v46;
	v28 =	vpop (erf)  }
0x4ca: {  	s29 =	sshra.s32 s19, $0x1F;
	s15 =	smulhi.u32 $0x66666667, s13;
	v51 =	vpop (erf)  }
0x4cb: {  	v54 =	vld [tilespmem:s20+$0xB100];
	s23 =	smul.u32 $0x66666667, s29;
	s6 =	sshra.s32 s13, $0x1F;
	v45 =	vmul.f32 $1.442695020e+00, v55;
	v52 =	vadd.f32 v51, v34;
	v29 =	vpop (erf)  }
0x4cc: {  	s22 =	smulhi.u32 $0x66666667, s14;
	v60 =	vmul.f32 $1.442695020e+00, v50;
	v44 =	vld [tilespmem:s20+$0xA280];
	(erf) = vpow2.f32 v56;
	v56 =	vpop (erf)  }
0x4cd: {  	s19 =	smul.u32 $0x66666667, s6;
	v37 =	vld [tilespmem:s20+$0xB080];
	v49 =	vmul.f32 $1.442695020e+00, v59;
	(erf) = vpow2.f32 v45;
	v31 =	vadd.f32 v56, v52  }
0x4ce: {  	s13 =	sshra.s32 s14, $0x1F;
	s16 =	smulhi.u32 $0x66666667, s24;
	v48 =	vld [tilespmem:s20+$0xA300];
	(erf) = vpow2.f32 v60  }
0x4cf: {  	s14 =	sshra.s32 s24, $0x1F;
	s6 =	smul.u32 $0x66666667, s13;
	v63 =	vld [tilespmem:s20+$0xB000];
	(erf) = vpow2.f32 v49;
	v30 =	vpop (erf)  }
0x4d0: {  	s10 =	smulhi.u32 $0x66666667, s25;
	v33 =	vmul.f32 $1.442695020e+00, v54;
	v40 =	vld [tilespmem:s20+$0xA380];
	v60 =	vpop (erf)  }
0x4d1: {  	s28 =	smul.u32 $0x66666667, s14;
	v47 =	vld [tilespmem:s20+$0xAB80];
	v53 =	vmul.f32 $1.442695020e+00, v44;
	v32 =	vadd.f32 v60, v31;
	v31 =	vpop (erf)  }
0x4d2: {  	v13 =	vadd.f32 v14, v13;
	s24 =	sshra.s32 s25, $0x1F;
	s0 =	smulhi.u32 $0x66666667, s26;
	v54 =	vld [tilespmem:s20+$0xA800];
	v37 =	vmul.f32 $1.442695020e+00, v37;
	(erf) = vpow2.f32 v33;
	v44 =	vpop (erf)  }
0x4d3: {  	s24 =	smul.u32 $0x66666667, s24;
	v50 =	vld [tilespmem:s20+$0xAB00];
	v57 =	vmul.f32 $1.442695020e+00, v48;
	(erf) = vpow2.f32 v53;
	v33 =	vadd.f32 v44, v32  }
0x4d4: {  	v13 =	vadd.f32 v15, v13;
	s25 =	sshra.s32 s26, $0x1F;
	s26 =	spop (v2sf);
	v41 =	vmul.f32 $1.442695020e+00, v63;
	v58 =	vld [tilespmem:s20+$0xA880];
	(erf) = vpow2.f32 v37  }
0x4d5: {  	s11 =	sadd.s32 s18, s11;
	s3 =	smul.u32 $0x66666667, s25;
	s25 =	spop (v2sf);
	v61 =	vld [tilespmem:s20+$0xAA80];
	v62 =	vmul.f32 $1.442695020e+00, v40;
	(erf) = vpow2.f32 v57;
	v32 =	vpop (erf)  }
0x4d6: {  	v13 =	vadd.f32 v16, v13;
	s13 =	smulhi.u32 $0x66666667, s26;
	s14 =	sshra.s32 s26, $0x1F;
	s26 =	spop (v2sf);
	v63 =	vld [tilespmem:s20+$0xA900];
	v55 =	vmul.f32 $1.442695020e+00, v47;
	(erf) = vpow2.f32 v41;
	v42 =	vpop (erf)  }
0x4d7: {  	s5 =	sadd.s32 s5, s7;
	s29 =	smulhi.u32 $0x66666667, s26;
	s26 =	sshra.s32 s26, $0x1F;
	v45 =	vld [tilespmem:s20+$0xAA00];
	v34 =	vmul.f32 $1.442695020e+00, v54;
	(erf) = vpow2.f32 v62;
	v47 =	vadd.f32 v42, v33;
	v33 =	vpop (erf)  }
0x4d8: {  	v12 =	vadd.f32 v12, v13;
	s23 =	sadd.s32 s23, s9;
	s18 =	smul.u32 $0x66666667, s26;
	s26 =	spop (v2sf);
	v59 =	vmul.f32 $1.442695020e+00, v50;
	v46 =	vld [tilespmem:s20+$0xA980];
	(erf) = vpow2.f32 v55;
	v48 =	vpop (erf)  }
0x4d9: {  	s9 =	sadd.s32 s17, s8;
	s7 =	smulhi.u32 $0x66666667, s26;
	s26 =	sshra.s32 s26, $0x1F;
	v36 =	vmul.f32 $1.442695020e+00, v58;
	(erf) = vpow2.f32 v34;
	v35 =	vadd.f32 v48, v47  }
0x4da: {  	v8 =	vadd.f32 v8, v12;
	s15 =	sadd.s32 s19, s15;
	s16 =	sadd.s32 s28, s16;
	s17 =	smul.u32 $0x66666667, s26;
	v37 =	vmul.f32 $1.442695020e+00, v61;
	(erf) = vpow2.f32 v59  }
0x4db: {  	vm9 =	vlt.s32 v21, $0x1;
	s28 =	sshrl.u32 s16, $0x1F;
	s10 =	sadd.s32 s24, s10;
	s16 =	sshra.s32 s16, $0x2;
	v49 =	vmul.f32 $1.442695020e+00, v63;
	(erf) = vpow2.f32 v36;
	v34 =	vpop (erf)  }
0x4dc: {  	s19 =	smulhi.u32 $0x66666667, s25;
	s25 =	sshra.s32 s25, $0x1F;
	s7 =	sadd.s32 s17, s7;
	v50 =	vmov s28;
	v51 =	vmul.f32 $1.442695020e+00, v45;
	v52 =	vpop (erf);
	(erf) = vpow2.f32 v37  }
0x4dd: {  	s25 =	smul.u32 $0x66666667, s25;
	s18 =	sadd.s32 s18, s29;
	s29 =	sshra.s32 s7, $0x1F;
	v63 =	vld [tilespmem:s20+$0xB280];
	v53 =	vmul.f32 $1.442695020e+00, v46;
	v54 =	vadd.f32 v52, v35;
	(erf) = vpow2.f32 v49;
	v35 =	vpop (erf)  }
0x4de: {  	s1 =	sadd.s32 s2, s1;
	s26 =	sshrl.u32 s10, $0x1F;
	s17 =	sshra.s32 s10, $0x2;
	v58 =	vmov s29;
	v57 =	vmov s16;
	(erf) = vpow2.f32 v51;
	v56 =	vpop (erf)  }
0x4df: {  	s10 =	sadd.s32 s25, s19;
	s19 =	sshra.s32 s18, $0x2;
	s25 =	sshrl.u32 s15, $0x1F;
	v55 =	vmov s26;
	(erf) = vpow2.f32 v53;
	v39 =	vadd.f32 v56, v54;
	v37 =	vpop (erf)  }
0x4e0: {  	s4 =	smulhi.u32 $0x66666667, s12;
	s15 =	sshra.s32 s15, $0x2;
	v44 =	vmov s17;
	s26 =	sshra.s32 s18, $0x1F;
	v38 =	vsel vm0, s25, v55;
	v42 =	vsel vm4, s19, v58;
	v43 =	vpop (erf)  }
0x4e1: {  	s6 =	sadd.s32 s6, s22;
	s14 =	smul.u32 $0x66666667, s14;
	s29 =	sshra.s32 s10, $0x2;
	v44 =	vsel vm0, s15, v44;
	v42 =	vsel vm14, s26, v42;
	v39 =	vadd.f32 v43, v39;
	v43 =	vpop (erf)  }
0x4e2: {  	s22 =	sshra.s32 s5, $0x2;
	s28 =	sshrl.u32 s18, $0x1F;
	s19 =	sshra.s32 s10, $0x1F;
	v58 =	vmul.f32 $1.442695020e+00, v63;
	vm14 =	vcmask $0x2F2C;
	v42 =	vsel vm0, s29, v42;
	v45 =	vpop (erf)  }
0x4e3: {  	s12 =	sshra.s32 s12, $0x1F;
	s24 =	sshrl.u32 s23, $0x1F;
	v59 =	vmov s28;
	s28 =	sshra.s32 s23, $0x2;
	v42 =	vsel vm11, s19, v42;
	v39 =	vadd.f32 v45, v39;
	v60 =	vpop (erf)  }
0x4e4: {  	s16 =	sadd.s32 s14, s13;
	s23 =	sshrl.u32 s1, $0x1F;
	s1 =	sshra.s32 s1, $0x2;
	vm11 =	vcmask $0x3734;
	v36 =	vsel vm0, s24, v50;
	v40 =	vsel vm0, s28, v57;
	v46 =	vpop (erf)  }
0x4e5: {  	s12 =	smul.u32 $0x66666667, s12;
	s18 =	sshrl.u32 s9, $0x1F;
	s24 =	sshra.s32 s16, $0x2;
	v38 =	vsel vm1, s23, v38;
	v44 =	vsel vm1, s1, v44;
	v39 =	vadd.f32 v46, v39;
	v61 =	vpop (erf)  }
0x4e6: {  	s0 =	sadd.s32 s3, s0;
	s9 =	sshra.s32 s9, $0x2;
	s10 =	sshrl.u32 s10, $0x1F;
	v41 =	vnsel vm4, $0x0, v59;
	v36 =	vsel vm1, s18, v36;
	v42 =	vsel vm1, s24, v42;
	v47 =	vpop (erf)  }
0x4e7: {  	s4 =	sadd.s32 s12, s4;
	s25 =	sshra.s32 s16, $0x1F;
	s29 =	sshrl.u32 s5, $0x1F;
	v40 =	vsel vm1, s9, v40;
	v41 =	vsel vm0, s10, v41;
	v39 =	vadd.f32 v47, v39;
	v62 =	vpop (erf)  }
0x4e8: {  	s14 =	sshrl.u32 s16, $0x1F;
	s17 =	sshra.s32 s11, $0x2;
	s26 =	sshrl.u32 s11, $0x1F;
	v38 =	vsel vm2, s29, v38;
	v44 =	vsel vm2, s22, v44;
	v42 =	vsel vm13, s25, v42;
	v50 =	vpop (erf)  }
0x4e9: {  	s28 =	sshra.s32 s4, $0x2;
	v48 =	vld [tilespmem:s20+$0xBA80];
	s9 =	sshra.s32 s4, $0x1F;
	s4 =	sshrl.u32 s4, $0x1F;
	v36 =	vsel vm2, s26, v36;
	v41 =	vsel vm1, s14, v41;
	v39 =	vadd.f32 v50, v39  }
0x4ea: {  	s8 =	smulhi.u32 $0x66666667, s21;
	s12 =	sshra.s32 s21, $0x1F;
	s13 =	sshra.s32 s0, $0x2;
	v40 =	vsel vm2, s17, v40;
	v42 =	vsel vm2, s28, v42;
	v41 =	vsel vm2, s4, v41  }
0x4eb: {  	s15 =	smul.u32 $0x66666667, s12;
	s16 =	sshra.s32 s0, $0x1F;
	s0 =	sshrl.u32 s0, $0x1F;
	v49 =	vld [tilespmem:s20+$0xBA00];
	v36 =	vcombine.low v38, v36;
	v42 =	vsel vm15, s9, v42;
	v39 =	vadd.f32 v62, v39  }
0x4ec: {  	s23 =	sshrl.u32 s6, $0x1F;
	v51 =	vld [tilespmem:s20+$0xB980];
	v55 =	vcombine.low v44, v40;
	v41 =	vsel vm5, s0, v41;
	v42 =	vsel vm5, s13, v42  }
0x4ed: {  	s19 =	sadd.s32 s15, s8;
	s18 =	sshra.s32 s6, $0x2;
	v41 =	vsel vm6, s23, v41;
	v42 =	vsel vm12, s16, v42;
	v56 =	vld [tilespmem:s20+$0xB300];
	v39 =	vadd.f32 v61, v39  }
0x4ee: {  	s21 =	sshra.s32 s6, $0x1F;
	s25 =	sshrl.u32 s19, $0x1F;
	v48 =	vmul.f32 $1.442695020e+00, v48;
	v36 =	vperm.xlane v36, v1;
	v42 =	vsel vm6, s18, v42  }
0x4ef: {  	s24 =	sshra.s32 s19, $0x2;
	s26 =	sshrl.u32 s7, $0x1F;
	v41 =	vsel vm7, s25, v41;
	v42 =	vsel vm14, s21, v42;
	v39 =	vadd.f32 v60, v39  }
0x4f0: {  	s1 =	sshra.s32 s19, $0x1F;
	v54 =	vld [tilespmem:s20+$0xB380];
	v41 =	vsel vm8, s26, v41;
	v57 =	vmul.f32 $1.442695020e+00, v49;
	v42 =	vsel vm7, s24, v42  }
0x4f1: {  	v52 =	vld [tilespmem:s20+$0xB900];
	s28 =	sshra.s32 s7, $0x2;
	v59 =	vmul.f32 $1.442695020e+00, v51;
	v42 =	vsel vm11, s1, v42;
	v39 =	vadd.f32 v43, v39  }
0x4f2: {  	v42 =	vsel vm8, s28, v42;
	v63 =	vmul.f32 $1.442695020e+00, v56;
	(erf) = vpow2.f32 v58  }
0x4f3: {  	v53 =	vld [tilespmem:s20+$0xB880];
	v47 =	vperm.xlane v55, v1;
	(erf) = vpow2.f32 v48;
	v37 =	vadd.f32 v37, v39  }
0x4f4: {  	v56 =	vsub.s32 $0x0, v21;
	v48 =	vperm.xlane v41, v2;
	v50 =	vperm.xlane v42, v2;
	v61 =	vld [tilespmem:s20+$0xB800]  }
0x4f5: {  	v46 =	vmul.f32 $1.442695020e+00, v54;
	v54 =	vor.u32 s30, v0;
	v35 =	vadd.f32 v35, v37  }
0x4f6: {  	v15 =	vsel vm3, v50, v47;
	v60 =	vmul.f32 $1.442695020e+00, v52;
	v52 =	vsel vm3, v48, v36  }
0x4f7: {  	(erf) = vpow2.f32 v63;
	v15 =	vadd.s32 v52, v15;
	v34 =	vadd.f32 v34, v35  }
0x4f8: {  	(erf) = vpow2.f32 v57;
	v62 =	vmul.f32 $1.442695020e+00, v53;
	v55 =	vmul.u32 $0xFFFFFFF6, v15  }
0x4f9: {  	(erf) = vpow2.f32 v46;
	v51 =	vmul.f32 $1.442695020e+00, v61;
	v53 =	vadd.f32 v33, v34  }
0x4fa: {  	v57 =	vmov s30;
	(erf) = vpow2.f32 v59;
	vm10 =	vne.s32 v55, v56  }
0x4fb: {  	(erf) = vpow2.f32 v51;
	vm9 =	vmand vm9, vm10;
	v16 =	vadd.f32 v32, v53  }
0x4fc: {  	v14 =	vshll.u32 v57, $0x3;
	(erf) = vpow2.f32 v60;
	v60 =	vsel vm9, $0xFFFFFFFF, v3  }
0x4fd: {  	v14 =	vand.u32 $0x400, v14;
	(erf) = vpow2.f32 v62;
	v15 =	vadd.s32 v60, v15  }
0x4fe: {  	v58 =	vpop (erf);
	v35 =	vshll.u32 v21, $0x8;
	v63 =	vmul.u32 $0xA, v15;
	v21 =	vshll.u32 v21, $0x7  }
0x4ff: {  	v48 =	vshll.u32 v15, $0x8;
	v15 =	vmul.u32 $0xA00, v15;
	v59 =	vadd.f32 v58, v16;
	v16 =	vpop (erf)  }
0x500: {  	v38 =	vand.u32 $0x300, v48;
	v21 =	vand.u32 $0x380, v21;
	v50 =	vadd.s32 $0x9, v63;
	v61 =	vpop (erf)  }
0x501: {  	v52 =	vadd.s32 $0x6, v63;
	v55 =	vadd.s32 $0x3, v63;
	v13 =	vadd.f32 v61, v59;
	v33 =	vpop (erf)  }
0x502: {  	v56 =	vadd.s32 $0x4, v63;
	v57 =	vadd.s32 $0x5, v63;
	v15 =	vand.u32 $0xFFFFF800, v15;
	v47 =	vpop (erf)  }
0x503: {  	v36 =	vadd.s32 $0x2, v63;
	v39 =	vshll.u32 v50, $0x7;
	v13 =	vadd.f32 v47, v13;
	v49 =	vpop (erf)  }
0x504: {  	v41 =	vshll.u32 v52, $0x7;
	v45 =	vshll.u32 v57, $0x7;
	v44 =	vshll.u32 v56, $0x7;
	v51 =	vpop (erf)  }
0x505: {  	v43 =	vshll.u32 v55, $0x7;
	v32 =	vand.u32 $0x7F, v54;
	v13 =	vadd.f32 v51, v13;
	v54 =	vpop (erf)  }
0x506: {  	v53 =	vadd.s32 $0x7, v63;
	v63 =	vshll.u32 v36, $0x8;
	v36 =	vshll.u32 v36, $0x7;
	v58 =	vpop (erf)  }
0x507: {  	v39 =	vand.u32 $0x380, v39;
	v43 =	vand.u32 $0x380, v43;
	v13 =	vadd.f32 v58, v13  }
0x508: {  	v62 =	vor.u32 v14, v32;
	v60 =	vshll.u32 v53, $0x8;
	v42 =	vshll.u32 v53, $0x7  }
0x509: {  	v48 =	vand.u32 $0xFFFFF800, v63;
	v34 =	vor.u32 v38, v62;
	v13 =	vadd.f32 v54, v13  }
0x50a: {  	v38 =	vor.u32 v38, v15;
	v62 =	vshll.u32 v57, $0x8;
	v57 =	vand.u32 $0x380, v45  }
0x50b: {  	v15 =	vor.u32 v15, v34;
	v38 =	vor.u32 v14, v38;
	v13 =	vadd.f32 v49, v13  }
0x50c: {  	v38 =	vor.u32 v32, v38;
	v59 =	vshll.u32 v50, $0x8;
	v61 =	vshll.u32 v52, $0x8  }
0x50d: {  	v50 =	vshll.u32 v55, $0x8;
	v52 =	vor.u32 $0x80, v15;
	v13 =	vadd.f32 v33, v13  }
0x50e: {  	v55 =	vand.u32 $0xFFFFF800, v62;
	v46 =	vand.u32 $0xFFFFF800, v59;
	v49 =	vand.u32 $0x300, v36  }
0x50f: {  	v40 =	vand.u32 $0xFFFFF800, v61;
	v33 =	vor.u32 v48, v49;
	v13 =	vadd.f32 v16, v13  }
0x510: {  	v51 =	vshll.u32 v56, $0x8;
	v36 =	vand.u32 $0xFFFFF800, v50;
	v33 =	vor.u32 v14, v33  }
0x511: {  	v36 =	vor.u32 v36, v43;
	v33 =	vor.u32 v32, v33;
	v13 =	vadd.f32 v31, v13  }
0x512: {  	v34 =	vand.u32 $0xFFFFF800, v51;
	v54 =	vand.u32 $0x300, v44;
	v53 =	vor.u32 v14, v36  }
0x513: {  	v15 =	vld.idx.msk [tilespmem:v15+s31+$0x0], $0xffff;
	v34 =	vor.u32 v34, v54;
	v31 =	vor.u32 v32, v53;
	v13 =	vadd.f32 v30, v13  }
0x514: {  	v47 =	vand.u32 $0xFFFFF800, v60;
	v58 =	vand.u32 $0x380, v42;
	v56 =	vor.u32 v14, v34;
	v16 =	vld.idx.msk [tilespmem:v52+s31+$0x0], $0xffff  }
0x515: {  	v34 =	vor.u32 v55, v57;
	v30 =	vor.u32 v32, v56;
	v13 =	vadd.f32 v29, v13  }
0x516: {  	v59 =	vand.u32 $0x300, v41;
	v63 =	vor.u32 v47, v58;
	v60 =	vor.u32 v14, v34;
	v33 =	vld.idx.msk [tilespmem:v33+s31+$0x0], $0xffff  }
0x517: {  	v36 =	vor.u32 v40, v59;
	v29 =	vor.u32 v32, v60;
	v13 =	vadd.f32 v28, v13  }
0x518: {  	v15 =	vmul.f32 $1.442695020e+00, v15;
	v62 =	vor.u32 v14, v36;
	v36 =	vor.u32 v14, v63;
	v31 =	vld.idx.msk [tilespmem:v31+s31+$0x0], $0xffff  }
0x519: {  	v16 =	vmul.f32 $1.442695020e+00, v16;
	v28 =	vor.u32 v32, v62;
	v13 =	vadd.f32 v27, v13  }
0x51a: {  	v61 =	vor.u32 v46, v39;
	(erf) = vpow2.f32 v15;
	v41 =	vor.u32 v32, v36;
	v40 =	vld.idx.msk [tilespmem:v30+s31+$0x0], $0xffff  }
0x51b: {  	(erf) = vpow2.f32 v16;
	v43 =	vmul.f32 $1.442695020e+00, v33;
	v13 =	vadd.f32 v26, v13  }
0x51c: {  	v46 =	vand.u32 $0xFFFFF800, v35;
	v42 =	vadd.s32 $0x800, v38;
	v44 =	vor.u32 v14, v61;
	v45 =	vld.idx.msk [tilespmem:v29+s31+$0x0], $0xffff  }
0x51d: {  	v47 =	vmul.f32 $1.442695020e+00, v31;
	(erf) = vpow2.f32 v43;
	v13 =	vadd.f32 v25, v13  }
0x51e: {  	v8 =	vadd.f32 v9, v8;
	v50 =	vor.u32 v46, v21;
	v48 =	vor.u32 v32, v44;
	v49 =	vld.idx.msk [tilespmem:v28+s31+$0x0], $0xffff  }
0x51f: {  	v51 =	vld.idx.msk [tilespmem:v41+s31+$0x0], $0xffff;
	v52 =	vmul.f32 $1.442695020e+00, v40;
	(erf) = vpow2.f32 v47;
	v13 =	vadd.f32 v24, v13  }
0x520: {  	v8 =	vadd.f32 v11, v8;
	v53 =	vor.u32 v14, v50  }
0x521: {  	v54 =	vld.idx.msk [tilespmem:v42+s31+$0x0], $0xffff;
	v55 =	vmul.f32 $1.442695020e+00, v45;
	(erf) = vpow2.f32 v52;
	v13 =	vadd.f32 v23, v13  }
0x522: {  	v8 =	vadd.f32 v10, v8;
	v9 =	vor.u32 v32, v53  }
0x523: {  	v56 =	vld.idx.msk [tilespmem:v48+s31+$0x0], $0xffff;
	v59 =	vpop (erf);
	v58 =	vmul.f32 $1.442695020e+00, v49;
	(erf) = vpow2.f32 v55;
	v57 =	vadd.f32 v22, v13  }
0x524: {  	v7 =	vadd.f32 v7, v8;
	v60 =	vmul.f32 $1.442695020e+00, v51;
	v61 =	vpop (erf)  }
0x525: {  	v15 =	vadd.f32 v61, v59;
	(erf) = vpow2.f32 v58;
	v12 =	vadd.f32 v20, v57  }
0x526: {  	v7 =	vmul.f32 v7, v5;
	v62 =	vmul.f32 $1.442695020e+00, v54;
	v63 =	vpop (erf)  }
0x527: {  	(erf) = vpow2.f32 v60;
	v13 =	vadd.f32 v63, v15;
	v12 =	vadd.f32 v19, v12  }
0x528: {  	v7 =	vadd.f32 $1.000000000e+00, v7;
	v9 =	vld.idx.msk [tilespmem:v9+s31+$0x0], $0xffff;
	v16 =	vmul.f32 $1.442695020e+00, v56;
	v19 =	vpop (erf)  }
0x529: {  	(erf) = vpow2.f32 v62;
	v11 =	vadd.f32 v19, v13;
	v12 =	vadd.f32 v18, v12  }
0x52a: {  	v20 =	vpop (erf)  }
0x52b: {  	(erf) = vpow2.f32 v16;
	v8 =	vadd.f32 v20, v11;
	v12 =	vadd.f32 v17, v12  }
0x52c: {  	v5 =	vmul.f32 v6, v5;
	v6 =	vadd.f32 $9.999999970e-07, v7;
	v7 =	vpop (erf)  }
0x52d: {  	v21 =	vmul.f32 $1.442695020e+00, v9;
	v7 =	vadd.f32 v7, v8;
	(erf) = vrcp.f32 v12  }
0x52e: {  	v22 =	vpop (erf)  }
0x52f: {  	v7 =	vadd.f32 v22, v7;
	(erf) = vpow2.f32 v21  }
0x530: {  	v26 =	vpop (erf)  }
0x531: {  	v7 =	vadd.f32 v26, v7  }
0x532: {  	v29 =	vpop (erf)  }
0x533: {  	v7 =	vadd.f32 v29, v7  }
0x534: {  	v30 =	vpop (erf)  }
0x535: {  	v5 =	vadd.f32 $9.999999970e-07, v5;
	v7 =	vadd.f32 v30, v7  }
0x536: {  	v32 =	vpop (erf)  }
0x537: {  	v24 =	vand.u32 $0x7FFFFF, v5;
	v23 =	vand.u32 $0x7FFFFF, v6;
	v7 =	vmul.f32 v7, v32  }
0x538: {  	v25 =	vor.u32 $0x3F000000, v23;
	v8 =	vor.u32 $0x3F000000, v24;
	v34 =	vpop (erf)  }
0x539: {  	v28 =	vadd.f32 v8, v8;
	v11 =	vmul.f32 v34, v32;
	v7 =	vadd.f32 $1.000000000e+00, v7  }
0x53a: {  	v27 =	vadd.f32 v25, v25;
	vm12 =	vlt.f32 v25, $7.071067690e-01;
	vm11 =	vlt.f32 v8, $7.071067690e-01  }
0x53b: {  	v8 =	vsel vm11, v28, v8;
	v11 =	vadd.f32 $9.999999970e-07, v11;
	v7 =	vadd.f32 $9.999999970e-07, v7  }
0x53c: {  	v6 =	vshrl.u32 v6, $0x17;
	v9 =	vsel vm12, v27, v25;
	v8 =	vadd.f32 $-1.000000000e+00, v8  }
0x53d: {  	v9 =	vadd.f32 $-1.000000000e+00, v9;
	v36 =	vand.u32 $0x7FFFFF, v11;
	v35 =	vand.u32 $0x7FFFFF, v7  }
0x53e: {  	v33 =	vmul.f32 $7.037683580e-02, v8;
	v14 =	vor.u32 $0x3F000000, v36;
	v13 =	vor.u32 $0x3F000000, v35  }
0x53f: {  	v31 =	vmul.f32 $7.037683580e-02, v9;
	v38 =	vadd.f32 v14, v14;
	v37 =	vadd.f32 v13, v13  }
0x540: {  	v12 =	vadd.f32 $-1.151461010e-01, v33;
	vm9 =	vlt.f32 v14, $7.071067690e-01;
	vm10 =	vlt.f32 v13, $7.071067690e-01  }
0x541: {  	v10 =	vadd.f32 $-1.151461010e-01, v31;
	v14 =	vsel vm9, v38, v14;
	v13 =	vsel vm10, v37, v13  }
0x542: {  	v12 =	vmul.f32 v12, v8;
	v14 =	vadd.f32 $-1.000000000e+00, v14;
	v13 =	vadd.f32 $-1.000000000e+00, v13  }
0x543: {  	v6 =	vand.u32 $0xFF, v6;
	v42 =	vsel vm12, $0xFFFFFFFF, v3;
	v10 =	vmul.f32 v10, v9  }
0x544: {  	v12 =	vadd.f32 $1.167699840e-01, v12;
	v40 =	vmul.f32 $7.037683580e-02, v14;
	v39 =	vmul.f32 $7.037683580e-02, v13  }
0x545: {  	v6 =	vadd.s32 v42, v6;
	v10 =	vadd.f32 $1.167699840e-01, v10  }
0x546: {  	v12 =	vmul.f32 v12, v8;
	v16 =	vadd.f32 $-1.151461010e-01, v40;
	v15 =	vadd.f32 $-1.151461010e-01, v39  }
0x547: {  	v5 =	vshrl.u32 v5, $0x17;
	v6 =	vadd.s32 $0xFFFFFF82, v6;
	v10 =	vmul.f32 v10, v9  }
0x548: {  	v12 =	vadd.f32 $-1.242014100e-01, v12;
	v16 =	vmul.f32 v16, v14;
	v15 =	vmul.f32 v15, v13  }
0x549: {  	v5 =	vand.u32 $0xFF, v5;
	v6 =	vcvt.s32.f32 v6;
	v10 =	vadd.f32 $-1.242014100e-01, v10  }
0x54a: {  	v12 =	vmul.f32 v12, v8;
	v16 =	vadd.f32 $1.167699840e-01, v16;
	v15 =	vadd.f32 $1.167699840e-01, v15  }
0x54b: {  	v45 =	vmul.f32 v9, v9;
	v41 =	vsel vm11, $0xFFFFFFFF, v3;
	v10 =	vmul.f32 v10, v9  }
0x54c: {  	v12 =	vadd.f32 $1.424932330e-01, v12;
	v16 =	vmul.f32 v16, v14;
	v15 =	vmul.f32 v15, v13  }
0x54d: {  	v6 =	vmul.f32 $6.931471820e-01, v6;
	v5 =	vadd.s32 v41, v5;
	v10 =	vadd.f32 $1.424932330e-01, v10  }
0x54e: {  	v12 =	vmul.f32 v12, v8;
	v16 =	vadd.f32 $-1.242014100e-01, v16;
	v15 =	vadd.f32 $-1.242014100e-01, v15  }
0x54f: {  	v48 =	vmul.f32 v45, v9;
	v5 =	vadd.s32 $0xFFFFFF82, v5;
	v10 =	vmul.f32 v10, v9  }
0x550: {  	v12 =	vadd.f32 $-1.666805740e-01, v12;
	v16 =	vmul.f32 v16, v14;
	v15 =	vmul.f32 v15, v13  }
0x551: {  	v50 =	vmul.f32 $5.000000000e-01, v45;
	v5 =	vcvt.s32.f32 v5;
	v10 =	vadd.f32 $-1.666805740e-01, v10  }
0x552: {  	v12 =	vmul.f32 v12, v8;
	v16 =	vadd.f32 $1.424932330e-01, v16;
	v15 =	vadd.f32 $1.424932330e-01, v15  }
0x553: {  	v46 =	vmul.f32 v8, v8;
	v10 =	vmul.f32 v10, v9  }
0x554: {  	v12 =	vadd.f32 $2.000071410e-01, v12;
	v16 =	vmul.f32 v16, v14;
	v15 =	vmul.f32 v15, v13  }
0x555: {  	v5 =	vmul.f32 $6.931471820e-01, v5;
	v47 =	vmul.f32 v46, v8;
	v10 =	vadd.f32 $2.000071410e-01, v10  }
0x556: {  	v12 =	vmul.f32 v12, v8;
	v16 =	vadd.f32 $-1.666805740e-01, v16;
	v15 =	vadd.f32 $-1.666805740e-01, v15  }
0x557: {  	v49 =	vmul.f32 $5.000000000e-01, v46;
	v7 =	vshrl.u32 v7, $0x17;
	v10 =	vmul.f32 v10, v9  }
0x558: {  	v12 =	vadd.f32 $-2.499999400e-01, v12;
	v16 =	vmul.f32 v16, v14;
	v15 =	vmul.f32 v15, v13  }
0x559: {  	v53 =	vshrl.u32 v11, $0x17;
	v7 =	vand.u32 $0xFF, v7;
	v10 =	vadd.f32 $-2.499999400e-01, v10  }
0x55a: {  	v12 =	vmul.f32 v12, v8;
	v16 =	vadd.f32 $2.000071410e-01, v16;
	v15 =	vadd.f32 $2.000071410e-01, v15  }
0x55b: {  	v43 =	vsel vm9, $0xFFFFFFFF, v3;
	v44 =	vsel vm10, $0xFFFFFFFF, v3;
	v10 =	vmul.f32 v10, v9  }
0x55c: {  	v12 =	vadd.f32 $3.333333130e-01, v12;
	v52 =	vmul.f32 v16, v14;
	v51 =	vmul.f32 v15, v13  }
0x55d: {  	v7 =	vadd.s32 v44, v7;
	v57 =	vmul.f32 v14, v14;
	v10 =	vadd.f32 $3.333333130e-01, v10  }
0x55e: {  	v12 =	vmul.f32 v12, v47;
	v55 =	vadd.f32 $-2.499999400e-01, v52;
	v54 =	vadd.f32 $-2.499999400e-01, v51  }
0x55f: {  	v7 =	vadd.s32 $0xFFFFFF82, v7;
	v56 =	vmul.f32 v13, v13;
	v10 =	vmul.f32 v10, v48  }
0x560: {  	v8 =	vadd.f32 v12, v8;
	v12 =	vmul.f32 v55, v14;
	v11 =	vmul.f32 v54, v13  }
0x561: {  	v58 =	vmul.f32 v57, v14;
	v59 =	vmul.f32 v56, v13;
	v9 =	vadd.f32 v10, v9  }
0x562: {  	v10 =	vand.u32 $0xFF, v53;
	v12 =	vadd.f32 $3.333333130e-01, v12;
	v11 =	vadd.f32 $3.333333130e-01, v11  }
0x563: {  	v7 =	vcvt.s32.f32 v7;
	v60 =	vmul.f32 $5.000000000e-01, v56;
	v10 =	vadd.s32 v43, v10  }
0x564: {  	v10 =	vadd.s32 $0xFFFFFF82, v10;
	v12 =	vmul.f32 v12, v58;
	v11 =	vmul.f32 v11, v59  }
0x565: {  	v9 =	vsub.f32 v9, v50;
	v10 =	vcvt.s32.f32 v10;
	v8 =	vsub.f32 v8, v49  }
0x566: {  	v16 =	vmul.f32 $5.000000000e-01, v57;
	v12 =	vadd.f32 v12, v14;
	v11 =	vadd.f32 v11, v13  }
0x567: {  	s29 =	sld [smem:$0x7FC];
	v7 =	vmul.f32 $6.931471820e-01, v7;
	v6 =	vadd.f32 v9, v6;
	v5 =	vadd.f32 v8, v5  }
0x568: {  	v61 =	vmul.f32 $6.931471820e-01, v10;
	v63 =	vsub.f32 v12, v16;
	v62 =	vsub.f32 v11, v60  }
0x569: {  	v6 =	vmul.f32 $-2.325441540e-01, v6  }
0x56a: {  	s3 =	sadd.s32 $0x1, s29;
	v5 =	vmul.f32 $3.678794500e-01, v5;
	v8 =	vadd.f32 v63, v61;
	v7 =	vadd.f32 v62, v7  }
0x56b: {  	p0 =	sne.s32 s3, $0x8  }
.Ltmp2:
0x56c: {  	v5 =	vadd.f32 v6, v5;
	v6 =	vmul.f32 $-2.325441540e-01, v7;
	v7 =	vmul.f32 $3.678794500e-01, v8;
	(pc) =	sbr.rel @p0 .LBB2_2-.Ltmp2, $4  }
0x56d: {  	_ = 	snop  }
0x56e: {  	v4 =	vadd.f32 v5, v4;
	v5 =	vadd.f32 v6, v7  }
0x56f: {  	vm12 =	vcmask $0x2724;
	vm11 =	vcmask $0x3734;
	vm9 =	vmmov vm14  }
0x570: {  	s30 =	simm.s32 $0x0;
	vm14 =	vcmask $0x704;
	vm10 =	vcmask $0xF0C;
	v4 =	vadd.f32 v5, v4  }
0x571: {  	_ = 	snop  }
0x572: {  	s0 =	rddreg [dreg:$0x1e];
	s1 =	simm.s32 $0xE000;
	s28 =	simm.s32 $0x4;
	[tilespmem:$0xE000] =	vst v4  }
0x573: {  	[hbm4b:s0+s30] =	stream.linear.scatter [tilespmem:s1], [sflag:$0x4], $0x10, $0x38;
	[tilespmem:$0xE080] =	vst v63  }
0x574: {  	_ =	swait.ge [sflag:s28], $0x10  }
0x575: {  	s2 =	sld [smem:$0x7FD];
	_ =	sdelay $0x2  }
0x576: {  	s29 =	rddreg [dreg:$0x1f];
	s2 =	sadd.s32 $0x1, s2  }
0x577: {  	p0 =	sne.s32 s2, s29  }
.Ltmp3:
0x578: {  	_ = 	snop;
	(pc) =	sbr.rel @p0 .LBB2_1-.Ltmp3, $3  }
0x579: {  	_ =	sdelay $0x1  }
0x57a: {  	[sflag:s28] =	ssyncset.done $0x0  }
0x57b: {  	[sflag:s28] =	ssyncadd.s32 $0xFFFFFFF0  }
0x57c: {  	_ =	sfence.sel $0x180000  }
0x57d: {  	[bflag:$0x0] =	sbarrier.arrive $0xFFFF  }
0x57e: {  	_ =	strace $0x90000047  }
0x57f: {  	s0 =	stileid.u32;
	[bflag:$0x2] =	sbarrier.arrive $0xFFFF  }
0x580: {  	p0 =	sne.s32 s0, $0x0;
	s0 =	rddreg [dreg:$0x3]  }
0x581: {  	s0 =	sadd.s32 @!p0 $0x100000, s0  }
0x582: {  	[sflag:s0] =	ssyncadd.tile.s32 @!p0 $0x1;
	_ =	shalt  }
.Lfunc_end2:
_tile_overlayer_lowered:
.L_overlay_start_2:
0x583: {  	(tag) =	ssettag $0x2  }
0x584: {  	s0 =	rddreg [dreg:$0x0];
	s2 =	stileid.u32  }
0x585: {  	s1 =	rddreg [dreg:$0x1];
	p0 =	sne.s32 s2, $0x0  }
0x586: {  	s3 =	rddreg [dreg:$0x2];
	[bflag:$0x3] =	sbarrier.arrive $0xFFFF;
	s2 =	simm.s32 @!p0 $0x1C04  }
0x587: {  	[timem:s3], [sflag:s2] =	dma.local @!p0 [hbm:s0], s1  }
0x588: {  	s0 =	simm.s32 @!p0 $0x4  }
0x589: {  	_ =	swait.ge @!p0 [sflag:s0], s1  }
0x58a: {  	s1 =	ssub.s32 @!p0 $0x0, s1;
	[sflag:s0] =	ssyncset.done @!p0 $0x0  }
0x58b: {  	[sflag:s0] =	ssyncadd.s32 @!p0 s1  }
0x58c: {  	[bflag:$0x3] =	sbarrier.arrive $0xFFFF  }
0x58d: {  	_ =	shalt  }

// kernel: _run.7.cloned.1.call-start
scs
__scs_entry_jumppad:
0x0: {  	(pc) =	sbr.rel $0x88, $3  }
0x1: {  	(tag) =	ssettag $0x0;
	lr =	simm.s32 $0x1  }
0x2: {  	[smem:$0x3F9F] =	sst lr;
	_ =	strace $0xD0000000  }
0x3: {  	_ = 	snop  }
0x4: {  	_ = 	snop  }
0x5: {  	_ = 	snop  }
0x6: {  	_ = 	snop  }
0x7: {  	_ = 	snop  }
__scs_overlays_trampoline_lowered:
0x8: {  	[smem:$0x3FAE] =	sst s0  }
0x9: {  	[smem:$0x3FAF] =	sst s1  }
0xa: {  	[smem:$0x3FB0] =	sst s2  }
0xb: {  	[smem:$0x3FB1] =	sst s3  }
0xc: {  	[smem:$0x3FB2] =	sst s4  }
0xd: {  	[smem:$0x3FB3] =	sst s5  }
0xe: {  	[smem:$0x3FB4] =	sst s6  }
0xf: {  	[smem:$0x3FB5] =	sst s7  }
0x10: {  	[smem:$0x3FB6] =	sst s8  }
0x11: {  	[smem:$0x3FB7] =	sst s9;
	s0 =	simm.s32 @!p0 $0x0  }
0x12: {  	s1 =	sld [smem:$0x3F9D];
	s0 =	simm.s32 @p0 $0x1  }
0x13: {  	[smem:$0x3FB8] =	sst s0;
	s0 =	simm.s32 @!p1 $0x0  }
0x14: {  	s2 =	sld [smem:$0x3F9C];
	s0 =	simm.s32 @p1 $0x1  }
0x15: {  	[smem:$0x3FB9] =	sst s0;
	s0 =	simm.s32 @!p2 $0x0  }
0x16: {  	s3 =	sld [smem:$0x3FDB];
	s0 =	simm.s32 @p2 $0x1  }
0x17: {  	s4 =	simm.s32 $0x1BF5;
	[smem:$0x3FBB] =	sst s0  }
0x18: {  	s0 =	sld [smem:$0x3F9E];
	_ =	swait.ge [sflag:s4], $0x0  }
0x19: {  	s7 =	sld [smem:$0x3F9F]  }
0x1a: {  	s8 =	sadd.s32 $0xFFFFE003, lr  }
0x1b: {  	s9 =	sadd.s32 $0xFFFFFEF7, lr;
	s5 =	simm.s32 $0xFFFFFFFF;
	p2 =	slt.u32 s8, $0xFFFFF086  }
0x1c: {  	p1 =	slt.u32 s9, $0xF7A;
	s5 =	simm.s32 @!p2 $0x0  }
0x1d: {  	s5 =	simm.s32 @p1 $0x1;
	p0 =	seq.s32 s7, s2  }
0x1e: {  	s7 =	smul.u32 @!p0 $0xF7A, s2;
	p2 =	seq.s32 @!p0 s5, $0x0  }
0x1f: {  	s9 =	smul.u32 $0xF7A, s1;
	s8 =	simm.s32 @!p0 $0x1BF5;
	p2 =	por !p2, p0  }
0x20: {  	[sflag:s8] =	ssyncset.s32 @!p0 $0xFFFFF086;
	s6 =	sadd.s32 @!p0 s3, s7;
	s7 =	simm.s32 @!p0 $0x108  }
0x21: {  	s3 =	sadd.s32 s3, s9;
	s6 =	sadd.s32 @!p0 $0x88, s6;
	s7 =	simm.s32 @p2 $0x1082  }
0x22: {  	[simem:s7], [sflag:s8] =	dma.local @!p0 [hbm:s6], $0xF7A  }
0x23: {  	s9 =	sor.u32 $0xD0000000, s2;
	s6 =	simm.s32 $0x108;
	_ =	swait.ge @!p0 [sflag:s8], $0x0  }
0x24: {  	s3 =	sadd.s32 $0x88, s3;
	s6 =	simm.s32 @!p1 $0x1082;
	[sflag:s4] =	ssyncset.s32 $0xFFFFF086  }
0x25: {  	[simem:s6], [sflag:s4] =	dma.local [hbm:s3], $0xF7A  }
0x26: {  	[smem:$0x3F9F] =	sst s1;
	(tag) =	ssettag s2;
	_ =	strace s9  }
0x27: {  	s1 =	sld [smem:$0x3FAF]  }
0x28: {  	s2 =	sld [smem:$0x3FB0]  }
0x29: {  	s4 =	sld [smem:$0x3FB2]  }
0x2a: {  	p0 =	seq.s32 s5, $0x0;
	s5 =	sld [smem:$0x3FB3]  }
0x2b: {  	s6 =	sld [smem:$0x3FB4]  }
0x2c: {  	s7 =	sld [smem:$0x3FB5]  }
0x2d: {  	s3 =	simm.s32 $0x108;
	s8 =	sld [smem:$0x3FB6]  }
0x2e: {  	s3 =	simm.s32 @!p0 $0x1082;
	s9 =	sld [smem:$0x3FB7]  }
0x2f: {  	lr =	sadd.s32 s0, s3;
	s0 =	sld [smem:$0x3FAE]  }
0x30: {  	s3 =	sld [smem:$0x3FB1]  }
0x31: {  	[smem:$0x3FBA] =	sst s10  }
0x32: {  	s10 =	sld [smem:$0x3FB8];
	_ =	sdelay $0x3  }
0x33: {  	p0 =	seq.s32 s10, $0x1;
	s10 =	sld [smem:$0x3FBA];
	_ =	sdelay $0x3  }
0x34: {  	[smem:$0x3FBA] =	sst s10  }
0x35: {  	s10 =	sld [smem:$0x3FB9];
	_ =	sdelay $0x3  }
0x36: {  	p1 =	seq.s32 s10, $0x1;
	s10 =	sld [smem:$0x3FBA];
	_ =	sdelay $0x3  }
0x37: {  	[smem:$0x3FBA] =	sst s10  }
0x38: {  	s10 =	sld [smem:$0x3FBB]  }
0x39: {  	_ = 	snop;
	(pc) =	sbr.ind lr, $3  }
0x3a: {  	_ = 	snop  }
0x3b: {  	_ = 	snop  }
0x3c: {  	p2 =	seq.s32 s10, $0x1;
	s10 =	sld [smem:$0x3FBA]  }
0x3d: {  	_ =	shalt  }
0x3e: {  	_ =	shalt  }
0x3f: {  	_ =	shalt  }
0x40: {  	_ =	shalt  }
0x41: {  	_ =	shalt  }
0x42: {  	_ =	shalt  }
0x43: {  	_ =	shalt  }
0x44: {  	_ =	shalt  }
0x45: {  	_ =	shalt  }
0x46: {  	_ =	shalt  }
0x47: {  	_ =	shalt  }
0x48: {  	_ =	shalt  }
0x49: {  	_ =	shalt  }
0x4a: {  	_ =	shalt  }
0x4b: {  	_ =	shalt  }
0x4c: {  	_ =	shalt  }
0x4d: {  	_ =	shalt  }
0x4e: {  	_ =	shalt  }
0x4f: {  	_ =	shalt  }
0x50: {  	_ =	shalt  }
0x51: {  	_ =	shalt  }
0x52: {  	_ =	shalt  }
0x53: {  	_ =	shalt  }
0x54: {  	_ =	shalt  }
0x55: {  	_ =	shalt  }
0x56: {  	_ =	shalt  }
0x57: {  	_ =	shalt  }
0x58: {  	_ =	shalt  }
0x59: {  	_ =	shalt  }
0x5a: {  	_ =	shalt  }
0x5b: {  	_ =	shalt  }
0x5c: {  	_ =	shalt  }
0x5d: {  	_ =	shalt  }
0x5e: {  	_ =	shalt  }
0x5f: {  	_ =	shalt  }
0x60: {  	_ =	shalt  }
0x61: {  	_ =	shalt  }
0x62: {  	_ =	shalt  }
0x63: {  	_ =	shalt  }
0x64: {  	_ =	shalt  }
0x65: {  	_ =	shalt  }
0x66: {  	_ =	shalt  }
0x67: {  	_ =	shalt  }
0x68: {  	_ =	shalt  }
0x69: {  	_ =	shalt  }
0x6a: {  	_ =	shalt  }
0x6b: {  	_ =	shalt  }
0x6c: {  	_ =	shalt  }
0x6d: {  	_ =	shalt  }
0x6e: {  	_ =	shalt  }
0x6f: {  	_ =	shalt  }
0x70: {  	_ =	shalt  }
0x71: {  	_ =	shalt  }
0x72: {  	_ =	shalt  }
0x73: {  	_ =	shalt  }
0x74: {  	_ =	shalt  }
0x75: {  	_ =	shalt  }
0x76: {  	_ =	shalt  }
0x77: {  	_ =	shalt  }
0x78: {  	_ =	shalt  }
0x79: {  	_ =	shalt  }
0x7a: {  	_ =	shalt  }
0x7b: {  	_ =	shalt  }
0x7c: {  	_ =	shalt  }
0x7d: {  	_ =	shalt  }
0x7e: {  	_ =	shalt  }
0x7f: {  	_ =	shalt  }
0x80: {  	_ =	shalt  }
0x81: {  	_ =	shalt  }
0x82: {  	_ =	shalt  }
0x83: {  	_ =	shalt  }
0x84: {  	_ =	shalt  }
0x85: {  	_ =	shalt  }
0x86: {  	_ =	shalt  }
0x87: {  	_ =	shalt  }
.Lfunc_end0:
.L_simem_size_0:
called_computation.1_lowered:
.L_overlay_start_0:
0x88: {  	s2 =	sld [smem:$0x3FD9]  }
0x89: {  	s3 =	sld [smem:$0x3FFE];
	_ =	sdelay $0x1  }
0x8a: {  	s1 =	srdreg.scid  }
0x8b: {  	s0 =	sand.u32 $0x1, s1  }
0x8c: {  	s17 =	sshll.u32 s0, $0xA;
	s2 =	sadd.s32 s3, s2  }
0x8d: {  	s2 =	sadd.s32 s2, s17  }
0x8e: {  	[smem:$0x3FC6] =	sst s2  }
0x8f: {  	_ = 	snop  }
0x90: {  	s2 =	sld [smem:$0x3FD0];
	(tm) =	ssettm $0x1  }
0x91: {  	s18 =	sld [smem:$0x3FFB];
	_ =	sdelay $0x3  }
0x92: {  	_ =	strace s18  }
0x93: {  	s3 =	sld [smem:$0x3FFC];
	_ =	sdelay $0x3  }
0x94: {  	_ =	strace s3  }
0x95: {  	s3 =	sld [smem:$0x3FFD];
	_ =	sdelay $0x3  }
0x96: {  	_ =	strace s3  }
0x97: {  	_ =	strace $0x8FFFFFFF  }
0x98: {  	s19 =	sld [smem:$0x3FDB];
	_ =	sdelay $0x1  }
0x99: {  	s4 =	simm.s32 $_scs_section_size  }
0x9a: {  	s5 =	simm.s32 $_size__tile_overlayer_lowered;
	s6 =	simm.s32 $_tile_overlayer_lowered  }
0x9b: {  	s22 =	simm.s32 $0x1BFF;
	s21 =	sshll.u32 s6, $0x1;
	s3 =	sadd.s32 s4, s19  }
0x9c: {  	s7 =	simm.s32 $0x0;
	s20 =	sshll.u32 s5, $0x1;
	s5 =	sadd.s32 s21, s3  }
0x9d: {  	[timem:s7], [sflag:s22] =	dma.local [hbm:s5], s20  }
0x9e: {  	_ =	swait.ge [sflag:s22], s20  }
0x9f: {  	s4 =	ssub.s32 $0x0, s20;
	[sflag:s22] =	ssyncset.done $0x0  }
0xa0: {  	[sflag:s22] =	ssyncadd.s32 s4;
	_ =	sdelay $0x1  }
0xa1: {  	s23 =	simm.s32 $0x1B8B  }
0xa2: {  	_ =	swait.ge [sflag:s23], $0x1  }
0xa3: {  	[sflag:s23] =	ssyncset.done $0x0  }
0xa4: {  	s25 =	simm.s32 $0x1B8E;
	s24 =	sld [smem:$0x3FFE];
	[sflag:s23] =	ssyncadd.s32 $0xFFFFFFFF  }
0xa5: {  	s26 =	simm.s32 $execute0_lowered;
	[smem:$0x3FD2] =	sst s25  }
0xa6: {  	s5 =	sshll.u32 s26, $0x1;
	_ =	strace $0x80000049;
	[dreg:$0x1] =	wrdreg $0xFFFFFFFF  }
0xa7: {  	s28 =	simm.s32 $_size_execute0_lowered;
	s3 =	sadd.s32 s3, s5;
	[dreg:$0x0] =	wrdreg $0x0  }
0xa8: {  	s5 =	sshll.u32 s28, $0x1;
	[dreg:$0x2] =	wrdreg s3  }
0xa9: {  	[dreg:$0x3] =	wrdreg s5  }
0xaa: {  	[dreg:$0x4] =	wrdreg $0xC0  }
0xab: {  	_ =	task [dreg:s7], $0x5FFFF  }
0xac: {  	[dreg:$0x1] =	wrdreg $0xFFFFFFFF  }
0xad: {  	[dreg:$0x0] =	wrdreg $0x60  }
0xae: {  	[dreg:$0x2] =	wrdreg s24  }
0xaf: {  	[dreg:$0x3] =	wrdreg s2  }
0xb0: {  	[dreg:$0x4] =	wrdreg $0x9  }
0xb1: {  	_ =	task.clear_ibuf [dreg:s7], $0x5FFFF;
	_ =	strace $0x90000049  }
0xb2: {  	s29 =	simm.s32 $0x9;
	_ =	strace $0x8000004B  }
0xb3: {  	_ =	swait.ge [sflag:s29], $0x1  }
0xb4: {  	[sflag:s29] =	ssyncadd.s32 $0xFFFFFFFF  }
0xb5: {  	_ =	strace $0x9000004B  }
0xb6: {  	_ =	sfence  }
0xb7: {  	s30 =	sld [smem:$0x0];
	_ =	sdelay $0x2  }
0xb8: {  	s31 =	sshll.u32 s1, $0xD;
	s1 =	sshrl.u32 s1, $0x2  }
0xb9: {  	s3 =	sand.u32 $0x4000, s31;
	s1 =	sadd.s32 s1, s30  }
0xba: {  	s0 =	sor.u32 s3, s0;
	s1 =	sshll.u32 s1, $0x11  }
0xbb: {  	s0 =	sor.u32 s1, s0  }
0xbc: {  	s0 =	sadd.s32 $0x8F2B, s0  }
0xbd: {  	[sflag:s0] =	ssyncadd.remote.s32 $0x1  }
0xbe: {  	_ =	sfence.sel $0xFFFF  }
0xbf: {  	[dreg:$0x0] =	wrdreg $0xFFFFFFFF;
	(pc) =	sbr.abs _section_cstart, $3  }
0xc0: {  	[dreg:$0x1] =	wrdreg $0xFFFFFFFF  }
0xc1: {  	_ =	task.clear_ibuf [dreg:s7], $0x2FFFF;
	_ =	strace $0x9FFFFFFF  }
0xc2: {  	(tm) =	ssettm $0x7FFFFFFF  }
0xc3: {  	_ =	shalt  }
tec
execute0_lowered:
.L_overlay_start_1:
0x0: {  	(tag) =	ssettag $0x1  }
0x1: {  	s0 =	srdreg.scid  }
0x2: {  	s6 =	sand.u32 $0x1, s0;
	s0 =	stileid.u32  }
0x3: {  	s4 =	sor.u32 s0, s6  }
0x4: {  	p0 =	sne.s32 s4, $0x0  }
.Ltmp0:
0x5: {  	_ = 	snop;
	(pc) =	sbr.rel @p0 .LBB2_4-.Ltmp0, $4  }
0x6: {  	_ = 	snop  }
0x7: {  	s3 =	rddreg [dreg:$0x0]  }
0x8: {  	s2 =	rddreg [dreg:$0x1]  }
0x9: {  	s1 =	rddreg [dreg:$0x2];
	_ =	strace $0x8000004A  }
0xa: {  	s3 =	sadd.s32 $0x800, s3;
	s4 =	simm.s32 $0x0;
	s5 =	simm.s32 $0x1  }
0xb: {  	[tilespmem:s4], [sflag:$0x1] =	stream.linear.gather [hbm4b:s3+s4], $0x200, $0x38;
	[tilespmem:$0x280] =	vst v63  }
0xc: {  	_ =	swait.ge [sflag:s5], $0x200  }
0xd: {  	[sflag:s5] =	ssyncset.done $0x0  }
0xe: {  	[sflag:s5] =	ssyncadd.s32 $0xFFFFFE00  }
0xf: {  	v0 =	vld [tilespmem:$0x0]  }
0x10: {  	v1 =	vld [tilespmem:$0x10];
	_ =	sdelay $0x1  }
0x11: {  	v2 =	vld [tilespmem:$0x20];
	_ =	sdelay $0x1  }
0x12: {  	v3 =	vld [tilespmem:$0x30]  }
0x13: {  	v0 =	vadd.f32 v1, v0  }
0x14: {  	v35 =	vld [tilespmem:$0x40]  }
0x15: {  	v0 =	vadd.f32 v2, v0  }
0x16: {  	v36 =	vld [tilespmem:$0x50]  }
0x17: {  	v0 =	vadd.f32 v3, v0  }
0x18: {  	v37 =	vld [tilespmem:$0x60]  }
0x19: {  	v0 =	vadd.f32 v35, v0  }
0x1a: {  	v38 =	vld [tilespmem:$0x70]  }
0x1b: {  	v0 =	vadd.f32 v36, v0  }
0x1c: {  	v39 =	vld [tilespmem:$0x80]  }
0x1d: {  	v0 =	vadd.f32 v37, v0  }
0x1e: {  	v40 =	vld [tilespmem:$0x90]  }
0x1f: {  	v0 =	vadd.f32 v38, v0  }
0x20: {  	v41 =	vld [tilespmem:$0xA0]  }
0x21: {  	v0 =	vadd.f32 v39, v0  }
0x22: {  	v42 =	vld [tilespmem:$0xB0]  }
0x23: {  	v0 =	vadd.f32 v40, v0  }
0x24: {  	v43 =	vld [tilespmem:$0xC0]  }
0x25: {  	v0 =	vadd.f32 v41, v0  }
0x26: {  	v44 =	vld [tilespmem:$0xD0]  }
0x27: {  	v0 =	vadd.f32 v42, v0  }
0x28: {  	v45 =	vld [tilespmem:$0xE0]  }
0x29: {  	v0 =	vadd.f32 v43, v0  }
0x2a: {  	v46 =	vld [tilespmem:$0xF0]  }
0x2b: {  	v0 =	vadd.f32 v44, v0  }
0x2c: {  	v47 =	vld [tilespmem:$0x100]  }
0x2d: {  	v0 =	vadd.f32 v45, v0  }
0x2e: {  	v48 =	vld [tilespmem:$0x110]  }
0x2f: {  	v0 =	vadd.f32 v46, v0  }
0x30: {  	v49 =	vld [tilespmem:$0x120]  }
0x31: {  	v0 =	vadd.f32 v47, v0  }
0x32: {  	v50 =	vld [tilespmem:$0x130]  }
0x33: {  	v0 =	vadd.f32 v48, v0  }
0x34: {  	v51 =	vld [tilespmem:$0x140]  }
0x35: {  	v0 =	vadd.f32 v49, v0  }
0x36: {  	v52 =	vld [tilespmem:$0x150]  }
0x37: {  	v0 =	vadd.f32 v50, v0  }
0x38: {  	v53 =	vld [tilespmem:$0x160]  }
0x39: {  	v0 =	vadd.f32 v51, v0  }
0x3a: {  	v54 =	vld [tilespmem:$0x170]  }
0x3b: {  	v0 =	vadd.f32 v52, v0  }
0x3c: {  	v55 =	vld [tilespmem:$0x180]  }
0x3d: {  	v0 =	vadd.f32 v53, v0  }
0x3e: {  	v56 =	vld [tilespmem:$0x190]  }
0x3f: {  	v0 =	vadd.f32 v54, v0  }
0x40: {  	v57 =	vld [tilespmem:$0x1A0]  }
0x41: {  	v0 =	vadd.f32 v55, v0  }
0x42: {  	v58 =	vld [tilespmem:$0x1B0]  }
0x43: {  	v0 =	vadd.f32 v56, v0  }
0x44: {  	v59 =	vld [tilespmem:$0x1C0]  }
0x45: {  	v0 =	vadd.f32 v57, v0  }
0x46: {  	v60 =	vld [tilespmem:$0x1D0]  }
0x47: {  	v0 =	vadd.f32 v58, v0  }
0x48: {  	v61 =	vld [tilespmem:$0x1E0]  }
0x49: {  	v0 =	vadd.f32 v59, v0  }
0x4a: {  	v62 =	vld [tilespmem:$0x1F0]  }
0x4b: {  	v0 =	vadd.f32 v60, v0;
	_ =	sdelay $0x1  }
0x4c: {  	v0 =	vadd.f32 v61, v0;
	_ =	sdelay $0x1  }
0x4d: {  	v0 =	vadd.f32 v62, v0;
	_ =	sdelay $0x1  }
0x4e: {  	(xrf2) =	vadd.scan.msk.f32 $0xffff, v0;
	_ =	sdelay $0x9  }
0x4f: {  	v0, _, _ =	vpop (xrf2)  }
0x50: {  	(v2sf) =	vpush v0, $0xF;
	_ =	sdelay $0xe  }
0x51: {  	s7 =	spop (v2sf)  }
0x52: {  	s7 =	ssub.f32 $0.0e+00, s7  }
0x53: {  	s6 =	ssub.s32 $0x2, s6  }
0x54: {  	s8 =	sshrl.u32 s6, $0x1;
	s7 =	smul.f32 $7.629394530e-06, s7  }
0x55: {  	s8 =	ssub.s32 s6, s8  }
0x56: {  	p0 =	sne.s32 s8, $0x1;
	s7 =	sadd.f32 $1.353352130e-07, s7  }
.Ltmp1:
0x57: {  	_ = 	snop;
	(pc) =	sbr.rel @!p0 .LBB2_3-.Ltmp1, $4  }
0x58: {  	v63 =	vmov s7  }
0x59: {  	s6 =	simm.s32 $0x200;
	s7 =	simm.s32 $0x2;
	[tilespmem:$0x200] =	vst v63  }
0x5a: {  	[hbm4b:s2+s4] =	stream.linear.scatter [tilespmem:s6], [sflag:$0x2], $0x80, $0x38;
	[tilespmem:$0x280] =	vst v63  }
0x5b: {  	s8 =	sadd.s32 $0xFFFFFFFF, s8;
	_ =	swait.ge [sflag:s7], $0x80  }
.LBB2_2:
0x5c: {  	p0 =	sne.s32 s8, $0x1;
	s8 =	sadd.s32 $0xFFFFFFFF, s8;
	[sflag:s7] =	ssyncset.done $0x0  }
0x5d: {  	[sflag:s7] =	ssyncadd.s32 $0xFFFFFF80  }
0x5e: {  	[tilespmem:s4], [sflag:$0x1] =	stream.linear.gather [hbm4b:s3+s4], $0x200, $0x38;
	[tilespmem:$0x280] =	vst v63  }
0x5f: {  	_ =	swait.ge [sflag:s5], $0x200  }
0x60: {  	[sflag:s5] =	ssyncset.done $0x0  }
0x61: {  	[sflag:s5] =	ssyncadd.s32 $0xFFFFFE00  }
0x62: {  	v0 =	vld [tilespmem:$0x0]  }
0x63: {  	v1 =	vld [tilespmem:$0x10]  }
0x64: {  	v2 =	vld [tilespmem:$0x20];
	_ =	sdelay $0x1  }
0x65: {  	v3 =	vld [tilespmem:$0x30];
	_ =	sdelay $0x1  }
0x66: {  	v0 =	vadd.f32 v1, v0;
	v1 =	vld [tilespmem:$0x40];
	_ =	sdelay $0x1  }
0x67: {  	v0 =	vadd.f32 v2, v0;
	v2 =	vld [tilespmem:$0x50];
	_ =	sdelay $0x1  }
0x68: {  	v0 =	vadd.f32 v3, v0;
	v3 =	vld [tilespmem:$0x60];
	_ =	sdelay $0x1  }
0x69: {  	v0 =	vadd.f32 v1, v0;
	v1 =	vld [tilespmem:$0x70];
	_ =	sdelay $0x1  }
0x6a: {  	v0 =	vadd.f32 v2, v0;
	v2 =	vld [tilespmem:$0x80];
	_ =	sdelay $0x1  }
0x6b: {  	v0 =	vadd.f32 v3, v0;
	v3 =	vld [tilespmem:$0x90];
	_ =	sdelay $0x1  }
0x6c: {  	v0 =	vadd.f32 v1, v0;
	v1 =	vld [tilespmem:$0xA0];
	_ =	sdelay $0x1  }
0x6d: {  	v0 =	vadd.f32 v2, v0;
	v2 =	vld [tilespmem:$0xB0];
	_ =	sdelay $0x1  }
0x6e: {  	v0 =	vadd.f32 v3, v0;
	v3 =	vld [tilespmem:$0xC0];
	_ =	sdelay $0x1  }
0x6f: {  	v0 =	vadd.f32 v1, v0;
	v1 =	vld [tilespmem:$0xD0];
	_ =	sdelay $0x1  }
0x70: {  	v0 =	vadd.f32 v2, v0;
	v2 =	vld [tilespmem:$0xE0];
	_ =	sdelay $0x1  }
0x71: {  	v0 =	vadd.f32 v3, v0;
	v3 =	vld [tilespmem:$0xF0];
	_ =	sdelay $0x1  }
0x72: {  	v0 =	vadd.f32 v1, v0;
	v1 =	vld [tilespmem:$0x100];
	_ =	sdelay $0x1  }
0x73: {  	v0 =	vadd.f32 v2, v0;
	v2 =	vld [tilespmem:$0x110];
	_ =	sdelay $0x1  }
0x74: {  	v0 =	vadd.f32 v3, v0;
	v3 =	vld [tilespmem:$0x120];
	_ =	sdelay $0x1  }
0x75: {  	v0 =	vadd.f32 v1, v0;
	v1 =	vld [tilespmem:$0x130];
	_ =	sdelay $0x1  }
0x76: {  	v0 =	vadd.f32 v2, v0;
	v2 =	vld [tilespmem:$0x140];
	_ =	sdelay $0x1  }
0x77: {  	v0 =	vadd.f32 v3, v0;
	v3 =	vld [tilespmem:$0x150];
	_ =	sdelay $0x1  }
0x78: {  	v0 =	vadd.f32 v1, v0;
	v1 =	vld [tilespmem:$0x160];
	_ =	sdelay $0x1  }
0x79: {  	v0 =	vadd.f32 v2, v0;
	v2 =	vld [tilespmem:$0x170];
	_ =	sdelay $0x1  }
0x7a: {  	v0 =	vadd.f32 v3, v0;
	v3 =	vld [tilespmem:$0x180];
	_ =	sdelay $0x1  }
0x7b: {  	v0 =	vadd.f32 v1, v0;
	v1 =	vld [tilespmem:$0x190];
	_ =	sdelay $0x1  }
0x7c: {  	v0 =	vadd.f32 v2, v0;
	v2 =	vld [tilespmem:$0x1A0];
	_ =	sdelay $0x1  }
0x7d: {  	v0 =	vadd.f32 v3, v0;
	v3 =	vld [tilespmem:$0x1B0];
	_ =	sdelay $0x1  }
0x7e: {  	v0 =	vadd.f32 v1, v0;
	v1 =	vld [tilespmem:$0x1C0];
	_ =	sdelay $0x1  }
0x7f: {  	v0 =	vadd.f32 v2, v0;
	v2 =	vld [tilespmem:$0x1D0];
	_ =	sdelay $0x1  }
0x80: {  	v0 =	vadd.f32 v3, v0;
	v3 =	vld [tilespmem:$0x1E0];
	_ =	sdelay $0x1  }
0x81: {  	v0 =	vadd.f32 v1, v0;
	v1 =	vld [tilespmem:$0x1F0];
	_ =	sdelay $0x1  }
0x82: {  	v0 =	vadd.f32 v2, v0;
	_ =	sdelay $0x1  }
0x83: {  	v0 =	vadd.f32 v3, v0;
	_ =	sdelay $0x1  }
0x84: {  	v0 =	vadd.f32 v1, v0;
	_ =	sdelay $0x1  }
0x85: {  	(xrf2) =	vadd.scan.msk.f32 $0xffff, v0;
	_ =	sdelay $0x9  }
0x86: {  	v0, _, _ =	vpop (xrf2)  }
0x87: {  	(v2sf) =	vpush v0, $0xF;
	_ =	sdelay $0xe  }
0x88: {  	s9 =	spop (v2sf)  }
0x89: {  	s9 =	ssub.f32 $0.0e+00, s9;
	_ =	sdelay $0x1  }
0x8a: {  	s9 =	smul.f32 $7.629394530e-06, s9;
	_ =	sdelay $0x1  }
0x8b: {  	s9 =	sadd.f32 $1.353352130e-07, s9  }
.Ltmp2:
0x8c: {  	(pc) =	sbr.rel @p0 .LBB2_2-.Ltmp2, $4  }
0x8d: {  	v0 =	vmov s9  }
0x8e: {  	[tilespmem:$0x200] =	vst v0  }
0x8f: {  	[hbm4b:s2+s4] =	stream.linear.scatter [tilespmem:s6], [sflag:$0x2], $0x80, $0x38;
	[tilespmem:$0x280] =	vst v63  }
0x90: {  	_ =	swait.ge [sflag:s7], $0x80  }
.LBB2_3:
0x91: {  	[sflag:s7] =	ssyncset.done $0x0  }
0x92: {  	[sflag:s7] =	ssyncadd.s32 $0xFFFFFF80  }
.LBB2_4:
0x93: {  	_ =	sfence.sel $0x180000  }
0x94: {  	[bflag:$0x0] =	sbarrier.arrive $0xFFFF  }
0x95: {  	p0 =	sne.s32 s0, $0x0;
	_ =	strace $0x9000004A  }
0x96: {  	s0 =	sadd.s32 @!p0 $0x100000, s1;
	[bflag:$0x2] =	sbarrier.arrive $0xFFFF  }
0x97: {  	[sflag:s0] =	ssyncadd.tile.s32 @!p0 $0x1;
	_ =	shalt  }
.Lfunc_end2:
_tile_overlayer_lowered:
.L_overlay_start_2:
0x98: {  	(tag) =	ssettag $0x2  }
0x99: {  	s0 =	rddreg [dreg:$0x0];
	s2 =	stileid.u32  }
0x9a: {  	s1 =	rddreg [dreg:$0x1];
	p0 =	sne.s32 s2, $0x0  }
0x9b: {  	s3 =	rddreg [dreg:$0x2];
	[bflag:$0x3] =	sbarrier.arrive $0xFFFF;
	s2 =	simm.s32 @!p0 $0x1C02  }
0x9c: {  	[timem:s3], [sflag:s2] =	dma.local @!p0 [hbm:s0], s1  }
0x9d: {  	s0 =	simm.s32 @!p0 $0x2  }
0x9e: {  	_ =	swait.ge @!p0 [sflag:s0], s1  }
0x9f: {  	s1 =	ssub.s32 @!p0 $0x0, s1;
	[sflag:s0] =	ssyncset.done @!p0 $0x0  }
0xa0: {  	[sflag:s0] =	ssyncadd.s32 @!p0 s1  }
0xa1: {  	[bflag:$0x3] =	sbarrier.arrive $0xFFFF  }
0xa2: {  	_ =	shalt  }

</sc_bundles>
